<compile_context>
chip_gen: v7x
topology: tpu7x:2x2x1
jax: 0.10.2.dev20260603
libtpu: 0.0.44.dev20260713+nightly
codegen_flags: <defaults>
</compile_context>

<pallas_src>
import functools

import jax
import jax.numpy as jnp
from jax import lax
from jax.experimental import pallas as pl
from jax.experimental.pallas import tpu as pltpu
from jax.experimental.pallas import tpu_sc as plsc

_K_BY_HEAD = (10, 20, 40, 500)
_NW = 32
_G = 16
_NS_SC = 11
_TC_ROW_BLOCK = 256


def _k_of_head(head, n):
    k = jnp.where(
        head == 0, _K_BY_HEAD[0],
        jnp.where(head == 1, _K_BY_HEAD[1],
                  jnp.where(head == 2, _K_BY_HEAD[2], _K_BY_HEAD[3])))
    return jnp.minimum(k, n).astype(jnp.int32)


def _mono16(x):
    b = lax.bitcast_convert_type(x, jnp.int32)
    return jnp.where(b >= 0, b, b ^ jnp.int32(0x7FFFFFFF))




def _sc_body(sc_rows, att_hbm, out_hbm, in_buf, out_buf, hist,
             sem_in0, sem_in1, sem_out):
    n = att_hbm.shape[1]
    rows_per_w = sc_rows // _NW
    ngroups = rows_per_w // _G
    wid = lax.axis_index("c") * 16 + lax.axis_index("s")
    row0 = wid * rows_per_w
    sems_in = (sem_in0, sem_in1)

    iota = lax.iota(jnp.int32, 16)
    ones16 = jnp.ones((16,), jnp.int32)
    zeros16 = jnp.zeros((16,), jnp.int32)

    def in_dma(g, sl):
        return pltpu.make_async_copy(
            att_hbm.at[pl.ds(row0 + g * _G, _G)], in_buf.at[sl], sems_in[sl])

    def out_dma(g):
        return pltpu.make_async_copy(
            out_buf, out_hbm.at[pl.ds(row0 + g * _G, _G)], sem_out)

    def scan_hist(rem_k16):
        @plsc.parallel_loop(0, 256, unroll=8,
                            carry=(zeros16, zeros16, zeros16))
        def scanned(j, carry):
            suffix, cnt, gt = carry
            b = 255 - j
            h = hist[pl.ds(b * 16, 16)]
            hist[pl.ds(b * 16, 16)] = zeros16
            suffix = suffix + h
            mask = suffix >= rem_k16
            cnt = cnt + jnp.where(mask, 1, 0)
            gt = gt + jnp.where(mask, 0, h)
            return suffix, cnt, gt

        _, cnt, gt = scanned
        return cnt - 1, gt

    def per_group(g, sl):
        slv = jnp.full((16,), sl, jnp.int32)
        head = lax.rem((row0 + g * _G) // n, 4)
        k16 = jnp.broadcast_to(_k_of_head(head, n), (16,))
        in_dma(g, sl).wait()

        @plsc.parallel_loop(0, n, unroll=8,
                            carry=jnp.full((16,), -3.4e38, jnp.float32))
        def m16(c, m):
            col = (iota + c) & (n - 1)
            x = plsc.load_gather(in_buf, [slv, iota, col])
            key = _mono16(x)
            bkt = (key >> 24) + 128
            plsc.addupdate_scatter(hist, [bkt * 16 + iota], ones16)
            return jnp.maximum(m, x)

        bstar, gt = scan_hist(k16)
        prefix = bstar - 128
        rem_k = k16 - gt

        def radix_pass(shift, prefix, rem_k):
            @plsc.parallel_loop(0, n, unroll=8)
            def _(c):
                col = (iota + c) & (n - 1)
                x = plsc.load_gather(in_buf, [slv, iota, col])
                key = _mono16(x)
                match = (key >> (shift + 8)) == prefix
                bkt = (key >> shift) & 0xFF
                plsc.addupdate_scatter(hist, [bkt * 16 + iota], ones16,
                                       mask=match)

            b, gt = scan_hist(rem_k)
            return (prefix << 8) | b, rem_k - gt

        prefix, rem_k = radix_pass(16, prefix, rem_k)
        prefix, rem_k = radix_pass(8, prefix, rem_k)
        t16, _ = radix_pass(0, prefix, rem_k)
        tx16 = lax.bitcast_convert_type(
            jnp.where(t16 >= 0, t16, t16 ^ jnp.int32(0x7FFFFFFF)),
            jnp.float32)

        @plsc.parallel_loop(0, n, unroll=8,
                            carry=jnp.zeros((16,), jnp.float32))
        def z16(c, z):
            col = (iota + c) & (n - 1)
            x = plsc.load_gather(in_buf, [slv, iota, col])
            e = jnp.exp(x - m16)
            em = jnp.where(x >= tx16, e, 0.0)
            plsc.store_scatter(in_buf, [slv, iota, col], em)
            return z + em

        invz = jnp.ones((16,), jnp.float32) / z16

        @pl.when(g >= 1)
        def _():
            out_dma(g - 1).wait()

        @plsc.parallel_loop(0, n, unroll=8)
        def _(c):
            col = (iota + c) & (n - 1)
            em = plsc.load_gather(in_buf, [slv, iota, col])
            plsc.store_scatter(out_buf, [iota, col], em * invz)

        out_dma(g).start()

    @plsc.parallel_loop(0, 256, unroll=8)
    def _(v):
        hist[pl.ds(v * 16, 16)] = zeros16

    in_dma(0, 0).start()
    in_dma(1, 1).start()

    def per_pair(p, _):
        for sl in (0, 1):
            g = 2 * p + sl
            per_group(g, sl)

            @pl.when(g + 2 < ngroups)
            def _():
                in_dma(g + 2, sl).start()
        return 0

    lax.fori_loop(0, ngroups // 2, per_pair, 0)
    out_dma(ngroups - 1).wait()


def _sc_call(att2, sc_rows):
    rows, n = att2.shape
    mesh = plsc.VectorSubcoreMesh(core_axis_name="c", subcore_axis_name="s")
    return pl.kernel(
        functools.partial(_sc_body, sc_rows),
        out_type=jax.ShapeDtypeStruct((sc_rows, n), att2.dtype),
        mesh=mesh,
        compiler_params=pltpu.CompilerParams(needs_layout_passes=False),
        scratch_types=[
            pltpu.VMEM((2, _G, n), jnp.float32),
            pltpu.VMEM((_G, n), jnp.float32),
            pltpu.VMEM((256 * 16,), jnp.int32),
            pltpu.SemaphoreType.DMA,
            pltpu.SemaphoreType.DMA,
            pltpu.SemaphoreType.DMA,
        ],
    )(att2)




def _tc_body(slab0, x_ref, o_ref):
    head = lax.rem(slab0 + pl.program_id(0), 4)
    x = x_ref[0]
    r, n = x.shape
    k = _k_of_head(head, n)

    key = _mono16(x)

    def count_ge(cand):
        return jnp.sum((key >= cand).astype(jnp.int32), axis=-1, keepdims=True)

    t = jnp.full((r, 1), jnp.int32(-2147483648))
    cand0 = jnp.zeros((r, 1), jnp.int32)
    t = jnp.where(count_ge(cand0) >= k, cand0, t)

    def step(i, t):
        cand = t + (jnp.int32(1) << (jnp.int32(30) - i))
        return jnp.where(count_ge(cand) >= k, cand, t)

    t = lax.fori_loop(0, 31, step, t, unroll=True)

    m = jnp.max(x, axis=-1, keepdims=True)
    e = jnp.exp(x - m)
    sel = key >= t
    z = jnp.sum(jnp.where(sel, e, 0.0), axis=-1, keepdims=True)
    o_ref[0] = jnp.where(sel, e / z, 0.0)


def _tc_call(att3, slab0):
    nslab, n, _ = att3.shape
    r = min(_TC_ROW_BLOCK, n)
    return pl.pallas_call(
        functools.partial(_tc_body, slab0),
        grid=(nslab - slab0, n // r),
        in_specs=[pl.BlockSpec((1, r, n), lambda s, i: (s + slab0, i, 0))],
        out_specs=pl.BlockSpec((1, r, n), lambda s, i: (s + slab0, i, 0)),
        out_shape=jax.ShapeDtypeStruct(att3.shape, att3.dtype),
        compiler_params=pltpu.CompilerParams(
            dimension_semantics=("parallel", "arbitrary")),
    )(att3)


def kernel(attention):
    bsz, heads, n, _ = attention.shape
    att2 = attention.reshape(bsz * heads * n, n)
    nslab = bsz * heads
    ns_sc = min(_NS_SC, nslab)
    sc_rows = ns_sc * n
    sc_out = _sc_call(att2, sc_rows)
    tc_full = _tc_call(attention.reshape(nslab, n, n), ns_sc)
    out2 = lax.dynamic_update_slice(tc_full.reshape(-1, n), sc_out, (0, 0))
    return out2.reshape(attention.shape)

# --- scband reference (transcript-rebuilt; emitter-appended) ---
"""Pipeline reference for scband-sample-79963701117627 (READ-ONLY COPY).

The authoritative reference and input builder live on the scoring server;
editing this copy changes nothing except your own understanding.
"""

import jax, jax.numpy as jnp
import numpy as np

K_LIST = [10, 20, 40, 500]


def setup_inputs(seed: int = 0) -> dict:
    key = jax.random.key(seed)
    attention = jax.random.normal(key, (8, 4, 2048, 2048), dtype=jnp.float32)
    return {"attention": attention}


def _build_knn_neighbourhood(att, topk, markoff_value):
    # att: [B, N, N]
    topk = min(topk, att.shape[-1])
    knn_val, knn_ind = jax.lax.top_k(att, topk)  # [B, N, topk]
    B, N, _ = att.shape
    b_idx = jnp.arange(B)[:, None, None]
    n_idx = jnp.arange(N)[None, :, None]
    mask = jnp.full_like(att, markoff_value)
    # scatter-overwrite topk values back into the masked matrix along last dim
    weighted_adj = mask.at[b_idx, n_idx, knn_ind].set(knn_val)
    return weighted_adj


def reference(attention):
    # attention: [B, H=4, N, N]
    outs = []
    for k in range(attention.shape[1]):
        adj = _build_knn_neighbourhood(attention[:, k, :, :], K_LIST[k], -1e20)
        outs.append(jax.nn.softmax(adj[:, None, :, :], axis=-1))
    return jnp.concatenate(outs, axis=1)

if __name__ == "__main__":
    import jax
    _d = setup_inputs()
    print(jax.jit(kernel)(*tuple(_d.values())))

</pallas_src>

<mosaic_0001>
#map = affine_map<(d0, d1) -> (0, 0)>
module attributes {stable_mosaic.version = 14 : i64} {
  func.func @_sc_body(%arg0: i32, %arg1: i32, %arg2: memref<65536x2048xf32, #tpu.memory_space<hbm>>, %arg3: memref<22528x2048xf32, #tpu.memory_space<hbm>>, %arg4: memref<2x16x2048xf32, #tpu.memory_space<vmem>>, %arg5: memref<16x2048xf32, #tpu.memory_space<vmem>>, %arg6: memref<4096xi32, #tpu.memory_space<vmem>>, %arg7: memref<!tpu.dma_semaphore, #tpu.memory_space<semaphore_mem>>, %arg8: memref<!tpu.dma_semaphore, #tpu.memory_space<semaphore_mem>>, %arg9: memref<!tpu.dma_semaphore, #tpu.memory_space<semaphore_mem>>) attributes {dimension_semantics = [#tpu.dimension_semantics<core_parallel>, #tpu.dimension_semantics<subcore_parallel>], iteration_bounds = array<i64: 2, 16>, scalar_prefetch = 0 : i64, scratch_operands = 6 : i64, tpu.core_type = #tpu.core_type<sc_vector_subcore>, window_params = [{transform_indices = #map}, {transform_indices = #map}]} {
    %mul3A = arith.constant 16 : i32
    %mul3A_0 = arith.muli %arg0, %mul3A : i32
    %add3A = arith.addi %mul3A_0, %arg1 : i32
    %mul3A_1 = arith.constant 704 : i32
    %mul3A_2 = arith.muli %add3A, %mul3A_1 : i32
    %iota3A = tpu.iota {dimensions = array<i32: 0>} : vector<16xi32>
    %broadcast_in_dim3A = arith.constant 1 : i32
    %broadcast_in_dim3A_3 = vector.broadcast %broadcast_in_dim3A : i32 to vector<16xi32>
    %broadcast_in_dim3A_4 = arith.constant 0 : i32
    %broadcast_in_dim3A_5 = vector.broadcast %broadcast_in_dim3A_4 : i32 to vector<16xi32>
    %parallel_loop3A = arith.constant 0 : i32
    %parallel_loop3A_6 = arith.constant 256 : i32
    %parallel_loop3A_7 = arith.constant 1 : i32
    scf.for %parallel_loop3A_48 = %parallel_loop3A to %parallel_loop3A_6 step %parallel_loop3A_7  : i32 {
      %parallel_loop3A_49 = arith.constant 16 : i32
      %parallel_loop3A_50 = arith.muli %parallel_loop3A_48, %parallel_loop3A_49 : i32
      %parallel_loop3A_51 = arith.index_cast %parallel_loop3A_50 : i32 to index
      %parallel_loop3A_52 = tpu.vector_load %arg6[%parallel_loop3A_51] {strides = array<i32>} : memref<4096xi32, #tpu.memory_space<vmem>>, vector<16xi32>,
      tpu.vector_store %arg6[%parallel_loop3A_51], %broadcast_in_dim3A_5 {strides = array<i32>} : memref<4096xi32, #tpu.memory_space<vmem>>, vector<16xi32>,
    } {sc.loop_unroll_factor = 8 : i64, sc.parallel_access}
    %add3A_8 = arith.constant 0 : i32
    %add3A_9 = arith.addi %mul3A_2, %add3A_8 : i32
    %dma_start3A = arith.constant 0 : i32
    %dma_start3A_10 = arith.constant 0 : i32
    %dma_start3A_11 = arith.constant 0 : i32
    %dma_start3A_12 = tpu.memref_slice %arg4[%dma_start3A, %dma_start3A_10, %dma_start3A_11] : memref<2x16x2048xf32, #tpu.memory_space<vmem>> -> memref<1x16x2048xf32, #tpu.memory_space<vmem>>
    %dma_start3A_13 = tpu.memref_squeeze %dma_start3A_12 : memref<1x16x2048xf32, #tpu.memory_space<vmem>> -> memref<16x2048xf32, #tpu.memory_space<vmem>>
    %dma_start3A_14 = arith.constant 0 : i32
    %dma_start3A_15 = tpu.memref_slice %arg2[%add3A_9, %dma_start3A_14] : memref<65536x2048xf32, #tpu.memory_space<hbm>> -> memref<16x2048xf32, #tpu.memory_space<hbm>>
    %dma_start3A_16 = arith.constant 0 : i32
    %dma_start3A_17 = arith.constant 0 : i32
    %dma_start3A_18 = tpu.memref_slice %arg4[%dma_start3A, %dma_start3A_16, %dma_start3A_17] : memref<2x16x2048xf32, #tpu.memory_space<vmem>> -> memref<1x16x2048xf32, #tpu.memory_space<vmem>>
    %dma_start3A_19 = tpu.memref_squeeze %dma_start3A_18 : memref<1x16x2048xf32, #tpu.memory_space<vmem>> -> memref<16x2048xf32, #tpu.memory_space<vmem>>
    %dma_start3A_20 = arith.constant 0 : i32
    %dma_start3A_21 = tpu.memref_slice %arg2[%add3A_9, %dma_start3A_20] : memref<65536x2048xf32, #tpu.memory_space<hbm>> -> memref<16x2048xf32, #tpu.memory_space<hbm>>
    tpu.enqueue_dma source(%dma_start3A_21 : memref<16x2048xf32, #tpu.memory_space<hbm>>) target(%dma_start3A_19 : memref<16x2048xf32, #tpu.memory_space<vmem>>) target_semaphore(%arg7 : memref<!tpu.dma_semaphore, #tpu.memory_space<semaphore_mem>>)
    %add3A_22 = arith.constant 16 : i32
    %add3A_23 = arith.addi %mul3A_2, %add3A_22 : i32
    %dma_start3A_24 = arith.constant 1 : i32
    %dma_start3A_25 = arith.constant 0 : i32
    %dma_start3A_26 = arith.constant 0 : i32
    %dma_start3A_27 = tpu.memref_slice %arg4[%dma_start3A_24, %dma_start3A_25, %dma_start3A_26] : memref<2x16x2048xf32, #tpu.memory_space<vmem>> -> memref<1x16x2048xf32, #tpu.memory_space<vmem>>
    %dma_start3A_28 = tpu.memref_squeeze %dma_start3A_27 : memref<1x16x2048xf32, #tpu.memory_space<vmem>> -> memref<16x2048xf32, #tpu.memory_space<vmem>>
    %dma_start3A_29 = arith.constant 0 : i32
    %dma_start3A_30 = tpu.memref_slice %arg2[%add3A_23, %dma_start3A_29] : memref<65536x2048xf32, #tpu.memory_space<hbm>> -> memref<16x2048xf32, #tpu.memory_space<hbm>>
    %dma_start3A_31 = arith.constant 0 : i32
    %dma_start3A_32 = arith.constant 0 : i32
    %dma_start3A_33 = tpu.memref_slice %arg4[%dma_start3A_24, %dma_start3A_31, %dma_start3A_32] : memref<2x16x2048xf32, #tpu.memory_space<vmem>> -> memref<1x16x2048xf32, #tpu.memory_space<vmem>>
    %dma_start3A_34 = tpu.memref_squeeze %dma_start3A_33 : memref<1x16x2048xf32, #tpu.memory_space<vmem>> -> memref<16x2048xf32, #tpu.memory_space<vmem>>
    %dma_start3A_35 = arith.constant 0 : i32
    %dma_start3A_36 = tpu.memref_slice %arg2[%add3A_23, %dma_start3A_35] : memref<65536x2048xf32, #tpu.memory_space<hbm>> -> memref<16x2048xf32, #tpu.memory_space<hbm>>
    tpu.enqueue_dma source(%dma_start3A_36 : memref<16x2048xf32, #tpu.memory_space<hbm>>) target(%dma_start3A_34 : memref<16x2048xf32, #tpu.memory_space<vmem>>) target_semaphore(%arg8 : memref<!tpu.dma_semaphore, #tpu.memory_space<semaphore_mem>>)
    %scan3A = arith.constant 0 : i32
    %scan3A_37 = arith.constant 0 : i32
    %scan3A_38 = arith.constant 22 : i32
    %scan3A_39 = arith.addi %scan3A_37, %scan3A_38 : i32
    %scan3A_40 = arith.constant 1 : i32
    %scan3A_41 = scf.for %scan3A_48 = %scan3A_37 to %scan3A_39 step %scan3A_40 iter_args(%scan3A_49 = %scan3A) -> (i32)  : i32 {
      %mul3A_50 = arith.constant 2 : i32
      %mul3A_51 = arith.muli %mul3A_50, %scan3A_48 : i32
      %add3A_52 = arith.constant 0 : i32
      %add3A_53 = arith.addi %mul3A_51, %add3A_52 : i32
      %broadcast_in_dim3A_54 = arith.constant 0 : i32
      %broadcast_in_dim3A_55 = vector.broadcast %broadcast_in_dim3A_54 : i32 to vector<16xi32>
      %mul3A_56 = arith.constant 16 : i32
      %mul3A_57 = arith.muli %add3A_53, %mul3A_56 : i32
      %add3A_58 = arith.addi %mul3A_2, %mul3A_57 : i32
      %jit3A = arith.constant 2048 : i32
      %div3A = arith.divsi %add3A_58, %jit3A : i32
      %sign3A = arith.constant 0 : i32
      %sign3A_59 = arith.cmpi sgt, %add3A_58, %sign3A : i32
      %sign3A_60 = arith.extui %sign3A_59 : i1 to i32
      %sign3A_61 = arith.constant 0 : i32
      %sign3A_62 = arith.cmpi slt, %add3A_58, %sign3A_61 : i32
      %sign3A_63 = arith.extui %sign3A_62 : i1 to i32
      %sign3A_64 = arith.subi %sign3A_60, %sign3A_63 : i32
      %sign3A_65 = arith.constant 0 : i32
      %sign3A_66 = arith.cmpi sgt, %jit3A, %sign3A_65 : i32
      %sign3A_67 = arith.extui %sign3A_66 : i1 to i32
      %sign3A_68 = arith.constant 0 : i32
      %sign3A_69 = arith.cmpi slt, %jit3A, %sign3A_68 : i32
      %sign3A_70 = arith.extui %sign3A_69 : i1 to i32
      %sign3A_71 = arith.subi %sign3A_67, %sign3A_70 : i32
      %ne3A = arith.cmpi ne, %sign3A_64, %sign3A_71 : i32
      %rem3A = arith.remsi %add3A_58, %jit3A : i32
      %ne3A_72 = arith.constant 0 : i32
      %ne3A_73 = arith.cmpi ne, %rem3A, %ne3A_72 : i32
      %and3A = arith.andi %ne3A, %ne3A_73 : i1
      %sub3A = arith.constant 1 : i32
      %sub3A_74 = arith.subi %div3A, %sub3A : i32
      %select_n3A = arith.select %and3A, %sub3A_74, %div3A : i32
      %rem3A_75 = arith.constant 4 : i32
      %rem3A_76 = arith.remsi %select_n3A, %rem3A_75 : i32
      %eq3A = arith.constant 0 : i32
      %eq3A_77 = arith.cmpi eq, %rem3A_76, %eq3A : i32
      %eq3A_78 = arith.constant 1 : i32
      %eq3A_79 = arith.cmpi eq, %rem3A_76, %eq3A_78 : i32
      %eq3A_80 = arith.constant 2 : i32
      %eq3A_81 = arith.cmpi eq, %rem3A_76, %eq3A_80 : i32
      %jit3A_82 = arith.constant 40 : i32
      %jit3A_83 = arith.constant 500 : i32
      %select_n3A_84 = arith.select %eq3A_81, %jit3A_82, %jit3A_83 : i32
      %jit3A_85 = arith.constant 20 : i32
      %select_n3A_86 = arith.select %eq3A_79, %jit3A_85, %select_n3A_84 : i32
      %jit3A_87 = arith.constant 10 : i32
      %select_n3A_88 = arith.select %eq3A_77, %jit3A_87, %select_n3A_86 : i32
      %min3A = arith.constant 2048 : i32
      %min3A_89 = arith.minsi %select_n3A_88, %min3A : i32
      %broadcast_in_dim3A_90 = vector.broadcast %min3A_89 : i32 to vector<16xi32>
      %mul3A_91 = arith.constant 16 : i32
      %mul3A_92 = arith.muli %add3A_53, %mul3A_91 : i32
      %add3A_93 = arith.addi %mul3A_2, %mul3A_92 : i32
      %dma_wait3A_94 = arith.constant 0 : i32
      %dma_wait3A_95 = arith.constant 0 : i32
      %dma_wait3A_96 = arith.constant 0 : i32
      %dma_wait3A_97 = tpu.memref_slice %arg4[%dma_wait3A_94, %dma_wait3A_95, %dma_wait3A_96] : memref<2x16x2048xf32, #tpu.memory_space<vmem>> -> memref<1x16x2048xf32, #tpu.memory_space<vmem>>
      %dma_wait3A_98 = tpu.memref_squeeze %dma_wait3A_97 : memref<1x16x2048xf32, #tpu.memory_space<vmem>> -> memref<16x2048xf32, #tpu.memory_space<vmem>>
      %dma_wait3A_99 = arith.constant 0 : i32
      %dma_wait3A_100 = tpu.memref_slice %arg2[%add3A_93, %dma_wait3A_99] : memref<65536x2048xf32, #tpu.memory_space<hbm>> -> memref<16x2048xf32, #tpu.memory_space<hbm>>
      %dma_wait3A_101 = arith.constant 0 : i32
      %dma_wait3A_102 = arith.constant 0 : i32
      %dma_wait3A_103 = tpu.memref_slice %arg4[%dma_wait3A_94, %dma_wait3A_101, %dma_wait3A_102] : memref<2x16x2048xf32, #tpu.memory_space<vmem>> -> memref<1x16x2048xf32, #tpu.memory_space<vmem>>
      %dma_wait3A_104 = tpu.memref_squeeze %dma_wait3A_103 : memref<1x16x2048xf32, #tpu.memory_space<vmem>> -> memref<16x2048xf32, #tpu.memory_space<vmem>>
      %dma_wait3A_105 = arith.constant 0 : i32
      %dma_wait3A_106 = tpu.memref_slice %arg2[%add3A_93, %dma_wait3A_105] : memref<65536x2048xf32, #tpu.memory_space<hbm>> -> memref<16x2048xf32, #tpu.memory_space<hbm>>
      tpu.wait_dma2 semaphore(%arg7 : memref<!tpu.dma_semaphore, #tpu.memory_space<semaphore_mem>>) src(%dma_wait3A_106 : memref<16x2048xf32, #tpu.memory_space<hbm>>) dst(%dma_wait3A_104 : memref<16x2048xf32, #tpu.memory_space<vmem>>)
      %broadcast_in_dim3A_107 = arith.constant -3.400000e+38 : f32
      %broadcast_in_dim3A_108 = vector.broadcast %broadcast_in_dim3A_107 : f32 to vector<16xf32>
      %parallel_loop3A_109 = arith.constant 0 : i32
      %parallel_loop3A_110 = arith.constant 2048 : i32
      %parallel_loop3A_111 = arith.constant 1 : i32
      %parallel_loop3A_112 = scf.for %parallel_loop3A_369 = %parallel_loop3A_109 to %parallel_loop3A_110 step %parallel_loop3A_111 iter_args(%parallel_loop3A_370 = %broadcast_in_dim3A_108) -> (vector<16xf32>)  : i32 {
        %parallel_loop3A_371 = vector.broadcast %parallel_loop3A_369 : i32 to vector<16xi32>
        %parallel_loop3A_372 = arith.addi %iota3A, %parallel_loop3A_371 : vector<16xi32>
        %parallel_loop3A_373 = arith.constant 2047 : i32
        %parallel_loop3A_374 = vector.broadcast %parallel_loop3A_373 : i32 to vector<16xi32>
        %parallel_loop3A_375 = arith.andi %parallel_loop3A_372, %parallel_loop3A_374 : vector<16xi32>
        %parallel_loop3A_376 = tpu.vector_load_idx %arg4[%broadcast_in_dim3A_55, %iota3A, %parallel_loop3A_375] : memref<2x16x2048xf32, #tpu.memory_space<vmem>>[vector<16xi32>, vector<16xi32>, vector<16xi32>], vector<16xf32>,
        %parallel_loop3A_377 = tpu.bitcast %parallel_loop3A_376 : vector<16xf32> -> vector<16xi32>
        %parallel_loop3A_378 = arith.constant 0 : i32
        %parallel_loop3A_379 = vector.broadcast %parallel_loop3A_378 : i32 to vector<16xi32>
        %parallel_loop3A_380 = arith.cmpi sge, %parallel_loop3A_377, %parallel_loop3A_379 : vector<16xi32>
        %parallel_loop3A_381 = arith.constant 2147483647 : i32
        %parallel_loop3A_382 = vector.broadcast %parallel_loop3A_381 : i32 to vector<16xi32>
        %parallel_loop3A_383 = arith.xori %parallel_loop3A_377, %parallel_loop3A_382 : vector<16xi32>
        %parallel_loop3A_384 = arith.select %parallel_loop3A_380, %parallel_loop3A_377, %parallel_loop3A_383 : vector<16xi1>, vector<16xi32>
        %parallel_loop3A_385 = arith.constant 24 : i32
        %parallel_loop3A_386 = vector.broadcast %parallel_loop3A_385 : i32 to vector<16xi32>
        %parallel_loop3A_387 = arith.shrsi %parallel_loop3A_384, %parallel_loop3A_386 : vector<16xi32>
        %parallel_loop3A_388 = arith.constant 128 : i32
        %parallel_loop3A_389 = vector.broadcast %parallel_loop3A_388 : i32 to vector<16xi32>
        %parallel_loop3A_390 = arith.addi %parallel_loop3A_387, %parallel_loop3A_389 : vector<16xi32>
        %parallel_loop3A_391 = arith.constant 16 : i32
        %parallel_loop3A_392 = vector.broadcast %parallel_loop3A_391 : i32 to vector<16xi32>
        %parallel_loop3A_393 = arith.muli %parallel_loop3A_390, %parallel_loop3A_392 : vector<16xi32>
        %parallel_loop3A_394 = arith.addi %parallel_loop3A_393, %iota3A : vector<16xi32>
        tpu.vector_store_idx %arg6[%parallel_loop3A_394], %broadcast_in_dim3A_3 {add = true} : memref<4096xi32, #tpu.memory_space<vmem>>[vector<16xi32>], vector<16xi32>,
        %parallel_loop3A_395 = arith.maximumf %parallel_loop3A_370, %parallel_loop3A_376 : vector<16xf32>
        scf.yield %parallel_loop3A_395 : vector<16xf32>
      } {sc.loop_unroll_factor = 8 : i64, sc.parallel_access}
      %parallel_loop3A_113 = arith.constant 0 : i32
      %parallel_loop3A_114 = arith.constant 256 : i32
      %parallel_loop3A_115 = arith.constant 1 : i32
      %parallel_loop3A_116:3 = scf.for %parallel_loop3A_369 = %parallel_loop3A_113 to %parallel_loop3A_114 step %parallel_loop3A_115 iter_args(%parallel_loop3A_370 = %broadcast_in_dim3A_5, %parallel_loop3A_371 = %broadcast_in_dim3A_5, %parallel_loop3A_372 = %broadcast_in_dim3A_5) -> (vector<16xi32>, vector<16xi32>, vector<16xi32>)  : i32 {
        %parallel_loop3A_373 = arith.constant 255 : i32
        %parallel_loop3A_374 = arith.subi %parallel_loop3A_373, %parallel_loop3A_369 : i32
        %parallel_loop3A_375 = arith.constant 16 : i32
        %parallel_loop3A_376 = arith.muli %parallel_loop3A_374, %parallel_loop3A_375 : i32
        %parallel_loop3A_377 = arith.index_cast %parallel_loop3A_376 : i32 to index
        %parallel_loop3A_378 = tpu.vector_load %arg6[%parallel_loop3A_377] {strides = array<i32>} : memref<4096xi32, #tpu.memory_space<vmem>>, vector<16xi32>,
        %parallel_loop3A_379 = arith.constant 16 : i32
        %parallel_loop3A_380 = arith.muli %parallel_loop3A_374, %parallel_loop3A_379 : i32
        %parallel_loop3A_381 = arith.index_cast %parallel_loop3A_380 : i32 to index
        %parallel_loop3A_382 = tpu.vector_load %arg6[%parallel_loop3A_381] {strides = array<i32>} : memref<4096xi32, #tpu.memory_space<vmem>>, vector<16xi32>,
        tpu.vector_store %arg6[%parallel_loop3A_381], %broadcast_in_dim3A_5 {strides = array<i32>} : memref<4096xi32, #tpu.memory_space<vmem>>, vector<16xi32>,
        %parallel_loop3A_383 = arith.addi %parallel_loop3A_370, %parallel_loop3A_378 : vector<16xi32>
        %parallel_loop3A_384 = arith.cmpi sge, %parallel_loop3A_383, %broadcast_in_dim3A_90 : vector<16xi32>
        %parallel_loop3A_385 = arith.constant 1 : i32
        %parallel_loop3A_386 = arith.constant 0 : i32
        %parallel_loop3A_387 = vector.broadcast %parallel_loop3A_385 : i32 to vector<16xi32>
        %parallel_loop3A_388 = vector.broadcast %parallel_loop3A_386 : i32 to vector<16xi32>
        %parallel_loop3A_389 = arith.select %parallel_loop3A_384, %parallel_loop3A_387, %parallel_loop3A_388 : vector<16xi1>, vector<16xi32>
        %parallel_loop3A_390 = arith.addi %parallel_loop3A_371, %parallel_loop3A_389 : vector<16xi32>
        %parallel_loop3A_391 = arith.constant 0 : i32
        %parallel_loop3A_392 = vector.broadcast %parallel_loop3A_391 : i32 to vector<16xi32>
        %parallel_loop3A_393 = arith.select %parallel_loop3A_384, %parallel_loop3A_392, %parallel_loop3A_378 : vector<16xi1>, vector<16xi32>
        %parallel_loop3A_394 = arith.addi %parallel_loop3A_372, %parallel_loop3A_393 : vector<16xi32>
        scf.yield %parallel_loop3A_383, %parallel_loop3A_390, %parallel_loop3A_394 : vector<16xi32>, vector<16xi32>, vector<16xi32>
      } {sc.loop_unroll_factor = 8 : i64, sc.parallel_access}
      %sub3A_117 = arith.constant 1 : i32
      %sub3A_118 = vector.broadcast %sub3A_117 : i32 to vector<16xi32>
      %sub3A_119 = arith.subi %parallel_loop3A_116#1, %sub3A_118 : vector<16xi32>
      %sub3A_120 = arith.constant 128 : i32
      %sub3A_121 = vector.broadcast %sub3A_120 : i32 to vector<16xi32>
      %sub3A_122 = arith.subi %sub3A_119, %sub3A_121 : vector<16xi32>
      %sub3A_123 = arith.subi %broadcast_in_dim3A_90, %parallel_loop3A_116#2 : vector<16xi32>
      %parallel_loop3A_124 = arith.constant 0 : i32
      %parallel_loop3A_125 = arith.constant 2048 : i32
      %parallel_loop3A_126 = arith.constant 1 : i32
      scf.for %parallel_loop3A_369 = %parallel_loop3A_124 to %parallel_loop3A_125 step %parallel_loop3A_126  : i32 {
        %parallel_loop3A_370 = vector.broadcast %parallel_loop3A_369 : i32 to vector<16xi32>
        %parallel_loop3A_371 = arith.addi %iota3A, %parallel_loop3A_370 : vector<16xi32>
        %parallel_loop3A_372 = arith.constant 2047 : i32
        %parallel_loop3A_373 = vector.broadcast %parallel_loop3A_372 : i32 to vector<16xi32>
        %parallel_loop3A_374 = arith.andi %parallel_loop3A_371, %parallel_loop3A_373 : vector<16xi32>
        %parallel_loop3A_375 = tpu.vector_load_idx %arg4[%broadcast_in_dim3A_55, %iota3A, %parallel_loop3A_374] : memref<2x16x2048xf32, #tpu.memory_space<vmem>>[vector<16xi32>, vector<16xi32>, vector<16xi32>], vector<16xf32>,
        %parallel_loop3A_376 = tpu.bitcast %parallel_loop3A_375 : vector<16xf32> -> vector<16xi32>
        %parallel_loop3A_377 = arith.constant 0 : i32
        %parallel_loop3A_378 = vector.broadcast %parallel_loop3A_377 : i32 to vector<16xi32>
        %parallel_loop3A_379 = arith.cmpi sge, %parallel_loop3A_376, %parallel_loop3A_378 : vector<16xi32>
        %parallel_loop3A_380 = arith.constant 2147483647 : i32
        %parallel_loop3A_381 = vector.broadcast %parallel_loop3A_380 : i32 to vector<16xi32>
        %parallel_loop3A_382 = arith.xori %parallel_loop3A_376, %parallel_loop3A_381 : vector<16xi32>
        %parallel_loop3A_383 = arith.select %parallel_loop3A_379, %parallel_loop3A_376, %parallel_loop3A_382 : vector<16xi1>, vector<16xi32>
        %parallel_loop3A_384 = arith.constant 24 : i32
        %parallel_loop3A_385 = vector.broadcast %parallel_loop3A_384 : i32 to vector<16xi32>
        %parallel_loop3A_386 = arith.shrsi %parallel_loop3A_383, %parallel_loop3A_385 : vector<16xi32>
        %parallel_loop3A_387 = arith.cmpi eq, %parallel_loop3A_386, %sub3A_122 : vector<16xi32>
        %parallel_loop3A_388 = arith.constant 16 : i32
        %parallel_loop3A_389 = vector.broadcast %parallel_loop3A_388 : i32 to vector<16xi32>
        %parallel_loop3A_390 = arith.shrsi %parallel_loop3A_383, %parallel_loop3A_389 : vector<16xi32>
        %parallel_loop3A_391 = arith.constant 255 : i32
        %parallel_loop3A_392 = vector.broadcast %parallel_loop3A_391 : i32 to vector<16xi32>
        %parallel_loop3A_393 = arith.andi %parallel_loop3A_390, %parallel_loop3A_392 : vector<16xi32>
        %parallel_loop3A_394 = arith.constant 16 : i32
        %parallel_loop3A_395 = vector.broadcast %parallel_loop3A_394 : i32 to vector<16xi32>
        %parallel_loop3A_396 = arith.muli %parallel_loop3A_393, %parallel_loop3A_395 : vector<16xi32>
        %parallel_loop3A_397 = arith.addi %parallel_loop3A_396, %iota3A : vector<16xi32>
        tpu.vector_store_idx %arg6[%parallel_loop3A_397], %broadcast_in_dim3A_3 masked %parallel_loop3A_387 {add = true} : memref<4096xi32, #tpu.memory_space<vmem>>[vector<16xi32>], vector<16xi32>, vector<16xi1>
      } {sc.loop_unroll_factor = 8 : i64, sc.parallel_access}
      %parallel_loop3A_127 = arith.constant 0 : i32
      %parallel_loop3A_128 = arith.constant 256 : i32
      %parallel_loop3A_129 = arith.constant 1 : i32
      %parallel_loop3A_130:3 = scf.for %parallel_loop3A_369 = %parallel_loop3A_127 to %parallel_loop3A_128 step %parallel_loop3A_129 iter_args(%parallel_loop3A_370 = %broadcast_in_dim3A_5, %parallel_loop3A_371 = %broadcast_in_dim3A_5, %parallel_loop3A_372 = %broadcast_in_dim3A_5) -> (vector<16xi32>, vector<16xi32>, vector<16xi32>)  : i32 {
        %parallel_loop3A_373 = arith.constant 255 : i32
        %parallel_loop3A_374 = arith.subi %parallel_loop3A_373, %parallel_loop3A_369 : i32
        %parallel_loop3A_375 = arith.constant 16 : i32
        %parallel_loop3A_376 = arith.muli %parallel_loop3A_374, %parallel_loop3A_375 : i32
        %parallel_loop3A_377 = arith.index_cast %parallel_loop3A_376 : i32 to index
        %parallel_loop3A_378 = tpu.vector_load %arg6[%parallel_loop3A_377] {strides = array<i32>} : memref<4096xi32, #tpu.memory_space<vmem>>, vector<16xi32>,
        %parallel_loop3A_379 = arith.constant 16 : i32
        %parallel_loop3A_380 = arith.muli %parallel_loop3A_374, %parallel_loop3A_379 : i32
        %parallel_loop3A_381 = arith.index_cast %parallel_loop3A_380 : i32 to index
        %parallel_loop3A_382 = tpu.vector_load %arg6[%parallel_loop3A_381] {strides = array<i32>} : memref<4096xi32, #tpu.memory_space<vmem>>, vector<16xi32>,
        tpu.vector_store %arg6[%parallel_loop3A_381], %broadcast_in_dim3A_5 {strides = array<i32>} : memref<4096xi32, #tpu.memory_space<vmem>>, vector<16xi32>,
        %parallel_loop3A_383 = arith.addi %parallel_loop3A_370, %parallel_loop3A_378 : vector<16xi32>
        %parallel_loop3A_384 = arith.cmpi sge, %parallel_loop3A_383, %sub3A_123 : vector<16xi32>
        %parallel_loop3A_385 = arith.constant 1 : i32
        %parallel_loop3A_386 = arith.constant 0 : i32
        %parallel_loop3A_387 = vector.broadcast %parallel_loop3A_385 : i32 to vector<16xi32>
        %parallel_loop3A_388 = vector.broadcast %parallel_loop3A_386 : i32 to vector<16xi32>
        %parallel_loop3A_389 = arith.select %parallel_loop3A_384, %parallel_loop3A_387, %parallel_loop3A_388 : vector<16xi1>, vector<16xi32>
        %parallel_loop3A_390 = arith.addi %parallel_loop3A_371, %parallel_loop3A_389 : vector<16xi32>
        %parallel_loop3A_391 = arith.constant 0 : i32
        %parallel_loop3A_392 = vector.broadcast %parallel_loop3A_391 : i32 to vector<16xi32>
        %parallel_loop3A_393 = arith.select %parallel_loop3A_384, %parallel_loop3A_392, %parallel_loop3A_378 : vector<16xi1>, vector<16xi32>
        %parallel_loop3A_394 = arith.addi %parallel_loop3A_372, %parallel_loop3A_393 : vector<16xi32>
        scf.yield %parallel_loop3A_383, %parallel_loop3A_390, %parallel_loop3A_394 : vector<16xi32>, vector<16xi32>, vector<16xi32>
      } {sc.loop_unroll_factor = 8 : i64, sc.parallel_access}
      %sub3A_131 = arith.constant 1 : i32
      %sub3A_132 = vector.broadcast %sub3A_131 : i32 to vector<16xi32>
      %sub3A_133 = arith.subi %parallel_loop3A_130#1, %sub3A_132 : vector<16xi32>
      %shift_left3A = arith.constant 8 : i32
      %shift_left3A_134 = vector.broadcast %shift_left3A : i32 to vector<16xi32>
      %shift_left3A_135 = arith.shli %sub3A_122, %shift_left3A_134 : vector<16xi32>
      %or3A = arith.ori %shift_left3A_135, %sub3A_133 : vector<16xi32>
      %sub3A_136 = arith.subi %sub3A_123, %parallel_loop3A_130#2 : vector<16xi32>
      %parallel_loop3A_137 = arith.constant 0 : i32
      %parallel_loop3A_138 = arith.constant 2048 : i32
      %parallel_loop3A_139 = arith.constant 1 : i32
      scf.for %parallel_loop3A_369 = %parallel_loop3A_137 to %parallel_loop3A_138 step %parallel_loop3A_139  : i32 {
        %parallel_loop3A_370 = vector.broadcast %parallel_loop3A_369 : i32 to vector<16xi32>
        %parallel_loop3A_371 = arith.addi %iota3A, %parallel_loop3A_370 : vector<16xi32>
        %parallel_loop3A_372 = arith.constant 2047 : i32
        %parallel_loop3A_373 = vector.broadcast %parallel_loop3A_372 : i32 to vector<16xi32>
        %parallel_loop3A_374 = arith.andi %parallel_loop3A_371, %parallel_loop3A_373 : vector<16xi32>
        %parallel_loop3A_375 = tpu.vector_load_idx %arg4[%broadcast_in_dim3A_55, %iota3A, %parallel_loop3A_374] : memref<2x16x2048xf32, #tpu.memory_space<vmem>>[vector<16xi32>, vector<16xi32>, vector<16xi32>], vector<16xf32>,
        %parallel_loop3A_376 = tpu.bitcast %parallel_loop3A_375 : vector<16xf32> -> vector<16xi32>
        %parallel_loop3A_377 = arith.constant 0 : i32
        %parallel_loop3A_378 = vector.broadcast %parallel_loop3A_377 : i32 to vector<16xi32>
        %parallel_loop3A_379 = arith.cmpi sge, %parallel_loop3A_376, %parallel_loop3A_378 : vector<16xi32>
        %parallel_loop3A_380 = arith.constant 2147483647 : i32
        %parallel_loop3A_381 = vector.broadcast %parallel_loop3A_380 : i32 to vector<16xi32>
        %parallel_loop3A_382 = arith.xori %parallel_loop3A_376, %parallel_loop3A_381 : vector<16xi32>
        %parallel_loop3A_383 = arith.select %parallel_loop3A_379, %parallel_loop3A_376, %parallel_loop3A_382 : vector<16xi1>, vector<16xi32>
        %parallel_loop3A_384 = arith.constant 16 : i32
        %parallel_loop3A_385 = vector.broadcast %parallel_loop3A_384 : i32 to vector<16xi32>
        %parallel_loop3A_386 = arith.shrsi %parallel_loop3A_383, %parallel_loop3A_385 : vector<16xi32>
        %parallel_loop3A_387 = arith.cmpi eq, %parallel_loop3A_386, %or3A : vector<16xi32>
        %parallel_loop3A_388 = arith.constant 8 : i32
        %parallel_loop3A_389 = vector.broadcast %parallel_loop3A_388 : i32 to vector<16xi32>
        %parallel_loop3A_390 = arith.shrsi %parallel_loop3A_383, %parallel_loop3A_389 : vector<16xi32>
        %parallel_loop3A_391 = arith.constant 255 : i32
        %parallel_loop3A_392 = vector.broadcast %parallel_loop3A_391 : i32 to vector<16xi32>
        %parallel_loop3A_393 = arith.andi %parallel_loop3A_390, %parallel_loop3A_392 : vector<16xi32>
        %parallel_loop3A_394 = arith.constant 16 : i32
        %parallel_loop3A_395 = vector.broadcast %parallel_loop3A_394 : i32 to vector<16xi32>
        %parallel_loop3A_396 = arith.muli %parallel_loop3A_393, %parallel_loop3A_395 : vector<16xi32>
        %parallel_loop3A_397 = arith.addi %parallel_loop3A_396, %iota3A : vector<16xi32>
        tpu.vector_store_idx %arg6[%parallel_loop3A_397], %broadcast_in_dim3A_3 masked %parallel_loop3A_387 {add = true} : memref<4096xi32, #tpu.memory_space<vmem>>[vector<16xi32>], vector<16xi32>, vector<16xi1>
      } {sc.loop_unroll_factor = 8 : i64, sc.parallel_access}
      %parallel_loop3A_140 = arith.constant 0 : i32
      %parallel_loop3A_141 = arith.constant 256 : i32
      %parallel_loop3A_142 = arith.constant 1 : i32
      %parallel_loop3A_143:3 = scf.for %parallel_loop3A_369 = %parallel_loop3A_140 to %parallel_loop3A_141 step %parallel_loop3A_142 iter_args(%parallel_loop3A_370 = %broadcast_in_dim3A_5, %parallel_loop3A_371 = %broadcast_in_dim3A_5, %parallel_loop3A_372 = %broadcast_in_dim3A_5) -> (vector<16xi32>, vector<16xi32>, vector<16xi32>)  : i32 {
        %parallel_loop3A_373 = arith.constant 255 : i32
        %parallel_loop3A_374 = arith.subi %parallel_loop3A_373, %parallel_loop3A_369 : i32
        %parallel_loop3A_375 = arith.constant 16 : i32
        %parallel_loop3A_376 = arith.muli %parallel_loop3A_374, %parallel_loop3A_375 : i32
        %parallel_loop3A_377 = arith.index_cast %parallel_loop3A_376 : i32 to index
        %parallel_loop3A_378 = tpu.vector_load %arg6[%parallel_loop3A_377] {strides = array<i32>} : memref<4096xi32, #tpu.memory_space<vmem>>, vector<16xi32>,
        %parallel_loop3A_379 = arith.constant 16 : i32
        %parallel_loop3A_380 = arith.muli %parallel_loop3A_374, %parallel_loop3A_379 : i32
        %parallel_loop3A_381 = arith.index_cast %parallel_loop3A_380 : i32 to index
        %parallel_loop3A_382 = tpu.vector_load %arg6[%parallel_loop3A_381] {strides = array<i32>} : memref<4096xi32, #tpu.memory_space<vmem>>, vector<16xi32>,
        tpu.vector_store %arg6[%parallel_loop3A_381], %broadcast_in_dim3A_5 {strides = array<i32>} : memref<4096xi32, #tpu.memory_space<vmem>>, vector<16xi32>,
        %parallel_loop3A_383 = arith.addi %parallel_loop3A_370, %parallel_loop3A_378 : vector<16xi32>
        %parallel_loop3A_384 = arith.cmpi sge, %parallel_loop3A_383, %sub3A_136 : vector<16xi32>
        %parallel_loop3A_385 = arith.constant 1 : i32
        %parallel_loop3A_386 = arith.constant 0 : i32
        %parallel_loop3A_387 = vector.broadcast %parallel_loop3A_385 : i32 to vector<16xi32>
        %parallel_loop3A_388 = vector.broadcast %parallel_loop3A_386 : i32 to vector<16xi32>
        %parallel_loop3A_389 = arith.select %parallel_loop3A_384, %parallel_loop3A_387, %parallel_loop3A_388 : vector<16xi1>, vector<16xi32>
        %parallel_loop3A_390 = arith.addi %parallel_loop3A_371, %parallel_loop3A_389 : vector<16xi32>
        %parallel_loop3A_391 = arith.constant 0 : i32
        %parallel_loop3A_392 = vector.broadcast %parallel_loop3A_391 : i32 to vector<16xi32>
        %parallel_loop3A_393 = arith.select %parallel_loop3A_384, %parallel_loop3A_392, %parallel_loop3A_378 : vector<16xi1>, vector<16xi32>
        %parallel_loop3A_394 = arith.addi %parallel_loop3A_372, %parallel_loop3A_393 : vector<16xi32>
        scf.yield %parallel_loop3A_383, %parallel_loop3A_390, %parallel_loop3A_394 : vector<16xi32>, vector<16xi32>, vector<16xi32>
      } {sc.loop_unroll_factor = 8 : i64, sc.parallel_access}
      %sub3A_144 = arith.constant 1 : i32
      %sub3A_145 = vector.broadcast %sub3A_144 : i32 to vector<16xi32>
      %sub3A_146 = arith.subi %parallel_loop3A_143#1, %sub3A_145 : vector<16xi32>
      %shift_left3A_147 = arith.constant 8 : i32
      %shift_left3A_148 = vector.broadcast %shift_left3A_147 : i32 to vector<16xi32>
      %shift_left3A_149 = arith.shli %or3A, %shift_left3A_148 : vector<16xi32>
      %or3A_150 = arith.ori %shift_left3A_149, %sub3A_146 : vector<16xi32>
      %sub3A_151 = arith.subi %sub3A_136, %parallel_loop3A_143#2 : vector<16xi32>
      %parallel_loop3A_152 = arith.constant 0 : i32
      %parallel_loop3A_153 = arith.constant 2048 : i32
      %parallel_loop3A_154 = arith.constant 1 : i32
      scf.for %parallel_loop3A_369 = %parallel_loop3A_152 to %parallel_loop3A_153 step %parallel_loop3A_154  : i32 {
        %parallel_loop3A_370 = vector.broadcast %parallel_loop3A_369 : i32 to vector<16xi32>
        %parallel_loop3A_371 = arith.addi %iota3A, %parallel_loop3A_370 : vector<16xi32>
        %parallel_loop3A_372 = arith.constant 2047 : i32
        %parallel_loop3A_373 = vector.broadcast %parallel_loop3A_372 : i32 to vector<16xi32>
        %parallel_loop3A_374 = arith.andi %parallel_loop3A_371, %parallel_loop3A_373 : vector<16xi32>
        %parallel_loop3A_375 = tpu.vector_load_idx %arg4[%broadcast_in_dim3A_55, %iota3A, %parallel_loop3A_374] : memref<2x16x2048xf32, #tpu.memory_space<vmem>>[vector<16xi32>, vector<16xi32>, vector<16xi32>], vector<16xf32>,
        %parallel_loop3A_376 = tpu.bitcast %parallel_loop3A_375 : vector<16xf32> -> vector<16xi32>
        %parallel_loop3A_377 = arith.constant 0 : i32
        %parallel_loop3A_378 = vector.broadcast %parallel_loop3A_377 : i32 to vector<16xi32>
        %parallel_loop3A_379 = arith.cmpi sge, %parallel_loop3A_376, %parallel_loop3A_378 : vector<16xi32>
        %parallel_loop3A_380 = arith.constant 2147483647 : i32
        %parallel_loop3A_381 = vector.broadcast %parallel_loop3A_380 : i32 to vector<16xi32>
        %parallel_loop3A_382 = arith.xori %parallel_loop3A_376, %parallel_loop3A_381 : vector<16xi32>
        %parallel_loop3A_383 = arith.select %parallel_loop3A_379, %parallel_loop3A_376, %parallel_loop3A_382 : vector<16xi1>, vector<16xi32>
        %parallel_loop3A_384 = arith.constant 8 : i32
        %parallel_loop3A_385 = vector.broadcast %parallel_loop3A_384 : i32 to vector<16xi32>
        %parallel_loop3A_386 = arith.shrsi %parallel_loop3A_383, %parallel_loop3A_385 : vector<16xi32>
        %parallel_loop3A_387 = arith.cmpi eq, %parallel_loop3A_386, %or3A_150 : vector<16xi32>
        %parallel_loop3A_388 = arith.constant 0 : i32
        %parallel_loop3A_389 = vector.broadcast %parallel_loop3A_388 : i32 to vector<16xi32>
        %parallel_loop3A_390 = arith.shrsi %parallel_loop3A_383, %parallel_loop3A_389 : vector<16xi32>
        %parallel_loop3A_391 = arith.constant 255 : i32
        %parallel_loop3A_392 = vector.broadcast %parallel_loop3A_391 : i32 to vector<16xi32>
        %parallel_loop3A_393 = arith.andi %parallel_loop3A_390, %parallel_loop3A_392 : vector<16xi32>
        %parallel_loop3A_394 = arith.constant 16 : i32
        %parallel_loop3A_395 = vector.broadcast %parallel_loop3A_394 : i32 to vector<16xi32>
        %parallel_loop3A_396 = arith.muli %parallel_loop3A_393, %parallel_loop3A_395 : vector<16xi32>
        %parallel_loop3A_397 = arith.addi %parallel_loop3A_396, %iota3A : vector<16xi32>
        tpu.vector_store_idx %arg6[%parallel_loop3A_397], %broadcast_in_dim3A_3 masked %parallel_loop3A_387 {add = true} : memref<4096xi32, #tpu.memory_space<vmem>>[vector<16xi32>], vector<16xi32>, vector<16xi1>
      } {sc.loop_unroll_factor = 8 : i64, sc.parallel_access}
      %parallel_loop3A_155 = arith.constant 0 : i32
      %parallel_loop3A_156 = arith.constant 256 : i32
      %parallel_loop3A_157 = arith.constant 1 : i32
      %parallel_loop3A_158:3 = scf.for %parallel_loop3A_369 = %parallel_loop3A_155 to %parallel_loop3A_156 step %parallel_loop3A_157 iter_args(%parallel_loop3A_370 = %broadcast_in_dim3A_5, %parallel_loop3A_371 = %broadcast_in_dim3A_5, %parallel_loop3A_372 = %broadcast_in_dim3A_5) -> (vector<16xi32>, vector<16xi32>, vector<16xi32>)  : i32 {
        %parallel_loop3A_373 = arith.constant 255 : i32
        %parallel_loop3A_374 = arith.subi %parallel_loop3A_373, %parallel_loop3A_369 : i32
        %parallel_loop3A_375 = arith.constant 16 : i32
        %parallel_loop3A_376 = arith.muli %parallel_loop3A_374, %parallel_loop3A_375 : i32
        %parallel_loop3A_377 = arith.index_cast %parallel_loop3A_376 : i32 to index
        %parallel_loop3A_378 = tpu.vector_load %arg6[%parallel_loop3A_377] {strides = array<i32>} : memref<4096xi32, #tpu.memory_space<vmem>>, vector<16xi32>,
        %parallel_loop3A_379 = arith.constant 16 : i32
        %parallel_loop3A_380 = arith.muli %parallel_loop3A_374, %parallel_loop3A_379 : i32
        %parallel_loop3A_381 = arith.index_cast %parallel_loop3A_380 : i32 to index
        %parallel_loop3A_382 = tpu.vector_load %arg6[%parallel_loop3A_381] {strides = array<i32>} : memref<4096xi32, #tpu.memory_space<vmem>>, vector<16xi32>,
        tpu.vector_store %arg6[%parallel_loop3A_381], %broadcast_in_dim3A_5 {strides = array<i32>} : memref<4096xi32, #tpu.memory_space<vmem>>, vector<16xi32>,
        %parallel_loop3A_383 = arith.addi %parallel_loop3A_370, %parallel_loop3A_378 : vector<16xi32>
        %parallel_loop3A_384 = arith.cmpi sge, %parallel_loop3A_383, %sub3A_151 : vector<16xi32>
        %parallel_loop3A_385 = arith.constant 1 : i32
        %parallel_loop3A_386 = arith.constant 0 : i32
        %parallel_loop3A_387 = vector.broadcast %parallel_loop3A_385 : i32 to vector<16xi32>
        %parallel_loop3A_388 = vector.broadcast %parallel_loop3A_386 : i32 to vector<16xi32>
        %parallel_loop3A_389 = arith.select %parallel_loop3A_384, %parallel_loop3A_387, %parallel_loop3A_388 : vector<16xi1>, vector<16xi32>
        %parallel_loop3A_390 = arith.addi %parallel_loop3A_371, %parallel_loop3A_389 : vector<16xi32>
        %parallel_loop3A_391 = arith.constant 0 : i32
        %parallel_loop3A_392 = vector.broadcast %parallel_loop3A_391 : i32 to vector<16xi32>
        %parallel_loop3A_393 = arith.select %parallel_loop3A_384, %parallel_loop3A_392, %parallel_loop3A_378 : vector<16xi1>, vector<16xi32>
        %parallel_loop3A_394 = arith.addi %parallel_loop3A_372, %parallel_loop3A_393 : vector<16xi32>
        scf.yield %parallel_loop3A_383, %parallel_loop3A_390, %parallel_loop3A_394 : vector<16xi32>, vector<16xi32>, vector<16xi32>
      } {sc.loop_unroll_factor = 8 : i64, sc.parallel_access}
      %sub3A_159 = arith.constant 1 : i32
      %sub3A_160 = vector.broadcast %sub3A_159 : i32 to vector<16xi32>
      %sub3A_161 = arith.subi %parallel_loop3A_158#1, %sub3A_160 : vector<16xi32>
      %shift_left3A_162 = arith.constant 8 : i32
      %shift_left3A_163 = vector.broadcast %shift_left3A_162 : i32 to vector<16xi32>
      %shift_left3A_164 = arith.shli %or3A_150, %shift_left3A_163 : vector<16xi32>
      %or3A_165 = arith.ori %shift_left3A_164, %sub3A_161 : vector<16xi32>
      %sub3A_166 = arith.subi %sub3A_151, %parallel_loop3A_158#2 : vector<16xi32>
      %ge3A = arith.constant 0 : i32
      %ge3A_167 = vector.broadcast %ge3A : i32 to vector<16xi32>
      %ge3A_168 = arith.cmpi sge, %or3A_165, %ge3A_167 : vector<16xi32>
      %xor3A = arith.constant 2147483647 : i32
      %xor3A_169 = vector.broadcast %xor3A : i32 to vector<16xi32>
      %xor3A_170 = arith.xori %or3A_165, %xor3A_169 : vector<16xi32>
      %select_n3A_171 = arith.select %ge3A_168, %or3A_165, %xor3A_170 : vector<16xi1>, vector<16xi32>
      %bitcast_convert_type3A = tpu.bitcast %select_n3A_171 : vector<16xi32> -> vector<16xf32>
      %broadcast_in_dim3A_172 = arith.constant 0.000000e+00 : f32
      %broadcast_in_dim3A_173 = vector.broadcast %broadcast_in_dim3A_172 : f32 to vector<16xf32>
      %parallel_loop3A_174 = arith.constant 0 : i32
      %parallel_loop3A_175 = arith.constant 2048 : i32
      %parallel_loop3A_176 = arith.constant 1 : i32
      %parallel_loop3A_177 = scf.for %parallel_loop3A_369 = %parallel_loop3A_174 to %parallel_loop3A_175 step %parallel_loop3A_176 iter_args(%parallel_loop3A_370 = %broadcast_in_dim3A_173) -> (vector<16xf32>)  : i32 {
        %parallel_loop3A_371 = vector.broadcast %parallel_loop3A_369 : i32 to vector<16xi32>
        %parallel_loop3A_372 = arith.addi %iota3A, %parallel_loop3A_371 : vector<16xi32>
        %parallel_loop3A_373 = arith.constant 2047 : i32
        %parallel_loop3A_374 = vector.broadcast %parallel_loop3A_373 : i32 to vector<16xi32>
        %parallel_loop3A_375 = arith.andi %parallel_loop3A_372, %parallel_loop3A_374 : vector<16xi32>
        %parallel_loop3A_376 = tpu.vector_load_idx %arg4[%broadcast_in_dim3A_55, %iota3A, %parallel_loop3A_375] : memref<2x16x2048xf32, #tpu.memory_space<vmem>>[vector<16xi32>, vector<16xi32>, vector<16xi32>], vector<16xf32>,
        %parallel_loop3A_377 = arith.subf %parallel_loop3A_376, %parallel_loop3A_112 : vector<16xf32>
        %parallel_loop3A_378 = math.exp %parallel_loop3A_377 : vector<16xf32>
        %parallel_loop3A_379 = arith.cmpf oge, %parallel_loop3A_376, %bitcast_convert_type3A : vector<16xf32>
        %parallel_loop3A_380 = arith.constant 0.000000e+00 : f32
        %parallel_loop3A_381 = vector.broadcast %parallel_loop3A_380 : f32 to vector<16xf32>
        %parallel_loop3A_382 = arith.select %parallel_loop3A_379, %parallel_loop3A_378, %parallel_loop3A_381 : vector<16xi1>, vector<16xf32>
        tpu.vector_store_idx %arg4[%broadcast_in_dim3A_55, %iota3A, %parallel_loop3A_375], %parallel_loop3A_382 : memref<2x16x2048xf32, #tpu.memory_space<vmem>>[vector<16xi32>, vector<16xi32>, vector<16xi32>], vector<16xf32>,
        %parallel_loop3A_383 = arith.addf %parallel_loop3A_370, %parallel_loop3A_382 : vector<16xf32>
        scf.yield %parallel_loop3A_383 : vector<16xf32>
      } {sc.loop_unroll_factor = 8 : i64, sc.parallel_access}
      %broadcast_in_dim3A_178 = arith.constant 1.000000e+00 : f32
      %broadcast_in_dim3A_179 = vector.broadcast %broadcast_in_dim3A_178 : f32 to vector<16xf32>
      %div3A_180 = arith.divf %broadcast_in_dim3A_179, %parallel_loop3A_177 : vector<16xf32>
      %ge3A_181 = arith.constant 1 : i32
      %ge3A_182 = arith.cmpi sge, %add3A_53, %ge3A_181 : i32
      %convert_element_type3A = arith.extui %ge3A_182 : i1 to i32
      %cond3A = arith.constant 0 : i32
      %cond3A_183 = arith.cmpi ne, %convert_element_type3A, %cond3A : i32
      scf.if %cond3A_183 {
        %sub3A_369 = arith.constant 1 : i32
        %sub3A_370 = arith.subi %add3A_53, %sub3A_369 : i32
        %mul3A_371 = arith.constant 16 : i32
        %mul3A_372 = arith.muli %sub3A_370, %mul3A_371 : i32
        %add3A_373 = arith.addi %mul3A_2, %mul3A_372 : i32
        %dma_wait3A_374 = arith.constant 0 : i32
        %dma_wait3A_375 = tpu.memref_slice %arg3[%add3A_373, %dma_wait3A_374] : memref<22528x2048xf32, #tpu.memory_space<hbm>> -> memref<16x2048xf32, #tpu.memory_space<hbm>>
        %dma_wait3A_376 = arith.constant 0 : i32
        %dma_wait3A_377 = tpu.memref_slice %arg3[%add3A_373, %dma_wait3A_376] : memref<22528x2048xf32, #tpu.memory_space<hbm>> -> memref<16x2048xf32, #tpu.memory_space<hbm>>
        tpu.wait_dma2 semaphore(%arg9 : memref<!tpu.dma_semaphore, #tpu.memory_space<semaphore_mem>>) src(%arg5 : memref<16x2048xf32, #tpu.memory_space<vmem>>) dst(%dma_wait3A_377 : memref<16x2048xf32, #tpu.memory_space<hbm>>)
      } else {
      }
      %parallel_loop3A_184 = arith.constant 0 : i32
      %parallel_loop3A_185 = arith.constant 2048 : i32
      %parallel_loop3A_186 = arith.constant 1 : i32
      scf.for %parallel_loop3A_369 = %parallel_loop3A_184 to %parallel_loop3A_185 step %parallel_loop3A_186  : i32 {
        %parallel_loop3A_370 = vector.broadcast %parallel_loop3A_369 : i32 to vector<16xi32>
        %parallel_loop3A_371 = arith.addi %iota3A, %parallel_loop3A_370 : vector<16xi32>
        %parallel_loop3A_372 = arith.constant 2047 : i32
        %parallel_loop3A_373 = vector.broadcast %parallel_loop3A_372 : i32 to vector<16xi32>
        %parallel_loop3A_374 = arith.andi %parallel_loop3A_371, %parallel_loop3A_373 : vector<16xi32>
        %parallel_loop3A_375 = tpu.vector_load_idx %arg4[%broadcast_in_dim3A_55, %iota3A, %parallel_loop3A_374] : memref<2x16x2048xf32, #tpu.memory_space<vmem>>[vector<16xi32>, vector<16xi32>, vector<16xi32>], vector<16xf32>,
        %parallel_loop3A_376 = arith.mulf %parallel_loop3A_375, %div3A_180 : vector<16xf32>
        tpu.vector_store_idx %arg5[%iota3A, %parallel_loop3A_374], %parallel_loop3A_376 : memref<16x2048xf32, #tpu.memory_space<vmem>>[vector<16xi32>, vector<16xi32>], vector<16xf32>,
      } {sc.loop_unroll_factor = 8 : i64, sc.parallel_access}
      %mul3A_187 = arith.constant 16 : i32
      %mul3A_188 = arith.muli %add3A_53, %mul3A_187 : i32
      %add3A_189 = arith.addi %mul3A_2, %mul3A_188 : i32
      %dma_start3A_190 = arith.constant 0 : i32
      %dma_start3A_191 = tpu.memref_slice %arg3[%add3A_189, %dma_start3A_190] : memref<22528x2048xf32, #tpu.memory_space<hbm>> -> memref<16x2048xf32, #tpu.memory_space<hbm>>
      %dma_start3A_192 = arith.constant 0 : i32
      %dma_start3A_193 = tpu.memref_slice %arg3[%add3A_189, %dma_start3A_192] : memref<22528x2048xf32, #tpu.memory_space<hbm>> -> memref<16x2048xf32, #tpu.memory_space<hbm>>
      tpu.enqueue_dma source(%arg5 : memref<16x2048xf32, #tpu.memory_space<vmem>>) target(%dma_start3A_193 : memref<16x2048xf32, #tpu.memory_space<hbm>>) target_semaphore(%arg9 : memref<!tpu.dma_semaphore, #tpu.memory_space<semaphore_mem>>)
      %add3A_194 = arith.constant 2 : i32
      %add3A_195 = arith.addi %add3A_53, %add3A_194 : i32
      %lt3A = arith.constant 44 : i32
      %lt3A_196 = arith.cmpi slt, %add3A_195, %lt3A : i32
      %convert_element_type3A_197 = arith.extui %lt3A_196 : i1 to i32
      %cond3A_198 = arith.constant 0 : i32
      %cond3A_199 = arith.cmpi ne, %convert_element_type3A_197, %cond3A_198 : i32
      scf.if %cond3A_199 {
        %add3A_369 = arith.constant 2 : i32
        %add3A_370 = arith.addi %add3A_53, %add3A_369 : i32
        %mul3A_371 = arith.constant 16 : i32
        %mul3A_372 = arith.muli %add3A_370, %mul3A_371 : i32
        %add3A_373 = arith.addi %mul3A_2, %mul3A_372 : i32
        %dma_start3A_374 = arith.constant 0 : i32
        %dma_start3A_375 = arith.constant 0 : i32
        %dma_start3A_376 = arith.constant 0 : i32
        %dma_start3A_377 = tpu.memref_slice %arg4[%dma_start3A_374, %dma_start3A_375, %dma_start3A_376] : memref<2x16x2048xf32, #tpu.memory_space<vmem>> -> memref<1x16x2048xf32, #tpu.memory_space<vmem>>
        %dma_start3A_378 = tpu.memref_squeeze %dma_start3A_377 : memref<1x16x2048xf32, #tpu.memory_space<vmem>> -> memref<16x2048xf32, #tpu.memory_space<vmem>>
        %dma_start3A_379 = arith.constant 0 : i32
        %dma_start3A_380 = tpu.memref_slice %arg2[%add3A_373, %dma_start3A_379] : memref<65536x2048xf32, #tpu.memory_space<hbm>> -> memref<16x2048xf32, #tpu.memory_space<hbm>>
        %dma_start3A_381 = arith.constant 0 : i32
        %dma_start3A_382 = arith.constant 0 : i32
        %dma_start3A_383 = tpu.memref_slice %arg4[%dma_start3A_374, %dma_start3A_381, %dma_start3A_382] : memref<2x16x2048xf32, #tpu.memory_space<vmem>> -> memref<1x16x2048xf32, #tpu.memory_space<vmem>>
        %dma_start3A_384 = tpu.memref_squeeze %dma_start3A_383 : memref<1x16x2048xf32, #tpu.memory_space<vmem>> -> memref<16x2048xf32, #tpu.memory_space<vmem>>
        %dma_start3A_385 = arith.constant 0 : i32
        %dma_start3A_386 = tpu.memref_slice %arg2[%add3A_373, %dma_start3A_385] : memref<65536x2048xf32, #tpu.memory_space<hbm>> -> memref<16x2048xf32, #tpu.memory_space<hbm>>
        tpu.enqueue_dma source(%dma_start3A_386 : memref<16x2048xf32, #tpu.memory_space<hbm>>) target(%dma_start3A_384 : memref<16x2048xf32, #tpu.memory_space<vmem>>) target_semaphore(%arg7 : memref<!tpu.dma_semaphore, #tpu.memory_space<semaphore_mem>>)
      } else {
      }
      %mul3A_200 = arith.constant 2 : i32
      %mul3A_201 = arith.muli %mul3A_200, %scan3A_48 : i32
      %add3A_202 = arith.constant 1 : i32
      %add3A_203 = arith.addi %mul3A_201, %add3A_202 : i32
      %broadcast_in_dim3A_204 = arith.constant 1 : i32
      %broadcast_in_dim3A_205 = vector.broadcast %broadcast_in_dim3A_204 : i32 to vector<16xi32>
      %mul3A_206 = arith.constant 16 : i32
      %mul3A_207 = arith.muli %add3A_203, %mul3A_206 : i32
      %add3A_208 = arith.addi %mul3A_2, %mul3A_207 : i32
      %jit3A_209 = arith.constant 2048 : i32
      %div3A_210 = arith.divsi %add3A_208, %jit3A_209 : i32
      %sign3A_211 = arith.constant 0 : i32
      %sign3A_212 = arith.cmpi sgt, %add3A_208, %sign3A_211 : i32
      %sign3A_213 = arith.extui %sign3A_212 : i1 to i32
      %sign3A_214 = arith.constant 0 : i32
      %sign3A_215 = arith.cmpi slt, %add3A_208, %sign3A_214 : i32
      %sign3A_216 = arith.extui %sign3A_215 : i1 to i32
      %sign3A_217 = arith.subi %sign3A_213, %sign3A_216 : i32
      %sign3A_218 = arith.constant 0 : i32
      %sign3A_219 = arith.cmpi sgt, %jit3A_209, %sign3A_218 : i32
      %sign3A_220 = arith.extui %sign3A_219 : i1 to i32
      %sign3A_221 = arith.constant 0 : i32
      %sign3A_222 = arith.cmpi slt, %jit3A_209, %sign3A_221 : i32
      %sign3A_223 = arith.extui %sign3A_222 : i1 to i32
      %sign3A_224 = arith.subi %sign3A_220, %sign3A_223 : i32
      %ne3A_225 = arith.cmpi ne, %sign3A_217, %sign3A_224 : i32
      %rem3A_226 = arith.remsi %add3A_208, %jit3A_209 : i32
      %ne3A_227 = arith.constant 0 : i32
      %ne3A_228 = arith.cmpi ne, %rem3A_226, %ne3A_227 : i32
      %and3A_229 = arith.andi %ne3A_225, %ne3A_228 : i1
      %sub3A_230 = arith.constant 1 : i32
      %sub3A_231 = arith.subi %div3A_210, %sub3A_230 : i32
      %select_n3A_232 = arith.select %and3A_229, %sub3A_231, %div3A_210 : i32
      %rem3A_233 = arith.constant 4 : i32
      %rem3A_234 = arith.remsi %select_n3A_232, %rem3A_233 : i32
      %eq3A_235 = arith.constant 0 : i32
      %eq3A_236 = arith.cmpi eq, %rem3A_234, %eq3A_235 : i32
      %eq3A_237 = arith.constant 1 : i32
      %eq3A_238 = arith.cmpi eq, %rem3A_234, %eq3A_237 : i32
      %eq3A_239 = arith.constant 2 : i32
      %eq3A_240 = arith.cmpi eq, %rem3A_234, %eq3A_239 : i32
      %jit3A_241 = arith.constant 40 : i32
      %jit3A_242 = arith.constant 500 : i32
      %select_n3A_243 = arith.select %eq3A_240, %jit3A_241, %jit3A_242 : i32
      %jit3A_244 = arith.constant 20 : i32
      %select_n3A_245 = arith.select %eq3A_238, %jit3A_244, %select_n3A_243 : i32
      %jit3A_246 = arith.constant 10 : i32
      %select_n3A_247 = arith.select %eq3A_236, %jit3A_246, %select_n3A_245 : i32
      %min3A_248 = arith.constant 2048 : i32
      %min3A_249 = arith.minsi %select_n3A_247, %min3A_248 : i32
      %broadcast_in_dim3A_250 = vector.broadcast %min3A_249 : i32 to vector<16xi32>
      %mul3A_251 = arith.constant 16 : i32
      %mul3A_252 = arith.muli %add3A_203, %mul3A_251 : i32
      %add3A_253 = arith.addi %mul3A_2, %mul3A_252 : i32
      %dma_wait3A_254 = arith.constant 1 : i32
      %dma_wait3A_255 = arith.constant 0 : i32
      %dma_wait3A_256 = arith.constant 0 : i32
      %dma_wait3A_257 = tpu.memref_slice %arg4[%dma_wait3A_254, %dma_wait3A_255, %dma_wait3A_256] : memref<2x16x2048xf32, #tpu.memory_space<vmem>> -> memref<1x16x2048xf32, #tpu.memory_space<vmem>>
      %dma_wait3A_258 = tpu.memref_squeeze %dma_wait3A_257 : memref<1x16x2048xf32, #tpu.memory_space<vmem>> -> memref<16x2048xf32, #tpu.memory_space<vmem>>
      %dma_wait3A_259 = arith.constant 0 : i32
      %dma_wait3A_260 = tpu.memref_slice %arg2[%add3A_253, %dma_wait3A_259] : memref<65536x2048xf32, #tpu.memory_space<hbm>> -> memref<16x2048xf32, #tpu.memory_space<hbm>>
      %dma_wait3A_261 = arith.constant 0 : i32
      %dma_wait3A_262 = arith.constant 0 : i32
      %dma_wait3A_263 = tpu.memref_slice %arg4[%dma_wait3A_254, %dma_wait3A_261, %dma_wait3A_262] : memref<2x16x2048xf32, #tpu.memory_space<vmem>> -> memref<1x16x2048xf32, #tpu.memory_space<vmem>>
      %dma_wait3A_264 = tpu.memref_squeeze %dma_wait3A_263 : memref<1x16x2048xf32, #tpu.memory_space<vmem>> -> memref<16x2048xf32, #tpu.memory_space<vmem>>
      %dma_wait3A_265 = arith.constant 0 : i32
      %dma_wait3A_266 = tpu.memref_slice %arg2[%add3A_253, %dma_wait3A_265] : memref<65536x2048xf32, #tpu.memory_space<hbm>> -> memref<16x2048xf32, #tpu.memory_space<hbm>>
      tpu.wait_dma2 semaphore(%arg8 : memref<!tpu.dma_semaphore, #tpu.memory_space<semaphore_mem>>) src(%dma_wait3A_266 : memref<16x2048xf32, #tpu.memory_space<hbm>>) dst(%dma_wait3A_264 : memref<16x2048xf32, #tpu.memory_space<vmem>>)
      %broadcast_in_dim3A_267 = arith.constant -3.400000e+38 : f32
      %broadcast_in_dim3A_268 = vector.broadcast %broadcast_in_dim3A_267 : f32 to vector<16xf32>
      %parallel_loop3A_269 = arith.constant 0 : i32
      %parallel_loop3A_270 = arith.constant 2048 : i32
      %parallel_loop3A_271 = arith.constant 1 : i32
      %parallel_loop3A_272 = scf.for %parallel_loop3A_369 = %parallel_loop3A_269 to %parallel_loop3A_270 step %parallel_loop3A_271 iter_args(%parallel_loop3A_370 = %broadcast_in_dim3A_268) -> (vector<16xf32>)  : i32 {
        %parallel_loop3A_371 = vector.broadcast %parallel_loop3A_369 : i32 to vector<16xi32>
        %parallel_loop3A_372 = arith.addi %iota3A, %parallel_loop3A_371 : vector<16xi32>
        %parallel_loop3A_373 = arith.constant 2047 : i32
        %parallel_loop3A_374 = vector.broadcast %parallel_loop3A_373 : i32 to vector<16xi32>
        %parallel_loop3A_375 = arith.andi %parallel_loop3A_372, %parallel_loop3A_374 : vector<16xi32>
        %parallel_loop3A_376 = tpu.vector_load_idx %arg4[%broadcast_in_dim3A_205, %iota3A, %parallel_loop3A_375] : memref<2x16x2048xf32, #tpu.memory_space<vmem>>[vector<16xi32>, vector<16xi32>, vector<16xi32>], vector<16xf32>,
        %parallel_loop3A_377 = tpu.bitcast %parallel_loop3A_376 : vector<16xf32> -> vector<16xi32>
        %parallel_loop3A_378 = arith.constant 0 : i32
        %parallel_loop3A_379 = vector.broadcast %parallel_loop3A_378 : i32 to vector<16xi32>
        %parallel_loop3A_380 = arith.cmpi sge, %parallel_loop3A_377, %parallel_loop3A_379 : vector<16xi32>
        %parallel_loop3A_381 = arith.constant 2147483647 : i32
        %parallel_loop3A_382 = vector.broadcast %parallel_loop3A_381 : i32 to vector<16xi32>
        %parallel_loop3A_383 = arith.xori %parallel_loop3A_377, %parallel_loop3A_382 : vector<16xi32>
        %parallel_loop3A_384 = arith.select %parallel_loop3A_380, %parallel_loop3A_377, %parallel_loop3A_383 : vector<16xi1>, vector<16xi32>
        %parallel_loop3A_385 = arith.constant 24 : i32
        %parallel_loop3A_386 = vector.broadcast %parallel_loop3A_385 : i32 to vector<16xi32>
        %parallel_loop3A_387 = arith.shrsi %parallel_loop3A_384, %parallel_loop3A_386 : vector<16xi32>
        %parallel_loop3A_388 = arith.constant 128 : i32
        %parallel_loop3A_389 = vector.broadcast %parallel_loop3A_388 : i32 to vector<16xi32>
        %parallel_loop3A_390 = arith.addi %parallel_loop3A_387, %parallel_loop3A_389 : vector<16xi32>
        %parallel_loop3A_391 = arith.constant 16 : i32
        %parallel_loop3A_392 = vector.broadcast %parallel_loop3A_391 : i32 to vector<16xi32>
        %parallel_loop3A_393 = arith.muli %parallel_loop3A_390, %parallel_loop3A_392 : vector<16xi32>
        %parallel_loop3A_394 = arith.addi %parallel_loop3A_393, %iota3A : vector<16xi32>
        tpu.vector_store_idx %arg6[%parallel_loop3A_394], %broadcast_in_dim3A_3 {add = true} : memref<4096xi32, #tpu.memory_space<vmem>>[vector<16xi32>], vector<16xi32>,
        %parallel_loop3A_395 = arith.maximumf %parallel_loop3A_370, %parallel_loop3A_376 : vector<16xf32>
        scf.yield %parallel_loop3A_395 : vector<16xf32>
      } {sc.loop_unroll_factor = 8 : i64, sc.parallel_access}
      %parallel_loop3A_273 = arith.constant 0 : i32
      %parallel_loop3A_274 = arith.constant 256 : i32
      %parallel_loop3A_275 = arith.constant 1 : i32
      %parallel_loop3A_276:3 = scf.for %parallel_loop3A_369 = %parallel_loop3A_273 to %parallel_loop3A_274 step %parallel_loop3A_275 iter_args(%parallel_loop3A_370 = %broadcast_in_dim3A_5, %parallel_loop3A_371 = %broadcast_in_dim3A_5, %parallel_loop3A_372 = %broadcast_in_dim3A_5) -> (vector<16xi32>, vector<16xi32>, vector<16xi32>)  : i32 {
        %parallel_loop3A_373 = arith.constant 255 : i32
        %parallel_loop3A_374 = arith.subi %parallel_loop3A_373, %parallel_loop3A_369 : i32
        %parallel_loop3A_375 = arith.constant 16 : i32
        %parallel_loop3A_376 = arith.muli %parallel_loop3A_374, %parallel_loop3A_375 : i32
        %parallel_loop3A_377 = arith.index_cast %parallel_loop3A_376 : i32 to index
        %parallel_loop3A_378 = tpu.vector_load %arg6[%parallel_loop3A_377] {strides = array<i32>} : memref<4096xi32, #tpu.memory_space<vmem>>, vector<16xi32>,
        %parallel_loop3A_379 = arith.constant 16 : i32
        %parallel_loop3A_380 = arith.muli %parallel_loop3A_374, %parallel_loop3A_379 : i32
        %parallel_loop3A_381 = arith.index_cast %parallel_loop3A_380 : i32 to index
        %parallel_loop3A_382 = tpu.vector_load %arg6[%parallel_loop3A_381] {strides = array<i32>} : memref<4096xi32, #tpu.memory_space<vmem>>, vector<16xi32>,
        tpu.vector_store %arg6[%parallel_loop3A_381], %broadcast_in_dim3A_5 {strides = array<i32>} : memref<4096xi32, #tpu.memory_space<vmem>>, vector<16xi32>,
        %parallel_loop3A_383 = arith.addi %parallel_loop3A_370, %parallel_loop3A_378 : vector<16xi32>
        %parallel_loop3A_384 = arith.cmpi sge, %parallel_loop3A_383, %broadcast_in_dim3A_250 : vector<16xi32>
        %parallel_loop3A_385 = arith.constant 1 : i32
        %parallel_loop3A_386 = arith.constant 0 : i32
        %parallel_loop3A_387 = vector.broadcast %parallel_loop3A_385 : i32 to vector<16xi32>
        %parallel_loop3A_388 = vector.broadcast %parallel_loop3A_386 : i32 to vector<16xi32>
        %parallel_loop3A_389 = arith.select %parallel_loop3A_384, %parallel_loop3A_387, %parallel_loop3A_388 : vector<16xi1>, vector<16xi32>
        %parallel_loop3A_390 = arith.addi %parallel_loop3A_371, %parallel_loop3A_389 : vector<16xi32>
        %parallel_loop3A_391 = arith.constant 0 : i32
        %parallel_loop3A_392 = vector.broadcast %parallel_loop3A_391 : i32 to vector<16xi32>
        %parallel_loop3A_393 = arith.select %parallel_loop3A_384, %parallel_loop3A_392, %parallel_loop3A_378 : vector<16xi1>, vector<16xi32>
        %parallel_loop3A_394 = arith.addi %parallel_loop3A_372, %parallel_loop3A_393 : vector<16xi32>
        scf.yield %parallel_loop3A_383, %parallel_loop3A_390, %parallel_loop3A_394 : vector<16xi32>, vector<16xi32>, vector<16xi32>
      } {sc.loop_unroll_factor = 8 : i64, sc.parallel_access}
      %sub3A_277 = arith.constant 1 : i32
      %sub3A_278 = vector.broadcast %sub3A_277 : i32 to vector<16xi32>
      %sub3A_279 = arith.subi %parallel_loop3A_276#1, %sub3A_278 : vector<16xi32>
      %sub3A_280 = arith.constant 128 : i32
      %sub3A_281 = vector.broadcast %sub3A_280 : i32 to vector<16xi32>
      %sub3A_282 = arith.subi %sub3A_279, %sub3A_281 : vector<16xi32>
      %sub3A_283 = arith.subi %broadcast_in_dim3A_250, %parallel_loop3A_276#2 : vector<16xi32>
      %parallel_loop3A_284 = arith.constant 0 : i32
      %parallel_loop3A_285 = arith.constant 2048 : i32
      %parallel_loop3A_286 = arith.constant 1 : i32
      scf.for %parallel_loop3A_369 = %parallel_loop3A_284 to %parallel_loop3A_285 step %parallel_loop3A_286  : i32 {
        %parallel_loop3A_370 = vector.broadcast %parallel_loop3A_369 : i32 to vector<16xi32>
        %parallel_loop3A_371 = arith.addi %iota3A, %parallel_loop3A_370 : vector<16xi32>
        %parallel_loop3A_372 = arith.constant 2047 : i32
        %parallel_loop3A_373 = vector.broadcast %parallel_loop3A_372 : i32 to vector<16xi32>
        %parallel_loop3A_374 = arith.andi %parallel_loop3A_371, %parallel_loop3A_373 : vector<16xi32>
        %parallel_loop3A_375 = tpu.vector_load_idx %arg4[%broadcast_in_dim3A_205, %iota3A, %parallel_loop3A_374] : memref<2x16x2048xf32, #tpu.memory_space<vmem>>[vector<16xi32>, vector<16xi32>, vector<16xi32>], vector<16xf32>,
        %parallel_loop3A_376 = tpu.bitcast %parallel_loop3A_375 : vector<16xf32> -> vector<16xi32>
        %parallel_loop3A_377 = arith.constant 0 : i32
        %parallel_loop3A_378 = vector.broadcast %parallel_loop3A_377 : i32 to vector<16xi32>
        %parallel_loop3A_379 = arith.cmpi sge, %parallel_loop3A_376, %parallel_loop3A_378 : vector<16xi32>
        %parallel_loop3A_380 = arith.constant 2147483647 : i32
        %parallel_loop3A_381 = vector.broadcast %parallel_loop3A_380 : i32 to vector<16xi32>
        %parallel_loop3A_382 = arith.xori %parallel_loop3A_376, %parallel_loop3A_381 : vector<16xi32>
        %parallel_loop3A_383 = arith.select %parallel_loop3A_379, %parallel_loop3A_376, %parallel_loop3A_382 : vector<16xi1>, vector<16xi32>
        %parallel_loop3A_384 = arith.constant 24 : i32
        %parallel_loop3A_385 = vector.broadcast %parallel_loop3A_384 : i32 to vector<16xi32>
        %parallel_loop3A_386 = arith.shrsi %parallel_loop3A_383, %parallel_loop3A_385 : vector<16xi32>
        %parallel_loop3A_387 = arith.cmpi eq, %parallel_loop3A_386, %sub3A_282 : vector<16xi32>
        %parallel_loop3A_388 = arith.constant 16 : i32
        %parallel_loop3A_389 = vector.broadcast %parallel_loop3A_388 : i32 to vector<16xi32>
        %parallel_loop3A_390 = arith.shrsi %parallel_loop3A_383, %parallel_loop3A_389 : vector<16xi32>
        %parallel_loop3A_391 = arith.constant 255 : i32
        %parallel_loop3A_392 = vector.broadcast %parallel_loop3A_391 : i32 to vector<16xi32>
        %parallel_loop3A_393 = arith.andi %parallel_loop3A_390, %parallel_loop3A_392 : vector<16xi32>
        %parallel_loop3A_394 = arith.constant 16 : i32
        %parallel_loop3A_395 = vector.broadcast %parallel_loop3A_394 : i32 to vector<16xi32>
        %parallel_loop3A_396 = arith.muli %parallel_loop3A_393, %parallel_loop3A_395 : vector<16xi32>
        %parallel_loop3A_397 = arith.addi %parallel_loop3A_396, %iota3A : vector<16xi32>
        tpu.vector_store_idx %arg6[%parallel_loop3A_397], %broadcast_in_dim3A_3 masked %parallel_loop3A_387 {add = true} : memref<4096xi32, #tpu.memory_space<vmem>>[vector<16xi32>], vector<16xi32>, vector<16xi1>
      } {sc.loop_unroll_factor = 8 : i64, sc.parallel_access}
      %parallel_loop3A_287 = arith.constant 0 : i32
      %parallel_loop3A_288 = arith.constant 256 : i32
      %parallel_loop3A_289 = arith.constant 1 : i32
      %parallel_loop3A_290:3 = scf.for %parallel_loop3A_369 = %parallel_loop3A_287 to %parallel_loop3A_288 step %parallel_loop3A_289 iter_args(%parallel_loop3A_370 = %broadcast_in_dim3A_5, %parallel_loop3A_371 = %broadcast_in_dim3A_5, %parallel_loop3A_372 = %broadcast_in_dim3A_5) -> (vector<16xi32>, vector<16xi32>, vector<16xi32>)  : i32 {
        %parallel_loop3A_373 = arith.constant 255 : i32
        %parallel_loop3A_374 = arith.subi %parallel_loop3A_373, %parallel_loop3A_369 : i32
        %parallel_loop3A_375 = arith.constant 16 : i32
        %parallel_loop3A_376 = arith.muli %parallel_loop3A_374, %parallel_loop3A_375 : i32
        %parallel_loop3A_377 = arith.index_cast %parallel_loop3A_376 : i32 to index
        %parallel_loop3A_378 = tpu.vector_load %arg6[%parallel_loop3A_377] {strides = array<i32>} : memref<4096xi32, #tpu.memory_space<vmem>>, vector<16xi32>,
        %parallel_loop3A_379 = arith.constant 16 : i32
        %parallel_loop3A_380 = arith.muli %parallel_loop3A_374, %parallel_loop3A_379 : i32
        %parallel_loop3A_381 = arith.index_cast %parallel_loop3A_380 : i32 to index
        %parallel_loop3A_382 = tpu.vector_load %arg6[%parallel_loop3A_381] {strides = array<i32>} : memref<4096xi32, #tpu.memory_space<vmem>>, vector<16xi32>,
        tpu.vector_store %arg6[%parallel_loop3A_381], %broadcast_in_dim3A_5 {strides = array<i32>} : memref<4096xi32, #tpu.memory_space<vmem>>, vector<16xi32>,
        %parallel_loop3A_383 = arith.addi %parallel_loop3A_370, %parallel_loop3A_378 : vector<16xi32>
        %parallel_loop3A_384 = arith.cmpi sge, %parallel_loop3A_383, %sub3A_283 : vector<16xi32>
        %parallel_loop3A_385 = arith.constant 1 : i32
        %parallel_loop3A_386 = arith.constant 0 : i32
        %parallel_loop3A_387 = vector.broadcast %parallel_loop3A_385 : i32 to vector<16xi32>
        %parallel_loop3A_388 = vector.broadcast %parallel_loop3A_386 : i32 to vector<16xi32>
        %parallel_loop3A_389 = arith.select %parallel_loop3A_384, %parallel_loop3A_387, %parallel_loop3A_388 : vector<16xi1>, vector<16xi32>
        %parallel_loop3A_390 = arith.addi %parallel_loop3A_371, %parallel_loop3A_389 : vector<16xi32>
        %parallel_loop3A_391 = arith.constant 0 : i32
        %parallel_loop3A_392 = vector.broadcast %parallel_loop3A_391 : i32 to vector<16xi32>
        %parallel_loop3A_393 = arith.select %parallel_loop3A_384, %parallel_loop3A_392, %parallel_loop3A_378 : vector<16xi1>, vector<16xi32>
        %parallel_loop3A_394 = arith.addi %parallel_loop3A_372, %parallel_loop3A_393 : vector<16xi32>
        scf.yield %parallel_loop3A_383, %parallel_loop3A_390, %parallel_loop3A_394 : vector<16xi32>, vector<16xi32>, vector<16xi32>
      } {sc.loop_unroll_factor = 8 : i64, sc.parallel_access}
      %sub3A_291 = arith.constant 1 : i32
      %sub3A_292 = vector.broadcast %sub3A_291 : i32 to vector<16xi32>
      %sub3A_293 = arith.subi %parallel_loop3A_290#1, %sub3A_292 : vector<16xi32>
      %shift_left3A_294 = arith.constant 8 : i32
      %shift_left3A_295 = vector.broadcast %shift_left3A_294 : i32 to vector<16xi32>
      %shift_left3A_296 = arith.shli %sub3A_282, %shift_left3A_295 : vector<16xi32>
      %or3A_297 = arith.ori %shift_left3A_296, %sub3A_293 : vector<16xi32>
      %sub3A_298 = arith.subi %sub3A_283, %parallel_loop3A_290#2 : vector<16xi32>
      %parallel_loop3A_299 = arith.constant 0 : i32
      %parallel_loop3A_300 = arith.constant 2048 : i32
      %parallel_loop3A_301 = arith.constant 1 : i32
      scf.for %parallel_loop3A_369 = %parallel_loop3A_299 to %parallel_loop3A_300 step %parallel_loop3A_301  : i32 {
        %parallel_loop3A_370 = vector.broadcast %parallel_loop3A_369 : i32 to vector<16xi32>
        %parallel_loop3A_371 = arith.addi %iota3A, %parallel_loop3A_370 : vector<16xi32>
        %parallel_loop3A_372 = arith.constant 2047 : i32
        %parallel_loop3A_373 = vector.broadcast %parallel_loop3A_372 : i32 to vector<16xi32>
        %parallel_loop3A_374 = arith.andi %parallel_loop3A_371, %parallel_loop3A_373 : vector<16xi32>
        %parallel_loop3A_375 = tpu.vector_load_idx %arg4[%broadcast_in_dim3A_205, %iota3A, %parallel_loop3A_374] : memref<2x16x2048xf32, #tpu.memory_space<vmem>>[vector<16xi32>, vector<16xi32>, vector<16xi32>], vector<16xf32>,
        %parallel_loop3A_376 = tpu.bitcast %parallel_loop3A_375 : vector<16xf32> -> vector<16xi32>
        %parallel_loop3A_377 = arith.constant 0 : i32
        %parallel_loop3A_378 = vector.broadcast %parallel_loop3A_377 : i32 to vector<16xi32>
        %parallel_loop3A_379 = arith.cmpi sge, %parallel_loop3A_376, %parallel_loop3A_378 : vector<16xi32>
        %parallel_loop3A_380 = arith.constant 2147483647 : i32
        %parallel_loop3A_381 = vector.broadcast %parallel_loop3A_380 : i32 to vector<16xi32>
        %parallel_loop3A_382 = arith.xori %parallel_loop3A_376, %parallel_loop3A_381 : vector<16xi32>
        %parallel_loop3A_383 = arith.select %parallel_loop3A_379, %parallel_loop3A_376, %parallel_loop3A_382 : vector<16xi1>, vector<16xi32>
        %parallel_loop3A_384 = arith.constant 16 : i32
        %parallel_loop3A_385 = vector.broadcast %parallel_loop3A_384 : i32 to vector<16xi32>
        %parallel_loop3A_386 = arith.shrsi %parallel_loop3A_383, %parallel_loop3A_385 : vector<16xi32>
        %parallel_loop3A_387 = arith.cmpi eq, %parallel_loop3A_386, %or3A_297 : vector<16xi32>
        %parallel_loop3A_388 = arith.constant 8 : i32
        %parallel_loop3A_389 = vector.broadcast %parallel_loop3A_388 : i32 to vector<16xi32>
        %parallel_loop3A_390 = arith.shrsi %parallel_loop3A_383, %parallel_loop3A_389 : vector<16xi32>
        %parallel_loop3A_391 = arith.constant 255 : i32
        %parallel_loop3A_392 = vector.broadcast %parallel_loop3A_391 : i32 to vector<16xi32>
        %parallel_loop3A_393 = arith.andi %parallel_loop3A_390, %parallel_loop3A_392 : vector<16xi32>
        %parallel_loop3A_394 = arith.constant 16 : i32
        %parallel_loop3A_395 = vector.broadcast %parallel_loop3A_394 : i32 to vector<16xi32>
        %parallel_loop3A_396 = arith.muli %parallel_loop3A_393, %parallel_loop3A_395 : vector<16xi32>
        %parallel_loop3A_397 = arith.addi %parallel_loop3A_396, %iota3A : vector<16xi32>
        tpu.vector_store_idx %arg6[%parallel_loop3A_397], %broadcast_in_dim3A_3 masked %parallel_loop3A_387 {add = true} : memref<4096xi32, #tpu.memory_space<vmem>>[vector<16xi32>], vector<16xi32>, vector<16xi1>
      } {sc.loop_unroll_factor = 8 : i64, sc.parallel_access}
      %parallel_loop3A_302 = arith.constant 0 : i32
      %parallel_loop3A_303 = arith.constant 256 : i32
      %parallel_loop3A_304 = arith.constant 1 : i32
      %parallel_loop3A_305:3 = scf.for %parallel_loop3A_369 = %parallel_loop3A_302 to %parallel_loop3A_303 step %parallel_loop3A_304 iter_args(%parallel_loop3A_370 = %broadcast_in_dim3A_5, %parallel_loop3A_371 = %broadcast_in_dim3A_5, %parallel_loop3A_372 = %broadcast_in_dim3A_5) -> (vector<16xi32>, vector<16xi32>, vector<16xi32>)  : i32 {
        %parallel_loop3A_373 = arith.constant 255 : i32
        %parallel_loop3A_374 = arith.subi %parallel_loop3A_373, %parallel_loop3A_369 : i32
        %parallel_loop3A_375 = arith.constant 16 : i32
        %parallel_loop3A_376 = arith.muli %parallel_loop3A_374, %parallel_loop3A_375 : i32
        %parallel_loop3A_377 = arith.index_cast %parallel_loop3A_376 : i32 to index
        %parallel_loop3A_378 = tpu.vector_load %arg6[%parallel_loop3A_377] {strides = array<i32>} : memref<4096xi32, #tpu.memory_space<vmem>>, vector<16xi32>,
        %parallel_loop3A_379 = arith.constant 16 : i32
        %parallel_loop3A_380 = arith.muli %parallel_loop3A_374, %parallel_loop3A_379 : i32
        %parallel_loop3A_381 = arith.index_cast %parallel_loop3A_380 : i32 to index
        %parallel_loop3A_382 = tpu.vector_load %arg6[%parallel_loop3A_381] {strides = array<i32>} : memref<4096xi32, #tpu.memory_space<vmem>>, vector<16xi32>,
        tpu.vector_store %arg6[%parallel_loop3A_381], %broadcast_in_dim3A_5 {strides = array<i32>} : memref<4096xi32, #tpu.memory_space<vmem>>, vector<16xi32>,
        %parallel_loop3A_383 = arith.addi %parallel_loop3A_370, %parallel_loop3A_378 : vector<16xi32>
        %parallel_loop3A_384 = arith.cmpi sge, %parallel_loop3A_383, %sub3A_298 : vector<16xi32>
        %parallel_loop3A_385 = arith.constant 1 : i32
        %parallel_loop3A_386 = arith.constant 0 : i32
        %parallel_loop3A_387 = vector.broadcast %parallel_loop3A_385 : i32 to vector<16xi32>
        %parallel_loop3A_388 = vector.broadcast %parallel_loop3A_386 : i32 to vector<16xi32>
        %parallel_loop3A_389 = arith.select %parallel_loop3A_384, %parallel_loop3A_387, %parallel_loop3A_388 : vector<16xi1>, vector<16xi32>
        %parallel_loop3A_390 = arith.addi %parallel_loop3A_371, %parallel_loop3A_389 : vector<16xi32>
        %parallel_loop3A_391 = arith.constant 0 : i32
        %parallel_loop3A_392 = vector.broadcast %parallel_loop3A_391 : i32 to vector<16xi32>
        %parallel_loop3A_393 = arith.select %parallel_loop3A_384, %parallel_loop3A_392, %parallel_loop3A_378 : vector<16xi1>, vector<16xi32>
        %parallel_loop3A_394 = arith.addi %parallel_loop3A_372, %parallel_loop3A_393 : vector<16xi32>
        scf.yield %parallel_loop3A_383, %parallel_loop3A_390, %parallel_loop3A_394 : vector<16xi32>, vector<16xi32>, vector<16xi32>
      } {sc.loop_unroll_factor = 8 : i64, sc.parallel_access}
      %sub3A_306 = arith.constant 1 : i32
      %sub3A_307 = vector.broadcast %sub3A_306 : i32 to vector<16xi32>
      %sub3A_308 = arith.subi %parallel_loop3A_305#1, %sub3A_307 : vector<16xi32>
      %shift_left3A_309 = arith.constant 8 : i32
      %shift_left3A_310 = vector.broadcast %shift_left3A_309 : i32 to vector<16xi32>
      %shift_left3A_311 = arith.shli %or3A_297, %shift_left3A_310 : vector<16xi32>
      %or3A_312 = arith.ori %shift_left3A_311, %sub3A_308 : vector<16xi32>
      %sub3A_313 = arith.subi %sub3A_298, %parallel_loop3A_305#2 : vector<16xi32>
      %parallel_loop3A_314 = arith.constant 0 : i32
      %parallel_loop3A_315 = arith.constant 2048 : i32
      %parallel_loop3A_316 = arith.constant 1 : i32
      scf.for %parallel_loop3A_369 = %parallel_loop3A_314 to %parallel_loop3A_315 step %parallel_loop3A_316  : i32 {
        %parallel_loop3A_370 = vector.broadcast %parallel_loop3A_369 : i32 to vector<16xi32>
        %parallel_loop3A_371 = arith.addi %iota3A, %parallel_loop3A_370 : vector<16xi32>
        %parallel_loop3A_372 = arith.constant 2047 : i32
        %parallel_loop3A_373 = vector.broadcast %parallel_loop3A_372 : i32 to vector<16xi32>
        %parallel_loop3A_374 = arith.andi %parallel_loop3A_371, %parallel_loop3A_373 : vector<16xi32>
        %parallel_loop3A_375 = tpu.vector_load_idx %arg4[%broadcast_in_dim3A_205, %iota3A, %parallel_loop3A_374] : memref<2x16x2048xf32, #tpu.memory_space<vmem>>[vector<16xi32>, vector<16xi32>, vector<16xi32>], vector<16xf32>,
        %parallel_loop3A_376 = tpu.bitcast %parallel_loop3A_375 : vector<16xf32> -> vector<16xi32>
        %parallel_loop3A_377 = arith.constant 0 : i32
        %parallel_loop3A_378 = vector.broadcast %parallel_loop3A_377 : i32 to vector<16xi32>
        %parallel_loop3A_379 = arith.cmpi sge, %parallel_loop3A_376, %parallel_loop3A_378 : vector<16xi32>
        %parallel_loop3A_380 = arith.constant 2147483647 : i32
        %parallel_loop3A_381 = vector.broadcast %parallel_loop3A_380 : i32 to vector<16xi32>
        %parallel_loop3A_382 = arith.xori %parallel_loop3A_376, %parallel_loop3A_381 : vector<16xi32>
        %parallel_loop3A_383 = arith.select %parallel_loop3A_379, %parallel_loop3A_376, %parallel_loop3A_382 : vector<16xi1>, vector<16xi32>
        %parallel_loop3A_384 = arith.constant 8 : i32
        %parallel_loop3A_385 = vector.broadcast %parallel_loop3A_384 : i32 to vector<16xi32>
        %parallel_loop3A_386 = arith.shrsi %parallel_loop3A_383, %parallel_loop3A_385 : vector<16xi32>
        %parallel_loop3A_387 = arith.cmpi eq, %parallel_loop3A_386, %or3A_312 : vector<16xi32>
        %parallel_loop3A_388 = arith.constant 0 : i32
        %parallel_loop3A_389 = vector.broadcast %parallel_loop3A_388 : i32 to vector<16xi32>
        %parallel_loop3A_390 = arith.shrsi %parallel_loop3A_383, %parallel_loop3A_389 : vector<16xi32>
        %parallel_loop3A_391 = arith.constant 255 : i32
        %parallel_loop3A_392 = vector.broadcast %parallel_loop3A_391 : i32 to vector<16xi32>
        %parallel_loop3A_393 = arith.andi %parallel_loop3A_390, %parallel_loop3A_392 : vector<16xi32>
        %parallel_loop3A_394 = arith.constant 16 : i32
        %parallel_loop3A_395 = vector.broadcast %parallel_loop3A_394 : i32 to vector<16xi32>
        %parallel_loop3A_396 = arith.muli %parallel_loop3A_393, %parallel_loop3A_395 : vector<16xi32>
        %parallel_loop3A_397 = arith.addi %parallel_loop3A_396, %iota3A : vector<16xi32>
        tpu.vector_store_idx %arg6[%parallel_loop3A_397], %broadcast_in_dim3A_3 masked %parallel_loop3A_387 {add = true} : memref<4096xi32, #tpu.memory_space<vmem>>[vector<16xi32>], vector<16xi32>, vector<16xi1>
      } {sc.loop_unroll_factor = 8 : i64, sc.parallel_access}
      %parallel_loop3A_317 = arith.constant 0 : i32
      %parallel_loop3A_318 = arith.constant 256 : i32
      %parallel_loop3A_319 = arith.constant 1 : i32
      %parallel_loop3A_320:3 = scf.for %parallel_loop3A_369 = %parallel_loop3A_317 to %parallel_loop3A_318 step %parallel_loop3A_319 iter_args(%parallel_loop3A_370 = %broadcast_in_dim3A_5, %parallel_loop3A_371 = %broadcast_in_dim3A_5, %parallel_loop3A_372 = %broadcast_in_dim3A_5) -> (vector<16xi32>, vector<16xi32>, vector<16xi32>)  : i32 {
        %parallel_loop3A_373 = arith.constant 255 : i32
        %parallel_loop3A_374 = arith.subi %parallel_loop3A_373, %parallel_loop3A_369 : i32
        %parallel_loop3A_375 = arith.constant 16 : i32
        %parallel_loop3A_376 = arith.muli %parallel_loop3A_374, %parallel_loop3A_375 : i32
        %parallel_loop3A_377 = arith.index_cast %parallel_loop3A_376 : i32 to index
        %parallel_loop3A_378 = tpu.vector_load %arg6[%parallel_loop3A_377] {strides = array<i32>} : memref<4096xi32, #tpu.memory_space<vmem>>, vector<16xi32>,
        %parallel_loop3A_379 = arith.constant 16 : i32
        %parallel_loop3A_380 = arith.muli %parallel_loop3A_374, %parallel_loop3A_379 : i32
        %parallel_loop3A_381 = arith.index_cast %parallel_loop3A_380 : i32 to index
        %parallel_loop3A_382 = tpu.vector_load %arg6[%parallel_loop3A_381] {strides = array<i32>} : memref<4096xi32, #tpu.memory_space<vmem>>, vector<16xi32>,
        tpu.vector_store %arg6[%parallel_loop3A_381], %broadcast_in_dim3A_5 {strides = array<i32>} : memref<4096xi32, #tpu.memory_space<vmem>>, vector<16xi32>,
        %parallel_loop3A_383 = arith.addi %parallel_loop3A_370, %parallel_loop3A_378 : vector<16xi32>
        %parallel_loop3A_384 = arith.cmpi sge, %parallel_loop3A_383, %sub3A_313 : vector<16xi32>
        %parallel_loop3A_385 = arith.constant 1 : i32
        %parallel_loop3A_386 = arith.constant 0 : i32
        %parallel_loop3A_387 = vector.broadcast %parallel_loop3A_385 : i32 to vector<16xi32>
        %parallel_loop3A_388 = vector.broadcast %parallel_loop3A_386 : i32 to vector<16xi32>
        %parallel_loop3A_389 = arith.select %parallel_loop3A_384, %parallel_loop3A_387, %parallel_loop3A_388 : vector<16xi1>, vector<16xi32>
        %parallel_loop3A_390 = arith.addi %parallel_loop3A_371, %parallel_loop3A_389 : vector<16xi32>
        %parallel_loop3A_391 = arith.constant 0 : i32
        %parallel_loop3A_392 = vector.broadcast %parallel_loop3A_391 : i32 to vector<16xi32>
        %parallel_loop3A_393 = arith.select %parallel_loop3A_384, %parallel_loop3A_392, %parallel_loop3A_378 : vector<16xi1>, vector<16xi32>
        %parallel_loop3A_394 = arith.addi %parallel_loop3A_372, %parallel_loop3A_393 : vector<16xi32>
        scf.yield %parallel_loop3A_383, %parallel_loop3A_390, %parallel_loop3A_394 : vector<16xi32>, vector<16xi32>, vector<16xi32>
      } {sc.loop_unroll_factor = 8 : i64, sc.parallel_access}
      %sub3A_321 = arith.constant 1 : i32
      %sub3A_322 = vector.broadcast %sub3A_321 : i32 to vector<16xi32>
      %sub3A_323 = arith.subi %parallel_loop3A_320#1, %sub3A_322 : vector<16xi32>
      %shift_left3A_324 = arith.constant 8 : i32
      %shift_left3A_325 = vector.broadcast %shift_left3A_324 : i32 to vector<16xi32>
      %shift_left3A_326 = arith.shli %or3A_312, %shift_left3A_325 : vector<16xi32>
      %or3A_327 = arith.ori %shift_left3A_326, %sub3A_323 : vector<16xi32>
      %sub3A_328 = arith.subi %sub3A_313, %parallel_loop3A_320#2 : vector<16xi32>
      %ge3A_329 = arith.constant 0 : i32
      %ge3A_330 = vector.broadcast %ge3A_329 : i32 to vector<16xi32>
      %ge3A_331 = arith.cmpi sge, %or3A_327, %ge3A_330 : vector<16xi32>
      %xor3A_332 = arith.constant 2147483647 : i32
      %xor3A_333 = vector.broadcast %xor3A_332 : i32 to vector<16xi32>
      %xor3A_334 = arith.xori %or3A_327, %xor3A_333 : vector<16xi32>
      %select_n3A_335 = arith.select %ge3A_331, %or3A_327, %xor3A_334 : vector<16xi1>, vector<16xi32>
      %bitcast_convert_type3A_336 = tpu.bitcast %select_n3A_335 : vector<16xi32> -> vector<16xf32>
      %broadcast_in_dim3A_337 = arith.constant 0.000000e+00 : f32
      %broadcast_in_dim3A_338 = vector.broadcast %broadcast_in_dim3A_337 : f32 to vector<16xf32>
      %parallel_loop3A_339 = arith.constant 0 : i32
      %parallel_loop3A_340 = arith.constant 2048 : i32
      %parallel_loop3A_341 = arith.constant 1 : i32
      %parallel_loop3A_342 = scf.for %parallel_loop3A_369 = %parallel_loop3A_339 to %parallel_loop3A_340 step %parallel_loop3A_341 iter_args(%parallel_loop3A_370 = %broadcast_in_dim3A_338) -> (vector<16xf32>)  : i32 {
        %parallel_loop3A_371 = vector.broadcast %parallel_loop3A_369 : i32 to vector<16xi32>
        %parallel_loop3A_372 = arith.addi %iota3A, %parallel_loop3A_371 : vector<16xi32>
        %parallel_loop3A_373 = arith.constant 2047 : i32
        %parallel_loop3A_374 = vector.broadcast %parallel_loop3A_373 : i32 to vector<16xi32>
        %parallel_loop3A_375 = arith.andi %parallel_loop3A_372, %parallel_loop3A_374 : vector<16xi32>
        %parallel_loop3A_376 = tpu.vector_load_idx %arg4[%broadcast_in_dim3A_205, %iota3A, %parallel_loop3A_375] : memref<2x16x2048xf32, #tpu.memory_space<vmem>>[vector<16xi32>, vector<16xi32>, vector<16xi32>], vector<16xf32>,
        %parallel_loop3A_377 = arith.subf %parallel_loop3A_376, %parallel_loop3A_272 : vector<16xf32>
        %parallel_loop3A_378 = math.exp %parallel_loop3A_377 : vector<16xf32>
        %parallel_loop3A_379 = arith.cmpf oge, %parallel_loop3A_376, %bitcast_convert_type3A_336 : vector<16xf32>
        %parallel_loop3A_380 = arith.constant 0.000000e+00 : f32
        %parallel_loop3A_381 = vector.broadcast %parallel_loop3A_380 : f32 to vector<16xf32>
        %parallel_loop3A_382 = arith.select %parallel_loop3A_379, %parallel_loop3A_378, %parallel_loop3A_381 : vector<16xi1>, vector<16xf32>
        tpu.vector_store_idx %arg4[%broadcast_in_dim3A_205, %iota3A, %parallel_loop3A_375], %parallel_loop3A_382 : memref<2x16x2048xf32, #tpu.memory_space<vmem>>[vector<16xi32>, vector<16xi32>, vector<16xi32>], vector<16xf32>,
        %parallel_loop3A_383 = arith.addf %parallel_loop3A_370, %parallel_loop3A_382 : vector<16xf32>
        scf.yield %parallel_loop3A_383 : vector<16xf32>
      } {sc.loop_unroll_factor = 8 : i64, sc.parallel_access}
      %broadcast_in_dim3A_343 = arith.constant 1.000000e+00 : f32
      %broadcast_in_dim3A_344 = vector.broadcast %broadcast_in_dim3A_343 : f32 to vector<16xf32>
      %div3A_345 = arith.divf %broadcast_in_dim3A_344, %parallel_loop3A_342 : vector<16xf32>
      %ge3A_346 = arith.constant 1 : i32
      %ge3A_347 = arith.cmpi sge, %add3A_203, %ge3A_346 : i32
      %convert_element_type3A_348 = arith.extui %ge3A_347 : i1 to i32
      %cond3A_349 = arith.constant 0 : i32
      %cond3A_350 = arith.cmpi ne, %convert_element_type3A_348, %cond3A_349 : i32
      scf.if %cond3A_350 {
        %sub3A_369 = arith.constant 1 : i32
        %sub3A_370 = arith.subi %add3A_203, %sub3A_369 : i32
        %mul3A_371 = arith.constant 16 : i32
        %mul3A_372 = arith.muli %sub3A_370, %mul3A_371 : i32
        %add3A_373 = arith.addi %mul3A_2, %mul3A_372 : i32
        %dma_wait3A_374 = arith.constant 0 : i32
        %dma_wait3A_375 = tpu.memref_slice %arg3[%add3A_373, %dma_wait3A_374] : memref<22528x2048xf32, #tpu.memory_space<hbm>> -> memref<16x2048xf32, #tpu.memory_space<hbm>>
        %dma_wait3A_376 = arith.constant 0 : i32
        %dma_wait3A_377 = tpu.memref_slice %arg3[%add3A_373, %dma_wait3A_376] : memref<22528x2048xf32, #tpu.memory_space<hbm>> -> memref<16x2048xf32, #tpu.memory_space<hbm>>
        tpu.wait_dma2 semaphore(%arg9 : memref<!tpu.dma_semaphore, #tpu.memory_space<semaphore_mem>>) src(%arg5 : memref<16x2048xf32, #tpu.memory_space<vmem>>) dst(%dma_wait3A_377 : memref<16x2048xf32, #tpu.memory_space<hbm>>)
      } else {
      }
      %parallel_loop3A_351 = arith.constant 0 : i32
      %parallel_loop3A_352 = arith.constant 2048 : i32
      %parallel_loop3A_353 = arith.constant 1 : i32
      scf.for %parallel_loop3A_369 = %parallel_loop3A_351 to %parallel_loop3A_352 step %parallel_loop3A_353  : i32 {
        %parallel_loop3A_370 = vector.broadcast %parallel_loop3A_369 : i32 to vector<16xi32>
        %parallel_loop3A_371 = arith.addi %iota3A, %parallel_loop3A_370 : vector<16xi32>
        %parallel_loop3A_372 = arith.constant 2047 : i32
        %parallel_loop3A_373 = vector.broadcast %parallel_loop3A_372 : i32 to vector<16xi32>
        %parallel_loop3A_374 = arith.andi %parallel_loop3A_371, %parallel_loop3A_373 : vector<16xi32>
        %parallel_loop3A_375 = tpu.vector_load_idx %arg4[%broadcast_in_dim3A_205, %iota3A, %parallel_loop3A_374] : memref<2x16x2048xf32, #tpu.memory_space<vmem>>[vector<16xi32>, vector<16xi32>, vector<16xi32>], vector<16xf32>,
        %parallel_loop3A_376 = arith.mulf %parallel_loop3A_375, %div3A_345 : vector<16xf32>
        tpu.vector_store_idx %arg5[%iota3A, %parallel_loop3A_374], %parallel_loop3A_376 : memref<16x2048xf32, #tpu.memory_space<vmem>>[vector<16xi32>, vector<16xi32>], vector<16xf32>,
      } {sc.loop_unroll_factor = 8 : i64, sc.parallel_access}
      %mul3A_354 = arith.constant 16 : i32
      %mul3A_355 = arith.muli %add3A_203, %mul3A_354 : i32
      %add3A_356 = arith.addi %mul3A_2, %mul3A_355 : i32
      %dma_start3A_357 = arith.constant 0 : i32
      %dma_start3A_358 = tpu.memref_slice %arg3[%add3A_356, %dma_start3A_357] : memref<22528x2048xf32, #tpu.memory_space<hbm>> -> memref<16x2048xf32, #tpu.memory_space<hbm>>
      %dma_start3A_359 = arith.constant 0 : i32
      %dma_start3A_360 = tpu.memref_slice %arg3[%add3A_356, %dma_start3A_359] : memref<22528x2048xf32, #tpu.memory_space<hbm>> -> memref<16x2048xf32, #tpu.memory_space<hbm>>
      tpu.enqueue_dma source(%arg5 : memref<16x2048xf32, #tpu.memory_space<vmem>>) target(%dma_start3A_360 : memref<16x2048xf32, #tpu.memory_space<hbm>>) target_semaphore(%arg9 : memref<!tpu.dma_semaphore, #tpu.memory_space<semaphore_mem>>)
      %add3A_361 = arith.constant 2 : i32
      %add3A_362 = arith.addi %add3A_203, %add3A_361 : i32
      %lt3A_363 = arith.constant 44 : i32
      %lt3A_364 = arith.cmpi slt, %add3A_362, %lt3A_363 : i32
      %convert_element_type3A_365 = arith.extui %lt3A_364 : i1 to i32
      %cond3A_366 = arith.constant 0 : i32
      %cond3A_367 = arith.cmpi ne, %convert_element_type3A_365, %cond3A_366 : i32
      scf.if %cond3A_367 {
        %add3A_369 = arith.constant 2 : i32
        %add3A_370 = arith.addi %add3A_203, %add3A_369 : i32
        %mul3A_371 = arith.constant 16 : i32
        %mul3A_372 = arith.muli %add3A_370, %mul3A_371 : i32
        %add3A_373 = arith.addi %mul3A_2, %mul3A_372 : i32
        %dma_start3A_374 = arith.constant 1 : i32
        %dma_start3A_375 = arith.constant 0 : i32
        %dma_start3A_376 = arith.constant 0 : i32
        %dma_start3A_377 = tpu.memref_slice %arg4[%dma_start3A_374, %dma_start3A_375, %dma_start3A_376] : memref<2x16x2048xf32, #tpu.memory_space<vmem>> -> memref<1x16x2048xf32, #tpu.memory_space<vmem>>
        %dma_start3A_378 = tpu.memref_squeeze %dma_start3A_377 : memref<1x16x2048xf32, #tpu.memory_space<vmem>> -> memref<16x2048xf32, #tpu.memory_space<vmem>>
        %dma_start3A_379 = arith.constant 0 : i32
        %dma_start3A_380 = tpu.memref_slice %arg2[%add3A_373, %dma_start3A_379] : memref<65536x2048xf32, #tpu.memory_space<hbm>> -> memref<16x2048xf32, #tpu.memory_space<hbm>>
        %dma_start3A_381 = arith.constant 0 : i32
        %dma_start3A_382 = arith.constant 0 : i32
        %dma_start3A_383 = tpu.memref_slice %arg4[%dma_start3A_374, %dma_start3A_381, %dma_start3A_382] : memref<2x16x2048xf32, #tpu.memory_space<vmem>> -> memref<1x16x2048xf32, #tpu.memory_space<vmem>>
        %dma_start3A_384 = tpu.memref_squeeze %dma_start3A_383 : memref<1x16x2048xf32, #tpu.memory_space<vmem>> -> memref<16x2048xf32, #tpu.memory_space<vmem>>
        %dma_start3A_385 = arith.constant 0 : i32
        %dma_start3A_386 = tpu.memref_slice %arg2[%add3A_373, %dma_start3A_385] : memref<65536x2048xf32, #tpu.memory_space<hbm>> -> memref<16x2048xf32, #tpu.memory_space<hbm>>
        tpu.enqueue_dma source(%dma_start3A_386 : memref<16x2048xf32, #tpu.memory_space<hbm>>) target(%dma_start3A_384 : memref<16x2048xf32, #tpu.memory_space<vmem>>) target_semaphore(%arg8 : memref<!tpu.dma_semaphore, #tpu.memory_space<semaphore_mem>>)
      } else {
      }
      %scan3A_368 = arith.constant 0 : i32
      scf.yield %scan3A_368 : i32
    }
    %scan3A_42 = arith.constant 22 : i32
    %add3A_43 = arith.constant 688 : i32
    %add3A_44 = arith.addi %mul3A_2, %add3A_43 : i32
    %dma_wait3A = arith.constant 0 : i32
    %dma_wait3A_45 = tpu.memref_slice %arg3[%add3A_44, %dma_wait3A] : memref<22528x2048xf32, #tpu.memory_space<hbm>> -> memref<16x2048xf32, #tpu.memory_space<hbm>>
    %dma_wait3A_46 = arith.constant 0 : i32
    %dma_wait3A_47 = tpu.memref_slice %arg3[%add3A_44, %dma_wait3A_46] : memref<22528x2048xf32, #tpu.memory_space<hbm>> -> memref<16x2048xf32, #tpu.memory_space<hbm>>
    tpu.wait_dma2 semaphore(%arg9 : memref<!tpu.dma_semaphore, #tpu.memory_space<semaphore_mem>>) src(%arg5 : memref<16x2048xf32, #tpu.memory_space<vmem>>) dst(%dma_wait3A_47 : memref<16x2048xf32, #tpu.memory_space<hbm>>)
    return
  }
}

module attributes {stable_mosaic.version = 14 : i64} {
  func.func @_tc_body(%arg0: i32, %arg1: i32, %arg2: memref<1x256x2048xf32, #tpu.memory_space<vmem>>, %arg3: memref<1x256x2048xf32, #tpu.memory_space<vmem>>) attributes {dimension_semantics = [#tpu.dimension_semantics<parallel>, #tpu.dimension_semantics<arbitrary>], iteration_bounds = array<i64: 21, 8>, scalar_prefetch = 0 : i64, scratch_operands = 0 : i64, tpu.core_type = #tpu.core_type<tc>, window_params = [{transform_indices = @transform_0, window_bounds = array<i64: 1, 256, 2048>}, {transform_indices = @transform_1, window_bounds = array<i64: 1, 256, 2048>}]} {
    %add3A = arith.constant 11 : i32
    %add3A_0 = arith.addi %add3A, %arg0 : i32
    %rem3A = arith.constant 4 : i32
    %rem3A_1 = arith.remsi %add3A_0, %rem3A : i32
    %get3A = arith.constant 0 : index
    %get3A_2 = arith.constant 0 : index
    %get3A_3 = arith.constant 0 : index
    %get3A_4 = vector.load %arg2[%get3A, %get3A_2, %get3A_3] : memref<1x256x2048xf32, #tpu.memory_space<vmem>>, vector<1x256x2048xf32>
    %get3A_5 = vector.shape_cast %get3A_4 : vector<1x256x2048xf32> to vector<256x2048xf32>
    %eq3A = arith.constant 0 : i32
    %eq3A_6 = arith.cmpi eq, %rem3A_1, %eq3A : i32
    %eq3A_7 = arith.constant 1 : i32
    %eq3A_8 = arith.cmpi eq, %rem3A_1, %eq3A_7 : i32
    %eq3A_9 = arith.constant 2 : i32
    %eq3A_10 = arith.cmpi eq, %rem3A_1, %eq3A_9 : i32
    %jit3A = arith.constant 40 : i32
    %jit3A_11 = arith.constant 500 : i32
    %select_n3A = arith.select %eq3A_10, %jit3A, %jit3A_11 : i32
    %jit3A_12 = arith.constant 20 : i32
    %select_n3A_13 = arith.select %eq3A_8, %jit3A_12, %select_n3A : i32
    %jit3A_14 = arith.constant 10 : i32
    %select_n3A_15 = arith.select %eq3A_6, %jit3A_14, %select_n3A_13 : i32
    %min3A = arith.constant 2048 : i32
    %min3A_16 = arith.minsi %select_n3A_15, %min3A : i32
    %bitcast_convert_type3A = tpu.bitcast %get3A_5 : vector<256x2048xf32> -> vector<256x2048xi32>
    %ge3A = arith.constant 0 : i32
    %ge3A_17 = vector.broadcast %ge3A : i32 to vector<256x2048xi32>
    %ge3A_18 = arith.cmpi sge, %bitcast_convert_type3A, %ge3A_17 : vector<256x2048xi32>
    %xor3A = arith.constant 2147483647 : i32
    %xor3A_19 = vector.broadcast %xor3A : i32 to vector<256x2048xi32>
    %xor3A_20 = arith.xori %bitcast_convert_type3A, %xor3A_19 : vector<256x2048xi32>
    %select_n3A_21 = arith.select %ge3A_18, %bitcast_convert_type3A, %xor3A_20 : vector<256x2048xi1>, vector<256x2048xi32>
    %broadcast_in_dim3A = arith.constant -2147483648 : i32
    %broadcast_in_dim3A_22 = vector.broadcast %broadcast_in_dim3A : i32 to vector<256x1xi32>
    %broadcast_in_dim3A_23 = arith.constant 0 : i32
    %broadcast_in_dim3A_24 = vector.broadcast %broadcast_in_dim3A_23 : i32 to vector<256x1xi32>
    %ge3A_25 = vector.broadcast %broadcast_in_dim3A_24 : vector<256x1xi32> to vector<256x2048xi32>
    %ge3A_26 = arith.cmpi sge, %select_n3A_21, %ge3A_25 : vector<256x2048xi32>
    %convert_element_type3A = arith.extui %ge3A_26 : vector<256x2048xi1> to vector<256x2048xi32>
    %reduce_sum3A = arith.constant dense<0> : vector<256xi32>
    %reduce_sum3A_27 = vector.multi_reduction <add>, %convert_element_type3A, %reduce_sum3A [1] : vector<256x2048xi32> to vector<256xi32>
    %broadcast_in_dim3A_28 = vector.shape_cast %reduce_sum3A_27 : vector<256xi32> to vector<256x1xi32>
    %ge3A_29 = vector.broadcast %min3A_16 : i32 to vector<256x1xi32>
    %ge3A_30 = arith.cmpi sge, %broadcast_in_dim3A_28, %ge3A_29 : vector<256x1xi32>
    %select_n3A_31 = arith.select %ge3A_30, %broadcast_in_dim3A_24, %broadcast_in_dim3A_22 : vector<256x1xi1>, vector<256x1xi32>
    %scan3A = arith.constant 0 : i32
    %sub3A = arith.constant 30 : i32
    %sub3A_32 = arith.subi %sub3A, %scan3A : i32
    %shift_left3A = arith.constant 1 : i32
    %shift_left3A_33 = arith.shli %shift_left3A, %sub3A_32 : i32
    %add3A_34 = vector.broadcast %shift_left3A_33 : i32 to vector<256x1xi32>
    %add3A_35 = arith.addi %select_n3A_31, %add3A_34 : vector<256x1xi32>
    %ge3A_36 = vector.broadcast %add3A_35 : vector<256x1xi32> to vector<256x2048xi32>
    %ge3A_37 = arith.cmpi sge, %select_n3A_21, %ge3A_36 : vector<256x2048xi32>
    %convert_element_type3A_38 = arith.extui %ge3A_37 : vector<256x2048xi1> to vector<256x2048xi32>
    %reduce_sum3A_39 = arith.constant dense<0> : vector<256xi32>
    %reduce_sum3A_40 = vector.multi_reduction <add>, %convert_element_type3A_38, %reduce_sum3A_39 [1] : vector<256x2048xi32> to vector<256xi32>
    %broadcast_in_dim3A_41 = vector.shape_cast %reduce_sum3A_40 : vector<256xi32> to vector<256x1xi32>
    %ge3A_42 = vector.broadcast %min3A_16 : i32 to vector<256x1xi32>
    %ge3A_43 = arith.cmpi sge, %broadcast_in_dim3A_41, %ge3A_42 : vector<256x1xi32>
    %select_n3A_44 = arith.select %ge3A_43, %add3A_35, %select_n3A_31 : vector<256x1xi1>, vector<256x1xi32>
    %scan3A_45 = arith.constant 1 : i32
    %sub3A_46 = arith.constant 30 : i32
    %sub3A_47 = arith.subi %sub3A_46, %scan3A_45 : i32
    %shift_left3A_48 = arith.constant 1 : i32
    %shift_left3A_49 = arith.shli %shift_left3A_48, %sub3A_47 : i32
    %add3A_50 = vector.broadcast %shift_left3A_49 : i32 to vector<256x1xi32>
    %add3A_51 = arith.addi %select_n3A_44, %add3A_50 : vector<256x1xi32>
    %ge3A_52 = vector.broadcast %add3A_51 : vector<256x1xi32> to vector<256x2048xi32>
    %ge3A_53 = arith.cmpi sge, %select_n3A_21, %ge3A_52 : vector<256x2048xi32>
    %convert_element_type3A_54 = arith.extui %ge3A_53 : vector<256x2048xi1> to vector<256x2048xi32>
    %reduce_sum3A_55 = arith.constant dense<0> : vector<256xi32>
    %reduce_sum3A_56 = vector.multi_reduction <add>, %convert_element_type3A_54, %reduce_sum3A_55 [1] : vector<256x2048xi32> to vector<256xi32>
    %broadcast_in_dim3A_57 = vector.shape_cast %reduce_sum3A_56 : vector<256xi32> to vector<256x1xi32>
    %ge3A_58 = vector.broadcast %min3A_16 : i32 to vector<256x1xi32>
    %ge3A_59 = arith.cmpi sge, %broadcast_in_dim3A_57, %ge3A_58 : vector<256x1xi32>
    %select_n3A_60 = arith.select %ge3A_59, %add3A_51, %select_n3A_44 : vector<256x1xi1>, vector<256x1xi32>
    %scan3A_61 = arith.constant 2 : i32
    %sub3A_62 = arith.constant 30 : i32
    %sub3A_63 = arith.subi %sub3A_62, %scan3A_61 : i32
    %shift_left3A_64 = arith.constant 1 : i32
    %shift_left3A_65 = arith.shli %shift_left3A_64, %sub3A_63 : i32
    %add3A_66 = vector.broadcast %shift_left3A_65 : i32 to vector<256x1xi32>
    %add3A_67 = arith.addi %select_n3A_60, %add3A_66 : vector<256x1xi32>
    %ge3A_68 = vector.broadcast %add3A_67 : vector<256x1xi32> to vector<256x2048xi32>
    %ge3A_69 = arith.cmpi sge, %select_n3A_21, %ge3A_68 : vector<256x2048xi32>
    %convert_element_type3A_70 = arith.extui %ge3A_69 : vector<256x2048xi1> to vector<256x2048xi32>
    %reduce_sum3A_71 = arith.constant dense<0> : vector<256xi32>
    %reduce_sum3A_72 = vector.multi_reduction <add>, %convert_element_type3A_70, %reduce_sum3A_71 [1] : vector<256x2048xi32> to vector<256xi32>
    %broadcast_in_dim3A_73 = vector.shape_cast %reduce_sum3A_72 : vector<256xi32> to vector<256x1xi32>
    %ge3A_74 = vector.broadcast %min3A_16 : i32 to vector<256x1xi32>
    %ge3A_75 = arith.cmpi sge, %broadcast_in_dim3A_73, %ge3A_74 : vector<256x1xi32>
    %select_n3A_76 = arith.select %ge3A_75, %add3A_67, %select_n3A_60 : vector<256x1xi1>, vector<256x1xi32>
    %scan3A_77 = arith.constant 3 : i32
    %sub3A_78 = arith.constant 30 : i32
    %sub3A_79 = arith.subi %sub3A_78, %scan3A_77 : i32
    %shift_left3A_80 = arith.constant 1 : i32
    %shift_left3A_81 = arith.shli %shift_left3A_80, %sub3A_79 : i32
    %add3A_82 = vector.broadcast %shift_left3A_81 : i32 to vector<256x1xi32>
    %add3A_83 = arith.addi %select_n3A_76, %add3A_82 : vector<256x1xi32>
    %ge3A_84 = vector.broadcast %add3A_83 : vector<256x1xi32> to vector<256x2048xi32>
    %ge3A_85 = arith.cmpi sge, %select_n3A_21, %ge3A_84 : vector<256x2048xi32>
    %convert_element_type3A_86 = arith.extui %ge3A_85 : vector<256x2048xi1> to vector<256x2048xi32>
    %reduce_sum3A_87 = arith.constant dense<0> : vector<256xi32>
    %reduce_sum3A_88 = vector.multi_reduction <add>, %convert_element_type3A_86, %reduce_sum3A_87 [1] : vector<256x2048xi32> to vector<256xi32>
    %broadcast_in_dim3A_89 = vector.shape_cast %reduce_sum3A_88 : vector<256xi32> to vector<256x1xi32>
    %ge3A_90 = vector.broadcast %min3A_16 : i32 to vector<256x1xi32>
    %ge3A_91 = arith.cmpi sge, %broadcast_in_dim3A_89, %ge3A_90 : vector<256x1xi32>
    %select_n3A_92 = arith.select %ge3A_91, %add3A_83, %select_n3A_76 : vector<256x1xi1>, vector<256x1xi32>
    %scan3A_93 = arith.constant 4 : i32
    %sub3A_94 = arith.constant 30 : i32
    %sub3A_95 = arith.subi %sub3A_94, %scan3A_93 : i32
    %shift_left3A_96 = arith.constant 1 : i32
    %shift_left3A_97 = arith.shli %shift_left3A_96, %sub3A_95 : i32
    %add3A_98 = vector.broadcast %shift_left3A_97 : i32 to vector<256x1xi32>
    %add3A_99 = arith.addi %select_n3A_92, %add3A_98 : vector<256x1xi32>
    %ge3A_100 = vector.broadcast %add3A_99 : vector<256x1xi32> to vector<256x2048xi32>
    %ge3A_101 = arith.cmpi sge, %select_n3A_21, %ge3A_100 : vector<256x2048xi32>
    %convert_element_type3A_102 = arith.extui %ge3A_101 : vector<256x2048xi1> to vector<256x2048xi32>
    %reduce_sum3A_103 = arith.constant dense<0> : vector<256xi32>
    %reduce_sum3A_104 = vector.multi_reduction <add>, %convert_element_type3A_102, %reduce_sum3A_103 [1] : vector<256x2048xi32> to vector<256xi32>
    %broadcast_in_dim3A_105 = vector.shape_cast %reduce_sum3A_104 : vector<256xi32> to vector<256x1xi32>
    %ge3A_106 = vector.broadcast %min3A_16 : i32 to vector<256x1xi32>
    %ge3A_107 = arith.cmpi sge, %broadcast_in_dim3A_105, %ge3A_106 : vector<256x1xi32>
    %select_n3A_108 = arith.select %ge3A_107, %add3A_99, %select_n3A_92 : vector<256x1xi1>, vector<256x1xi32>
    %scan3A_109 = arith.constant 5 : i32
    %sub3A_110 = arith.constant 30 : i32
    %sub3A_111 = arith.subi %sub3A_110, %scan3A_109 : i32
    %shift_left3A_112 = arith.constant 1 : i32
    %shift_left3A_113 = arith.shli %shift_left3A_112, %sub3A_111 : i32
    %add3A_114 = vector.broadcast %shift_left3A_113 : i32 to vector<256x1xi32>
    %add3A_115 = arith.addi %select_n3A_108, %add3A_114 : vector<256x1xi32>
    %ge3A_116 = vector.broadcast %add3A_115 : vector<256x1xi32> to vector<256x2048xi32>
    %ge3A_117 = arith.cmpi sge, %select_n3A_21, %ge3A_116 : vector<256x2048xi32>
    %convert_element_type3A_118 = arith.extui %ge3A_117 : vector<256x2048xi1> to vector<256x2048xi32>
    %reduce_sum3A_119 = arith.constant dense<0> : vector<256xi32>
    %reduce_sum3A_120 = vector.multi_reduction <add>, %convert_element_type3A_118, %reduce_sum3A_119 [1] : vector<256x2048xi32> to vector<256xi32>
    %broadcast_in_dim3A_121 = vector.shape_cast %reduce_sum3A_120 : vector<256xi32> to vector<256x1xi32>
    %ge3A_122 = vector.broadcast %min3A_16 : i32 to vector<256x1xi32>
    %ge3A_123 = arith.cmpi sge, %broadcast_in_dim3A_121, %ge3A_122 : vector<256x1xi32>
    %select_n3A_124 = arith.select %ge3A_123, %add3A_115, %select_n3A_108 : vector<256x1xi1>, vector<256x1xi32>
    %scan3A_125 = arith.constant 6 : i32
    %sub3A_126 = arith.constant 30 : i32
    %sub3A_127 = arith.subi %sub3A_126, %scan3A_125 : i32
    %shift_left3A_128 = arith.constant 1 : i32
    %shift_left3A_129 = arith.shli %shift_left3A_128, %sub3A_127 : i32
    %add3A_130 = vector.broadcast %shift_left3A_129 : i32 to vector<256x1xi32>
    %add3A_131 = arith.addi %select_n3A_124, %add3A_130 : vector<256x1xi32>
    %ge3A_132 = vector.broadcast %add3A_131 : vector<256x1xi32> to vector<256x2048xi32>
    %ge3A_133 = arith.cmpi sge, %select_n3A_21, %ge3A_132 : vector<256x2048xi32>
    %convert_element_type3A_134 = arith.extui %ge3A_133 : vector<256x2048xi1> to vector<256x2048xi32>
    %reduce_sum3A_135 = arith.constant dense<0> : vector<256xi32>
    %reduce_sum3A_136 = vector.multi_reduction <add>, %convert_element_type3A_134, %reduce_sum3A_135 [1] : vector<256x2048xi32> to vector<256xi32>
    %broadcast_in_dim3A_137 = vector.shape_cast %reduce_sum3A_136 : vector<256xi32> to vector<256x1xi32>
    %ge3A_138 = vector.broadcast %min3A_16 : i32 to vector<256x1xi32>
    %ge3A_139 = arith.cmpi sge, %broadcast_in_dim3A_137, %ge3A_138 : vector<256x1xi32>
    %select_n3A_140 = arith.select %ge3A_139, %add3A_131, %select_n3A_124 : vector<256x1xi1>, vector<256x1xi32>
    %scan3A_141 = arith.constant 7 : i32
    %sub3A_142 = arith.constant 30 : i32
    %sub3A_143 = arith.subi %sub3A_142, %scan3A_141 : i32
    %shift_left3A_144 = arith.constant 1 : i32
    %shift_left3A_145 = arith.shli %shift_left3A_144, %sub3A_143 : i32
    %add3A_146 = vector.broadcast %shift_left3A_145 : i32 to vector<256x1xi32>
    %add3A_147 = arith.addi %select_n3A_140, %add3A_146 : vector<256x1xi32>
    %ge3A_148 = vector.broadcast %add3A_147 : vector<256x1xi32> to vector<256x2048xi32>
    %ge3A_149 = arith.cmpi sge, %select_n3A_21, %ge3A_148 : vector<256x2048xi32>
    %convert_element_type3A_150 = arith.extui %ge3A_149 : vector<256x2048xi1> to vector<256x2048xi32>
    %reduce_sum3A_151 = arith.constant dense<0> : vector<256xi32>
    %reduce_sum3A_152 = vector.multi_reduction <add>, %convert_element_type3A_150, %reduce_sum3A_151 [1] : vector<256x2048xi32> to vector<256xi32>
    %broadcast_in_dim3A_153 = vector.shape_cast %reduce_sum3A_152 : vector<256xi32> to vector<256x1xi32>
    %ge3A_154 = vector.broadcast %min3A_16 : i32 to vector<256x1xi32>
    %ge3A_155 = arith.cmpi sge, %broadcast_in_dim3A_153, %ge3A_154 : vector<256x1xi32>
    %select_n3A_156 = arith.select %ge3A_155, %add3A_147, %select_n3A_140 : vector<256x1xi1>, vector<256x1xi32>
    %scan3A_157 = arith.constant 8 : i32
    %sub3A_158 = arith.constant 30 : i32
    %sub3A_159 = arith.subi %sub3A_158, %scan3A_157 : i32
    %shift_left3A_160 = arith.constant 1 : i32
    %shift_left3A_161 = arith.shli %shift_left3A_160, %sub3A_159 : i32
    %add3A_162 = vector.broadcast %shift_left3A_161 : i32 to vector<256x1xi32>
    %add3A_163 = arith.addi %select_n3A_156, %add3A_162 : vector<256x1xi32>
    %ge3A_164 = vector.broadcast %add3A_163 : vector<256x1xi32> to vector<256x2048xi32>
    %ge3A_165 = arith.cmpi sge, %select_n3A_21, %ge3A_164 : vector<256x2048xi32>
    %convert_element_type3A_166 = arith.extui %ge3A_165 : vector<256x2048xi1> to vector<256x2048xi32>
    %reduce_sum3A_167 = arith.constant dense<0> : vector<256xi32>
    %reduce_sum3A_168 = vector.multi_reduction <add>, %convert_element_type3A_166, %reduce_sum3A_167 [1] : vector<256x2048xi32> to vector<256xi32>
    %broadcast_in_dim3A_169 = vector.shape_cast %reduce_sum3A_168 : vector<256xi32> to vector<256x1xi32>
    %ge3A_170 = vector.broadcast %min3A_16 : i32 to vector<256x1xi32>
    %ge3A_171 = arith.cmpi sge, %broadcast_in_dim3A_169, %ge3A_170 : vector<256x1xi32>
    %select_n3A_172 = arith.select %ge3A_171, %add3A_163, %select_n3A_156 : vector<256x1xi1>, vector<256x1xi32>
    %scan3A_173 = arith.constant 9 : i32
    %sub3A_174 = arith.constant 30 : i32
    %sub3A_175 = arith.subi %sub3A_174, %scan3A_173 : i32
    %shift_left3A_176 = arith.constant 1 : i32
    %shift_left3A_177 = arith.shli %shift_left3A_176, %sub3A_175 : i32
    %add3A_178 = vector.broadcast %shift_left3A_177 : i32 to vector<256x1xi32>
    %add3A_179 = arith.addi %select_n3A_172, %add3A_178 : vector<256x1xi32>
    %ge3A_180 = vector.broadcast %add3A_179 : vector<256x1xi32> to vector<256x2048xi32>
    %ge3A_181 = arith.cmpi sge, %select_n3A_21, %ge3A_180 : vector<256x2048xi32>
    %convert_element_type3A_182 = arith.extui %ge3A_181 : vector<256x2048xi1> to vector<256x2048xi32>
    %reduce_sum3A_183 = arith.constant dense<0> : vector<256xi32>
    %reduce_sum3A_184 = vector.multi_reduction <add>, %convert_element_type3A_182, %reduce_sum3A_183 [1] : vector<256x2048xi32> to vector<256xi32>
    %broadcast_in_dim3A_185 = vector.shape_cast %reduce_sum3A_184 : vector<256xi32> to vector<256x1xi32>
    %ge3A_186 = vector.broadcast %min3A_16 : i32 to vector<256x1xi32>
    %ge3A_187 = arith.cmpi sge, %broadcast_in_dim3A_185, %ge3A_186 : vector<256x1xi32>
    %select_n3A_188 = arith.select %ge3A_187, %add3A_179, %select_n3A_172 : vector<256x1xi1>, vector<256x1xi32>
    %scan3A_189 = arith.constant 10 : i32
    %sub3A_190 = arith.constant 30 : i32
    %sub3A_191 = arith.subi %sub3A_190, %scan3A_189 : i32
    %shift_left3A_192 = arith.constant 1 : i32
    %shift_left3A_193 = arith.shli %shift_left3A_192, %sub3A_191 : i32
    %add3A_194 = vector.broadcast %shift_left3A_193 : i32 to vector<256x1xi32>
    %add3A_195 = arith.addi %select_n3A_188, %add3A_194 : vector<256x1xi32>
    %ge3A_196 = vector.broadcast %add3A_195 : vector<256x1xi32> to vector<256x2048xi32>
    %ge3A_197 = arith.cmpi sge, %select_n3A_21, %ge3A_196 : vector<256x2048xi32>
    %convert_element_type3A_198 = arith.extui %ge3A_197 : vector<256x2048xi1> to vector<256x2048xi32>
    %reduce_sum3A_199 = arith.constant dense<0> : vector<256xi32>
    %reduce_sum3A_200 = vector.multi_reduction <add>, %convert_element_type3A_198, %reduce_sum3A_199 [1] : vector<256x2048xi32> to vector<256xi32>
    %broadcast_in_dim3A_201 = vector.shape_cast %reduce_sum3A_200 : vector<256xi32> to vector<256x1xi32>
    %ge3A_202 = vector.broadcast %min3A_16 : i32 to vector<256x1xi32>
    %ge3A_203 = arith.cmpi sge, %broadcast_in_dim3A_201, %ge3A_202 : vector<256x1xi32>
    %select_n3A_204 = arith.select %ge3A_203, %add3A_195, %select_n3A_188 : vector<256x1xi1>, vector<256x1xi32>
    %scan3A_205 = arith.constant 11 : i32
    %sub3A_206 = arith.constant 30 : i32
    %sub3A_207 = arith.subi %sub3A_206, %scan3A_205 : i32
    %shift_left3A_208 = arith.constant 1 : i32
    %shift_left3A_209 = arith.shli %shift_left3A_208, %sub3A_207 : i32
    %add3A_210 = vector.broadcast %shift_left3A_209 : i32 to vector<256x1xi32>
    %add3A_211 = arith.addi %select_n3A_204, %add3A_210 : vector<256x1xi32>
    %ge3A_212 = vector.broadcast %add3A_211 : vector<256x1xi32> to vector<256x2048xi32>
    %ge3A_213 = arith.cmpi sge, %select_n3A_21, %ge3A_212 : vector<256x2048xi32>
    %convert_element_type3A_214 = arith.extui %ge3A_213 : vector<256x2048xi1> to vector<256x2048xi32>
    %reduce_sum3A_215 = arith.constant dense<0> : vector<256xi32>
    %reduce_sum3A_216 = vector.multi_reduction <add>, %convert_element_type3A_214, %reduce_sum3A_215 [1] : vector<256x2048xi32> to vector<256xi32>
    %broadcast_in_dim3A_217 = vector.shape_cast %reduce_sum3A_216 : vector<256xi32> to vector<256x1xi32>
    %ge3A_218 = vector.broadcast %min3A_16 : i32 to vector<256x1xi32>
    %ge3A_219 = arith.cmpi sge, %broadcast_in_dim3A_217, %ge3A_218 : vector<256x1xi32>
    %select_n3A_220 = arith.select %ge3A_219, %add3A_211, %select_n3A_204 : vector<256x1xi1>, vector<256x1xi32>
    %scan3A_221 = arith.constant 12 : i32
    %sub3A_222 = arith.constant 30 : i32
    %sub3A_223 = arith.subi %sub3A_222, %scan3A_221 : i32
    %shift_left3A_224 = arith.constant 1 : i32
    %shift_left3A_225 = arith.shli %shift_left3A_224, %sub3A_223 : i32
    %add3A_226 = vector.broadcast %shift_left3A_225 : i32 to vector<256x1xi32>
    %add3A_227 = arith.addi %select_n3A_220, %add3A_226 : vector<256x1xi32>
    %ge3A_228 = vector.broadcast %add3A_227 : vector<256x1xi32> to vector<256x2048xi32>
    %ge3A_229 = arith.cmpi sge, %select_n3A_21, %ge3A_228 : vector<256x2048xi32>
    %convert_element_type3A_230 = arith.extui %ge3A_229 : vector<256x2048xi1> to vector<256x2048xi32>
    %reduce_sum3A_231 = arith.constant dense<0> : vector<256xi32>
    %reduce_sum3A_232 = vector.multi_reduction <add>, %convert_element_type3A_230, %reduce_sum3A_231 [1] : vector<256x2048xi32> to vector<256xi32>
    %broadcast_in_dim3A_233 = vector.shape_cast %reduce_sum3A_232 : vector<256xi32> to vector<256x1xi32>
    %ge3A_234 = vector.broadcast %min3A_16 : i32 to vector<256x1xi32>
    %ge3A_235 = arith.cmpi sge, %broadcast_in_dim3A_233, %ge3A_234 : vector<256x1xi32>
    %select_n3A_236 = arith.select %ge3A_235, %add3A_227, %select_n3A_220 : vector<256x1xi1>, vector<256x1xi32>
    %scan3A_237 = arith.constant 13 : i32
    %sub3A_238 = arith.constant 30 : i32
    %sub3A_239 = arith.subi %sub3A_238, %scan3A_237 : i32
    %shift_left3A_240 = arith.constant 1 : i32
    %shift_left3A_241 = arith.shli %shift_left3A_240, %sub3A_239 : i32
    %add3A_242 = vector.broadcast %shift_left3A_241 : i32 to vector<256x1xi32>
    %add3A_243 = arith.addi %select_n3A_236, %add3A_242 : vector<256x1xi32>
    %ge3A_244 = vector.broadcast %add3A_243 : vector<256x1xi32> to vector<256x2048xi32>
    %ge3A_245 = arith.cmpi sge, %select_n3A_21, %ge3A_244 : vector<256x2048xi32>
    %convert_element_type3A_246 = arith.extui %ge3A_245 : vector<256x2048xi1> to vector<256x2048xi32>
    %reduce_sum3A_247 = arith.constant dense<0> : vector<256xi32>
    %reduce_sum3A_248 = vector.multi_reduction <add>, %convert_element_type3A_246, %reduce_sum3A_247 [1] : vector<256x2048xi32> to vector<256xi32>
    %broadcast_in_dim3A_249 = vector.shape_cast %reduce_sum3A_248 : vector<256xi32> to vector<256x1xi32>
    %ge3A_250 = vector.broadcast %min3A_16 : i32 to vector<256x1xi32>
    %ge3A_251 = arith.cmpi sge, %broadcast_in_dim3A_249, %ge3A_250 : vector<256x1xi32>
    %select_n3A_252 = arith.select %ge3A_251, %add3A_243, %select_n3A_236 : vector<256x1xi1>, vector<256x1xi32>
    %scan3A_253 = arith.constant 14 : i32
    %sub3A_254 = arith.constant 30 : i32
    %sub3A_255 = arith.subi %sub3A_254, %scan3A_253 : i32
    %shift_left3A_256 = arith.constant 1 : i32
    %shift_left3A_257 = arith.shli %shift_left3A_256, %sub3A_255 : i32
    %add3A_258 = vector.broadcast %shift_left3A_257 : i32 to vector<256x1xi32>
    %add3A_259 = arith.addi %select_n3A_252, %add3A_258 : vector<256x1xi32>
    %ge3A_260 = vector.broadcast %add3A_259 : vector<256x1xi32> to vector<256x2048xi32>
    %ge3A_261 = arith.cmpi sge, %select_n3A_21, %ge3A_260 : vector<256x2048xi32>
    %convert_element_type3A_262 = arith.extui %ge3A_261 : vector<256x2048xi1> to vector<256x2048xi32>
    %reduce_sum3A_263 = arith.constant dense<0> : vector<256xi32>
    %reduce_sum3A_264 = vector.multi_reduction <add>, %convert_element_type3A_262, %reduce_sum3A_263 [1] : vector<256x2048xi32> to vector<256xi32>
    %broadcast_in_dim3A_265 = vector.shape_cast %reduce_sum3A_264 : vector<256xi32> to vector<256x1xi32>
    %ge3A_266 = vector.broadcast %min3A_16 : i32 to vector<256x1xi32>
    %ge3A_267 = arith.cmpi sge, %broadcast_in_dim3A_265, %ge3A_266 : vector<256x1xi32>
    %select_n3A_268 = arith.select %ge3A_267, %add3A_259, %select_n3A_252 : vector<256x1xi1>, vector<256x1xi32>
    %scan3A_269 = arith.constant 15 : i32
    %sub3A_270 = arith.constant 30 : i32
    %sub3A_271 = arith.subi %sub3A_270, %scan3A_269 : i32
    %shift_left3A_272 = arith.constant 1 : i32
    %shift_left3A_273 = arith.shli %shift_left3A_272, %sub3A_271 : i32
    %add3A_274 = vector.broadcast %shift_left3A_273 : i32 to vector<256x1xi32>
    %add3A_275 = arith.addi %select_n3A_268, %add3A_274 : vector<256x1xi32>
    %ge3A_276 = vector.broadcast %add3A_275 : vector<256x1xi32> to vector<256x2048xi32>
    %ge3A_277 = arith.cmpi sge, %select_n3A_21, %ge3A_276 : vector<256x2048xi32>
    %convert_element_type3A_278 = arith.extui %ge3A_277 : vector<256x2048xi1> to vector<256x2048xi32>
    %reduce_sum3A_279 = arith.constant dense<0> : vector<256xi32>
    %reduce_sum3A_280 = vector.multi_reduction <add>, %convert_element_type3A_278, %reduce_sum3A_279 [1] : vector<256x2048xi32> to vector<256xi32>
    %broadcast_in_dim3A_281 = vector.shape_cast %reduce_sum3A_280 : vector<256xi32> to vector<256x1xi32>
    %ge3A_282 = vector.broadcast %min3A_16 : i32 to vector<256x1xi32>
    %ge3A_283 = arith.cmpi sge, %broadcast_in_dim3A_281, %ge3A_282 : vector<256x1xi32>
    %select_n3A_284 = arith.select %ge3A_283, %add3A_275, %select_n3A_268 : vector<256x1xi1>, vector<256x1xi32>
    %scan3A_285 = arith.constant 16 : i32
    %sub3A_286 = arith.constant 30 : i32
    %sub3A_287 = arith.subi %sub3A_286, %scan3A_285 : i32
    %shift_left3A_288 = arith.constant 1 : i32
    %shift_left3A_289 = arith.shli %shift_left3A_288, %sub3A_287 : i32
    %add3A_290 = vector.broadcast %shift_left3A_289 : i32 to vector<256x1xi32>
    %add3A_291 = arith.addi %select_n3A_284, %add3A_290 : vector<256x1xi32>
    %ge3A_292 = vector.broadcast %add3A_291 : vector<256x1xi32> to vector<256x2048xi32>
    %ge3A_293 = arith.cmpi sge, %select_n3A_21, %ge3A_292 : vector<256x2048xi32>
    %convert_element_type3A_294 = arith.extui %ge3A_293 : vector<256x2048xi1> to vector<256x2048xi32>
    %reduce_sum3A_295 = arith.constant dense<0> : vector<256xi32>
    %reduce_sum3A_296 = vector.multi_reduction <add>, %convert_element_type3A_294, %reduce_sum3A_295 [1] : vector<256x2048xi32> to vector<256xi32>
    %broadcast_in_dim3A_297 = vector.shape_cast %reduce_sum3A_296 : vector<256xi32> to vector<256x1xi32>
    %ge3A_298 = vector.broadcast %min3A_16 : i32 to vector<256x1xi32>
    %ge3A_299 = arith.cmpi sge, %broadcast_in_dim3A_297, %ge3A_298 : vector<256x1xi32>
    %select_n3A_300 = arith.select %ge3A_299, %add3A_291, %select_n3A_284 : vector<256x1xi1>, vector<256x1xi32>
    %scan3A_301 = arith.constant 17 : i32
    %sub3A_302 = arith.constant 30 : i32
    %sub3A_303 = arith.subi %sub3A_302, %scan3A_301 : i32
    %shift_left3A_304 = arith.constant 1 : i32
    %shift_left3A_305 = arith.shli %shift_left3A_304, %sub3A_303 : i32
    %add3A_306 = vector.broadcast %shift_left3A_305 : i32 to vector<256x1xi32>
    %add3A_307 = arith.addi %select_n3A_300, %add3A_306 : vector<256x1xi32>
    %ge3A_308 = vector.broadcast %add3A_307 : vector<256x1xi32> to vector<256x2048xi32>
    %ge3A_309 = arith.cmpi sge, %select_n3A_21, %ge3A_308 : vector<256x2048xi32>
    %convert_element_type3A_310 = arith.extui %ge3A_309 : vector<256x2048xi1> to vector<256x2048xi32>
    %reduce_sum3A_311 = arith.constant dense<0> : vector<256xi32>
    %reduce_sum3A_312 = vector.multi_reduction <add>, %convert_element_type3A_310, %reduce_sum3A_311 [1] : vector<256x2048xi32> to vector<256xi32>
    %broadcast_in_dim3A_313 = vector.shape_cast %reduce_sum3A_312 : vector<256xi32> to vector<256x1xi32>
    %ge3A_314 = vector.broadcast %min3A_16 : i32 to vector<256x1xi32>
    %ge3A_315 = arith.cmpi sge, %broadcast_in_dim3A_313, %ge3A_314 : vector<256x1xi32>
    %select_n3A_316 = arith.select %ge3A_315, %add3A_307, %select_n3A_300 : vector<256x1xi1>, vector<256x1xi32>
    %scan3A_317 = arith.constant 18 : i32
    %sub3A_318 = arith.constant 30 : i32
    %sub3A_319 = arith.subi %sub3A_318, %scan3A_317 : i32
    %shift_left3A_320 = arith.constant 1 : i32
    %shift_left3A_321 = arith.shli %shift_left3A_320, %sub3A_319 : i32
    %add3A_322 = vector.broadcast %shift_left3A_321 : i32 to vector<256x1xi32>
    %add3A_323 = arith.addi %select_n3A_316, %add3A_322 : vector<256x1xi32>
    %ge3A_324 = vector.broadcast %add3A_323 : vector<256x1xi32> to vector<256x2048xi32>
    %ge3A_325 = arith.cmpi sge, %select_n3A_21, %ge3A_324 : vector<256x2048xi32>
    %convert_element_type3A_326 = arith.extui %ge3A_325 : vector<256x2048xi1> to vector<256x2048xi32>
    %reduce_sum3A_327 = arith.constant dense<0> : vector<256xi32>
    %reduce_sum3A_328 = vector.multi_reduction <add>, %convert_element_type3A_326, %reduce_sum3A_327 [1] : vector<256x2048xi32> to vector<256xi32>
    %broadcast_in_dim3A_329 = vector.shape_cast %reduce_sum3A_328 : vector<256xi32> to vector<256x1xi32>
    %ge3A_330 = vector.broadcast %min3A_16 : i32 to vector<256x1xi32>
    %ge3A_331 = arith.cmpi sge, %broadcast_in_dim3A_329, %ge3A_330 : vector<256x1xi32>
    %select_n3A_332 = arith.select %ge3A_331, %add3A_323, %select_n3A_316 : vector<256x1xi1>, vector<256x1xi32>
    %scan3A_333 = arith.constant 19 : i32
    %sub3A_334 = arith.constant 30 : i32
    %sub3A_335 = arith.subi %sub3A_334, %scan3A_333 : i32
    %shift_left3A_336 = arith.constant 1 : i32
    %shift_left3A_337 = arith.shli %shift_left3A_336, %sub3A_335 : i32
    %add3A_338 = vector.broadcast %shift_left3A_337 : i32 to vector<256x1xi32>
    %add3A_339 = arith.addi %select_n3A_332, %add3A_338 : vector<256x1xi32>
    %ge3A_340 = vector.broadcast %add3A_339 : vector<256x1xi32> to vector<256x2048xi32>
    %ge3A_341 = arith.cmpi sge, %select_n3A_21, %ge3A_340 : vector<256x2048xi32>
    %convert_element_type3A_342 = arith.extui %ge3A_341 : vector<256x2048xi1> to vector<256x2048xi32>
    %reduce_sum3A_343 = arith.constant dense<0> : vector<256xi32>
    %reduce_sum3A_344 = vector.multi_reduction <add>, %convert_element_type3A_342, %reduce_sum3A_343 [1] : vector<256x2048xi32> to vector<256xi32>
    %broadcast_in_dim3A_345 = vector.shape_cast %reduce_sum3A_344 : vector<256xi32> to vector<256x1xi32>
    %ge3A_346 = vector.broadcast %min3A_16 : i32 to vector<256x1xi32>
    %ge3A_347 = arith.cmpi sge, %broadcast_in_dim3A_345, %ge3A_346 : vector<256x1xi32>
    %select_n3A_348 = arith.select %ge3A_347, %add3A_339, %select_n3A_332 : vector<256x1xi1>, vector<256x1xi32>
    %scan3A_349 = arith.constant 20 : i32
    %sub3A_350 = arith.constant 30 : i32
    %sub3A_351 = arith.subi %sub3A_350, %scan3A_349 : i32
    %shift_left3A_352 = arith.constant 1 : i32
    %shift_left3A_353 = arith.shli %shift_left3A_352, %sub3A_351 : i32
    %add3A_354 = vector.broadcast %shift_left3A_353 : i32 to vector<256x1xi32>
    %add3A_355 = arith.addi %select_n3A_348, %add3A_354 : vector<256x1xi32>
    %ge3A_356 = vector.broadcast %add3A_355 : vector<256x1xi32> to vector<256x2048xi32>
    %ge3A_357 = arith.cmpi sge, %select_n3A_21, %ge3A_356 : vector<256x2048xi32>
    %convert_element_type3A_358 = arith.extui %ge3A_357 : vector<256x2048xi1> to vector<256x2048xi32>
    %reduce_sum3A_359 = arith.constant dense<0> : vector<256xi32>
    %reduce_sum3A_360 = vector.multi_reduction <add>, %convert_element_type3A_358, %reduce_sum3A_359 [1] : vector<256x2048xi32> to vector<256xi32>
    %broadcast_in_dim3A_361 = vector.shape_cast %reduce_sum3A_360 : vector<256xi32> to vector<256x1xi32>
    %ge3A_362 = vector.broadcast %min3A_16 : i32 to vector<256x1xi32>
    %ge3A_363 = arith.cmpi sge, %broadcast_in_dim3A_361, %ge3A_362 : vector<256x1xi32>
    %select_n3A_364 = arith.select %ge3A_363, %add3A_355, %select_n3A_348 : vector<256x1xi1>, vector<256x1xi32>
    %scan3A_365 = arith.constant 21 : i32
    %sub3A_366 = arith.constant 30 : i32
    %sub3A_367 = arith.subi %sub3A_366, %scan3A_365 : i32
    %shift_left3A_368 = arith.constant 1 : i32
    %shift_left3A_369 = arith.shli %shift_left3A_368, %sub3A_367 : i32
    %add3A_370 = vector.broadcast %shift_left3A_369 : i32 to vector<256x1xi32>
    %add3A_371 = arith.addi %select_n3A_364, %add3A_370 : vector<256x1xi32>
    %ge3A_372 = vector.broadcast %add3A_371 : vector<256x1xi32> to vector<256x2048xi32>
    %ge3A_373 = arith.cmpi sge, %select_n3A_21, %ge3A_372 : vector<256x2048xi32>
    %convert_element_type3A_374 = arith.extui %ge3A_373 : vector<256x2048xi1> to vector<256x2048xi32>
    %reduce_sum3A_375 = arith.constant dense<0> : vector<256xi32>
    %reduce_sum3A_376 = vector.multi_reduction <add>, %convert_element_type3A_374, %reduce_sum3A_375 [1] : vector<256x2048xi32> to vector<256xi32>
    %broadcast_in_dim3A_377 = vector.shape_cast %reduce_sum3A_376 : vector<256xi32> to vector<256x1xi32>
    %ge3A_378 = vector.broadcast %min3A_16 : i32 to vector<256x1xi32>
    %ge3A_379 = arith.cmpi sge, %broadcast_in_dim3A_377, %ge3A_378 : vector<256x1xi32>
    %select_n3A_380 = arith.select %ge3A_379, %add3A_371, %select_n3A_364 : vector<256x1xi1>, vector<256x1xi32>
    %scan3A_381 = arith.constant 22 : i32
    %sub3A_382 = arith.constant 30 : i32
    %sub3A_383 = arith.subi %sub3A_382, %scan3A_381 : i32
    %shift_left3A_384 = arith.constant 1 : i32
    %shift_left3A_385 = arith.shli %shift_left3A_384, %sub3A_383 : i32
    %add3A_386 = vector.broadcast %shift_left3A_385 : i32 to vector<256x1xi32>
    %add3A_387 = arith.addi %select_n3A_380, %add3A_386 : vector<256x1xi32>
    %ge3A_388 = vector.broadcast %add3A_387 : vector<256x1xi32> to vector<256x2048xi32>
    %ge3A_389 = arith.cmpi sge, %select_n3A_21, %ge3A_388 : vector<256x2048xi32>
    %convert_element_type3A_390 = arith.extui %ge3A_389 : vector<256x2048xi1> to vector<256x2048xi32>
    %reduce_sum3A_391 = arith.constant dense<0> : vector<256xi32>
    %reduce_sum3A_392 = vector.multi_reduction <add>, %convert_element_type3A_390, %reduce_sum3A_391 [1] : vector<256x2048xi32> to vector<256xi32>
    %broadcast_in_dim3A_393 = vector.shape_cast %reduce_sum3A_392 : vector<256xi32> to vector<256x1xi32>
    %ge3A_394 = vector.broadcast %min3A_16 : i32 to vector<256x1xi32>
    %ge3A_395 = arith.cmpi sge, %broadcast_in_dim3A_393, %ge3A_394 : vector<256x1xi32>
    %select_n3A_396 = arith.select %ge3A_395, %add3A_387, %select_n3A_380 : vector<256x1xi1>, vector<256x1xi32>
    %scan3A_397 = arith.constant 23 : i32
    %sub3A_398 = arith.constant 30 : i32
    %sub3A_399 = arith.subi %sub3A_398, %scan3A_397 : i32
    %shift_left3A_400 = arith.constant 1 : i32
    %shift_left3A_401 = arith.shli %shift_left3A_400, %sub3A_399 : i32
    %add3A_402 = vector.broadcast %shift_left3A_401 : i32 to vector<256x1xi32>
    %add3A_403 = arith.addi %select_n3A_396, %add3A_402 : vector<256x1xi32>
    %ge3A_404 = vector.broadcast %add3A_403 : vector<256x1xi32> to vector<256x2048xi32>
    %ge3A_405 = arith.cmpi sge, %select_n3A_21, %ge3A_404 : vector<256x2048xi32>
    %convert_element_type3A_406 = arith.extui %ge3A_405 : vector<256x2048xi1> to vector<256x2048xi32>
    %reduce_sum3A_407 = arith.constant dense<0> : vector<256xi32>
    %reduce_sum3A_408 = vector.multi_reduction <add>, %convert_element_type3A_406, %reduce_sum3A_407 [1] : vector<256x2048xi32> to vector<256xi32>
    %broadcast_in_dim3A_409 = vector.shape_cast %reduce_sum3A_408 : vector<256xi32> to vector<256x1xi32>
    %ge3A_410 = vector.broadcast %min3A_16 : i32 to vector<256x1xi32>
    %ge3A_411 = arith.cmpi sge, %broadcast_in_dim3A_409, %ge3A_410 : vector<256x1xi32>
    %select_n3A_412 = arith.select %ge3A_411, %add3A_403, %select_n3A_396 : vector<256x1xi1>, vector<256x1xi32>
    %scan3A_413 = arith.constant 24 : i32
    %sub3A_414 = arith.constant 30 : i32
    %sub3A_415 = arith.subi %sub3A_414, %scan3A_413 : i32
    %shift_left3A_416 = arith.constant 1 : i32
    %shift_left3A_417 = arith.shli %shift_left3A_416, %sub3A_415 : i32
    %add3A_418 = vector.broadcast %shift_left3A_417 : i32 to vector<256x1xi32>
    %add3A_419 = arith.addi %select_n3A_412, %add3A_418 : vector<256x1xi32>
    %ge3A_420 = vector.broadcast %add3A_419 : vector<256x1xi32> to vector<256x2048xi32>
    %ge3A_421 = arith.cmpi sge, %select_n3A_21, %ge3A_420 : vector<256x2048xi32>
    %convert_element_type3A_422 = arith.extui %ge3A_421 : vector<256x2048xi1> to vector<256x2048xi32>
    %reduce_sum3A_423 = arith.constant dense<0> : vector<256xi32>
    %reduce_sum3A_424 = vector.multi_reduction <add>, %convert_element_type3A_422, %reduce_sum3A_423 [1] : vector<256x2048xi32> to vector<256xi32>
    %broadcast_in_dim3A_425 = vector.shape_cast %reduce_sum3A_424 : vector<256xi32> to vector<256x1xi32>
    %ge3A_426 = vector.broadcast %min3A_16 : i32 to vector<256x1xi32>
    %ge3A_427 = arith.cmpi sge, %broadcast_in_dim3A_425, %ge3A_426 : vector<256x1xi32>
    %select_n3A_428 = arith.select %ge3A_427, %add3A_419, %select_n3A_412 : vector<256x1xi1>, vector<256x1xi32>
    %scan3A_429 = arith.constant 25 : i32
    %sub3A_430 = arith.constant 30 : i32
    %sub3A_431 = arith.subi %sub3A_430, %scan3A_429 : i32
    %shift_left3A_432 = arith.constant 1 : i32
    %shift_left3A_433 = arith.shli %shift_left3A_432, %sub3A_431 : i32
    %add3A_434 = vector.broadcast %shift_left3A_433 : i32 to vector<256x1xi32>
    %add3A_435 = arith.addi %select_n3A_428, %add3A_434 : vector<256x1xi32>
    %ge3A_436 = vector.broadcast %add3A_435 : vector<256x1xi32> to vector<256x2048xi32>
    %ge3A_437 = arith.cmpi sge, %select_n3A_21, %ge3A_436 : vector<256x2048xi32>
    %convert_element_type3A_438 = arith.extui %ge3A_437 : vector<256x2048xi1> to vector<256x2048xi32>
    %reduce_sum3A_439 = arith.constant dense<0> : vector<256xi32>
    %reduce_sum3A_440 = vector.multi_reduction <add>, %convert_element_type3A_438, %reduce_sum3A_439 [1] : vector<256x2048xi32> to vector<256xi32>
    %broadcast_in_dim3A_441 = vector.shape_cast %reduce_sum3A_440 : vector<256xi32> to vector<256x1xi32>
    %ge3A_442 = vector.broadcast %min3A_16 : i32 to vector<256x1xi32>
    %ge3A_443 = arith.cmpi sge, %broadcast_in_dim3A_441, %ge3A_442 : vector<256x1xi32>
    %select_n3A_444 = arith.select %ge3A_443, %add3A_435, %select_n3A_428 : vector<256x1xi1>, vector<256x1xi32>
    %scan3A_445 = arith.constant 26 : i32
    %sub3A_446 = arith.constant 30 : i32
    %sub3A_447 = arith.subi %sub3A_446, %scan3A_445 : i32
    %shift_left3A_448 = arith.constant 1 : i32
    %shift_left3A_449 = arith.shli %shift_left3A_448, %sub3A_447 : i32
    %add3A_450 = vector.broadcast %shift_left3A_449 : i32 to vector<256x1xi32>
    %add3A_451 = arith.addi %select_n3A_444, %add3A_450 : vector<256x1xi32>
    %ge3A_452 = vector.broadcast %add3A_451 : vector<256x1xi32> to vector<256x2048xi32>
    %ge3A_453 = arith.cmpi sge, %select_n3A_21, %ge3A_452 : vector<256x2048xi32>
    %convert_element_type3A_454 = arith.extui %ge3A_453 : vector<256x2048xi1> to vector<256x2048xi32>
    %reduce_sum3A_455 = arith.constant dense<0> : vector<256xi32>
    %reduce_sum3A_456 = vector.multi_reduction <add>, %convert_element_type3A_454, %reduce_sum3A_455 [1] : vector<256x2048xi32> to vector<256xi32>
    %broadcast_in_dim3A_457 = vector.shape_cast %reduce_sum3A_456 : vector<256xi32> to vector<256x1xi32>
    %ge3A_458 = vector.broadcast %min3A_16 : i32 to vector<256x1xi32>
    %ge3A_459 = arith.cmpi sge, %broadcast_in_dim3A_457, %ge3A_458 : vector<256x1xi32>
    %select_n3A_460 = arith.select %ge3A_459, %add3A_451, %select_n3A_444 : vector<256x1xi1>, vector<256x1xi32>
    %scan3A_461 = arith.constant 27 : i32
    %sub3A_462 = arith.constant 30 : i32
    %sub3A_463 = arith.subi %sub3A_462, %scan3A_461 : i32
    %shift_left3A_464 = arith.constant 1 : i32
    %shift_left3A_465 = arith.shli %shift_left3A_464, %sub3A_463 : i32
    %add3A_466 = vector.broadcast %shift_left3A_465 : i32 to vector<256x1xi32>
    %add3A_467 = arith.addi %select_n3A_460, %add3A_466 : vector<256x1xi32>
    %ge3A_468 = vector.broadcast %add3A_467 : vector<256x1xi32> to vector<256x2048xi32>
    %ge3A_469 = arith.cmpi sge, %select_n3A_21, %ge3A_468 : vector<256x2048xi32>
    %convert_element_type3A_470 = arith.extui %ge3A_469 : vector<256x2048xi1> to vector<256x2048xi32>
    %reduce_sum3A_471 = arith.constant dense<0> : vector<256xi32>
    %reduce_sum3A_472 = vector.multi_reduction <add>, %convert_element_type3A_470, %reduce_sum3A_471 [1] : vector<256x2048xi32> to vector<256xi32>
    %broadcast_in_dim3A_473 = vector.shape_cast %reduce_sum3A_472 : vector<256xi32> to vector<256x1xi32>
    %ge3A_474 = vector.broadcast %min3A_16 : i32 to vector<256x1xi32>
    %ge3A_475 = arith.cmpi sge, %broadcast_in_dim3A_473, %ge3A_474 : vector<256x1xi32>
    %select_n3A_476 = arith.select %ge3A_475, %add3A_467, %select_n3A_460 : vector<256x1xi1>, vector<256x1xi32>
    %scan3A_477 = arith.constant 28 : i32
    %sub3A_478 = arith.constant 30 : i32
    %sub3A_479 = arith.subi %sub3A_478, %scan3A_477 : i32
    %shift_left3A_480 = arith.constant 1 : i32
    %shift_left3A_481 = arith.shli %shift_left3A_480, %sub3A_479 : i32
    %add3A_482 = vector.broadcast %shift_left3A_481 : i32 to vector<256x1xi32>
    %add3A_483 = arith.addi %select_n3A_476, %add3A_482 : vector<256x1xi32>
    %ge3A_484 = vector.broadcast %add3A_483 : vector<256x1xi32> to vector<256x2048xi32>
    %ge3A_485 = arith.cmpi sge, %select_n3A_21, %ge3A_484 : vector<256x2048xi32>
    %convert_element_type3A_486 = arith.extui %ge3A_485 : vector<256x2048xi1> to vector<256x2048xi32>
    %reduce_sum3A_487 = arith.constant dense<0> : vector<256xi32>
    %reduce_sum3A_488 = vector.multi_reduction <add>, %convert_element_type3A_486, %reduce_sum3A_487 [1] : vector<256x2048xi32> to vector<256xi32>
    %broadcast_in_dim3A_489 = vector.shape_cast %reduce_sum3A_488 : vector<256xi32> to vector<256x1xi32>
    %ge3A_490 = vector.broadcast %min3A_16 : i32 to vector<256x1xi32>
    %ge3A_491 = arith.cmpi sge, %broadcast_in_dim3A_489, %ge3A_490 : vector<256x1xi32>
    %select_n3A_492 = arith.select %ge3A_491, %add3A_483, %select_n3A_476 : vector<256x1xi1>, vector<256x1xi32>
    %scan3A_493 = arith.constant 29 : i32
    %sub3A_494 = arith.constant 30 : i32
    %sub3A_495 = arith.subi %sub3A_494, %scan3A_493 : i32
    %shift_left3A_496 = arith.constant 1 : i32
    %shift_left3A_497 = arith.shli %shift_left3A_496, %sub3A_495 : i32
    %add3A_498 = vector.broadcast %shift_left3A_497 : i32 to vector<256x1xi32>
    %add3A_499 = arith.addi %select_n3A_492, %add3A_498 : vector<256x1xi32>
    %ge3A_500 = vector.broadcast %add3A_499 : vector<256x1xi32> to vector<256x2048xi32>
    %ge3A_501 = arith.cmpi sge, %select_n3A_21, %ge3A_500 : vector<256x2048xi32>
    %convert_element_type3A_502 = arith.extui %ge3A_501 : vector<256x2048xi1> to vector<256x2048xi32>
    %reduce_sum3A_503 = arith.constant dense<0> : vector<256xi32>
    %reduce_sum3A_504 = vector.multi_reduction <add>, %convert_element_type3A_502, %reduce_sum3A_503 [1] : vector<256x2048xi32> to vector<256xi32>
    %broadcast_in_dim3A_505 = vector.shape_cast %reduce_sum3A_504 : vector<256xi32> to vector<256x1xi32>
    %ge3A_506 = vector.broadcast %min3A_16 : i32 to vector<256x1xi32>
    %ge3A_507 = arith.cmpi sge, %broadcast_in_dim3A_505, %ge3A_506 : vector<256x1xi32>
    %select_n3A_508 = arith.select %ge3A_507, %add3A_499, %select_n3A_492 : vector<256x1xi1>, vector<256x1xi32>
    %scan3A_509 = arith.constant 30 : i32
    %sub3A_510 = arith.constant 30 : i32
    %sub3A_511 = arith.subi %sub3A_510, %scan3A_509 : i32
    %shift_left3A_512 = arith.constant 1 : i32
    %shift_left3A_513 = arith.shli %shift_left3A_512, %sub3A_511 : i32
    %add3A_514 = vector.broadcast %shift_left3A_513 : i32 to vector<256x1xi32>
    %add3A_515 = arith.addi %select_n3A_508, %add3A_514 : vector<256x1xi32>
    %ge3A_516 = vector.broadcast %add3A_515 : vector<256x1xi32> to vector<256x2048xi32>
    %ge3A_517 = arith.cmpi sge, %select_n3A_21, %ge3A_516 : vector<256x2048xi32>
    %convert_element_type3A_518 = arith.extui %ge3A_517 : vector<256x2048xi1> to vector<256x2048xi32>
    %reduce_sum3A_519 = arith.constant dense<0> : vector<256xi32>
    %reduce_sum3A_520 = vector.multi_reduction <add>, %convert_element_type3A_518, %reduce_sum3A_519 [1] : vector<256x2048xi32> to vector<256xi32>
    %broadcast_in_dim3A_521 = vector.shape_cast %reduce_sum3A_520 : vector<256xi32> to vector<256x1xi32>
    %ge3A_522 = vector.broadcast %min3A_16 : i32 to vector<256x1xi32>
    %ge3A_523 = arith.cmpi sge, %broadcast_in_dim3A_521, %ge3A_522 : vector<256x1xi32>
    %select_n3A_524 = arith.select %ge3A_523, %add3A_515, %select_n3A_508 : vector<256x1xi1>, vector<256x1xi32>
    %scan3A_525 = arith.constant 31 : i32
    %reduce_max3A = arith.constant dense<0xFF800000> : vector<256xf32>
    %reduce_max3A_526 = vector.multi_reduction <maximumf>, %get3A_5, %reduce_max3A [1] : vector<256x2048xf32> to vector<256xf32>
    %broadcast_in_dim3A_527 = vector.shape_cast %reduce_max3A_526 : vector<256xf32> to vector<256x1xf32>
    %sub3A_528 = vector.broadcast %broadcast_in_dim3A_527 : vector<256x1xf32> to vector<256x2048xf32>
    %sub3A_529 = arith.subf %get3A_5, %sub3A_528 : vector<256x2048xf32>
    %exp3A = math.exp %sub3A_529 : vector<256x2048xf32>
    %ge3A_530 = vector.broadcast %select_n3A_524 : vector<256x1xi32> to vector<256x2048xi32>
    %ge3A_531 = arith.cmpi sge, %select_n3A_21, %ge3A_530 : vector<256x2048xi32>
    %jit3A_532 = arith.constant 0.000000e+00 : f32
    %broadcast_in_dim3A_533 = vector.broadcast %jit3A_532 : f32 to vector<256x2048xf32>
    %select_n3A_534 = arith.select %ge3A_531, %exp3A, %broadcast_in_dim3A_533 : vector<256x2048xi1>, vector<256x2048xf32>
    %reduce_sum3A_535 = arith.constant dense<0.000000e+00> : vector<256xf32>
    %reduce_sum3A_536 = vector.multi_reduction <add>, %select_n3A_534, %reduce_sum3A_535 [1] : vector<256x2048xf32> to vector<256xf32>
    %broadcast_in_dim3A_537 = vector.shape_cast %reduce_sum3A_536 : vector<256xf32> to vector<256x1xf32>
    %div3A = vector.broadcast %broadcast_in_dim3A_537 : vector<256x1xf32> to vector<256x2048xf32>
    %div3A_538 = arith.divf %exp3A, %div3A : vector<256x2048xf32>
    %jit3A_539 = arith.constant 0.000000e+00 : f32
    %broadcast_in_dim3A_540 = vector.broadcast %jit3A_539 : f32 to vector<256x2048xf32>
    %select_n3A_541 = arith.select %ge3A_531, %div3A_538, %broadcast_in_dim3A_540 : vector<256x2048xi1>, vector<256x2048xf32>
    %swap3A = arith.constant 0 : index
    %swap3A_542 = arith.constant 0 : index
    %swap3A_543 = arith.constant 0 : index
    %swap3A_544 = vector.load %arg3[%swap3A, %swap3A_542, %swap3A_543] : memref<1x256x2048xf32, #tpu.memory_space<vmem>>, vector<1x256x2048xf32>
    %swap3A_545 = vector.shape_cast %swap3A_544 : vector<1x256x2048xf32> to vector<256x2048xf32>
    %swap3A_546 = vector.shape_cast %select_n3A_541 : vector<256x2048xf32> to vector<1x256x2048xf32>
    tpu.vector_store %arg3[%swap3A, %swap3A_542, %swap3A_543], %swap3A_546 {strides = array<i32>} : memref<1x256x2048xf32, #tpu.memory_space<vmem>>, vector<1x256x2048xf32>,
    return
  }
  func.func @transform_0(%arg0: i32, %arg1: i32) -> (i32, i32, i32) {
    %add3A = arith.constant 11 : i32
    %add3A_0 = arith.addi %arg0, %add3A : i32
    %c0_i32 = arith.constant 0 : i32
    %c0_i32_1 = arith.constant 0 : i32
    return %add3A_0, %arg1, %c0_i32 : i32, i32, i32
  }
  func.func @transform_1(%arg0: i32, %arg1: i32) -> (i32, i32, i32) {
    %add3A = arith.constant 11 : i32
    %add3A_0 = arith.addi %arg0, %add3A : i32
    %c0_i32 = arith.constant 0 : i32
    %c0_i32_1 = arith.constant 0 : i32
    return %add3A_0, %arg1, %c0_i32 : i32, i32, i32
  }
}

</mosaic_0001>

<sc_bundles>
// kernel: kernel.4.cloned.1.call-start
scs
__scs_entry_jumppad:
0x0: {  	(pc) =	sbr.rel $0x88, $3  }
0x1: {  	(tag) =	ssettag $0x0;
	lr =	simm.s32 $0x1  }
0x2: {  	[smem:$0x3FA0] =	sst lr;
	_ =	strace $0xD0000000  }
0x3: {  	_ = 	snop  }
0x4: {  	_ = 	snop  }
0x5: {  	_ = 	snop  }
0x6: {  	_ = 	snop  }
0x7: {  	_ = 	snop  }
__scs_overlays_trampoline_lowered:
0x8: {  	[smem:$0x3FAF] =	sst s0  }
0x9: {  	[smem:$0x3FB0] =	sst s1  }
0xa: {  	[smem:$0x3FB1] =	sst s2  }
0xb: {  	[smem:$0x3FB2] =	sst s3  }
0xc: {  	[smem:$0x3FB3] =	sst s4  }
0xd: {  	[smem:$0x3FB4] =	sst s5  }
0xe: {  	[smem:$0x3FB5] =	sst s6  }
0xf: {  	[smem:$0x3FB6] =	sst s7  }
0x10: {  	[smem:$0x3FB7] =	sst s8  }
0x11: {  	[smem:$0x3FB8] =	sst s9;
	s0 =	simm.s32 @!p0 $0x0  }
0x12: {  	s1 =	sld [smem:$0x3F9E];
	s0 =	simm.s32 @p0 $0x1  }
0x13: {  	[smem:$0x3FB9] =	sst s0;
	s0 =	simm.s32 @!p1 $0x0  }
0x14: {  	s2 =	sld [smem:$0x3F9D];
	s0 =	simm.s32 @p1 $0x1  }
0x15: {  	[smem:$0x3FBA] =	sst s0;
	s0 =	simm.s32 @!p2 $0x0  }
0x16: {  	s3 =	sld [smem:$0x3FDB];
	s0 =	simm.s32 @p2 $0x1  }
0x17: {  	s4 =	simm.s32 $0x1BF5;
	[smem:$0x3FBC] =	sst s0  }
0x18: {  	s0 =	sld [smem:$0x3F9F];
	_ =	swait.ge [sflag:s4], $0x0  }
0x19: {  	s7 =	sld [smem:$0x3FA0]  }
0x1a: {  	s8 =	sadd.s32 $0xFFFFE003, lr  }
0x1b: {  	s9 =	sadd.s32 $0xFFFFFEF7, lr;
	s5 =	simm.s32 $0xFFFFFFFF;
	p2 =	slt.u32 s8, $0xFFFFF086  }
0x1c: {  	p1 =	slt.u32 s9, $0xF7A;
	s5 =	simm.s32 @!p2 $0x0  }
0x1d: {  	s5 =	simm.s32 @p1 $0x1;
	p0 =	seq.s32 s7, s2  }
0x1e: {  	s7 =	smul.u32 @!p0 $0xF7A, s2;
	p2 =	seq.s32 @!p0 s5, $0x0  }
0x1f: {  	s9 =	smul.u32 $0xF7A, s1;
	s8 =	simm.s32 @!p0 $0x1BF5;
	p2 =	por !p2, p0  }
0x20: {  	[sflag:s8] =	ssyncset.s32 @!p0 $0xFFFFF086;
	s6 =	sadd.s32 @!p0 s3, s7;
	s7 =	simm.s32 @!p0 $0x108  }
0x21: {  	s3 =	sadd.s32 s3, s9;
	s6 =	sadd.s32 @!p0 $0x88, s6;
	s7 =	simm.s32 @p2 $0x1082  }
0x22: {  	[simem:s7], [sflag:s8] =	dma.local @!p0 [hbm:s6], $0xF7A  }
0x23: {  	s9 =	sor.u32 $0xD0000000, s2;
	s6 =	simm.s32 $0x108;
	_ =	swait.ge @!p0 [sflag:s8], $0x0  }
0x24: {  	s3 =	sadd.s32 $0x88, s3;
	s6 =	simm.s32 @!p1 $0x1082;
	[sflag:s4] =	ssyncset.s32 $0xFFFFF086  }
0x25: {  	[simem:s6], [sflag:s4] =	dma.local [hbm:s3], $0xF7A  }
0x26: {  	[smem:$0x3FA0] =	sst s1;
	(tag) =	ssettag s2;
	_ =	strace s9  }
0x27: {  	s1 =	sld [smem:$0x3FB0]  }
0x28: {  	s2 =	sld [smem:$0x3FB1]  }
0x29: {  	s4 =	sld [smem:$0x3FB3]  }
0x2a: {  	p0 =	seq.s32 s5, $0x0;
	s5 =	sld [smem:$0x3FB4]  }
0x2b: {  	s6 =	sld [smem:$0x3FB5]  }
0x2c: {  	s7 =	sld [smem:$0x3FB6]  }
0x2d: {  	s3 =	simm.s32 $0x108;
	s8 =	sld [smem:$0x3FB7]  }
0x2e: {  	s3 =	simm.s32 @!p0 $0x1082;
	s9 =	sld [smem:$0x3FB8]  }
0x2f: {  	lr =	sadd.s32 s0, s3;
	s0 =	sld [smem:$0x3FAF]  }
0x30: {  	s3 =	sld [smem:$0x3FB2]  }
0x31: {  	[smem:$0x3FBB] =	sst s10  }
0x32: {  	s10 =	sld [smem:$0x3FB9];
	_ =	sdelay $0x3  }
0x33: {  	p0 =	seq.s32 s10, $0x1;
	s10 =	sld [smem:$0x3FBB];
	_ =	sdelay $0x3  }
0x34: {  	[smem:$0x3FBB] =	sst s10  }
0x35: {  	s10 =	sld [smem:$0x3FBA];
	_ =	sdelay $0x3  }
0x36: {  	p1 =	seq.s32 s10, $0x1;
	s10 =	sld [smem:$0x3FBB];
	_ =	sdelay $0x3  }
0x37: {  	[smem:$0x3FBB] =	sst s10  }
0x38: {  	s10 =	sld [smem:$0x3FBC]  }
0x39: {  	_ = 	snop;
	(pc) =	sbr.ind lr, $3  }
0x3a: {  	_ = 	snop  }
0x3b: {  	_ = 	snop  }
0x3c: {  	p2 =	seq.s32 s10, $0x1;
	s10 =	sld [smem:$0x3FBB]  }
0x3d: {  	_ =	shalt  }
0x3e: {  	_ =	shalt  }
0x3f: {  	_ =	shalt  }
0x40: {  	_ =	shalt  }
0x41: {  	_ =	shalt  }
0x42: {  	_ =	shalt  }
0x43: {  	_ =	shalt  }
0x44: {  	_ =	shalt  }
0x45: {  	_ =	shalt  }
0x46: {  	_ =	shalt  }
0x47: {  	_ =	shalt  }
0x48: {  	_ =	shalt  }
0x49: {  	_ =	shalt  }
0x4a: {  	_ =	shalt  }
0x4b: {  	_ =	shalt  }
0x4c: {  	_ =	shalt  }
0x4d: {  	_ =	shalt  }
0x4e: {  	_ =	shalt  }
0x4f: {  	_ =	shalt  }
0x50: {  	_ =	shalt  }
0x51: {  	_ =	shalt  }
0x52: {  	_ =	shalt  }
0x53: {  	_ =	shalt  }
0x54: {  	_ =	shalt  }
0x55: {  	_ =	shalt  }
0x56: {  	_ =	shalt  }
0x57: {  	_ =	shalt  }
0x58: {  	_ =	shalt  }
0x59: {  	_ =	shalt  }
0x5a: {  	_ =	shalt  }
0x5b: {  	_ =	shalt  }
0x5c: {  	_ =	shalt  }
0x5d: {  	_ =	shalt  }
0x5e: {  	_ =	shalt  }
0x5f: {  	_ =	shalt  }
0x60: {  	_ =	shalt  }
0x61: {  	_ =	shalt  }
0x62: {  	_ =	shalt  }
0x63: {  	_ =	shalt  }
0x64: {  	_ =	shalt  }
0x65: {  	_ =	shalt  }
0x66: {  	_ =	shalt  }
0x67: {  	_ =	shalt  }
0x68: {  	_ =	shalt  }
0x69: {  	_ =	shalt  }
0x6a: {  	_ =	shalt  }
0x6b: {  	_ =	shalt  }
0x6c: {  	_ =	shalt  }
0x6d: {  	_ =	shalt  }
0x6e: {  	_ =	shalt  }
0x6f: {  	_ =	shalt  }
0x70: {  	_ =	shalt  }
0x71: {  	_ =	shalt  }
0x72: {  	_ =	shalt  }
0x73: {  	_ =	shalt  }
0x74: {  	_ =	shalt  }
0x75: {  	_ =	shalt  }
0x76: {  	_ =	shalt  }
0x77: {  	_ =	shalt  }
0x78: {  	_ =	shalt  }
0x79: {  	_ =	shalt  }
0x7a: {  	_ =	shalt  }
0x7b: {  	_ =	shalt  }
0x7c: {  	_ =	shalt  }
0x7d: {  	_ =	shalt  }
0x7e: {  	_ =	shalt  }
0x7f: {  	_ =	shalt  }
0x80: {  	_ =	shalt  }
0x81: {  	_ =	shalt  }
0x82: {  	_ =	shalt  }
0x83: {  	_ =	shalt  }
0x84: {  	_ =	shalt  }
0x85: {  	_ =	shalt  }
0x86: {  	_ =	shalt  }
0x87: {  	_ =	shalt  }
.Lfunc_end0:
.L_simem_size_0:
called_computation_lowered:
.L_overlay_start_0:
0x88: {  	s2 =	sld [smem:$0x3FD9]  }
0x89: {  	s3 =	sld [smem:$0x3FFE];
	_ =	sdelay $0x1  }
0x8a: {  	s1 =	srdreg.scid  }
0x8b: {  	s0 =	sand.u32 $0x1, s1  }
0x8c: {  	s17 =	sshll.u32 s0, $0xA;
	s2 =	sadd.s32 s3, s2  }
0x8d: {  	s2 =	sadd.s32 s2, s17  }
0x8e: {  	[smem:$0x3FC7] =	sst s2  }
0x8f: {  	_ = 	snop  }
0x90: {  	s2 =	sld [smem:$0x3FC9];
	(tm) =	ssettm $0x1  }
0x91: {  	s18 =	sld [smem:$0x3FFB];
	_ =	sdelay $0x3  }
0x92: {  	_ =	strace s18  }
0x93: {  	s3 =	sld [smem:$0x3FFC];
	_ =	sdelay $0x3  }
0x94: {  	_ =	strace s3  }
0x95: {  	s3 =	sld [smem:$0x3FFD];
	_ =	sdelay $0x3  }
0x96: {  	_ =	strace s3  }
0x97: {  	_ =	strace $0x8FFFFFFF  }
0x98: {  	s19 =	sld [smem:$0x3FDB];
	_ =	sdelay $0x1  }
0x99: {  	s4 =	simm.s32 $_scs_section_size  }
0x9a: {  	s5 =	simm.s32 $_size__tile_overlayer_lowered;
	s6 =	simm.s32 $_tile_overlayer_lowered  }
0x9b: {  	s22 =	simm.s32 $0x1BFF;
	s21 =	sshll.u32 s6, $0x1;
	s3 =	sadd.s32 s4, s19  }
0x9c: {  	s7 =	simm.s32 $0x0;
	s20 =	sshll.u32 s5, $0x1;
	s5 =	sadd.s32 s21, s3  }
0x9d: {  	[timem:s7], [sflag:s22] =	dma.local [hbm:s5], s20  }
0x9e: {  	_ =	swait.ge [sflag:s22], s20  }
0x9f: {  	s4 =	ssub.s32 $0x0, s20;
	[sflag:s22] =	ssyncset.done $0x0  }
0xa0: {  	[sflag:s22] =	ssyncadd.s32 s4;
	_ =	sdelay $0x1  }
0xa1: {  	s23 =	simm.s32 $0x1B8B  }
0xa2: {  	_ =	swait.ge [sflag:s23], $0x1  }
0xa3: {  	[sflag:s23] =	ssyncset.done $0x0  }
0xa4: {  	s25 =	simm.s32 $0x1B8E;
	s24 =	sld [smem:$0x3FFE];
	[sflag:s23] =	ssyncadd.s32 $0xFFFFFFFF  }
0xa5: {  	s26 =	simm.s32 $execute0_lowered;
	[smem:$0x3FD2] =	sst s25  }
0xa6: {  	s5 =	sshll.u32 s26, $0x1;
	_ =	strace $0x80000046;
	[dreg:$0x1] =	wrdreg $0xFFFFFFFF  }
0xa7: {  	s28 =	simm.s32 $_size_execute0_lowered;
	s3 =	sadd.s32 s3, s5;
	[dreg:$0x0] =	wrdreg $0x0  }
0xa8: {  	s5 =	sshll.u32 s28, $0x1;
	[dreg:$0x2] =	wrdreg s3  }
0xa9: {  	[dreg:$0x3] =	wrdreg s5  }
0xaa: {  	[dreg:$0x4] =	wrdreg $0xC0  }
0xab: {  	_ =	task [dreg:s7], $0x5FFFF  }
0xac: {  	[dreg:$0x1] =	wrdreg $0xFFFFFFFF  }
0xad: {  	[dreg:$0x0] =	wrdreg $0x60  }
0xae: {  	[dreg:$0x2] =	wrdreg s2  }
0xaf: {  	[dreg:$0x3] =	wrdreg s24  }
0xb0: {  	[dreg:$0x4] =	wrdreg $0x9  }
0xb1: {  	_ =	task.clear_ibuf [dreg:s7], $0x5FFFF;
	_ =	strace $0x90000046  }
0xb2: {  	s29 =	simm.s32 $0x9;
	_ =	strace $0x80000048  }
0xb3: {  	_ =	swait.ge [sflag:s29], $0x1  }
0xb4: {  	[sflag:s29] =	ssyncadd.s32 $0xFFFFFFFF  }
0xb5: {  	_ =	strace $0x90000048  }
0xb6: {  	_ =	sfence  }
0xb7: {  	s30 =	sld [smem:$0x0];
	_ =	sdelay $0x2  }
0xb8: {  	s31 =	sshll.u32 s1, $0xD;
	s1 =	sshrl.u32 s1, $0x2  }
0xb9: {  	s3 =	sand.u32 $0x4000, s31;
	s1 =	sadd.s32 s1, s30  }
0xba: {  	s0 =	sor.u32 s3, s0;
	s1 =	sshll.u32 s1, $0x11  }
0xbb: {  	s0 =	sor.u32 s1, s0  }
0xbc: {  	s0 =	sadd.s32 $0x8F2B, s0  }
0xbd: {  	[sflag:s0] =	ssyncadd.remote.s32 $0x1  }
0xbe: {  	_ =	sfence.sel $0xFFFF  }
0xbf: {  	[dreg:$0x0] =	wrdreg $0xFFFFFFFF;
	(pc) =	sbr.abs _section_cstart, $3  }
0xc0: {  	[dreg:$0x1] =	wrdreg $0xFFFFFFFF  }
0xc1: {  	_ =	task.clear_ibuf [dreg:s7], $0x2FFFF;
	_ =	strace $0x9FFFFFFF  }
0xc2: {  	(tm) =	ssettm $0x7FFFFFFF  }
0xc3: {  	_ =	shalt  }
tec
execute0_lowered:
.L_overlay_start_1:
0x0: {  	(tag) =	ssettag $0x1  }
0x1: {  	v0 =	vimm.s32 $0x0;
	v1 =	vimm.s32 $0x4380;
	vm0 =	vcmask $0x300  }
0x2: {  	vm1 =	vcmask $0x704;
	v2 =	vimm.s32 $0xC380;
	v1 =	vsel vm0, $0x0, v1  }
0x3: {  	vm2 =	vcmask $0xB08;
	v2 =	vsel vm0, $0x8000, v2;
	v1 =	vsel vm1, $0x80, v1  }
0x4: {  	vm4 =	vcmask $0xF0C;
	v2 =	vsel vm1, $0x8080, v2;
	v1 =	vsel vm2, $0x100, v1  }
0x5: {  	vm5 =	vcmask $0x1310;
	v2 =	vsel vm2, $0x8100, v2;
	v1 =	vsel vm4, $0x180, v1  }
0x6: {  	vm6 =	vcmask $0x1714;
	s0 =	rddreg [dreg:$0x0];
	v2 =	vsel vm4, $0x8180, v2;
	v1 =	vsel vm5, $0x200, v1  }
0x7: {  	vm7 =	vcmask $0x1B18;
	s5 =	rddreg [dreg:$0x1];
	v2 =	vsel vm5, $0x8200, v2;
	v1 =	vsel vm6, $0x280, v1  }
0x8: {  	s1 =	srdreg.scid;
	vm8 =	vcmask $0x1F1C;
	s2 =	rddreg [dreg:$0x2];
	v2 =	vsel vm6, $0x8280, v2;
	v1 =	vsel vm7, $0x300, v1  }
0x9: {  	vm9 =	vcmask $0x2320;
	s3 =	simm.s32 $0x0;
	s12 =	simm.s32 $0x1;
	s4 =	sand.u32 $0x1, s1;
	v2 =	vsel vm7, $0x8300, v2;
	v1 =	vsel vm8, $0x380, v1  }
0xa: {  	vm10 =	vcmask $0x2724;
	s13 =	simm.s32 $0x18000;
	s1 =	stileid.u32;
	s6 =	sshll.u32 s4, $0x4;
	v2 =	vsel vm8, $0x8380, v2;
	v1 =	vsel vm9, $0x4000, v1  }
0xb: {  	vm11 =	vcmask $0x2B28;
	s14 =	simm.s32 $0x10000;
	s15 =	simm.s32 $0x2;
	s6 =	sor.u32 s1, s6;
	v2 =	vsel vm9, $0xC000, v2;
	v1 =	vsel vm10, $0x4080, v1  }
0xc: {  	vm12 =	vcmask $0x2F2C;
	s16 =	simm.s32 $0x3;
	s17 =	simm.s32 $0x0;
	s8 =	smul.u32 $0x2C000, s6;
	v2 =	vsel vm10, $0xC080, v2;
	v1 =	vsel vm11, $0x4100, v1  }
.Ltmp0:
0xd: {  	vm13 =	vcmask $0x3330;
	[smem:$0x7FF] =	sst s3;
	s7 =	ssub.s32 $0x2, s4;
	v2 =	vsel vm11, $0xC100, v2;
	v1 =	vsel vm12, $0x4180, v1;
	(pc) =	sbr.rel .LBB2_1-.Ltmp0, $4  }
0xe: {  	vm14 =	vcmask $0x3734;
	_ =	strace $0x80000047;
	s9 =	sshrl.u32 s7, $0x1;
	s10 =	smul.u32 $0x160000, s6;
	v2 =	vsel vm12, $0xC180, v2;
	v1 =	vsel vm13, $0x4200, v1  }
0xf: {  	vm15 =	vcmask $0x3B38;
	s4 =	sadd.s32 $0x400, s5;
	s11 =	ssub.s32 s7, s9;
	s6 =	smul.u32 $0x2C0, s6;
	v4 =	vsel vm13, $0xC200, v2;
	v3 =	vsel vm14, $0x4280, v1  }
0x10: {  	s5 =	sadd.s32 s0, s8;
	s8 =	sor.u32 $0x10000, s10;
	s9 =	sor.u32 $0x18000, s10;
	v1 =	vlaneseq.u32;
	v5 =	vsel vm14, $0xC280, v4;
	v4 =	vimm.s32 $0x1  }
0x11: {  	s10 =	smax.u32 s11, $0x1;
	s11 =	simm.s32 $0x8000;
	s7 =	sadd.s32 $0x1000, s5;
	v2 =	vsel vm15, $0x4300, v3;
	v3 =	vor.u32 $0x800, v1;
	v5 =	vsel vm15, $0xC300, v5  }
.LBB2_46:
0x12: {  	s17 =	sadd.s32 $0x1, s17  }
0x13: {  	p0 =	sne.s32 s17, s10  }
.Ltmp1:
0x14: {  	_ = 	snop;
	(pc) =	sbr.rel @!p0 .LBB2_47-.Ltmp1, $4  }
0x15: {  	_ = 	snop  }
0x16: {  	_ =	swait.ge [sflag:s16], $0x8000  }
0x17: {  	[sflag:s16] =	ssyncset.done $0x0  }
0x18: {  	[sflag:s16] =	ssyncadd.s32 $0xFFFF8000  }
.LBB2_1:
0x19: {  	s18 =	simm.s32 $0x18040  }
0x1a: {  	[tilespmem:s18+$0xFFFFFFC0] =	vst v0  }
0x1b: {  	[tilespmem:s18+$0x30] =	vst v0  }
0x1c: {  	[tilespmem:s18+$0x20] =	vst v0  }
0x1d: {  	[tilespmem:s18+$0x10] =	vst v0  }
0x1e: {  	[tilespmem:s18+$0x0] =	vst v0  }
0x1f: {  	[tilespmem:s18+$0xFFFFFFF0] =	vst v0  }
0x20: {  	s19 =	simm.s32 $0x0;
	[tilespmem:s18+$0xFFFFFFE0] =	vst v0  }
.LBB2_2:
0x21: {  	s19 =	sadd.s32 $0x8, s19;
	[tilespmem:s18+$0xFFFFFFD0] =	vst v0;
	s18 =	sadd.s32 $0x80, s18  }
0x22: {  	[tilespmem:s18+$0xFFFFFFC0] =	vst v0;
	p0 =	slt.u32 s19, $0xF8  }
0x23: {  	[tilespmem:s18+$0x30] =	vst v0  }
.Ltmp2:
0x24: {  	[tilespmem:s18+$0x20] =	vst v0;
	(pc) =	sbr.rel @p0 .LBB2_2-.Ltmp2, $4  }
0x25: {  	[tilespmem:s18+$0x10] =	vst v0  }
0x26: {  	[tilespmem:s18+$0x0] =	vst v0  }
0x27: {  	[tilespmem:s18+$0xFFFFFFF0] =	vst v0  }
0x28: {  	[tilespmem:s18+$0xFFFFFFE0] =	vst v0  }
0x29: {  	[tilespmem:s18+$0xFFFFFFD0] =	vst v0;
	s18 =	simm.s32 $0x0  }
0x2a: {  	[tilespmem:s18], [sflag:$0x1] =	stream.linear.gather [hbm4b:s5+s18], $0x8000, $0x38;
	[tilespmem:$0x19000] =	vst v63  }
0x2b: {  	s19 =	simm.s32 $0x0  }
0x2c: {  	[tilespmem:s11], [sflag:$0x2] =	stream.linear.gather [hbm4b:s7+s18], $0x8000, $0x38;
	[tilespmem:$0x19000] =	vst v63  }
.LBB2_4:
0x2d: {  	v7 =	vadd.s32 s18, v1  }
0x2e: {  	s20 =	simm.s32 $0x1;
	s21 =	simm.s32 $0x2;
	s22 =	simm.s32 $0x3;
	v8 =	vand.u32 $0x7F, v7;
	v7 =	vshll.u32 v7, $0x3  }
0x2f: {  	s29 =	simm.s32 $0x4;
	s30 =	simm.s32 $0x5;
	s31 =	simm.s32 $0x6;
	v9 =	vadd.s32 s20, v1;
	v10 =	vadd.s32 s21, v1;
	v11 =	vadd.s32 s22, v1  }
0x30: {  	s23 =	simm.s32 $0x7;
	v12 =	vadd.s32 s29, v1;
	v13 =	vadd.s32 s30, v1;
	v14 =	vadd.s32 s31, v1  }
0x31: {  	v16 =	vadd.s32 s23, v1;
	v7 =	vand.u32 $0x3C00, v7;
	v15 =	vand.u32 $0x7F, v9  }
0x32: {  	v17 =	vand.u32 $0x7F, v10;
	v18 =	vand.u32 $0x7F, v11;
	v19 =	vand.u32 $0x7F, v12  }
0x33: {  	v20 =	vand.u32 $0x7F, v13;
	v21 =	vand.u32 $0x7F, v14;
	v22 =	vand.u32 $0x7F, v16  }
0x34: {  	v9 =	vshll.u32 v9, $0x3;
	v10 =	vshll.u32 v10, $0x3;
	v11 =	vshll.u32 v11, $0x3  }
0x35: {  	v12 =	vshll.u32 v12, $0x3;
	v13 =	vshll.u32 v13, $0x3;
	v14 =	vshll.u32 v14, $0x3  }
0x36: {  	v7 =	vor.u32 v7, v8;
	v8 =	vand.u32 $0x3C00, v9;
	v9 =	vshll.u32 v16, $0x3  }
0x37: {  	v10 =	vand.u32 $0x3C00, v10;
	v7 =	vor.u32 v2, v7;
	v8 =	vor.u32 v8, v15  }
0x38: {  	v11 =	vand.u32 $0x3C00, v11;
	v10 =	vor.u32 v10, v17;
	v8 =	vor.u32 v2, v8  }
0x39: {  	_ =	swait.ge [sflag:s12], $0x8000;
	v12 =	vand.u32 $0x3C00, v12;
	v11 =	vor.u32 v11, v18;
	v10 =	vor.u32 v2, v10  }
0x3a: {  	[sflag:s12] =	ssyncset.done $0x0;
	v13 =	vand.u32 $0x3C00, v13;
	v12 =	vor.u32 v12, v19;
	v11 =	vor.u32 v2, v11  }
0x3b: {  	[sflag:s12] =	ssyncadd.s32 $0xFFFF8000;
	v13 =	vor.u32 v13, v20;
	v9 =	vand.u32 $0x3C00, v9;
	v12 =	vor.u32 v2, v12  }
0x3c: {  	v14 =	vand.u32 $0x3C00, v14;
	v13 =	vor.u32 v2, v13;
	v9 =	vor.u32 v9, v22;
	v7 =	vld.idx.msk [tilespmem:v7+s3+$0x0], $0xffff  }
0x3d: {  	v14 =	vor.u32 v14, v21;
	v9 =	vor.u32 v2, v9;
	v15 =	vld.idx.msk [tilespmem:v8+s3+$0x0], $0xffff  }
0x3e: {  	v8 =	vor.u32 v2, v14;
	v14 =	vld.idx.msk [tilespmem:v10+s3+$0x0], $0xffff  }
0x3f: {  	v16 =	vld.idx.msk [tilespmem:v11+s3+$0x0], $0xffff  }
0x40: {  	v17 =	vld.idx.msk [tilespmem:v12+s3+$0x0], $0xffff  }
0x41: {  	v13 =	vld.idx.msk [tilespmem:v13+s3+$0x0], $0xffff  }
0x42: {  	v6 =	vimm.f32 $-3.399999950e+38;
	v19 =	vld.idx.msk [tilespmem:v9+s3+$0x0], $0xffff  }
0x43: {  	vm0 =	vlt.s32 v7, $0x0;
	v10 =	vshra.s32 v7, $0x14;
	v7 =	vmax.f32 v6, v7  }
0x44: {  	v18 =	vld.idx.msk [tilespmem:v8+s3+$0x0], $0xffff;
	v6 =	vand.u32 $0xFFFFFFF0, v10;
	v8 =	vshra.s32 v15, $0x14;
	v7 =	vmax.f32 v7, v15  }
0x45: {  	vm1 =	vlt.s32 v15, $0x0;
	vm3 =	vlt.s32 v14, $0x0;
	vm4 =	vlt.s32 v16, $0x0  }
0x46: {  	vm5 =	vlt.s32 v17, $0x0;
	vm6 =	vlt.s32 v13, $0x0;
	v20 =	vand.u32 $0xFFFFFFF0, v8  }
0x47: {  	v8 =	vshra.s32 v14, $0x14;
	v7 =	vmax.f32 v7, v14;
	v9 =	vshra.s32 v19, $0x14  }
0x48: {  	v10 =	vxor.u32 $0x7F0, v6;
	v21 =	vand.u32 $0xFFFFFFF0, v8;
	v8 =	vshra.s32 v16, $0x14  }
0x49: {  	v7 =	vmax.f32 v7, v16;
	v25 =	vxor.u32 $0x7F0, v20;
	v9 =	vand.u32 $0xFFFFFFF0, v9  }
0x4a: {  	v22 =	vand.u32 $0xFFFFFFF0, v8;
	v8 =	vshra.s32 v17, $0x14;
	v7 =	vmax.f32 v7, v17  }
0x4b: {  	s24 =	simm.s32 $0x8;
	s26 =	simm.s32 $0xA;
	v26 =	vxor.u32 $0x7F0, v21;
	v11 =	vxor.u32 $0x7F0, v9;
	v14 =	vsel vm1, v25, v20  }
0x4c: {  	vm1 =	vlt.s32 v19, $0x0;
	v17 =	vadd.s32 s24, v1;
	v20 =	vadd.s32 s26, v1  }
0x4d: {  	v23 =	vand.u32 $0xFFFFFFF0, v8;
	v8 =	vshra.s32 v13, $0x14;
	v7 =	vmax.f32 v7, v13  }
0x4e: {  	s28 =	simm.s32 $0xB;
	v27 =	vxor.u32 $0x7F0, v22;
	v13 =	vsel vm3, v26, v21;
	v25 =	vshll.u32 v17, $0x3  }
0x4f: {  	v21 =	vadd.s32 s28, v1;
	v24 =	vand.u32 $0xFFFFFFF0, v8;
	v8 =	vshra.s32 v18, $0x14  }
0x50: {  	s29 =	simm.s32 $0xC;
	v7 =	vmax.f32 v7, v18;
	v28 =	vxor.u32 $0x7F0, v23;
	vm2 =	vlt.s32 v18, $0x0  }
0x51: {  	v16 =	vsel vm4, v27, v22;
	v18 =	vand.u32 $0x7F, v17;
	v22 =	vadd.s32 s29, v1  }
0x52: {  	s25 =	simm.s32 $0x9;
	s30 =	simm.s32 $0xD;
	v8 =	vand.u32 $0xFFFFFFF0, v8;
	v7 =	vmax.f32 v7, v19;
	v29 =	vxor.u32 $0x7F0, v24  }
0x53: {  	s31 =	simm.s32 $0xE;
	v15 =	vsel vm5, v28, v23;
	v19 =	vadd.s32 s25, v1;
	v23 =	vadd.s32 s30, v1  }
0x54: {  	s21 =	simm.s32 $0xF;
	s20 =	simm.s32 $0x10;
	v12 =	vxor.u32 $0x7F0, v8;
	v17 =	vsel vm6, v29, v24;
	v24 =	vadd.s32 s31, v1  }
.LBB2_5:
0x55: {  	p0 =	slt.u32 s20, $0x7F8;
	v25 =	vand.u32 $0x3C00, v25;
	v26 =	vand.u32 $0x7F, v19;
	v27 =	vadd.s32 s21, v1  }
0x56: {  	v28 =	vand.u32 $0x7F, v20;
	v29 =	vand.u32 $0x7F, v21;
	v30 =	vand.u32 $0x7F, v22  }
0x57: {  	v31 =	vand.u32 $0x7F, v23;
	v32 =	vand.u32 $0x7F, v24;
	v33 =	vand.u32 $0x7F, v27  }
0x58: {  	v19 =	vshll.u32 v19, $0x3;
	v20 =	vshll.u32 v20, $0x3;
	v21 =	vshll.u32 v21, $0x3  }
0x59: {  	v22 =	vshll.u32 v22, $0x3;
	v23 =	vshll.u32 v23, $0x3;
	v24 =	vshll.u32 v24, $0x3  }
0x5a: {  	v18 =	vor.u32 v25, v18;
	v19 =	vand.u32 $0x3C00, v19;
	v25 =	vshll.u32 v27, $0x3  }
0x5b: {  	v20 =	vand.u32 $0x3C00, v20;
	v18 =	vor.u32 v2, v18;
	v19 =	vor.u32 v19, v26  }
0x5c: {  	v21 =	vand.u32 $0x3C00, v21;
	v20 =	vor.u32 v20, v28;
	v19 =	vor.u32 v2, v19  }
0x5d: {  	v22 =	vand.u32 $0x3C00, v22;
	v21 =	vor.u32 v21, v29;
	v20 =	vor.u32 v2, v20  }
0x5e: {  	v23 =	vand.u32 $0x3C00, v23;
	v22 =	vor.u32 v22, v30;
	v21 =	vor.u32 v2, v21  }
0x5f: {  	v24 =	vand.u32 $0x3C00, v24;
	v23 =	vor.u32 v23, v31;
	v22 =	vor.u32 v2, v22  }
0x60: {  	v24 =	vor.u32 v24, v32;
	v25 =	vand.u32 $0x3C00, v25;
	v23 =	vor.u32 v2, v23;
	v18 =	vld.idx.msk [tilespmem:v18+s3+$0x0], $0xffff  }
0x61: {  	v8 =	vsel vm2, v12, v8;
	v24 =	vor.u32 v2, v24;
	v25 =	vor.u32 v25, v33;
	v19 =	vld.idx.msk [tilespmem:v19+s3+$0x0], $0xffff  }
0x62: {  	v6 =	vsel vm0, v10, v6;
	v9 =	vsel vm1, v11, v9;
	v12 =	vor.u32 v2, v25;
	v20 =	vld.idx.msk [tilespmem:v20+s3+$0x0], $0xffff  }
0x63: {  	v10 =	vadd.s32 v3, v14;
	v11 =	vadd.s32 v3, v13;
	v13 =	vadd.s32 v3, v16;
	v21 =	vld.idx.msk [tilespmem:v21+s3+$0x0], $0xffff  }
0x64: {  	v15 =	vadd.s32 v3, v15;
	v16 =	vadd.s32 v3, v17;
	v17 =	vadd.s32 v3, v8;
	v14 =	vld.idx.msk [tilespmem:v22+s3+$0x0], $0xffff  }
0x65: {  	v25 =	vadd.s32 v3, v9;
	v22 =	vld.idx.msk [tilespmem:v23+s3+$0x0], $0xffff;
	v23 =	vadd.s32 v3, v6  }
0x66: {  	vm0 =	vlt.s32 v18, $0x0;
	v6 =	vshra.s32 v18, $0x14;
	v7 =	vmax.f32 v7, v18;
	v18 =	vld.idx.msk [tilespmem:v24+s3+$0x0], $0xffff  }
0x67: {  	v6 =	vand.u32 $0xFFFFFFF0, v6;
	v8 =	vshra.s32 v19, $0x14;
	v7 =	vmax.f32 v7, v19;
	v24 =	vld.idx.msk [tilespmem:v12+s3+$0x0], $0xffff  }
0x68: {  	v26 =	vand.u32 $0xFFFFFFF0, v8;
	v8 =	vshra.s32 v20, $0x14;
	v7 =	vmax.f32 v7, v20;
	[tilespmem:v10+s13+$0x0] =	vst.idx.add.s32.msk $0xffff, v4  }
0x69: {  	v27 =	vand.u32 $0xFFFFFFF0, v8;
	v8 =	vshra.s32 v21, $0x14;
	v7 =	vmax.f32 v7, v21;
	[tilespmem:v11+s13+$0x0] =	vst.idx.add.s32.msk $0xffff, v4  }
0x6a: {  	v28 =	vand.u32 $0xFFFFFFF0, v8;
	v8 =	vshra.s32 v14, $0x14;
	v7 =	vmax.f32 v7, v14;
	[tilespmem:v13+s13+$0x0] =	vst.idx.add.s32.msk $0xffff, v4  }
0x6b: {  	v29 =	vand.u32 $0xFFFFFFF0, v8;
	v8 =	vshra.s32 v22, $0x14;
	v7 =	vmax.f32 v7, v22;
	[tilespmem:v15+s13+$0x0] =	vst.idx.add.s32.msk $0xffff, v4  }
0x6c: {  	v30 =	vand.u32 $0xFFFFFFF0, v8;
	v8 =	vshra.s32 v18, $0x14;
	v7 =	vmax.f32 v7, v18;
	[tilespmem:v16+s13+$0x0] =	vst.idx.add.s32.msk $0xffff, v4  }
0x6d: {  	v8 =	vand.u32 $0xFFFFFFF0, v8;
	v9 =	vshra.s32 v24, $0x14;
	v7 =	vmax.f32 v7, v24;
	[tilespmem:v17+s13+$0x0] =	vst.idx.add.s32.msk $0xffff, v4  }
0x6e: {  	v13 =	vxor.u32 $0x7F0, v26;
	v15 =	vxor.u32 $0x7F0, v27;
	v9 =	vand.u32 $0xFFFFFFF0, v9;
	[tilespmem:v25+s13+$0x0] =	vst.idx.add.s32.msk $0xffff, v4  }
0x6f: {  	v16 =	vxor.u32 $0x7F0, v28;
	v31 =	vxor.u32 $0x7F0, v30;
	v17 =	vxor.u32 $0x7F0, v29;
	[tilespmem:v23+s13+$0x0] =	vst.idx.add.s32.msk $0xffff, v4  }
0x70: {  	v10 =	vxor.u32 $0x7F0, v6;
	v12 =	vxor.u32 $0x7F0, v8;
	v11 =	vxor.u32 $0x7F0, v9  }
0x71: {  	vm1 =	vlt.s32 v19, $0x0;
	vm3 =	vlt.s32 v20, $0x0;
	vm4 =	vlt.s32 v21, $0x0  }
0x72: {  	vm5 =	vlt.s32 v14, $0x0;
	vm6 =	vlt.s32 v22, $0x0;
	vm2 =	vlt.s32 v18, $0x0  }
.Ltmp3:
0x73: {  	v14 =	vsel vm1, v13, v26;
	v13 =	vsel vm3, v15, v27;
	vm1 =	vlt.s32 v24, $0x0;
	(pc) =	sbr.rel @p0 .LBB2_5-.Ltmp3, $4  }
0x74: {  	v19 =	vadd.s32 s20, v1;
	v16 =	vsel vm4, v16, v28;
	v15 =	vsel vm5, v17, v29  }
0x75: {  	s21 =	sadd.s32 $0x1, s20;
	s22 =	sadd.s32 $0x2, s20;
	s23 =	sadd.s32 $0x3, s20;
	v18 =	vand.u32 $0x7F, v19;
	v25 =	vshll.u32 v19, $0x3;
	v17 =	vsel vm6, v31, v30  }
0x76: {  	v20 =	vadd.s32 s22, v1;
	s22 =	sadd.s32 $0x5, s20;
	v21 =	vadd.s32 s23, v1;
	s23 =	sadd.s32 $0x6, s20;
	v19 =	vadd.s32 s21, v1;
	s21 =	sadd.s32 $0x4, s20  }
0x77: {  	v24 =	vadd.s32 s23, v1;
	v22 =	vadd.s32 s21, v1;
	v23 =	vadd.s32 s22, v1;
	s21 =	sadd.s32 $0x7, s20;
	s20 =	sadd.s32 $0x8, s20  }
0x78: {  	v25 =	vand.u32 $0x3C00, v25;
	v26 =	vand.u32 $0x7F, v19;
	v28 =	vand.u32 $0x7F, v20  }
0x79: {  	v29 =	vand.u32 $0x7F, v21;
	v30 =	vand.u32 $0x7F, v22;
	v31 =	vand.u32 $0x7F, v23  }
0x7a: {  	v32 =	vand.u32 $0x7F, v24;
	v42 =	vshll.u32 v19, $0x3;
	v43 =	vshll.u32 v20, $0x3  }
0x7b: {  	v44 =	vshll.u32 v21, $0x3;
	v45 =	vshll.u32 v22, $0x3;
	v46 =	vshll.u32 v23, $0x3  }
0x7c: {  	v47 =	vshll.u32 v24, $0x3;
	v18 =	vor.u32 v25, v18;
	v19 =	vand.u32 $0x3C00, v42  }
0x7d: {  	v20 =	vand.u32 $0x3C00, v43;
	v18 =	vor.u32 v2, v18;
	v19 =	vor.u32 v19, v26  }
0x7e: {  	v21 =	vand.u32 $0x3C00, v44;
	v20 =	vor.u32 v20, v28;
	v19 =	vor.u32 v2, v19  }
0x7f: {  	v22 =	vand.u32 $0x3C00, v45;
	v21 =	vor.u32 v21, v29;
	v20 =	vor.u32 v2, v20  }
0x80: {  	v23 =	vand.u32 $0x3C00, v46;
	v22 =	vor.u32 v22, v30;
	v21 =	vor.u32 v2, v21  }
0x81: {  	v24 =	vand.u32 $0x3C00, v47;
	v23 =	vor.u32 v23, v31;
	v22 =	vor.u32 v2, v22  }
0x82: {  	v27 =	vadd.s32 s21, v1;
	v24 =	vor.u32 v24, v32;
	v23 =	vor.u32 v2, v23;
	v18 =	vld.idx.msk [tilespmem:v18+s3+$0x0], $0xffff  }
0x83: {  	v48 =	vshll.u32 v27, $0x3;
	v24 =	vor.u32 v2, v24;
	v19 =	vld.idx.msk [tilespmem:v19+s3+$0x0], $0xffff  }
0x84: {  	v49 =	vand.u32 $0x7F, v27;
	v25 =	vand.u32 $0x3C00, v48;
	v20 =	vld.idx.msk [tilespmem:v20+s3+$0x0], $0xffff  }
0x85: {  	v25 =	vor.u32 v25, v49;
	v21 =	vld.idx.msk [tilespmem:v21+s3+$0x0], $0xffff  }
0x86: {  	v8 =	vsel vm2, v12, v8;
	v9 =	vsel vm1, v11, v9;
	v12 =	vor.u32 v2, v25;
	v11 =	vld.idx.msk [tilespmem:v22+s3+$0x0], $0xffff  }
0x87: {  	v6 =	vsel vm0, v10, v6;
	v10 =	vadd.s32 v3, v14;
	v14 =	vadd.s32 v3, v16;
	v16 =	vld.idx.msk [tilespmem:v23+s3+$0x0], $0xffff  }
0x88: {  	v13 =	vadd.s32 v3, v13;
	v15 =	vadd.s32 v3, v15;
	v50 =	vld.idx.msk [tilespmem:v24+s3+$0x0], $0xffff  }
0x89: {  	v17 =	vadd.s32 v3, v17;
	v8 =	vadd.s32 v3, v8;
	v6 =	vadd.s32 v3, v6  }
0x8a: {  	v9 =	vadd.s32 v3, v9;
	vm0 =	vlt.s32 v18, $0x0;
	v51 =	vshra.s32 v18, $0x14  }
0x8b: {  	v12 =	vld.idx.msk [tilespmem:v12+s3+$0x0], $0xffff;
	v7 =	vmax.f32 v7, v18;
	v52 =	vand.u32 $0xFFFFFFF0, v51;
	v53 =	vshra.s32 v19, $0x14  }
0x8c: {  	v7 =	vmax.f32 v7, v19;
	v54 =	vshra.s32 v20, $0x14;
	v55 =	vshra.s32 v21, $0x14  }
0x8d: {  	v56 =	vshra.s32 v11, $0x14;
	v57 =	vshra.s32 v16, $0x14;
	v58 =	vshra.s32 v50, $0x14  }
0x8e: {  	vm1 =	vlt.s32 v19, $0x0;
	vm2 =	vlt.s32 v20, $0x0;
	v23 =	vand.u32 $0xFFFFFFF0, v53  }
0x8f: {  	v24 =	vand.u32 $0xFFFFFFF0, v54;
	v25 =	vand.u32 $0xFFFFFFF0, v55;
	v26 =	vand.u32 $0xFFFFFFF0, v56  }
0x90: {  	v27 =	vand.u32 $0xFFFFFFF0, v57;
	v28 =	vand.u32 $0xFFFFFFF0, v58;
	v59 =	vshra.s32 v12, $0x14  }
0x91: {  	[tilespmem:v10+s13+$0x0] =	vst.idx.add.s32.msk $0xffff, v4;
	v60 =	vxor.u32 $0x7F0, v23;
	v61 =	vxor.u32 $0x7F0, v24;
	v10 =	vand.u32 $0xFFFFFFF0, v59  }
0x92: {  	[tilespmem:v13+s13+$0x0] =	vst.idx.add.s32.msk $0xffff, v4;
	v62 =	vxor.u32 $0x7F0, v25;
	v63 =	vxor.u32 $0x7F0, v26;
	v13 =	vxor.u32 $0x7F0, v27  }
0x93: {  	[tilespmem:v14+s13+$0x0] =	vst.idx.add.s32.msk $0xffff, v4;
	v33 =	vxor.u32 $0x7F0, v28;
	v14 =	vxor.u32 $0x7F0, v10;
	v19 =	vsel vm1, v60, v23  }
0x94: {  	[tilespmem:v15+s13+$0x0] =	vst.idx.add.s32.msk $0xffff, v4;
	vm1 =	vlt.s32 v21, $0x0;
	v15 =	vsel vm2, v61, v24;
	v19 =	vadd.s32 v3, v19  }
0x95: {  	[tilespmem:v17+s13+$0x0] =	vst.idx.add.s32.msk $0xffff, v4;
	vm2 =	vlt.s32 v11, $0x0;
	v17 =	vsel vm1, v62, v25;
	v15 =	vadd.s32 v3, v15  }
0x96: {  	[tilespmem:v8+s13+$0x0] =	vst.idx.add.s32.msk $0xffff, v4;
	vm1 =	vlt.s32 v16, $0x0;
	v8 =	vsel vm2, v63, v26;
	v17 =	vadd.s32 v3, v17  }
0x97: {  	[tilespmem:v9+s13+$0x0] =	vst.idx.add.s32.msk $0xffff, v4;
	vm2 =	vlt.s32 v50, $0x0;
	v9 =	vsel vm1, v13, v27;
	v8 =	vadd.s32 v3, v8  }
0x98: {  	[tilespmem:v6+s13+$0x0] =	vst.idx.add.s32.msk $0xffff, v4;
	vm1 =	vlt.s32 v12, $0x0;
	v6 =	vsel vm2, v33, v28;
	v9 =	vadd.s32 v3, v9  }
0x99: {  	v13 =	vxor.u32 $0x7F0, v52;
	v10 =	vsel vm1, v14, v10;
	v6 =	vadd.s32 v3, v6;
	[tilespmem:v19+s13+$0x0] =	vst.idx.add.s32.msk $0xffff, v4  }
0x9a: {  	v13 =	vsel vm0, v13, v52;
	v10 =	vadd.s32 v3, v10;
	[tilespmem:v15+s13+$0x0] =	vst.idx.add.s32.msk $0xffff, v4  }
0x9b: {  	s21 =	sshll.u32 s19, $0x5;
	v13 =	vadd.s32 v3, v13;
	[tilespmem:v17+s13+$0x0] =	vst.idx.add.s32.msk $0xffff, v4  }
0x9c: {  	s22 =	sadd.s32 s6, s21;
	[tilespmem:v8+s13+$0x0] =	vst.idx.add.s32.msk $0xffff, v4  }
0x9d: {  	s20 =	sshrl.u32 s22, $0xB;
	[tilespmem:v9+s13+$0x0] =	vst.idx.add.s32.msk $0xffff, v4  }
0x9e: {  	s20 =	sand.u32 $0x3, s20;
	[tilespmem:v6+s13+$0x0] =	vst.idx.add.s32.msk $0xffff, v4  }
0x9f: {  	s23 =	simm.s32 $0x28;
	p0 =	seq.s32 s20, $0x2;
	p1 =	seq.s32 s20, $0x1;
	[tilespmem:v10+s13+$0x0] =	vst.idx.add.s32.msk $0xffff, v4  }
0xa0: {  	s23 =	simm.s32 @!p0 $0x1F4;
	p0 =	seq.s32 s20, $0x0;
	s20 =	simm.s32 $0x18FF0;
	[tilespmem:v13+s13+$0x0] =	vst.idx.add.s32.msk $0xffff, v4  }
0xa1: {  	v7 =	vmax.f32 v7, v20;
	v9 =	vld [tilespmem:s20+$0x0]  }
0xa2: {  	v7 =	vmax.f32 v7, v21  }
0xa3: {  	v7 =	vmax.f32 v7, v11;
	v10 =	vld [tilespmem:s20+$0xFFFFFFF0]  }
0xa4: {  	s23 =	simm.s32 @p1 $0x14;
	v7 =	vmax.f32 v7, v16;
	v11 =	vld [tilespmem:s20+$0xFFFFFFE0]  }
0xa5: {  	s23 =	simm.s32 @p0 $0xA;
	v8 =	vimm.s32 $0x0;
	v6 =	vmax.f32 v7, v50  }
0xa6: {  	v7 =	vmov s23;
	v6 =	vmax.f32 v6, v12;
	v12 =	vld [tilespmem:s20+$0xFFFFFFD0];
	v13 =	vadd.s32 v8, v9  }
0xa7: {  	vm0 =	vge.s32 v13, v7  }
0xa8: {  	v13 =	vadd.s32 v13, v10;
	v14 =	vsel vm0, $0x1, v0  }
0xa9: {  	v9 =	vsel vm0, $0x0, v9;
	vm0 =	vge.s32 v13, v7;
	v13 =	vadd.s32 v13, v11  }
0xaa: {  	v16 =	vld [tilespmem:s20+$0xFFFFFFC0];
	v14 =	vadd.s32 v14, v8;
	v9 =	vadd.s32 v8, v9;
	v15 =	vsel vm0, $0x1, v0  }
0xab: {  	[tilespmem:s20+$0x0] =	vst v0;
	v8 =	vld [tilespmem:s20+$0xFFFFFFB0];
	v10 =	vsel vm0, $0x0, v10;
	vm0 =	vge.s32 v13, v7;
	v13 =	vadd.s32 v13, v12  }
0xac: {  	[tilespmem:s20+$0xFFFFFFE0] =	vst v0;
	v14 =	vadd.s32 v15, v14;
	v9 =	vadd.s32 v10, v9;
	v10 =	vsel vm0, $0x1, v0  }
0xad: {  	[tilespmem:s20+$0xFFFFFFD0] =	vst v0;
	v11 =	vsel vm0, $0x0, v11;
	vm0 =	vge.s32 v13, v7;
	v14 =	vadd.s32 v10, v14;
	v10 =	vld [tilespmem:s20+$0xFFFFFFA0]  }
0xae: {  	[tilespmem:s20+$0xFFFFFFC0] =	vst v0;
	v9 =	vadd.s32 v11, v9;
	v11 =	vsel vm0, $0x0, v12  }
0xaf: {  	[tilespmem:s20+$0xFFFFFFB0] =	vst v0;
	v13 =	vadd.s32 v13, v16;
	v12 =	vsel vm0, $0x1, v0;
	v11 =	vadd.s32 v11, v9;
	v9 =	vld [tilespmem:s20+$0xFFFFFF90]  }
0xb0: {  	[tilespmem:s20+$0xFFFFFFA0] =	vst v0;
	vm0 =	vge.s32 v13, v7;
	v12 =	vadd.s32 v12, v14;
	v13 =	vadd.s32 v13, v8  }
0xb1: {  	s24 =	simm.s32 $0x18F70;
	s23 =	simm.s32 $0x0;
	[tilespmem:s20+$0xFFFFFF90] =	vst v0;
	v15 =	vsel vm0, $0x1, v0;
	v14 =	vsel vm0, $0x0, v16;
	vm0 =	vge.s32 v13, v7  }
.LBB2_7:
0xb2: {  	v16 =	vld [tilespmem:s24+$0x0];
	s23 =	sadd.s32 $0x8, s23;
	[tilespmem:s20+$0xFFFFFFF0] =	vst v0;
	v12 =	vadd.s32 v15, v12;
	v8 =	vsel vm0, $0x0, v8;
	v13 =	vadd.s32 v13, v10;
	s20 =	smov.u32 s24  }
0xb3: {  	v11 =	vadd.s32 v14, v11;
	v14 =	vsel vm0, $0x1, v0;
	[tilespmem:s24+$0x0] =	vst v0;
	v15 =	vld [tilespmem:s24+$0xFFFFFFF0];
	p0 =	slt.u32 s23, $0xF8;
	vm0 =	vge.s32 v13, v7  }
0xb4: {  	v12 =	vadd.s32 v14, v12;
	v10 =	vsel vm0, $0x0, v10;
	v13 =	vadd.s32 v13, v9  }
0xb5: {  	v8 =	vadd.s32 v8, v11;
	v11 =	vsel vm0, $0x1, v0;
	v14 =	vld [tilespmem:s24+$0xFFFFFFE0];
	vm0 =	vge.s32 v13, v7  }
0xb6: {  	v11 =	vadd.s32 v11, v12;
	v10 =	vadd.s32 v10, v8;
	[tilespmem:s24+$0xFFFFFFE0] =	vst v0;
	v17 =	vld [tilespmem:s24+$0xFFFFFFD0];
	v8 =	vsel vm0, $0x1, v0  }
0xb7: {  	v9 =	vsel vm0, $0x0, v9;
	v12 =	vadd.s32 v13, v16;
	[tilespmem:s24+$0xFFFFFFD0] =	vst v0;
	v11 =	vadd.s32 v8, v11  }
0xb8: {  	v9 =	vadd.s32 v9, v10;
	vm0 =	vge.s32 v12, v7;
	v12 =	vadd.s32 v12, v15;
	v8 =	vld [tilespmem:s24+$0xFFFFFFB0]  }
0xb9: {  	v10 =	vsel vm0, $0x1, v0;
	v13 =	vsel vm0, $0x0, v16;
	vm0 =	vge.s32 v12, v7;
	v16 =	vld [tilespmem:s24+$0xFFFFFFC0];
	[tilespmem:s24+$0xFFFFFFB0] =	vst v0  }
0xba: {  	v10 =	vadd.s32 v10, v11;
	v9 =	vadd.s32 v9, v13;
	v11 =	vadd.s32 v12, v14;
	[tilespmem:s24+$0xFFFFFFC0] =	vst v0  }
0xbb: {  	v12 =	vsel vm0, $0x1, v0;
	v13 =	vsel vm0, $0x0, v15;
	vm0 =	vge.s32 v11, v7  }
0xbc: {  	v12 =	vadd.s32 v12, v10;
	v15 =	vadd.s32 v11, v17;
	v14 =	vsel vm0, $0x0, v14;
	v10 =	vld [tilespmem:s24+$0xFFFFFFA0]  }
.Ltmp4:
0xbd: {  	v9 =	vadd.s32 v13, v9;
	v11 =	vsel vm0, $0x1, v0;
	vm0 =	vge.s32 v15, v7;
	[tilespmem:s24+$0xFFFFFFA0] =	vst v0;
	(pc) =	sbr.rel @p0 .LBB2_7-.Ltmp4, $4  }
0xbe: {  	v12 =	vadd.s32 v11, v12;
	v9 =	vadd.s32 v14, v9;
	v11 =	vsel vm0, $0x0, v17  }
0xbf: {  	v13 =	vsel vm0, $0x1, v0;
	v11 =	vadd.s32 v11, v9;
	v14 =	vadd.s32 v15, v16;
	v9 =	vld [tilespmem:s24+$0xFFFFFF90]  }
0xc0: {  	v12 =	vadd.s32 v13, v12;
	vm0 =	vge.s32 v14, v7;
	v13 =	vadd.s32 v14, v8;
	[tilespmem:s24+$0xFFFFFF90] =	vst v0  }
0xc1: {  	v15 =	vsel vm0, $0x1, v0;
	v14 =	vsel vm0, $0x0, v16;
	vm0 =	vge.s32 v13, v7;
	s24 =	sadd.s32 $0xFFFFFF80, s24  }
0xc2: {  	v12 =	vadd.s32 v15, v12;
	v8 =	vsel vm0, $0x0, v8  }
0xc3: {  	v13 =	vadd.s32 v13, v10;
	v11 =	vadd.s32 v14, v11;
	v14 =	vsel vm0, $0x1, v0  }
0xc4: {  	s28 =	simm.s32 $0x4;
	s29 =	simm.s32 $0x3;
	s30 =	simm.s32 $0x0;
	vm0 =	vge.s32 v13, v7;
	v12 =	vadd.s32 v14, v12;
	v8 =	vadd.s32 v8, v11  }
0xc5: {  	v15 =	vadd.s32 s28, v1;
	v17 =	vadd.s32 s29, v1;
	v18 =	vadd.s32 s30, v1  }
0xc6: {  	v13 =	vadd.s32 v13, v9;
	v10 =	vsel vm0, $0x0, v10;
	v14 =	vsel vm0, $0x1, v0  }
0xc7: {  	s28 =	simm.s32 $0xB;
	s29 =	simm.s32 $0xF;
	v19 =	vshll.u32 v18, $0x3;
	v20 =	vshll.u32 v15, $0x3;
	v18 =	vand.u32 $0x7F, v18  }
0xc8: {  	v15 =	vand.u32 $0x7F, v15;
	v24 =	vadd.s32 s29, v1;
	v25 =	vadd.s32 s28, v1  }
0xc9: {  	s26 =	simm.s32 $0x7;
	vm0 =	vge.s32 v13, v7;
	v11 =	vadd.s32 v14, v12;
	v8 =	vadd.s32 v10, v8  }
0xca: {  	v14 =	vadd.s32 s26, v1;
	v19 =	vand.u32 $0x3C00, v19;
	v20 =	vand.u32 $0x3C00, v20  }
0xcb: {  	v26 =	vshll.u32 v24, $0x3;
	v24 =	vand.u32 $0x7F, v24;
	v12 =	vsel vm0, $0x1, v0  }
0xcc: {  	v9 =	vsel vm0, $0x0, v9;
	v16 =	vshll.u32 v14, $0x3;
	v18 =	vor.u32 v19, v18  }
0xcd: {  	s31 =	simm.s32 $0x6;
	s26 =	simm.s32 $0xD;
	v19 =	vshll.u32 v17, $0x3;
	v15 =	vor.u32 v20, v15;
	v17 =	vand.u32 $0x7F, v17  }
0xce: {  	s24 =	simm.s32 $0x1;
	v20 =	vadd.s32 s31, v1;
	v23 =	vadd.s32 s26, v1;
	v26 =	vand.u32 $0x3C00, v26  }
0xcf: {  	s25 =	simm.s32 $0x2;
	v10 =	vadd.s32 v12, v11;
	v9 =	vadd.s32 v9, v8;
	v11 =	vadd.s32 s24, v1  }
0xd0: {  	v12 =	vadd.s32 s25, v1;
	v18 =	vor.u32 v2, v18;
	v19 =	vand.u32 $0x3C00, v19  }
0xd1: {  	s23 =	simm.s32 $0x5;
	v15 =	vor.u32 v2, v15;
	v24 =	vor.u32 v26, v24;
	v29 =	vshll.u32 v23, $0x3  }
0xd2: {  	v23 =	vand.u32 $0x7F, v23;
	v8 =	vadd.s32 $0xFFFFFF7F, v10;
	v10 =	vadd.s32 s23, v1  }
0xd3: {  	v17 =	vor.u32 v19, v17;
	v19 =	vand.u32 $0x7F, v20;
	v20 =	vshll.u32 v20, $0x3  }
0xd4: {  	v24 =	vor.u32 v2, v24;
	v29 =	vand.u32 $0x3C00, v29;
	v13 =	vshll.u32 v10, $0x3  }
0xd5: {  	v10 =	vand.u32 $0x7F, v10;
	v20 =	vand.u32 $0x3C00, v20;
	v23 =	vor.u32 v29, v23  }
0xd6: {  	v13 =	vand.u32 $0x3C00, v13;
	v19 =	vor.u32 v20, v19;
	v23 =	vor.u32 v2, v23  }
0xd7: {  	v10 =	vor.u32 v13, v10;
	v13 =	vand.u32 $0x7F, v14;
	v14 =	vand.u32 $0x3C00, v16  }
0xd8: {  	v16 =	vshll.u32 v11, $0x3;
	v11 =	vand.u32 $0x7F, v11;
	v10 =	vor.u32 v2, v10  }
0xd9: {  	[tilespmem:s20+$0xFFFFFFF0] =	vst v0;
	v13 =	vor.u32 v14, v13;
	v14 =	vand.u32 $0x7F, v12;
	v12 =	vshll.u32 v12, $0x3  }
0xda: {  	v16 =	vand.u32 $0x3C00, v16;
	v18 =	vld.idx.msk [tilespmem:v18+s3+$0x0], $0xffff;
	v13 =	vor.u32 v2, v13;
	v12 =	vand.u32 $0x3C00, v12  }
0xdb: {  	s30 =	simm.s32 $0x8;
	v15 =	vld.idx.msk [tilespmem:v15+s3+$0x0], $0xffff;
	v11 =	vor.u32 v16, v11;
	v12 =	vor.u32 v12, v14;
	v14 =	vor.u32 v2, v19  }
0xdc: {  	v54 =	vadd.s32 s30, v1;
	v32 =	vshll.u32 v25, $0x3;
	v24 =	vld.idx.msk [tilespmem:v24+s3+$0x0], $0xffff;
	v11 =	vor.u32 v2, v11  }
0xdd: {  	v25 =	vand.u32 $0x7F, v25;
	s31 =	simm.s32 $0xE;
	v32 =	vand.u32 $0x3C00, v32;
	v12 =	vor.u32 v2, v12;
	v23 =	vld.idx.msk [tilespmem:v23+s3+$0x0], $0xffff  }
0xde: {  	v55 =	vshll.u32 v54, $0x3;
	s25 =	simm.s32 $0xC;
	v56 =	vadd.s32 s31, v1;
	v25 =	vor.u32 v32, v25;
	v10 =	vld.idx.msk [tilespmem:v10+s3+$0x0], $0xffff  }
0xdf: {  	v22 =	vadd.s32 s25, v1;
	v25 =	vor.u32 v2, v25;
	v58 =	vand.u32 $0x7F, v56;
	v13 =	vld.idx.msk [tilespmem:v13+s3+$0x0], $0xffff  }
0xe0: {  	v59 =	vshll.u32 v56, $0x3;
	v17 =	vor.u32 v2, v17;
	v30 =	vshll.u32 v22, $0x3;
	v14 =	vld.idx.msk [tilespmem:v14+s3+$0x0], $0xffff  }
0xe1: {  	v22 =	vand.u32 $0x7F, v22;
	v29 =	vand.u32 $0x7F, v54;
	v30 =	vand.u32 $0x3C00, v30;
	v11 =	vld.idx.msk [tilespmem:v11+s3+$0x0], $0xffff  }
0xe2: {  	v22 =	vor.u32 v30, v22;
	v19 =	vxor.u32 $0x7FFFFFFF, v18;
	vm3 =	vlt.s32 v15, $0x0;
	v12 =	vld.idx.msk [tilespmem:v12+s3+$0x0], $0xffff  }
0xe3: {  	vm6 =	vlt.s32 v24, $0x0;
	v21 =	vxor.u32 $0x7FFFFFFF, v10;
	vm0 =	vlt.s32 v10, $0x0  }
0xe4: {  	v60 =	vxor.u32 $0x7FFFFFFF, v23;
	v10 =	vsel vm0, v21, v10;
	vm0 =	vlt.s32 v13, $0x0  }
0xe5: {  	v20 =	vshra.s32 v10, $0x18;
	v10 =	vshrl.u32 v10, $0xC;
	v27 =	vxor.u32 $0x7FFFFFFF, v14  }
0xe6: {  	vm5 =	vlt.s32 v11, $0x0;
	v53 =	vxor.u32 $0x7FFFFFFF, v11;
	vm1 =	veq.s32 v20, v8  }
0xe7: {  	v10 =	vand.u32 $0xFF0, v10;
	v20 =	vxor.u32 $0x7FFFFFFF, v13;
	vm4 =	vlt.s32 v12, $0x0  }
0xe8: {  	v11 =	vsel vm5, v53, v11;
	v31 =	vxor.u32 $0x7FFFFFFF, v12;
	vm5 =	vlt.s32 v23, $0x0  }
0xe9: {  	v10 =	vor.u32 v1, v10;
	v13 =	vsel vm0, v20, v13;
	vm0 =	vlt.s32 v18, $0x0  }
0xea: {  	v17 =	vld.idx.msk [tilespmem:v17+s3+$0x0], $0xffff;
	v20 =	vxor.u32 $0x7FFFFFFF, v15;
	v12 =	vsel vm4, v31, v12;
	v31 =	vand.u32 $0x3C00, v55  }
0xeb: {  	v57 =	vshra.s32 v11, $0x18;
	v11 =	vshrl.u32 v11, $0xC;
	v23 =	vsel vm5, v60, v23  }
0xec: {  	s24 =	simm.s32 $0xA;
	v16 =	vshrl.u32 v13, $0xC;
	v13 =	vshra.s32 v13, $0x18;
	v15 =	vsel vm3, v20, v15  }
0xed: {  	v20 =	vadd.s32 s24, v1;
	v29 =	vor.u32 v31, v29;
	v61 =	vshrl.u32 v12, $0xC  }
0xee: {  	v30 =	vshra.s32 v23, $0x18;
	v12 =	vshra.s32 v12, $0x18;
	vm2 =	veq.s32 v13, v8  }
0xef: {  	v13 =	vand.u32 $0xFF0, v16;
	v16 =	vsel vm0, v19, v18;
	v18 =	vxor.u32 $0x7FFFFFFF, v17  }
0xf0: {  	vm0 =	vlt.s32 v17, $0x0;
	v28 =	vand.u32 $0x7F, v20;
	v52 =	vshrl.u32 v15, $0xC  }
0xf1: {  	v20 =	vshll.u32 v20, $0x3;
	v15 =	vshra.s32 v15, $0x18;
	vm7 =	veq.s32 v30, v8  }
0xf2: {  	s23 =	simm.s32 $0x9;
	v19 =	vor.u32 v1, v13;
	v13 =	vshra.s32 v16, $0x18;
	v16 =	vshrl.u32 v16, $0xC  }
0xf3: {  	v17 =	vsel vm0, v18, v17;
	v18 =	vadd.s32 s23, v1;
	vm0 =	vlt.s32 v14, $0x0  }
0xf4: {  	v26 =	vand.u32 $0xFF0, v52;
	vm4 =	veq.s32 v15, v8;
	v15 =	vor.u32 v2, v29  }
0xf5: {  	v20 =	vand.u32 $0x3C00, v20;
	v21 =	vshra.s32 v17, $0x18;
	vm3 =	veq.s32 v13, v8  }
0xf6: {  	v13 =	vshll.u32 v18, $0x3;
	v16 =	vand.u32 $0xFF0, v16;
	v18 =	vand.u32 $0x7F, v18  }
0xf7: {  	v26 =	vor.u32 v1, v26;
	v27 =	vsel vm0, v27, v14;
	v14 =	vor.u32 v2, v22  }
0xf8: {  	v22 =	vand.u32 $0x3C00, v59;
	vm0 =	veq.s32 v57, v8;
	v17 =	vshrl.u32 v17, $0xC  }
0xf9: {  	v13 =	vand.u32 $0x3C00, v13;
	v16 =	vor.u32 v1, v16;
	v22 =	vor.u32 v22, v58  }
0xfa: {  	vm5 =	veq.s32 v21, v8;
	v21 =	vshrl.u32 v23, $0xC;
	[tilespmem:v10+s13+$0x0] =	vst.idx.add.s32.msk vm1, v4;
	v10 =	vxor.u32 $0x7FFFFFFF, v24  }
0xfb: {  	vm1 =	veq.s32 v12, v8;
	v17 =	vand.u32 $0xFF0, v17;
	v21 =	vand.u32 $0xFF0, v21  }
0xfc: {  	v10 =	vsel vm6, v10, v24;
	v12 =	vor.u32 v13, v18;
	v18 =	vor.u32 v20, v28;
	v23 =	vld.idx.msk [tilespmem:v15+s3+$0x0], $0xffff  }
0xfd: {  	v11 =	vand.u32 $0xFF0, v11;
	v63 =	vor.u32 v1, v17;
	v21 =	vor.u32 v1, v21;
	[tilespmem:v19+s13+$0x0] =	vst.idx.add.s32.msk vm2, v4  }
0xfe: {  	v17 =	vor.u32 v1, v11;
	v20 =	vshrl.u32 v10, $0xC;
	v13 =	vor.u32 v2, v12;
	v62 =	vld.idx.msk [tilespmem:v14+s3+$0x0], $0xffff  }
0xff: {  	v12 =	vor.u32 v2, v22;
	v22 =	vor.u32 v2, v18;
	v18 =	vshrl.u32 v27, $0xC;
	v14 =	vld.idx.msk [tilespmem:v25+s3+$0x0], $0xffff  }
0x100: {  	v15 =	vand.u32 $0xFF0, v61;
	v18 =	vand.u32 $0xFF0, v18;
	v19 =	vshra.s32 v10, $0x18;
	[tilespmem:v26+s13+$0x0] =	vst.idx.add.s32.msk vm4, v4  }
0x101: {  	v15 =	vor.u32 v1, v15;
	vm2 =	veq.s32 v19, v8;
	[tilespmem:v16+s13+$0x0] =	vst.idx.add.s32.msk vm3, v4;
	v16 =	vshra.s32 v27, $0x18  }
0x102: {  	v18 =	vor.u32 v1, v18;
	vm3 =	veq.s32 v16, v8;
	[tilespmem:v21+s13+$0x0] =	vst.idx.add.s32.msk vm7, v4;
	v21 =	vand.u32 $0xFF0, v20  }
0x103: {  	[tilespmem:v63+s13+$0x0] =	vst.idx.add.s32.msk vm5, v4;
	vm6 =	vlt.s32 v23, $0x0;
	v11 =	vxor.u32 $0x7FFFFFFF, v23;
	v16 =	vxor.u32 $0x7FFFFFFF, v62  }
0x104: {  	v10 =	vld.idx.msk [tilespmem:v12+s3+$0x0], $0xffff;
	v19 =	vsel vm6, v11, v23;
	vm4 =	vlt.s32 v62, $0x0;
	v20 =	vxor.u32 $0x7FFFFFFF, v14  }
0x105: {  	s20 =	simm.s32 $0x10;
	v11 =	vld.idx.msk [tilespmem:v22+s3+$0x0], $0xffff;
	vm6 =	vlt.s32 v14, $0x0;
	v12 =	vsel vm4, v16, v62;
	v16 =	vor.u32 v1, v21  }
.LBB2_9:
0x106: {  	s24 =	sadd.s32 $0x1, s20  }
0x107: {  	s25 =	sadd.s32 $0x2, s20;
	s26 =	sadd.s32 $0x3, s20;
	v21 =	vshra.s32 v19, $0x18;
	v19 =	vshrl.u32 v19, $0xC;
	v14 =	vsel vm6, v20, v14;
	[tilespmem:v17+s13+$0x0] =	vst.idx.add.s32.msk vm0, v4;
	s23 =	smov.u32 s20  }
0x108: {  	s28 =	sadd.s32 $0x6, s20;
	v17 =	vadd.s32 s24, v1;
	v20 =	vadd.s32 s25, v1;
	s24 =	sadd.s32 $0x4, s20;
	s25 =	sadd.s32 $0x5, s20;
	v22 =	vshra.s32 v14, $0x18;
	[tilespmem:v15+s13+$0x0] =	vst.idx.add.s32.msk vm1, v4  }
0x109: {  	p0 =	slt.u32 s20, $0x7F8;
	s20 =	sadd.s32 $0x8, s20;
	vm0 =	veq.s32 v21, v8;
	v15 =	vadd.s32 s24, v1;
	v23 =	vadd.s32 s25, v1;
	s24 =	sadd.s32 $0x7, s23;
	[tilespmem:v18+s13+$0x0] =	vst.idx.add.s32.msk vm3, v4  }
0x10a: {  	vm1 =	vlt.s32 v10, $0x0;
	v18 =	vshll.u32 v17, $0x3;
	v21 =	vadd.s32 s24, v1;
	v13 =	vld.idx.msk [tilespmem:v13+s3+$0x0], $0xffff  }
0x10b: {  	v24 =	vadd.s32 s26, v1;
	vm3 =	vlt.s32 v11, $0x0;
	v25 =	vshll.u32 v21, $0x3;
	[tilespmem:v16+s13+$0x0] =	vst.idx.add.s32.msk vm2, v4  }
0x10c: {  	v16 =	vand.u32 $0x7F, v21;
	v21 =	vand.u32 $0x3C00, v25;
	v25 =	vxor.u32 $0x7FFFFFFF, v10  }
0x10d: {  	v26 =	vand.u32 $0x7F, v20;
	v16 =	vor.u32 v21, v16;
	v21 =	vshrl.u32 v12, $0xC  }
0x10e: {  	v19 =	vand.u32 $0xFF0, v19;
	v27 =	vshll.u32 v23, $0x3;
	v16 =	vor.u32 v2, v16  }
0x10f: {  	v20 =	vshll.u32 v20, $0x3;
	v18 =	vand.u32 $0x3C00, v18;
	v21 =	vand.u32 $0xFF0, v21  }
0x110: {  	v23 =	vand.u32 $0x7F, v23;
	v27 =	vand.u32 $0x3C00, v27;
	vm2 =	vlt.s32 v13, $0x0  }
0x111: {  	v19 =	vor.u32 v1, v19;
	v28 =	vshll.u32 v15, $0x3;
	v23 =	vor.u32 v27, v23  }
0x112: {  	v17 =	vand.u32 $0x7F, v17;
	v23 =	vor.u32 v2, v23;
	v27 =	vxor.u32 $0x7FFFFFFF, v13  }
0x113: {  	v15 =	vand.u32 $0x7F, v15;
	v28 =	vand.u32 $0x3C00, v28;
	v13 =	vsel vm2, v27, v13;
	v16 =	vld.idx.msk [tilespmem:v16+s3+$0x0], $0xffff  }
0x114: {  	v29 =	vadd.s32 s28, v1;
	v27 =	vand.u32 $0x7F, v24;
	v30 =	vshra.s32 v13, $0x18  }
0x115: {  	v31 =	vadd.s32 s23, v1;
	v24 =	vshll.u32 v24, $0x3;
	v32 =	vshrl.u32 v13, $0xC  }
0x116: {  	v12 =	vshra.s32 v12, $0x18;
	v13 =	vand.u32 $0x7F, v31;
	v31 =	vshll.u32 v31, $0x3  }
0x117: {  	vm2 =	veq.s32 v12, v8;
	v24 =	vand.u32 $0x3C00, v24;
	v31 =	vand.u32 $0x3C00, v31;
	v23 =	vld.idx.msk [tilespmem:v23+s3+$0x0], $0xffff  }
0x118: {  	v12 =	vor.u32 v31, v13;
	v13 =	vor.u32 v24, v27;
	v24 =	vxor.u32 $0x7FFFFFFF, v11  }
0x119: {  	v20 =	vand.u32 $0x3C00, v20;
	v21 =	vor.u32 v1, v21;
	v12 =	vor.u32 v2, v12  }
0x11a: {  	v27 =	vand.u32 $0x7F, v29;
	v13 =	vor.u32 v2, v13;
	v11 =	vsel vm3, v24, v11  }
0x11b: {  	v15 =	vor.u32 v28, v15;
	v10 =	vsel vm1, v25, v10;
	v24 =	vshll.u32 v29, $0x3  }
0x11c: {  	v15 =	vor.u32 v2, v15;
	v24 =	vand.u32 $0x3C00, v24;
	[tilespmem:v19+s13+$0x0] =	vst.idx.add.s32.msk vm0, v4;
	vm0 =	veq.s32 v30, v8  }
0x11d: {  	v25 =	vshrl.u32 v14, $0xC;
	v19 =	vxor.u32 $0x7FFFFFFF, v23;
	vm1 =	vlt.s32 v23, $0x0  }
0x11e: {  	v19 =	vsel vm1, v19, v23;
	v23 =	vor.u32 v24, v27;
	v24 =	vshrl.u32 v11, $0xC;
	v12 =	vld.idx.msk [tilespmem:v12+s3+$0x0], $0xffff  }
0x11f: {  	vm4 =	veq.s32 v22, v8;
	vm1 =	vlt.s32 v16, $0x0;
	v27 =	vshra.s32 v19, $0x18  }
0x120: {  	vm3 =	veq.s32 v27, v8;
	v14 =	vld.idx.msk [tilespmem:v13+s3+$0x0], $0xffff;
	v13 =	vshrl.u32 v19, $0xC;
	v19 =	vand.u32 $0xFF0, v24  }
0x121: {  	v22 =	vxor.u32 $0x7FFFFFFF, v16;
	v11 =	vshra.s32 v11, $0x18;
	v13 =	vand.u32 $0xFF0, v13  }
0x122: {  	v16 =	vsel vm1, v22, v16;
	vm1 =	veq.s32 v11, v8;
	v24 =	vor.u32 v1, v13  }
0x123: {  	v11 =	vor.u32 v18, v17;
	v17 =	vor.u32 v20, v26;
	v18 =	vshrl.u32 v16, $0xC;
	v22 =	vld.idx.msk [tilespmem:v15+s3+$0x0], $0xffff  }
0x124: {  	v20 =	vand.u32 $0xFF0, v25;
	v13 =	vor.u32 v2, v11;
	v11 =	vor.u32 v2, v23  }
0x125: {  	v23 =	vor.u32 v2, v17;
	v17 =	vshrl.u32 v10, $0xC;
	v15 =	vand.u32 $0xFF0, v32  }
0x126: {  	v10 =	vshra.s32 v10, $0x18;
	vm5 =	vlt.s32 v12, $0x0;
	[tilespmem:v21+s13+$0x0] =	vst.idx.add.s32.msk vm2, v4;
	v21 =	vand.u32 $0xFF0, v17  }
0x127: {  	v25 =	vor.u32 v1, v20;
	v17 =	vor.u32 v1, v15;
	v15 =	vor.u32 v1, v19  }
.Ltmp5:
0x128: {  	v16 =	vshra.s32 v16, $0x18;
	v19 =	vxor.u32 $0x7FFFFFFF, v12;
	[tilespmem:v24+s13+$0x0] =	vst.idx.add.s32.msk vm3, v4;
	vm3 =	veq.s32 v10, v8;
	(pc) =	sbr.rel @p0 .LBB2_9-.Ltmp5, $4  }
0x129: {  	vm2 =	veq.s32 v16, v8;
	v16 =	vand.u32 $0xFF0, v18;
	v24 =	vxor.u32 $0x7FFFFFFF, v22;
	v10 =	vld.idx.msk [tilespmem:v11+s3+$0x0], $0xffff  }
0x12a: {  	v19 =	vsel vm5, v19, v12;
	v18 =	vor.u32 v1, v21;
	vm5 =	vlt.s32 v22, $0x0  }
0x12b: {  	v20 =	vxor.u32 $0x7FFFFFFF, v14;
	v16 =	vor.u32 v1, v16;
	v12 =	vsel vm5, v24, v22;
	v11 =	vld.idx.msk [tilespmem:v23+s3+$0x0], $0xffff  }
0x12c: {  	vm6 =	vlt.s32 v14, $0x0;
	[tilespmem:v25+s13+$0x0] =	vst.idx.add.s32.msk vm4, v4  }
0x12d: {  	_ =	sdelay $0x1  }
0x12e: {  	v21 =	vshra.s32 v19, $0x18;
	v19 =	vshrl.u32 v19, $0xC;
	v14 =	vsel vm6, v20, v14  }
0x12f: {  	v60 =	vshra.s32 v12, $0x18;
	v12 =	vshrl.u32 v12, $0xC;
	vm4 =	veq.s32 v21, v8  }
0x130: {  	v13 =	vld.idx.msk [tilespmem:v13+s3+$0x0], $0xffff;
	v59 =	vshra.s32 v14, $0x18;
	vm13 =	vlt.s32 v10, $0x0;
	vm14 =	veq.s32 v60, v8  }
0x131: {  	v61 =	vxor.u32 $0x7FFFFFFF, v10;
	v19 =	vand.u32 $0xFF0, v19;
	v12 =	vand.u32 $0xFF0, v12  }
0x132: {  	v14 =	vshrl.u32 v14, $0xC;
	v19 =	vor.u32 v1, v19;
	v10 =	vsel vm13, v61, v10  }
0x133: {  	v12 =	vor.u32 v1, v12;
	vm12 =	vlt.s32 v11, $0x0;
	v58 =	vxor.u32 $0x7FFFFFFF, v11  }
0x134: {  	vm7 =	veq.s32 v59, v8;
	v14 =	vand.u32 $0xFF0, v14;
	v11 =	vsel vm12, v58, v11  }
0x135: {  	vm5 =	vlt.s32 v13, $0x0;
	v57 =	vxor.u32 $0x7FFFFFFF, v13;
	v63 =	vshrl.u32 v11, $0xC  }
0x136: {  	[tilespmem:v17+s13+$0x0] =	vst.idx.add.s32.msk vm0, v4;
	v11 =	vshra.s32 v11, $0x18;
	v13 =	vsel vm5, v57, v13;
	v17 =	vand.u32 $0xFF0, v63  }
0x137: {  	vm0 =	veq.s32 v11, v8;
	v62 =	vshra.s32 v13, $0x18;
	v13 =	vshrl.u32 v13, $0xC  }
0x138: {  	[tilespmem:v15+s13+$0x0] =	vst.idx.add.s32.msk vm1, v4;
	v15 =	vor.u32 v1, v17;
	vm15 =	veq.s32 v62, v8;
	v11 =	vand.u32 $0xFF0, v13  }
0x139: {  	[tilespmem:v18+s13+$0x0] =	vst.idx.add.s32.msk vm3, v4;
	v13 =	vor.u32 v1, v14;
	v14 =	vshrl.u32 v10, $0xC;
	v10 =	vshra.s32 v10, $0x18  }
0x13a: {  	[tilespmem:v16+s13+$0x0] =	vst.idx.add.s32.msk vm2, v4;
	v11 =	vor.u32 v1, v11;
	v14 =	vand.u32 $0xFF0, v14;
	vm1 =	veq.s32 v10, v8  }
0x13b: {  	[tilespmem:v19+s13+$0x0] =	vst.idx.add.s32.msk vm4, v4;
	v10 =	vor.u32 v1, v14  }
0x13c: {  	[tilespmem:v12+s13+$0x0] =	vst.idx.add.s32.msk vm14, v4  }
0x13d: {  	[tilespmem:v15+s13+$0x0] =	vst.idx.add.s32.msk vm0, v4  }
0x13e: {  	[tilespmem:v13+s13+$0x0] =	vst.idx.add.s32.msk vm7, v4  }
0x13f: {  	[tilespmem:v11+s13+$0x0] =	vst.idx.add.s32.msk vm15, v4  }
0x140: {  	s20 =	simm.s32 $0x18FF0;
	[tilespmem:v10+s13+$0x0] =	vst.idx.add.s32.msk vm1, v4  }
0x141: {  	v10 =	vld [tilespmem:s20+$0x0];
	_ =	sdelay $0x1  }
0x142: {  	v11 =	vld [tilespmem:s20+$0xFFFFFFF0];
	_ =	sdelay $0x1  }
0x143: {  	v13 =	vimm.s32 $0x0;
	v12 =	vld [tilespmem:s20+$0xFFFFFFE0]  }
0x144: {  	v7 =	vsub.s32 v7, v9;
	v9 =	vadd.s32 v13, v10  }
0x145: {  	v14 =	vld [tilespmem:s20+$0xFFFFFFD0];
	vm0 =	vge.s32 v9, v7  }
0x146: {  	v9 =	vadd.s32 v9, v11;
	v15 =	vsel vm0, $0x1, v0  }
0x147: {  	v10 =	vsel vm0, $0x0, v10;
	vm0 =	vge.s32 v9, v7;
	v15 =	vadd.s32 v15, v13  }
0x148: {  	v17 =	vld [tilespmem:s20+$0xFFFFFFC0];
	v10 =	vadd.s32 v13, v10;
	v13 =	vadd.s32 v9, v12;
	v16 =	vsel vm0, $0x1, v0  }
0x149: {  	[tilespmem:s20+$0x0] =	vst v0;
	v9 =	vld [tilespmem:s20+$0xFFFFFFB0];
	v11 =	vsel vm0, $0x0, v11;
	vm0 =	vge.s32 v13, v7;
	v15 =	vadd.s32 v16, v15  }
0x14a: {  	[tilespmem:s20+$0xFFFFFFE0] =	vst v0;
	v13 =	vadd.s32 v13, v14;
	v10 =	vadd.s32 v11, v10;
	v11 =	vsel vm0, $0x1, v0  }
0x14b: {  	[tilespmem:s20+$0xFFFFFFD0] =	vst v0;
	v12 =	vsel vm0, $0x0, v12;
	vm0 =	vge.s32 v13, v7;
	v15 =	vadd.s32 v11, v15;
	v11 =	vld [tilespmem:s20+$0xFFFFFFA0]  }
0x14c: {  	[tilespmem:s20+$0xFFFFFFC0] =	vst v0;
	v10 =	vadd.s32 v12, v10;
	v12 =	vsel vm0, $0x0, v14  }
0x14d: {  	[tilespmem:s20+$0xFFFFFFB0] =	vst v0;
	v16 =	vadd.s32 v13, v17;
	v14 =	vsel vm0, $0x1, v0;
	v12 =	vadd.s32 v12, v10;
	v10 =	vld [tilespmem:s20+$0xFFFFFF90]  }
0x14e: {  	[tilespmem:s20+$0xFFFFFFA0] =	vst v0;
	vm0 =	vge.s32 v16, v7;
	v13 =	vadd.s32 v14, v15;
	v14 =	vadd.s32 v16, v9  }
0x14f: {  	s23 =	simm.s32 $0x0;
	s24 =	simm.s32 $0x18F70;
	[tilespmem:s20+$0xFFFFFF90] =	vst v0;
	v15 =	vsel vm0, $0x0, v17;
	v16 =	vsel vm0, $0x1, v0;
	vm0 =	vge.s32 v14, v7  }
.LBB2_11:
0x150: {  	v17 =	vld [tilespmem:s24+$0x0];
	s23 =	sadd.s32 $0x8, s23;
	[tilespmem:s20+$0xFFFFFFF0] =	vst v0;
	v13 =	vadd.s32 v16, v13;
	v9 =	vsel vm0, $0x0, v9;
	v14 =	vadd.s32 v14, v11;
	s20 =	smov.u32 s24  }
0x151: {  	v12 =	vadd.s32 v15, v12;
	v15 =	vsel vm0, $0x1, v0;
	[tilespmem:s24+$0x0] =	vst v0;
	v16 =	vld [tilespmem:s24+$0xFFFFFFF0];
	p0 =	slt.u32 s23, $0xF8;
	vm0 =	vge.s32 v14, v7  }
0x152: {  	v13 =	vadd.s32 v15, v13;
	v11 =	vsel vm0, $0x0, v11;
	v14 =	vadd.s32 v14, v10  }
0x153: {  	v9 =	vadd.s32 v9, v12;
	v12 =	vsel vm0, $0x1, v0;
	v15 =	vld [tilespmem:s24+$0xFFFFFFE0];
	vm0 =	vge.s32 v14, v7  }
0x154: {  	v12 =	vadd.s32 v12, v13;
	v11 =	vadd.s32 v11, v9;
	[tilespmem:s24+$0xFFFFFFE0] =	vst v0;
	v18 =	vld [tilespmem:s24+$0xFFFFFFD0];
	v9 =	vsel vm0, $0x1, v0  }
0x155: {  	v10 =	vsel vm0, $0x0, v10;
	v13 =	vadd.s32 v14, v17;
	[tilespmem:s24+$0xFFFFFFD0] =	vst v0;
	v12 =	vadd.s32 v9, v12  }
0x156: {  	v10 =	vadd.s32 v10, v11;
	vm0 =	vge.s32 v13, v7;
	v13 =	vadd.s32 v13, v16;
	v9 =	vld [tilespmem:s24+$0xFFFFFFB0]  }
0x157: {  	v11 =	vsel vm0, $0x1, v0;
	v14 =	vsel vm0, $0x0, v17;
	vm0 =	vge.s32 v13, v7;
	v17 =	vld [tilespmem:s24+$0xFFFFFFC0];
	[tilespmem:s24+$0xFFFFFFB0] =	vst v0  }
0x158: {  	v11 =	vadd.s32 v11, v12;
	v10 =	vadd.s32 v10, v14;
	v12 =	vadd.s32 v13, v15;
	[tilespmem:s24+$0xFFFFFFC0] =	vst v0  }
0x159: {  	v13 =	vsel vm0, $0x1, v0;
	v14 =	vsel vm0, $0x0, v16;
	vm0 =	vge.s32 v12, v7  }
0x15a: {  	v13 =	vadd.s32 v13, v11;
	v16 =	vadd.s32 v12, v18;
	v15 =	vsel vm0, $0x0, v15;
	v11 =	vld [tilespmem:s24+$0xFFFFFFA0]  }
.Ltmp6:
0x15b: {  	v10 =	vadd.s32 v14, v10;
	v12 =	vsel vm0, $0x1, v0;
	vm0 =	vge.s32 v16, v7;
	[tilespmem:s24+$0xFFFFFFA0] =	vst v0;
	(pc) =	sbr.rel @p0 .LBB2_11-.Ltmp6, $4  }
0x15c: {  	v13 =	vadd.s32 v12, v13;
	v10 =	vadd.s32 v15, v10;
	v12 =	vsel vm0, $0x0, v18  }
0x15d: {  	v14 =	vsel vm0, $0x1, v0;
	v12 =	vadd.s32 v12, v10;
	v15 =	vadd.s32 v16, v17;
	v10 =	vld [tilespmem:s24+$0xFFFFFF90]  }
0x15e: {  	v13 =	vadd.s32 v14, v13;
	vm0 =	vge.s32 v15, v7;
	v14 =	vadd.s32 v15, v9;
	[tilespmem:s24+$0xFFFFFF90] =	vst v0  }
0x15f: {  	v16 =	vsel vm0, $0x1, v0;
	v15 =	vsel vm0, $0x0, v17;
	vm0 =	vge.s32 v14, v7;
	s24 =	sadd.s32 $0xFFFFFF80, s24  }
0x160: {  	v13 =	vadd.s32 v16, v13  }
0x161: {  	v9 =	vsel vm0, $0x0, v9;
	v14 =	vadd.s32 v14, v11;
	v12 =	vadd.s32 v15, v12  }
0x162: {  	v15 =	vsel vm0, $0x1, v0;
	v8 =	vshll.u32 v8, $0x8;
	s29 =	simm.s32 $0x3;
	vm0 =	vge.s32 v14, v7  }
0x163: {  	s30 =	simm.s32 $0x0;
	v13 =	vadd.s32 v15, v13;
	v9 =	vadd.s32 v9, v12;
	v17 =	vadd.s32 s29, v1  }
0x164: {  	v18 =	vadd.s32 s30, v1;
	v14 =	vadd.s32 v14, v10;
	v11 =	vsel vm0, $0x0, v11  }
0x165: {  	s29 =	simm.s32 $0xF;
	s30 =	simm.s32 $0x8;
	v15 =	vsel vm0, $0x1, v0;
	v19 =	vshll.u32 v18, $0x3;
	v18 =	vand.u32 $0x7F, v18  }
0x166: {  	s26 =	simm.s32 $0x7;
	v24 =	vadd.s32 s29, v1;
	v54 =	vadd.s32 s30, v1;
	vm0 =	vge.s32 v14, v7  }
0x167: {  	s28 =	simm.s32 $0x4;
	v12 =	vadd.s32 v15, v13;
	v9 =	vadd.s32 v11, v9;
	v14 =	vadd.s32 s26, v1  }
0x168: {  	v15 =	vadd.s32 s28, v1;
	v19 =	vand.u32 $0x3C00, v19;
	v26 =	vshll.u32 v24, $0x3  }
0x169: {  	v24 =	vand.u32 $0x7F, v24;
	v13 =	vsel vm0, $0x1, v0;
	v10 =	vsel vm0, $0x0, v10  }
0x16a: {  	v16 =	vshll.u32 v14, $0x3;
	v20 =	vshll.u32 v15, $0x3;
	v15 =	vand.u32 $0x7F, v15  }
0x16b: {  	s26 =	simm.s32 $0xD;
	v18 =	vor.u32 v19, v18;
	v19 =	vshll.u32 v17, $0x3;
	v17 =	vand.u32 $0x7F, v17  }
0x16c: {  	s23 =	simm.s32 $0x5;
	s25 =	simm.s32 $0x2;
	v23 =	vadd.s32 s26, v1;
	v26 =	vand.u32 $0x3C00, v26;
	v11 =	vadd.s32 v13, v12  }
0x16d: {  	v9 =	vadd.s32 v10, v9;
	v10 =	vadd.s32 s23, v1;
	v12 =	vadd.s32 s25, v1  }
0x16e: {  	v20 =	vand.u32 $0x3C00, v20;
	v18 =	vor.u32 v2, v18;
	v19 =	vand.u32 $0x3C00, v19  }
0x16f: {  	v24 =	vor.u32 v26, v24;
	v29 =	vshll.u32 v23, $0x3;
	v23 =	vand.u32 $0x7F, v23  }
0x170: {  	s31 =	simm.s32 $0x6;
	v11 =	vadd.s32 $0xFFFFFFFF, v11;
	v13 =	vshll.u32 v10, $0x3;
	v10 =	vand.u32 $0x7F, v10  }
0x171: {  	v15 =	vor.u32 v20, v15;
	v20 =	vadd.s32 s31, v1;
	v17 =	vor.u32 v19, v17  }
0x172: {  	s24 =	simm.s32 $0x1;
	v24 =	vor.u32 v2, v24;
	v29 =	vand.u32 $0x3C00, v29;
	v8 =	vor.u32 v8, v11  }
0x173: {  	v11 =	vadd.s32 s24, v1;
	v13 =	vand.u32 $0x3C00, v13;
	v15 =	vor.u32 v2, v15  }
0x174: {  	v19 =	vand.u32 $0x7F, v20;
	v20 =	vshll.u32 v20, $0x3;
	v23 =	vor.u32 v29, v23  }
0x175: {  	v10 =	vor.u32 v13, v10;
	v13 =	vand.u32 $0x7F, v14;
	v14 =	vand.u32 $0x3C00, v16  }
0x176: {  	v16 =	vshll.u32 v11, $0x3;
	v11 =	vand.u32 $0x7F, v11;
	v20 =	vand.u32 $0x3C00, v20  }
0x177: {  	v23 =	vor.u32 v2, v23;
	v10 =	vor.u32 v2, v10;
	v13 =	vor.u32 v14, v13  }
0x178: {  	[tilespmem:s20+$0xFFFFFFF0] =	vst v0;
	v14 =	vand.u32 $0x7F, v12;
	v16 =	vand.u32 $0x3C00, v16;
	v12 =	vshll.u32 v12, $0x3  }
0x179: {  	v19 =	vor.u32 v20, v19;
	v13 =	vor.u32 v2, v13;
	v12 =	vand.u32 $0x3C00, v12;
	v18 =	vld.idx.msk [tilespmem:v18+s3+$0x0], $0xffff  }
0x17a: {  	s28 =	simm.s32 $0xB;
	v11 =	vor.u32 v16, v11;
	v12 =	vor.u32 v12, v14;
	v14 =	vor.u32 v2, v19;
	v24 =	vld.idx.msk [tilespmem:v24+s3+$0x0], $0xffff  }
0x17b: {  	v55 =	vshll.u32 v54, $0x3;
	v25 =	vadd.s32 s28, v1;
	v11 =	vor.u32 v2, v11;
	v15 =	vld.idx.msk [tilespmem:v15+s3+$0x0], $0xffff  }
0x17c: {  	s25 =	simm.s32 $0xC;
	v32 =	vshll.u32 v25, $0x3;
	v25 =	vand.u32 $0x7F, v25;
	v12 =	vor.u32 v2, v12;
	v23 =	vld.idx.msk [tilespmem:v23+s3+$0x0], $0xffff  }
0x17d: {  	v22 =	vadd.s32 s25, v1;
	v32 =	vand.u32 $0x3C00, v32;
	v17 =	vor.u32 v2, v17;
	v10 =	vld.idx.msk [tilespmem:v10+s3+$0x0], $0xffff  }
0x17e: {  	s31 =	simm.s32 $0xE;
	v30 =	vshll.u32 v22, $0x3;
	v22 =	vand.u32 $0x7F, v22;
	v29 =	vand.u32 $0x7F, v54;
	v13 =	vld.idx.msk [tilespmem:v13+s3+$0x0], $0xffff  }
0x17f: {  	v56 =	vadd.s32 s31, v1;
	v25 =	vor.u32 v32, v25;
	v30 =	vand.u32 $0x3C00, v30;
	v14 =	vld.idx.msk [tilespmem:v14+s3+$0x0], $0xffff  }
0x180: {  	v25 =	vor.u32 v2, v25;
	v58 =	vand.u32 $0x7F, v56;
	v59 =	vshll.u32 v56, $0x3;
	v11 =	vld.idx.msk [tilespmem:v11+s3+$0x0], $0xffff  }
0x181: {  	v22 =	vor.u32 v30, v22;
	v19 =	vxor.u32 $0x7FFFFFFF, v18;
	vm6 =	vlt.s32 v24, $0x0;
	v12 =	vld.idx.msk [tilespmem:v12+s3+$0x0], $0xffff  }
0x182: {  	vm3 =	vlt.s32 v15, $0x0;
	v21 =	vxor.u32 $0x7FFFFFFF, v10;
	vm0 =	vlt.s32 v10, $0x0  }
0x183: {  	v60 =	vxor.u32 $0x7FFFFFFF, v23;
	v10 =	vsel vm0, v21, v10;
	vm0 =	vlt.s32 v13, $0x0  }
0x184: {  	v20 =	vshra.s32 v10, $0x10;
	v10 =	vshrl.u32 v10, $0x4;
	v27 =	vxor.u32 $0x7FFFFFFF, v14  }
0x185: {  	vm5 =	vlt.s32 v11, $0x0;
	v53 =	vxor.u32 $0x7FFFFFFF, v11;
	vm1 =	veq.s32 v20, v8  }
0x186: {  	v10 =	vand.u32 $0xFF0, v10;
	v20 =	vxor.u32 $0x7FFFFFFF, v13;
	vm4 =	vlt.s32 v12, $0x0  }
0x187: {  	v11 =	vsel vm5, v53, v11;
	v31 =	vxor.u32 $0x7FFFFFFF, v12;
	vm5 =	vlt.s32 v23, $0x0  }
0x188: {  	v10 =	vor.u32 v1, v10;
	v13 =	vsel vm0, v20, v13;
	vm0 =	vlt.s32 v18, $0x0  }
0x189: {  	v17 =	vld.idx.msk [tilespmem:v17+s3+$0x0], $0xffff;
	v20 =	vxor.u32 $0x7FFFFFFF, v15;
	v12 =	vsel vm4, v31, v12;
	v31 =	vand.u32 $0x3C00, v55  }
0x18a: {  	v57 =	vshra.s32 v11, $0x10;
	v11 =	vshrl.u32 v11, $0x4;
	v23 =	vsel vm5, v60, v23  }
0x18b: {  	s24 =	simm.s32 $0xA;
	v16 =	vshrl.u32 v13, $0x4;
	v13 =	vshra.s32 v13, $0x10;
	v15 =	vsel vm3, v20, v15  }
0x18c: {  	v20 =	vadd.s32 s24, v1;
	v29 =	vor.u32 v31, v29;
	v61 =	vshrl.u32 v12, $0x4  }
0x18d: {  	v30 =	vshra.s32 v23, $0x10;
	v12 =	vshra.s32 v12, $0x10;
	vm2 =	veq.s32 v13, v8  }
0x18e: {  	v13 =	vand.u32 $0xFF0, v16;
	v16 =	vsel vm0, v19, v18;
	v18 =	vxor.u32 $0x7FFFFFFF, v17  }
0x18f: {  	vm0 =	vlt.s32 v17, $0x0;
	v28 =	vand.u32 $0x7F, v20;
	v52 =	vshrl.u32 v15, $0x4  }
0x190: {  	v20 =	vshll.u32 v20, $0x3;
	v15 =	vshra.s32 v15, $0x10;
	vm7 =	veq.s32 v30, v8  }
0x191: {  	s23 =	simm.s32 $0x9;
	v19 =	vor.u32 v1, v13;
	v13 =	vshra.s32 v16, $0x10;
	v16 =	vshrl.u32 v16, $0x4  }
0x192: {  	v17 =	vsel vm0, v18, v17;
	v18 =	vadd.s32 s23, v1;
	vm0 =	vlt.s32 v14, $0x0  }
0x193: {  	v26 =	vand.u32 $0xFF0, v52;
	vm4 =	veq.s32 v15, v8;
	v15 =	vor.u32 v2, v29  }
0x194: {  	v20 =	vand.u32 $0x3C00, v20;
	v21 =	vshra.s32 v17, $0x10;
	vm3 =	veq.s32 v13, v8  }
0x195: {  	v13 =	vshll.u32 v18, $0x3;
	v16 =	vand.u32 $0xFF0, v16;
	v18 =	vand.u32 $0x7F, v18  }
0x196: {  	v26 =	vor.u32 v1, v26;
	v27 =	vsel vm0, v27, v14;
	v14 =	vor.u32 v2, v22  }
0x197: {  	v22 =	vand.u32 $0x3C00, v59;
	vm0 =	veq.s32 v57, v8;
	v17 =	vshrl.u32 v17, $0x4  }
0x198: {  	v13 =	vand.u32 $0x3C00, v13;
	v16 =	vor.u32 v1, v16;
	v22 =	vor.u32 v22, v58  }
0x199: {  	vm5 =	veq.s32 v21, v8;
	v21 =	vshrl.u32 v23, $0x4;
	[tilespmem:v10+s13+$0x0] =	vst.idx.add.s32.msk vm1, v4;
	v10 =	vxor.u32 $0x7FFFFFFF, v24  }
0x19a: {  	vm1 =	veq.s32 v12, v8;
	v17 =	vand.u32 $0xFF0, v17;
	v21 =	vand.u32 $0xFF0, v21  }
0x19b: {  	v10 =	vsel vm6, v10, v24;
	v12 =	vor.u32 v13, v18;
	v18 =	vor.u32 v20, v28;
	v23 =	vld.idx.msk [tilespmem:v15+s3+$0x0], $0xffff  }
0x19c: {  	v11 =	vand.u32 $0xFF0, v11;
	v63 =	vor.u32 v1, v17;
	v21 =	vor.u32 v1, v21;
	[tilespmem:v19+s13+$0x0] =	vst.idx.add.s32.msk vm2, v4  }
0x19d: {  	v17 =	vor.u32 v1, v11;
	v20 =	vshrl.u32 v10, $0x4;
	v13 =	vor.u32 v2, v12;
	v62 =	vld.idx.msk [tilespmem:v14+s3+$0x0], $0xffff  }
0x19e: {  	v12 =	vor.u32 v2, v22;
	v22 =	vor.u32 v2, v18;
	v18 =	vshrl.u32 v27, $0x4;
	v14 =	vld.idx.msk [tilespmem:v25+s3+$0x0], $0xffff  }
0x19f: {  	v15 =	vand.u32 $0xFF0, v61;
	v18 =	vand.u32 $0xFF0, v18;
	v19 =	vshra.s32 v10, $0x10;
	[tilespmem:v26+s13+$0x0] =	vst.idx.add.s32.msk vm4, v4  }
0x1a0: {  	v15 =	vor.u32 v1, v15;
	vm2 =	veq.s32 v19, v8;
	[tilespmem:v16+s13+$0x0] =	vst.idx.add.s32.msk vm3, v4;
	v16 =	vshra.s32 v27, $0x10  }
0x1a1: {  	v18 =	vor.u32 v1, v18;
	vm3 =	veq.s32 v16, v8;
	[tilespmem:v21+s13+$0x0] =	vst.idx.add.s32.msk vm7, v4;
	v21 =	vand.u32 $0xFF0, v20  }
0x1a2: {  	[tilespmem:v63+s13+$0x0] =	vst.idx.add.s32.msk vm5, v4;
	vm6 =	vlt.s32 v23, $0x0;
	v11 =	vxor.u32 $0x7FFFFFFF, v23;
	v16 =	vxor.u32 $0x7FFFFFFF, v62  }
0x1a3: {  	v10 =	vld.idx.msk [tilespmem:v12+s3+$0x0], $0xffff;
	v19 =	vsel vm6, v11, v23;
	vm4 =	vlt.s32 v62, $0x0;
	v20 =	vxor.u32 $0x7FFFFFFF, v14  }
0x1a4: {  	s20 =	simm.s32 $0x10;
	v11 =	vld.idx.msk [tilespmem:v22+s3+$0x0], $0xffff;
	vm6 =	vlt.s32 v14, $0x0;
	v12 =	vsel vm4, v16, v62;
	v16 =	vor.u32 v1, v21  }
.LBB2_13:
0x1a5: {  	s24 =	sadd.s32 $0x1, s20  }
0x1a6: {  	s25 =	sadd.s32 $0x2, s20;
	s26 =	sadd.s32 $0x3, s20;
	v21 =	vshra.s32 v19, $0x10;
	v19 =	vshrl.u32 v19, $0x4;
	v14 =	vsel vm6, v20, v14;
	[tilespmem:v17+s13+$0x0] =	vst.idx.add.s32.msk vm0, v4;
	s23 =	smov.u32 s20  }
0x1a7: {  	s28 =	sadd.s32 $0x6, s20;
	v17 =	vadd.s32 s24, v1;
	v20 =	vadd.s32 s25, v1;
	s24 =	sadd.s32 $0x4, s20;
	s25 =	sadd.s32 $0x5, s20;
	v22 =	vshra.s32 v14, $0x10;
	[tilespmem:v15+s13+$0x0] =	vst.idx.add.s32.msk vm1, v4  }
0x1a8: {  	p0 =	slt.u32 s20, $0x7F8;
	s20 =	sadd.s32 $0x8, s20;
	vm0 =	veq.s32 v21, v8;
	v15 =	vadd.s32 s24, v1;
	v23 =	vadd.s32 s25, v1;
	s24 =	sadd.s32 $0x7, s23;
	[tilespmem:v18+s13+$0x0] =	vst.idx.add.s32.msk vm3, v4  }
0x1a9: {  	vm1 =	vlt.s32 v10, $0x0;
	v18 =	vshll.u32 v17, $0x3;
	v21 =	vadd.s32 s24, v1;
	v13 =	vld.idx.msk [tilespmem:v13+s3+$0x0], $0xffff  }
0x1aa: {  	v24 =	vadd.s32 s26, v1;
	vm3 =	vlt.s32 v11, $0x0;
	v25 =	vshll.u32 v21, $0x3;
	[tilespmem:v16+s13+$0x0] =	vst.idx.add.s32.msk vm2, v4  }
0x1ab: {  	v16 =	vand.u32 $0x7F, v21;
	v21 =	vand.u32 $0x3C00, v25;
	v25 =	vxor.u32 $0x7FFFFFFF, v10  }
0x1ac: {  	v26 =	vand.u32 $0x7F, v20;
	v16 =	vor.u32 v21, v16;
	v21 =	vshrl.u32 v12, $0x4  }
0x1ad: {  	v19 =	vand.u32 $0xFF0, v19;
	v27 =	vshll.u32 v23, $0x3;
	v16 =	vor.u32 v2, v16  }
0x1ae: {  	v20 =	vshll.u32 v20, $0x3;
	v18 =	vand.u32 $0x3C00, v18;
	v21 =	vand.u32 $0xFF0, v21  }
0x1af: {  	v23 =	vand.u32 $0x7F, v23;
	v27 =	vand.u32 $0x3C00, v27;
	vm2 =	vlt.s32 v13, $0x0  }
0x1b0: {  	v19 =	vor.u32 v1, v19;
	v28 =	vshll.u32 v15, $0x3;
	v23 =	vor.u32 v27, v23  }
0x1b1: {  	v17 =	vand.u32 $0x7F, v17;
	v23 =	vor.u32 v2, v23;
	v27 =	vxor.u32 $0x7FFFFFFF, v13  }
0x1b2: {  	v15 =	vand.u32 $0x7F, v15;
	v28 =	vand.u32 $0x3C00, v28;
	v13 =	vsel vm2, v27, v13;
	v16 =	vld.idx.msk [tilespmem:v16+s3+$0x0], $0xffff  }
0x1b3: {  	v29 =	vadd.s32 s28, v1;
	v27 =	vand.u32 $0x7F, v24;
	v30 =	vshra.s32 v13, $0x10  }
0x1b4: {  	v31 =	vadd.s32 s23, v1;
	v24 =	vshll.u32 v24, $0x3;
	v32 =	vshrl.u32 v13, $0x4  }
0x1b5: {  	v12 =	vshra.s32 v12, $0x10;
	v13 =	vand.u32 $0x7F, v31;
	v31 =	vshll.u32 v31, $0x3  }
0x1b6: {  	vm2 =	veq.s32 v12, v8;
	v24 =	vand.u32 $0x3C00, v24;
	v31 =	vand.u32 $0x3C00, v31;
	v23 =	vld.idx.msk [tilespmem:v23+s3+$0x0], $0xffff  }
0x1b7: {  	v12 =	vor.u32 v31, v13;
	v13 =	vor.u32 v24, v27;
	v24 =	vxor.u32 $0x7FFFFFFF, v11  }
0x1b8: {  	v20 =	vand.u32 $0x3C00, v20;
	v21 =	vor.u32 v1, v21;
	v12 =	vor.u32 v2, v12  }
0x1b9: {  	v27 =	vand.u32 $0x7F, v29;
	v13 =	vor.u32 v2, v13;
	v11 =	vsel vm3, v24, v11  }
0x1ba: {  	v15 =	vor.u32 v28, v15;
	v10 =	vsel vm1, v25, v10;
	v24 =	vshll.u32 v29, $0x3  }
0x1bb: {  	v15 =	vor.u32 v2, v15;
	v24 =	vand.u32 $0x3C00, v24;
	[tilespmem:v19+s13+$0x0] =	vst.idx.add.s32.msk vm0, v4;
	vm0 =	veq.s32 v30, v8  }
0x1bc: {  	v25 =	vshrl.u32 v14, $0x4;
	v19 =	vxor.u32 $0x7FFFFFFF, v23;
	vm1 =	vlt.s32 v23, $0x0  }
0x1bd: {  	v19 =	vsel vm1, v19, v23;
	v23 =	vor.u32 v24, v27;
	v24 =	vshrl.u32 v11, $0x4;
	v12 =	vld.idx.msk [tilespmem:v12+s3+$0x0], $0xffff  }
0x1be: {  	vm4 =	veq.s32 v22, v8;
	vm1 =	vlt.s32 v16, $0x0;
	v27 =	vshra.s32 v19, $0x10  }
0x1bf: {  	vm3 =	veq.s32 v27, v8;
	v14 =	vld.idx.msk [tilespmem:v13+s3+$0x0], $0xffff;
	v13 =	vshrl.u32 v19, $0x4;
	v19 =	vand.u32 $0xFF0, v24  }
0x1c0: {  	v22 =	vxor.u32 $0x7FFFFFFF, v16;
	v11 =	vshra.s32 v11, $0x10;
	v13 =	vand.u32 $0xFF0, v13  }
0x1c1: {  	v16 =	vsel vm1, v22, v16;
	vm1 =	veq.s32 v11, v8;
	v24 =	vor.u32 v1, v13  }
0x1c2: {  	v11 =	vor.u32 v18, v17;
	v17 =	vor.u32 v20, v26;
	v18 =	vshrl.u32 v16, $0x4;
	v22 =	vld.idx.msk [tilespmem:v15+s3+$0x0], $0xffff  }
0x1c3: {  	v20 =	vand.u32 $0xFF0, v25;
	v13 =	vor.u32 v2, v11;
	v11 =	vor.u32 v2, v23  }
0x1c4: {  	v23 =	vor.u32 v2, v17;
	v17 =	vshrl.u32 v10, $0x4;
	v15 =	vand.u32 $0xFF0, v32  }
0x1c5: {  	v10 =	vshra.s32 v10, $0x10;
	vm5 =	vlt.s32 v12, $0x0;
	[tilespmem:v21+s13+$0x0] =	vst.idx.add.s32.msk vm2, v4;
	v21 =	vand.u32 $0xFF0, v17  }
0x1c6: {  	v25 =	vor.u32 v1, v20;
	v17 =	vor.u32 v1, v15;
	v15 =	vor.u32 v1, v19  }
.Ltmp7:
0x1c7: {  	v16 =	vshra.s32 v16, $0x10;
	v19 =	vxor.u32 $0x7FFFFFFF, v12;
	[tilespmem:v24+s13+$0x0] =	vst.idx.add.s32.msk vm3, v4;
	vm3 =	veq.s32 v10, v8;
	(pc) =	sbr.rel @p0 .LBB2_13-.Ltmp7, $4  }
0x1c8: {  	vm2 =	veq.s32 v16, v8;
	v16 =	vand.u32 $0xFF0, v18;
	v24 =	vxor.u32 $0x7FFFFFFF, v22;
	v10 =	vld.idx.msk [tilespmem:v11+s3+$0x0], $0xffff  }
0x1c9: {  	v19 =	vsel vm5, v19, v12;
	v18 =	vor.u32 v1, v21;
	vm5 =	vlt.s32 v22, $0x0  }
0x1ca: {  	v20 =	vxor.u32 $0x7FFFFFFF, v14;
	v16 =	vor.u32 v1, v16;
	v12 =	vsel vm5, v24, v22;
	v11 =	vld.idx.msk [tilespmem:v23+s3+$0x0], $0xffff  }
0x1cb: {  	vm6 =	vlt.s32 v14, $0x0;
	[tilespmem:v25+s13+$0x0] =	vst.idx.add.s32.msk vm4, v4  }
0x1cc: {  	_ =	sdelay $0x1  }
0x1cd: {  	v21 =	vshra.s32 v19, $0x10;
	v19 =	vshrl.u32 v19, $0x4;
	v14 =	vsel vm6, v20, v14  }
0x1ce: {  	v60 =	vshra.s32 v12, $0x10;
	v12 =	vshrl.u32 v12, $0x4;
	vm4 =	veq.s32 v21, v8  }
0x1cf: {  	v13 =	vld.idx.msk [tilespmem:v13+s3+$0x0], $0xffff;
	v59 =	vshra.s32 v14, $0x10;
	vm13 =	vlt.s32 v10, $0x0;
	vm14 =	veq.s32 v60, v8  }
0x1d0: {  	v61 =	vxor.u32 $0x7FFFFFFF, v10;
	v19 =	vand.u32 $0xFF0, v19;
	v12 =	vand.u32 $0xFF0, v12  }
0x1d1: {  	v14 =	vshrl.u32 v14, $0x4;
	v19 =	vor.u32 v1, v19;
	v10 =	vsel vm13, v61, v10  }
0x1d2: {  	v12 =	vor.u32 v1, v12;
	vm12 =	vlt.s32 v11, $0x0;
	v58 =	vxor.u32 $0x7FFFFFFF, v11  }
0x1d3: {  	vm7 =	veq.s32 v59, v8;
	v14 =	vand.u32 $0xFF0, v14;
	v11 =	vsel vm12, v58, v11  }
0x1d4: {  	vm5 =	vlt.s32 v13, $0x0;
	v57 =	vxor.u32 $0x7FFFFFFF, v13;
	v63 =	vshrl.u32 v11, $0x4  }
0x1d5: {  	[tilespmem:v17+s13+$0x0] =	vst.idx.add.s32.msk vm0, v4;
	v11 =	vshra.s32 v11, $0x10;
	v13 =	vsel vm5, v57, v13;
	v17 =	vand.u32 $0xFF0, v63  }
0x1d6: {  	vm0 =	veq.s32 v11, v8;
	v62 =	vshra.s32 v13, $0x10;
	v13 =	vshrl.u32 v13, $0x4  }
0x1d7: {  	[tilespmem:v15+s13+$0x0] =	vst.idx.add.s32.msk vm1, v4;
	v15 =	vor.u32 v1, v17;
	vm15 =	veq.s32 v62, v8;
	v11 =	vand.u32 $0xFF0, v13  }
0x1d8: {  	[tilespmem:v18+s13+$0x0] =	vst.idx.add.s32.msk vm3, v4;
	v13 =	vor.u32 v1, v14;
	v14 =	vshrl.u32 v10, $0x4;
	v10 =	vshra.s32 v10, $0x10  }
0x1d9: {  	[tilespmem:v16+s13+$0x0] =	vst.idx.add.s32.msk vm2, v4;
	v11 =	vor.u32 v1, v11;
	v14 =	vand.u32 $0xFF0, v14;
	vm1 =	veq.s32 v10, v8  }
0x1da: {  	[tilespmem:v19+s13+$0x0] =	vst.idx.add.s32.msk vm4, v4;
	v10 =	vor.u32 v1, v14  }
0x1db: {  	[tilespmem:v12+s13+$0x0] =	vst.idx.add.s32.msk vm14, v4  }
0x1dc: {  	[tilespmem:v15+s13+$0x0] =	vst.idx.add.s32.msk vm0, v4  }
0x1dd: {  	[tilespmem:v13+s13+$0x0] =	vst.idx.add.s32.msk vm7, v4  }
0x1de: {  	[tilespmem:v11+s13+$0x0] =	vst.idx.add.s32.msk vm15, v4  }
0x1df: {  	s20 =	simm.s32 $0x18FF0;
	[tilespmem:v10+s13+$0x0] =	vst.idx.add.s32.msk vm1, v4  }
0x1e0: {  	v10 =	vld [tilespmem:s20+$0x0];
	_ =	sdelay $0x1  }
0x1e1: {  	v11 =	vld [tilespmem:s20+$0xFFFFFFF0];
	_ =	sdelay $0x1  }
0x1e2: {  	v13 =	vimm.s32 $0x0;
	v12 =	vld [tilespmem:s20+$0xFFFFFFE0]  }
0x1e3: {  	v9 =	vsub.s32 v7, v9;
	v7 =	vadd.s32 v13, v10  }
0x1e4: {  	v14 =	vld [tilespmem:s20+$0xFFFFFFD0];
	vm0 =	vge.s32 v7, v9  }
0x1e5: {  	v7 =	vadd.s32 v7, v11;
	v15 =	vsel vm0, $0x1, v0  }
0x1e6: {  	v10 =	vsel vm0, $0x0, v10;
	vm0 =	vge.s32 v7, v9;
	v15 =	vadd.s32 v15, v13  }
0x1e7: {  	v17 =	vld [tilespmem:s20+$0xFFFFFFC0];
	v10 =	vadd.s32 v13, v10;
	v13 =	vadd.s32 v7, v12;
	v16 =	vsel vm0, $0x1, v0  }
0x1e8: {  	[tilespmem:s20+$0x0] =	vst v0;
	v7 =	vld [tilespmem:s20+$0xFFFFFFB0];
	v11 =	vsel vm0, $0x0, v11;
	vm0 =	vge.s32 v13, v9;
	v15 =	vadd.s32 v16, v15  }
0x1e9: {  	[tilespmem:s20+$0xFFFFFFE0] =	vst v0;
	v13 =	vadd.s32 v13, v14;
	v10 =	vadd.s32 v11, v10;
	v11 =	vsel vm0, $0x1, v0  }
0x1ea: {  	[tilespmem:s20+$0xFFFFFFD0] =	vst v0;
	v12 =	vsel vm0, $0x0, v12;
	vm0 =	vge.s32 v13, v9;
	v15 =	vadd.s32 v11, v15;
	v11 =	vld [tilespmem:s20+$0xFFFFFFA0]  }
0x1eb: {  	[tilespmem:s20+$0xFFFFFFC0] =	vst v0;
	v10 =	vadd.s32 v12, v10;
	v12 =	vsel vm0, $0x0, v14  }
0x1ec: {  	[tilespmem:s20+$0xFFFFFFB0] =	vst v0;
	v16 =	vadd.s32 v13, v17;
	v14 =	vsel vm0, $0x1, v0;
	v12 =	vadd.s32 v12, v10;
	v10 =	vld [tilespmem:s20+$0xFFFFFF90]  }
0x1ed: {  	[tilespmem:s20+$0xFFFFFFA0] =	vst v0;
	vm0 =	vge.s32 v16, v9;
	v13 =	vadd.s32 v14, v15;
	v14 =	vadd.s32 v16, v7  }
0x1ee: {  	s23 =	simm.s32 $0x0;
	s24 =	simm.s32 $0x18F70;
	[tilespmem:s20+$0xFFFFFF90] =	vst v0;
	v15 =	vsel vm0, $0x0, v17;
	v16 =	vsel vm0, $0x1, v0;
	vm0 =	vge.s32 v14, v9  }
.LBB2_15:
0x1ef: {  	v17 =	vld [tilespmem:s24+$0x0];
	s23 =	sadd.s32 $0x8, s23;
	[tilespmem:s20+$0xFFFFFFF0] =	vst v0;
	v13 =	vadd.s32 v16, v13;
	v7 =	vsel vm0, $0x0, v7;
	v14 =	vadd.s32 v14, v11;
	s20 =	smov.u32 s24  }
0x1f0: {  	v12 =	vadd.s32 v15, v12;
	v15 =	vsel vm0, $0x1, v0;
	[tilespmem:s24+$0x0] =	vst v0;
	v16 =	vld [tilespmem:s24+$0xFFFFFFF0];
	p0 =	slt.u32 s23, $0xF8;
	vm0 =	vge.s32 v14, v9  }
0x1f1: {  	v13 =	vadd.s32 v15, v13;
	v11 =	vsel vm0, $0x0, v11;
	v14 =	vadd.s32 v14, v10  }
0x1f2: {  	v7 =	vadd.s32 v7, v12;
	v12 =	vsel vm0, $0x1, v0;
	v15 =	vld [tilespmem:s24+$0xFFFFFFE0];
	vm0 =	vge.s32 v14, v9  }
0x1f3: {  	v12 =	vadd.s32 v12, v13;
	v11 =	vadd.s32 v11, v7;
	[tilespmem:s24+$0xFFFFFFE0] =	vst v0;
	v18 =	vld [tilespmem:s24+$0xFFFFFFD0];
	v7 =	vsel vm0, $0x1, v0  }
0x1f4: {  	v10 =	vsel vm0, $0x0, v10;
	v13 =	vadd.s32 v14, v17;
	[tilespmem:s24+$0xFFFFFFD0] =	vst v0;
	v12 =	vadd.s32 v7, v12  }
0x1f5: {  	v10 =	vadd.s32 v10, v11;
	vm0 =	vge.s32 v13, v9;
	v13 =	vadd.s32 v13, v16;
	v7 =	vld [tilespmem:s24+$0xFFFFFFB0]  }
0x1f6: {  	v11 =	vsel vm0, $0x1, v0;
	v14 =	vsel vm0, $0x0, v17;
	vm0 =	vge.s32 v13, v9;
	v17 =	vld [tilespmem:s24+$0xFFFFFFC0];
	[tilespmem:s24+$0xFFFFFFB0] =	vst v0  }
0x1f7: {  	v11 =	vadd.s32 v11, v12;
	v10 =	vadd.s32 v10, v14;
	v12 =	vadd.s32 v13, v15;
	[tilespmem:s24+$0xFFFFFFC0] =	vst v0  }
0x1f8: {  	v13 =	vsel vm0, $0x1, v0;
	v14 =	vsel vm0, $0x0, v16;
	vm0 =	vge.s32 v12, v9  }
0x1f9: {  	v13 =	vadd.s32 v13, v11;
	v16 =	vadd.s32 v12, v18;
	v15 =	vsel vm0, $0x0, v15;
	v11 =	vld [tilespmem:s24+$0xFFFFFFA0]  }
.Ltmp8:
0x1fa: {  	v10 =	vadd.s32 v14, v10;
	v12 =	vsel vm0, $0x1, v0;
	vm0 =	vge.s32 v16, v9;
	[tilespmem:s24+$0xFFFFFFA0] =	vst v0;
	(pc) =	sbr.rel @p0 .LBB2_15-.Ltmp8, $4  }
0x1fb: {  	v13 =	vadd.s32 v12, v13;
	v10 =	vadd.s32 v15, v10;
	v12 =	vsel vm0, $0x0, v18  }
0x1fc: {  	v14 =	vsel vm0, $0x1, v0;
	v12 =	vadd.s32 v12, v10;
	v15 =	vadd.s32 v16, v17;
	v10 =	vld [tilespmem:s24+$0xFFFFFF90]  }
0x1fd: {  	v13 =	vadd.s32 v14, v13;
	vm0 =	vge.s32 v15, v9;
	v14 =	vadd.s32 v15, v7;
	[tilespmem:s24+$0xFFFFFF90] =	vst v0  }
0x1fe: {  	v16 =	vsel vm0, $0x1, v0;
	v15 =	vsel vm0, $0x0, v17;
	vm0 =	vge.s32 v14, v9;
	s24 =	sadd.s32 $0xFFFFFF80, s24  }
0x1ff: {  	v13 =	vadd.s32 v16, v13;
	v7 =	vsel vm0, $0x0, v7;
	v14 =	vadd.s32 v14, v11  }
0x200: {  	v16 =	vsel vm0, $0x1, v0;
	v12 =	vadd.s32 v15, v12;
	v8 =	vshll.u32 v8, $0x8  }
0x201: {  	s25 =	simm.s32 $0x3;
	s30 =	simm.s32 $0x0;
	vm0 =	vge.s32 v14, v9;
	v13 =	vadd.s32 v16, v13;
	v7 =	vadd.s32 v7, v12  }
0x202: {  	v16 =	vadd.s32 s25, v1;
	v20 =	vadd.s32 s30, v1;
	v14 =	vadd.s32 v14, v10  }
0x203: {  	v11 =	vsel vm0, $0x0, v11;
	v15 =	vsel vm0, $0x1, v0;
	vm0 =	vge.s32 v14, v9  }
0x204: {  	s31 =	simm.s32 $0x6;
	v12 =	vadd.s32 v15, v13;
	v7 =	vadd.s32 v11, v7;
	v11 =	vsel vm0, $0x1, v0  }
0x205: {  	s23 =	simm.s32 $0x7;
	v22 =	vadd.s32 s31, v1;
	v10 =	vsel vm0, $0x0, v10;
	v11 =	vadd.s32 v11, v12  }
0x206: {  	s24 =	simm.s32 $0x5;
	v10 =	vadd.s32 v10, v7;
	v7 =	vadd.s32 $0xFFFFFFFF, v11;
	v11 =	vadd.s32 s23, v1  }
0x207: {  	v7 =	vor.u32 v8, v7;
	v8 =	vadd.s32 s24, v1;
	v12 =	vshll.u32 v11, $0x3  }
0x208: {  	v11 =	vand.u32 $0x7F, v11;
	v12 =	vand.u32 $0x3C00, v12;
	v13 =	vshll.u32 v8, $0x3  }
0x209: {  	v8 =	vand.u32 $0x7F, v8;
	v11 =	vor.u32 v12, v11;
	v12 =	vand.u32 $0x3C00, v13  }
0x20a: {  	s28 =	simm.s32 $0x2;
	v19 =	vshll.u32 v16, $0x3;
	v11 =	vor.u32 v2, v11;
	v8 =	vor.u32 v12, v8  }
0x20b: {  	v21 =	vshll.u32 v20, $0x3;
	v12 =	vadd.s32 s28, v1;
	v8 =	vor.u32 v2, v8  }
0x20c: {  	v20 =	vand.u32 $0x7F, v20;
	v21 =	vand.u32 $0x3C00, v21;
	v17 =	vshll.u32 v12, $0x3  }
0x20d: {  	v20 =	vor.u32 v21, v20;
	v12 =	vand.u32 $0x7F, v12;
	v17 =	vand.u32 $0x3C00, v17  }
0x20e: {  	s29 =	simm.s32 $0x4;
	[tilespmem:s20+$0xFFFFFFF0] =	vst v0;
	v16 =	vand.u32 $0x7F, v16;
	v12 =	vor.u32 v17, v12;
	v17 =	vor.u32 v2, v20  }
0x20f: {  	s26 =	simm.s32 $0x1;
	v60 =	vshll.u32 v22, $0x3;
	v14 =	vadd.s32 s29, v1;
	v19 =	vand.u32 $0x3C00, v19;
	v11 =	vld.idx.msk [tilespmem:v11+s3+$0x0], $0xffff  }
0x210: {  	v18 =	vand.u32 $0x7F, v14;
	v14 =	vshll.u32 v14, $0x3;
	v13 =	vadd.s32 s26, v1;
	v8 =	vld.idx.msk [tilespmem:v8+s3+$0x0], $0xffff  }
0x211: {  	v16 =	vor.u32 v19, v16;
	v19 =	vand.u32 $0x7F, v22;
	v15 =	vshll.u32 v13, $0x3  }
0x212: {  	v16 =	vor.u32 v2, v16;
	v13 =	vand.u32 $0x7F, v13;
	v15 =	vand.u32 $0x3C00, v15  }
0x213: {  	v14 =	vand.u32 $0x3C00, v14;
	v13 =	vor.u32 v15, v13;
	v12 =	vor.u32 v2, v12;
	v15 =	vld.idx.msk [tilespmem:v17+s3+$0x0], $0xffff  }
0x214: {  	v14 =	vor.u32 v14, v18;
	v13 =	vor.u32 v2, v13;
	v61 =	vxor.u32 $0x7FFFFFFF, v11  }
0x215: {  	vm1 =	vlt.s32 v11, $0x0;
	v18 =	vxor.u32 $0x7FFFFFFF, v8;
	vm0 =	vlt.s32 v8, $0x0  }
0x216: {  	v14 =	vor.u32 v2, v14;
	v11 =	vsel vm1, v61, v11;
	v8 =	vsel vm0, v18, v8  }
0x217: {  	v16 =	vld.idx.msk [tilespmem:v16+s3+$0x0], $0xffff;
	v18 =	vand.u32 $0x3C00, v60;
	v17 =	vshll.u32 v8, $0x4;
	v8 =	vshra.s32 v8, $0x8  }
0x218: {  	vm0 =	vlt.s32 v15, $0x0;
	v17 =	vor.u32 v1, v17;
	vm2 =	veq.s32 v8, v7;
	v8 =	vld.idx.msk [tilespmem:v12+s3+$0x0], $0xffff  }
0x219: {  	v12 =	vor.u32 v18, v19;
	v18 =	vshra.s32 v11, $0x8;
	v11 =	vshll.u32 v11, $0x4  }
0x21a: {  	v62 =	vld.idx.msk [tilespmem:v13+s3+$0x0], $0xffff;
	v17 =	vand.u32 $0xFFF, v17;
	v19 =	vor.u32 v2, v12;
	v11 =	vor.u32 v1, v11  }
0x21b: {  	vm1 =	veq.s32 v18, v7;
	v12 =	vxor.u32 $0x7FFFFFFF, v15;
	v18 =	vand.u32 $0xFFF, v11  }
0x21c: {  	v15 =	vsel vm0, v12, v15;
	v11 =	vxor.u32 $0x7FFFFFFF, v16;
	vm0 =	vlt.s32 v16, $0x0  }
0x21d: {  	v13 =	vsel vm0, v11, v16;
	v12 =	vxor.u32 $0x7FFFFFFF, v8;
	vm3 =	vlt.s32 v8, $0x0  }
0x21e: {  	v11 =	vshra.s32 v13, $0x8;
	v13 =	vshll.u32 v13, $0x4;
	v8 =	vsel vm3, v12, v8;
	v12 =	vld.idx.msk [tilespmem:v14+s3+$0x0], $0xffff  }
0x21f: {  	v14 =	vshll.u32 v15, $0x4;
	[tilespmem:v17+s13+$0x0] =	vst.idx.add.s32.msk vm2, v4;
	vm2 =	vlt.s32 v62, $0x0;
	v16 =	vshra.s32 v8, $0x8  }
0x220: {  	v63 =	vshll.u32 v8, $0x4;
	v8 =	vld.idx.msk [tilespmem:v19+s3+$0x0], $0xffff;
	v19 =	vshra.s32 v15, $0x8;
	v15 =	vor.u32 v1, v14  }
0x221: {  	v14 =	vxor.u32 $0x7FFFFFFF, v62;
	vm0 =	veq.s32 v16, v7;
	v21 =	vor.u32 v1, v63  }
0x222: {  	s20 =	simm.s32 $0x8;
	[tilespmem:v18+s13+$0x0] =	vst.idx.add.s32.msk vm1, v4;
	vm1 =	veq.s32 v19, v7;
	v16 =	vsel vm2, v14, v62;
	v14 =	vand.u32 $0xFFF, v21  }
.LBB2_17:
0x223: {  	s23 =	sadd.s32 $0x1, s20  }
0x224: {  	s24 =	sadd.s32 $0x2, s20;
	s25 =	sadd.s32 $0x3, s20;
	v17 =	vshra.s32 v16, $0x8;
	v18 =	vxor.u32 $0x7FFFFFFF, v12;
	s26 =	smov.u32 s20  }
0x225: {  	s28 =	sadd.s32 $0x6, s20;
	v15 =	vand.u32 $0xFFF, v15;
	v19 =	vadd.s32 s23, v1;
	v20 =	vadd.s32 s24, v1;
	s23 =	sadd.s32 $0x4, s20;
	s24 =	sadd.s32 $0x5, s20  }
0x226: {  	p0 =	slt.u32 s20, $0x7F8;
	vm2 =	vlt.s32 v12, $0x0;
	s20 =	sadd.s32 $0x8, s20;
	v21 =	vadd.s32 s23, v1;
	v22 =	vadd.s32 s24, v1;
	s23 =	sadd.s32 $0x7, s26  }
0x227: {  	v16 =	vshll.u32 v16, $0x4;
	v23 =	vshll.u32 v19, $0x3;
	v24 =	vadd.s32 s23, v1  }
0x228: {  	v25 =	vadd.s32 s25, v1;
	v16 =	vor.u32 v1, v16;
	v26 =	vshll.u32 v24, $0x3;
	[tilespmem:v14+s13+$0x0] =	vst.idx.add.s32.msk vm0, v4  }
0x229: {  	v14 =	vand.u32 $0x7F, v24;
	v24 =	vand.u32 $0x3C00, v26  }
0x22a: {  	vm0 =	vlt.s32 v8, $0x0;
	v26 =	vshll.u32 v20, $0x3;
	v14 =	vor.u32 v24, v14;
	[tilespmem:v15+s13+$0x0] =	vst.idx.add.s32.msk vm1, v4  }
0x22b: {  	v13 =	vor.u32 v1, v13;
	v15 =	vshll.u32 v22, $0x3;
	v14 =	vor.u32 v2, v14  }
0x22c: {  	v23 =	vand.u32 $0x3C00, v23;
	v24 =	vand.u32 $0x3C00, v26;
	v26 =	vand.u32 $0x7F, v21  }
0x22d: {  	v12 =	vsel vm2, v18, v12;
	v22 =	vand.u32 $0x7F, v22;
	v15 =	vand.u32 $0x3C00, v15  }
0x22e: {  	v18 =	vshll.u32 v25, $0x3;
	v21 =	vshll.u32 v21, $0x3;
	v15 =	vor.u32 v15, v22  }
0x22f: {  	v19 =	vand.u32 $0x7F, v19;
	v20 =	vand.u32 $0x7F, v20;
	v15 =	vor.u32 v2, v15  }
0x230: {  	v27 =	vshll.u32 v12, $0x4;
	v22 =	vand.u32 $0x7F, v25;
	v25 =	vadd.s32 s28, v1;
	v14 =	vld.idx.msk [tilespmem:v14+s3+$0x0], $0xffff  }
0x231: {  	v13 =	vand.u32 $0xFFF, v13;
	v20 =	vor.u32 v24, v20;
	v24 =	vand.u32 $0x7F, v25  }
0x232: {  	v28 =	vadd.s32 s26, v1;
	vm1 =	veq.s32 v17, v7;
	v25 =	vshll.u32 v25, $0x3  }
0x233: {  	v16 =	vand.u32 $0xFFF, v16;
	v17 =	vand.u32 $0x7F, v28;
	v28 =	vshll.u32 v28, $0x3  }
0x234: {  	v18 =	vand.u32 $0x3C00, v18;
	v27 =	vor.u32 v1, v27;
	v28 =	vand.u32 $0x3C00, v28;
	v15 =	vld.idx.msk [tilespmem:v15+s3+$0x0], $0xffff  }
0x235: {  	v21 =	vand.u32 $0x3C00, v21;
	v17 =	vor.u32 v28, v17;
	v18 =	vor.u32 v18, v22  }
0x236: {  	vm2 =	veq.s32 v11, v7;
	v17 =	vor.u32 v2, v17;
	v22 =	vxor.u32 $0x7FFFFFFF, v14  }
0x237: {  	v12 =	vshra.s32 v12, $0x8;
	v11 =	vor.u32 v2, v18;
	vm3 =	vlt.s32 v14, $0x0  }
0x238: {  	v18 =	vor.u32 v2, v20;
	v20 =	vor.u32 v21, v26;
	[tilespmem:v16+s13+$0x0] =	vst.idx.add.s32.msk vm1, v4;
	v16 =	vand.u32 $0xFFF, v27  }
0x239: {  	v19 =	vor.u32 v23, v19;
	v20 =	vor.u32 v2, v20;
	vm1 =	veq.s32 v12, v7  }
0x23a: {  	v12 =	vor.u32 v2, v19;
	v19 =	vxor.u32 $0x7FFFFFFF, v15;
	vm4 =	vlt.s32 v15, $0x0  }
0x23b: {  	v21 =	vxor.u32 $0x7FFFFFFF, v8;
	v15 =	vsel vm4, v19, v15;
	v19 =	vand.u32 $0x3C00, v25;
	v17 =	vld.idx.msk [tilespmem:v17+s3+$0x0], $0xffff  }
0x23c: {  	v8 =	vsel vm0, v21, v8;
	v23 =	vshra.s32 v15, $0x8;
	v15 =	vshll.u32 v15, $0x4;
	[tilespmem:v13+s13+$0x0] =	vst.idx.add.s32.msk vm2, v4  }
0x23d: {  	vm0 =	veq.s32 v23, v7;
	v13 =	vor.u32 v1, v15;
	v15 =	vshra.s32 v8, $0x8;
	v11 =	vld.idx.msk [tilespmem:v11+s3+$0x0], $0xffff  }
0x23e: {  	v21 =	vand.u32 $0xFFF, v13;
	v13 =	vor.u32 v19, v24;
	vm2 =	veq.s32 v15, v7;
	v18 =	vld.idx.msk [tilespmem:v18+s3+$0x0], $0xffff  }
0x23f: {  	v14 =	vsel vm3, v22, v14;
	v8 =	vshll.u32 v8, $0x4;
	v13 =	vor.u32 v2, v13  }
0x240: {  	v15 =	vshra.s32 v14, $0x8;
	v14 =	vshll.u32 v14, $0x4;
	v8 =	vor.u32 v1, v8  }
0x241: {  	vm3 =	veq.s32 v15, v7;
	v14 =	vor.u32 v1, v14;
	v15 =	vand.u32 $0xFFF, v8;
	v19 =	vld.idx.msk [tilespmem:v12+s3+$0x0], $0xffff  }
0x242: {  	v14 =	vand.u32 $0xFFF, v14;
	v8 =	vxor.u32 $0x7FFFFFFF, v17;
	vm4 =	vlt.s32 v17, $0x0;
	v12 =	vld.idx.msk [tilespmem:v20+s3+$0x0], $0xffff  }
0x243: {  	v17 =	vsel vm4, v8, v17;
	v8 =	vxor.u32 $0x7FFFFFFF, v11;
	vm4 =	vlt.s32 v11, $0x0;
	[tilespmem:v16+s13+$0x0] =	vst.idx.add.s32.msk vm1, v4  }
0x244: {  	v16 =	vxor.u32 $0x7FFFFFFF, v18;
	vm1 =	vlt.s32 v18, $0x0;
	v20 =	vsel vm4, v8, v11;
	v8 =	vld.idx.msk [tilespmem:v13+s3+$0x0], $0xffff  }
.Ltmp9:
0x245: {  	v16 =	vsel vm1, v16, v18;
	v11 =	vshra.s32 v20, $0x8;
	v13 =	vshll.u32 v20, $0x4;
	[tilespmem:v21+s13+$0x0] =	vst.idx.add.s32.msk vm0, v4;
	(pc) =	sbr.rel @p0 .LBB2_17-.Ltmp9, $4  }
0x246: {  	v18 =	vshll.u32 v17, $0x4;
	v20 =	vshra.s32 v16, $0x8;
	v16 =	vshll.u32 v16, $0x4;
	[tilespmem:v15+s13+$0x0] =	vst.idx.add.s32.msk vm2, v4  }
0x247: {  	v17 =	vshra.s32 v17, $0x8;
	vm0 =	veq.s32 v20, v7;
	v20 =	vor.u32 v1, v16;
	[tilespmem:v14+s13+$0x0] =	vst.idx.add.s32.msk vm3, v4  }
0x248: {  	v15 =	vor.u32 v1, v18;
	vm2 =	vlt.s32 v19, $0x0;
	v14 =	vxor.u32 $0x7FFFFFFF, v19  }
0x249: {  	vm1 =	veq.s32 v17, v7;
	v16 =	vsel vm2, v14, v19;
	v14 =	vand.u32 $0xFFF, v20  }
0x24a: {  	v17 =	vshra.s32 v16, $0x8;
	v18 =	vxor.u32 $0x7FFFFFFF, v12;
	v16 =	vshll.u32 v16, $0x4  }
0x24b: {  	v15 =	vand.u32 $0xFFF, v15;
	vm2 =	vlt.s32 v12, $0x0;
	v61 =	vxor.u32 $0x7FFFFFFF, v8  }
0x24c: {  	v13 =	vor.u32 v1, v13;
	vm3 =	veq.s32 v11, v7;
	v16 =	vor.u32 v1, v16  }
0x24d: {  	v12 =	vsel vm2, v18, v12;
	vm2 =	vlt.s32 v8, $0x0;
	v13 =	vand.u32 $0xFFF, v13  }
0x24e: {  	v8 =	vsel vm2, v61, v8;
	v62 =	vshll.u32 v12, $0x4;
	vm2 =	veq.s32 v17, v7  }
0x24f: {  	v16 =	vand.u32 $0xFFF, v16;
	v11 =	vshra.s32 v12, $0x8;
	v17 =	vor.u32 v1, v62  }
0x250: {  	vm4 =	veq.s32 v11, v7;
	v11 =	vshra.s32 v8, $0x8;
	v8 =	vshll.u32 v8, $0x4  }
0x251: {  	v12 =	vand.u32 $0xFFF, v17;
	vm5 =	veq.s32 v11, v7;
	v8 =	vor.u32 v1, v8  }
0x252: {  	[tilespmem:v14+s13+$0x0] =	vst.idx.add.s32.msk vm0, v4;
	v8 =	vand.u32 $0xFFF, v8  }
0x253: {  	[tilespmem:v15+s13+$0x0] =	vst.idx.add.s32.msk vm1, v4  }
0x254: {  	[tilespmem:v13+s13+$0x0] =	vst.idx.add.s32.msk vm3, v4  }
0x255: {  	[tilespmem:v16+s13+$0x0] =	vst.idx.add.s32.msk vm2, v4  }
0x256: {  	[tilespmem:v12+s13+$0x0] =	vst.idx.add.s32.msk vm4, v4  }
0x257: {  	s20 =	simm.s32 $0x18FF0;
	[tilespmem:v8+s13+$0x0] =	vst.idx.add.s32.msk vm5, v4  }
0x258: {  	v8 =	vld [tilespmem:s20+$0x0]  }
0x259: {  	v11 =	vld [tilespmem:s20+$0xFFFFFFF0]  }
0x25a: {  	v12 =	vld [tilespmem:s20+$0xFFFFFFE0]  }
0x25b: {  	v13 =	vld [tilespmem:s20+$0xFFFFFFD0]  }
0x25c: {  	v14 =	vimm.s32 $0x0  }
0x25d: {  	v16 =	vld [tilespmem:s20+$0xFFFFFFC0];
	v15 =	vadd.s32 v14, v8  }
0x25e: {  	v8 =	vsub.s32 v9, v10;
	v10 =	vld [tilespmem:s20+$0xFFFFFFB0];
	v9 =	vadd.s32 v15, v11  }
0x25f: {  	vm0 =	vge.s32 v15, v8;
	v11 =	vadd.s32 v9, v12  }
0x260: {  	[tilespmem:s20+$0x0] =	vst v0;
	v12 =	vsel vm0, $0x1, v0;
	vm0 =	vge.s32 v9, v8;
	v9 =	vadd.s32 v11, v13;
	v13 =	vld [tilespmem:s20+$0xFFFFFFA0]  }
0x261: {  	s23 =	simm.s32 $0x18F70;
	[tilespmem:s20+$0xFFFFFFE0] =	vst v0;
	v15 =	vld [tilespmem:s20+$0xFFFFFF90];
	vm1 =	vge.s32 v11, v8;
	v11 =	vsel vm0, $0x1, v0;
	v12 =	vadd.s32 v12, v14  }
0x262: {  	[tilespmem:s20+$0xFFFFFFD0] =	vst v0;
	vm2 =	vge.s32 v9, v8;
	v9 =	vadd.s32 v9, v16;
	v16 =	vld [tilespmem:s23+$0x0];
	v11 =	vadd.s32 v11, v12  }
0x263: {  	[tilespmem:s20+$0xFFFFFFC0] =	vst v0;
	v17 =	vld [tilespmem:s23+$0xFFFFFFF0];
	v12 =	vsel vm1, $0x1, v0;
	v14 =	vsel vm2, $0x1, v0;
	v10 =	vadd.s32 v9, v10  }
0x264: {  	v63 =	vld [tilespmem:s23+$0xFFFFFFE0];
	[tilespmem:s23+$0xFFFFFFE0] =	vst v0;
	v11 =	vadd.s32 v12, v11;
	vm0 =	vge.s32 v9, v8;
	vm1 =	vge.s32 v10, v8  }
0x265: {  	v19 =	vld [tilespmem:s23+$0xFFFFFFD0];
	[tilespmem:s23+$0xFFFFFFD0] =	vst v0;
	v9 =	vadd.s32 v14, v11;
	v11 =	vsel vm0, $0x1, v0;
	v10 =	vadd.s32 v10, v13  }
0x266: {  	[tilespmem:s20+$0xFFFFFFF0] =	vst v0;
	v9 =	vadd.s32 v11, v9;
	v11 =	vsel vm1, $0x1, v0;
	v13 =	vadd.s32 v10, v15  }
0x267: {  	[tilespmem:s20+$0xFFFFFFB0] =	vst v0;
	v11 =	vadd.s32 v11, v9;
	v15 =	vld [tilespmem:s23+$0xFFFFFFC0];
	vm0 =	vge.s32 v10, v8;
	v12 =	vadd.s32 v13, v16  }
0x268: {  	[tilespmem:s20+$0xFFFFFFA0] =	vst v0;
	v14 =	vsel vm0, $0x1, v0;
	vm3 =	vge.s32 v13, v8;
	v10 =	vadd.s32 v12, v17  }
0x269: {  	[tilespmem:s23+$0x0] =	vst v0;
	v9 =	vld [tilespmem:s23+$0xFFFFFFB0];
	vm1 =	vge.s32 v12, v8;
	v17 =	vadd.s32 v14, v11;
	v16 =	vadd.s32 v10, v63  }
0x26a: {  	[tilespmem:s23+$0xFFFFFFB0] =	vst v0;
	v12 =	vsel vm1, $0x1, v0;
	vm2 =	vge.s32 v10, v8;
	v11 =	vadd.s32 v16, v19  }
0x26b: {  	[tilespmem:s23+$0xFFFFFFC0] =	vst v0;
	v10 =	vld [tilespmem:s23+$0xFFFFFFA0];
	vm0 =	vge.s32 v16, v8;
	v16 =	vsel vm3, $0x1, v0;
	v14 =	vsel vm2, $0x1, v0  }
0x26c: {  	s24 =	simm.s32 $0x8;
	s25 =	simm.s32 $0x18EF0;
	[tilespmem:s23+$0xFFFFFFA0] =	vst v0;
	vm1 =	vge.s32 v11, v8;
	v13 =	vadd.s32 v11, v15;
	v11 =	vld [tilespmem:s23+$0xFFFFFF90];
	v15 =	vadd.s32 v16, v17  }
.LBB2_19:
0x26d: {  	v16 =	vld [tilespmem:s25+$0x0];
	s24 =	sadd.s32 $0x8, s24;
	v12 =	vadd.s32 v12, v15;
	v15 =	vsel vm1, $0x1, v0;
	[tilespmem:s20+$0xFFFFFF90] =	vst v0;
	s20 =	smov.u32 s23;
	s23 =	smov.u32 s25  }
0x26e: {  	[tilespmem:s25+$0x0] =	vst v0;
	v17 =	vld [tilespmem:s25+$0xFFFFFFF0];
	p0 =	slt.u32 s24, $0xF8;
	v12 =	vadd.s32 v14, v12;
	v14 =	vsel vm0, $0x1, v0;
	v9 =	vadd.s32 v13, v9  }
0x26f: {  	vm0 =	vge.s32 v13, v8;
	v18 =	vld [tilespmem:s25+$0xFFFFFFE0];
	v12 =	vadd.s32 v14, v12;
	vm1 =	vge.s32 v9, v8  }
0x270: {  	v14 =	vsel vm0, $0x1, v0;
	[tilespmem:s25+$0xFFFFFFE0] =	vst v0;
	v13 =	vld [tilespmem:s25+$0xFFFFFFD0];
	v12 =	vadd.s32 v15, v12;
	v9 =	vadd.s32 v9, v10  }
0x271: {  	[tilespmem:s25+$0xFFFFFFD0] =	vst v0;
	v10 =	vadd.s32 v14, v12;
	v12 =	vsel vm1, $0x1, v0;
	v11 =	vadd.s32 v9, v11  }
0x272: {  	vm0 =	vge.s32 v9, v8;
	v14 =	vadd.s32 v11, v16;
	v15 =	vld [tilespmem:s25+$0xFFFFFFC0];
	v10 =	vadd.s32 v12, v10  }
.Ltmp10:
0x273: {  	v16 =	vsel vm0, $0x1, v0;
	vm1 =	vge.s32 v14, v8;
	v14 =	vadd.s32 v14, v17;
	[tilespmem:s25+$0xFFFFFFC0] =	vst v0;
	(pc) =	sbr.rel @p0 .LBB2_19-.Ltmp10, $4  }
0x274: {  	v16 =	vadd.s32 v16, v10;
	v12 =	vsel vm1, $0x1, v0;
	v17 =	vadd.s32 v14, v18;
	v9 =	vld [tilespmem:s25+$0xFFFFFFB0]  }
0x275: {  	vm3 =	vge.s32 v11, v8;
	vm2 =	vge.s32 v14, v8;
	v13 =	vadd.s32 v17, v13;
	[tilespmem:s25+$0xFFFFFFB0] =	vst v0  }
0x276: {  	vm0 =	vge.s32 v17, v8;
	v17 =	vsel vm3, $0x1, v0;
	vm1 =	vge.s32 v13, v8;
	v10 =	vld [tilespmem:s25+$0xFFFFFFA0];
	[tilespmem:s20+$0xFFFFFFF0] =	vst v0  }
0x277: {  	v14 =	vsel vm2, $0x1, v0;
	s25 =	sadd.s32 $0xFFFFFF80, s25;
	v13 =	vadd.s32 v13, v15;
	[tilespmem:s23+$0xFFFFFFA0] =	vst v0;
	v11 =	vld [tilespmem:s23+$0xFFFFFF90];
	v15 =	vadd.s32 v17, v16  }
0x278: {  	v12 =	vadd.s32 v12, v15;
	v15 =	vsel vm1, $0x1, v0  }
0x279: {  	v7 =	vshll.u32 v7, $0x8;
	v25 =	vimm.f32 $0.0e+00;
	v12 =	vadd.s32 v14, v12  }
0x27a: {  	v14 =	vsel vm0, $0x1, v0;
	vm0 =	vge.s32 v13, v8;
	v9 =	vadd.s32 v13, v9  }
0x27b: {  	s30 =	simm.s32 $0x1;
	v12 =	vadd.s32 v14, v12;
	v13 =	vsel vm0, $0x1, v0;
	vm0 =	vge.s32 v9, v8  }
0x27c: {  	v12 =	vadd.s32 v15, v12;
	v9 =	vadd.s32 v9, v10;
	v15 =	vadd.s32 s30, v1  }
0x27d: {  	s29 =	simm.s32 $0x3;
	v10 =	vadd.s32 v13, v12;
	v12 =	vsel vm0, $0x1, v0;
	v11 =	vadd.s32 v9, v11  }
0x27e: {  	vm0 =	vge.s32 v9, v8;
	v13 =	vadd.s32 s29, v1;
	v17 =	vshll.u32 v15, $0x3  }
0x27f: {  	s25 =	simm.s32 $0x6;
	v9 =	vadd.s32 v12, v10;
	v10 =	vsel vm0, $0x1, v0;
	vm0 =	vge.s32 v11, v8  }
0x280: {  	s31 =	simm.s32 $0x5;
	s26 =	simm.s32 $0x7;
	v12 =	vadd.s32 s25, v1;
	v8 =	vadd.s32 v10, v9;
	v9 =	vsel vm0, $0x1, v0  }
0x281: {  	s24 =	simm.s32 $0x0;
	v11 =	vadd.s32 s26, v1;
	v10 =	vadd.s32 s31, v1;
	s31 =	simm.s32 $0x4;
	v8 =	vadd.s32 v9, v8  }
0x282: {  	v9 =	vadd.s32 s24, v1;
	v16 =	vadd.s32 s31, v1;
	v8 =	vadd.s32 $0xFFFFFFFF, v8  }
0x283: {  	v14 =	vshll.u32 v9, $0x3;
	v9 =	vand.u32 $0x7F, v9;
	v7 =	vor.u32 v7, v8  }
0x284: {  	v14 =	vand.u32 $0x3C00, v14;
	v8 =	vxor.u32 $0x7FFFFFFF, v7;
	vm0 =	vlt.s32 v7, $0x0  }
0x285: {  	s28 =	simm.s32 $0x2;
	v9 =	vor.u32 v14, v9;
	v14 =	vand.u32 $0x7F, v15;
	v15 =	vand.u32 $0x3C00, v17  }
0x286: {  	v7 =	vsel vm0, v8, v7;
	v8 =	vadd.s32 s28, v1;
	v26 =	vor.u32 v2, v9  }
0x287: {  	v17 =	vand.u32 $0x7F, v16;
	v14 =	vor.u32 v15, v14;
	v9 =	vshll.u32 v8, $0x3  }
0x288: {  	[tilespmem:s20+$0xFFFFFF90] =	vst v0;
	v8 =	vand.u32 $0x7F, v8;
	v36 =	vor.u32 v2, v14;
	v9 =	vand.u32 $0x3C00, v9  }
0x289: {  	[tilespmem:s23+$0xFFFFFFF0] =	vst v0;
	v14 =	vand.u32 $0x7F, v13;
	v13 =	vshll.u32 v13, $0x3;
	v8 =	vor.u32 v9, v8  }
0x28a: {  	[tilespmem:s23+$0xFFFFFF90] =	vst v0;
	v15 =	vshll.u32 v16, $0x3;
	v13 =	vand.u32 $0x3C00, v13;
	v9 =	vor.u32 v2, v8  }
0x28b: {  	v16 =	vand.u32 $0x7F, v10;
	v8 =	vor.u32 v13, v14;
	v13 =	vand.u32 $0x3C00, v15;
	v34 =	vld.idx.msk [tilespmem:v26+s3+$0x0], $0xffff  }
0x28c: {  	v14 =	vshll.u32 v10, $0x3;
	v8 =	vor.u32 v2, v8;
	v13 =	vor.u32 v13, v17  }
0x28d: {  	v15 =	vand.u32 $0x7F, v11;
	v35 =	vld.idx.msk [tilespmem:v36+s3+$0x0], $0xffff;
	v10 =	vor.u32 v2, v13;
	v13 =	vand.u32 $0x3C00, v14  }
0x28e: {  	v14 =	vshll.u32 v12, $0x3;
	v12 =	vand.u32 $0x7F, v12;
	v13 =	vor.u32 v13, v16  }
0x28f: {  	s30 =	simm.s32 $0xC;
	v16 =	vshll.u32 v11, $0x3;
	v11 =	vor.u32 v2, v13;
	v13 =	vand.u32 $0x3C00, v14;
	v37 =	vld.idx.msk [tilespmem:v9+s3+$0x0], $0xffff  }
0x290: {  	s29 =	simm.s32 $0xB;
	v33 =	vadd.s32 s30, v1;
	v12 =	vor.u32 v13, v12;
	v14 =	vsub.f32 v34, v6  }
0x291: {  	v28 =	vadd.s32 s29, v1;
	v13 =	vand.u32 $0x3C00, v16;
	v18 =	vld.idx.msk [tilespmem:v8+s3+$0x0], $0xffff;
	v12 =	vor.u32 v2, v12  }
0x292: {  	s31 =	simm.s32 $0x9;
	s28 =	simm.s32 $0xA;
	v13 =	vor.u32 v13, v15;
	v21 =	vsub.f32 v35, v6;
	v19 =	vmul.f32 $1.442695020e+00, v14  }
0x293: {  	v32 =	vadd.s32 s31, v1;
	v38 =	vadd.s32 s28, v1;
	v13 =	vor.u32 v2, v13;
	v20 =	vld.idx.msk [tilespmem:v10+s3+$0x0], $0xffff  }
0x294: {  	s23 =	simm.s32 $0x8;
	s26 =	simm.s32 $0xF;
	s24 =	simm.s32 $0xD;
	v22 =	vmul.f32 $1.442695020e+00, v21;
	v23 =	vsub.f32 v37, v6;
	(erf) = vpow2.f32 v19  }
0x295: {  	v17 =	vadd.s32 s24, v1;
	v16 =	vadd.s32 s23, v1;
	v15 =	vadd.s32 s26, v1;
	v21 =	vld.idx.msk [tilespmem:v11+s3+$0x0], $0xffff  }
0x296: {  	v24 =	vsub.f32 v18, v6;
	(erf) = vpow2.f32 v22;
	v23 =	vmul.f32 $1.442695020e+00, v23  }
0x297: {  	v29 =	vand.u32 $0x7F, v16;
	v31 =	vshll.u32 v16, $0x3;
	vm0 =	vge.f32 v34, v7;
	v19 =	vld.idx.msk [tilespmem:v12+s3+$0x0], $0xffff  }
0x298: {  	s25 =	simm.s32 $0xE;
	v16 =	vld.idx.msk [tilespmem:v13+s3+$0x0], $0xffff;
	v30 =	vsub.f32 v20, v6;
	v27 =	vmul.f32 $1.442695020e+00, v24;
	(erf) = vpow2.f32 v23  }
0x299: {  	v34 =	vshll.u32 v38, $0x3;
	v14 =	vadd.s32 s25, v1;
	v22 =	vand.u32 $0x7F, v15  }
0x29a: {  	v39 =	vmul.f32 $1.442695020e+00, v30;
	v40 =	vsub.f32 v21, v6;
	(erf) = vpow2.f32 v27  }
0x29b: {  	v24 =	vand.u32 $0x7F, v33;
	v23 =	vand.u32 $0x7F, v17;
	v30 =	vshll.u32 v28, $0x3  }
0x29c: {  	v40 =	vmul.f32 $1.442695020e+00, v40;
	v41 =	vsub.f32 v19, v6;
	(erf) = vpow2.f32 v39  }
0x29d: {  	v27 =	vand.u32 $0x7F, v28;
	v28 =	vshll.u32 v33, $0x3;
	v60 =	vsub.f32 v16, v6;
	v61 =	vpop (erf)  }
0x29e: {  	v41 =	vmul.f32 $1.442695020e+00, v41;
	(erf) = vpow2.f32 v40;
	v42 =	vnsel vm0, $0x0, v61  }
0x29f: {  	v33 =	vand.u32 $0x7F, v38;
	vm0 =	vge.f32 v35, v7;
	v62 =	vpop (erf);
	v25 =	vadd.f32 v42, v25  }
0x2a0: {  	(erf) = vpow2.f32 v41;
	[tilespmem:v26+s3+$0x0] =	vst.idx.msk $0xffff, v42;
	v63 =	vnsel vm0, $0x0, v62;
	v26 =	vmul.f32 $1.442695020e+00, v60  }
0x2a1: {  	s20 =	simm.s32 $0x10;
	v35 =	vand.u32 $0x7F, v32;
	vm0 =	vge.f32 v37, v7;
	[tilespmem:v36+s3+$0x0] =	vst.idx.msk $0xffff, v63;
	v25 =	vadd.f32 v63, v25;
	v36 =	vpop (erf)  }
.LBB2_21:
0x2a2: {  	p0 =	slt.u32 s20, $0x7F8;
	v32 =	vshll.u32 v32, $0x3;
	v36 =	vnsel vm0, $0x0, v36;
	(erf) = vpow2.f32 v26  }
0x2a3: {  	v26 =	vand.u32 $0x3C00, v31;
	vm0 =	vge.f32 v18, v7;
	[tilespmem:v9+s3+$0x0] =	vst.idx.msk $0xffff, v36;
	v9 =	vadd.f32 v36, v25;
	v18 =	vpop (erf)  }
0x2a4: {  	v25 =	vor.u32 v26, v29;
	v29 =	vand.u32 $0x3C00, v32;
	v18 =	vnsel vm0, $0x0, v18  }
0x2a5: {  	v26 =	vor.u32 v2, v25;
	vm0 =	vge.f32 v20, v7;
	v31 =	vadd.f32 v18, v9;
	v20 =	vpop (erf)  }
0x2a6: {  	v25 =	vor.u32 v29, v35;
	v29 =	vand.u32 $0x3C00, v34;
	[tilespmem:v8+s3+$0x0] =	vst.idx.msk $0xffff, v18;
	v8 =	vnsel vm0, $0x0, v20  }
0x2a7: {  	v25 =	vor.u32 v2, v25;
	vm0 =	vge.f32 v21, v7;
	v31 =	vadd.f32 v8, v31;
	v9 =	vpop (erf)  }
0x2a8: {  	v20 =	vor.u32 v29, v33;
	v21 =	vand.u32 $0x3C00, v30;
	[tilespmem:v10+s3+$0x0] =	vst.idx.msk $0xffff, v8;
	v8 =	vnsel vm0, $0x0, v9  }
0x2a9: {  	v9 =	vor.u32 v2, v20;
	vm0 =	vge.f32 v19, v7;
	v29 =	vadd.f32 v8, v31;
	v18 =	vpop (erf)  }
0x2aa: {  	v19 =	vor.u32 v21, v27;
	v20 =	vand.u32 $0x3C00, v28;
	v34 =	vld.idx.msk [tilespmem:v26+s3+$0x0], $0xffff;
	[tilespmem:v11+s3+$0x0] =	vst.idx.msk $0xffff, v8;
	v11 =	vnsel vm0, $0x0, v18  }
0x2ab: {  	v8 =	vor.u32 v2, v19;
	vm0 =	vge.f32 v16, v7;
	v18 =	vadd.f32 v11, v29;
	v10 =	vpop (erf)  }
0x2ac: {  	v17 =	vshll.u32 v17, $0x3;
	v16 =	vor.u32 v20, v24;
	v35 =	vld.idx.msk [tilespmem:v25+s3+$0x0], $0xffff;
	[tilespmem:v12+s3+$0x0] =	vst.idx.msk $0xffff, v11;
	v11 =	vnsel vm0, $0x0, v10  }
0x2ad: {  	v10 =	vor.u32 v2, v16;
	v12 =	vand.u32 $0x3C00, v17;
	[tilespmem:v13+s3+$0x0] =	vst.idx.msk $0xffff, v11;
	v36 =	vadd.f32 v11, v18  }
0x2ae: {  	v11 =	vor.u32 v12, v23;
	v12 =	vshll.u32 v14, $0x3;
	v13 =	vshll.u32 v15, $0x3;
	v37 =	vld.idx.msk [tilespmem:v9+s3+$0x0], $0xffff  }
0x2af: {  	v14 =	vand.u32 $0x7F, v14;
	v11 =	vor.u32 v2, v11;
	v12 =	vand.u32 $0x3C00, v12  }
0x2b0: {  	v13 =	vand.u32 $0x3C00, v13;
	v15 =	vsub.f32 v34, v6;
	v12 =	vor.u32 v12, v14;
	v18 =	vld.idx.msk [tilespmem:v8+s3+$0x0], $0xffff  }
0x2b1: {  	v16 =	vadd.s32 s20, v1;
	v13 =	vor.u32 v13, v22;
	v12 =	vor.u32 v2, v12  }
0x2b2: {  	s23 =	sadd.s32 $0x5, s20;
	s24 =	sadd.s32 $0x6, s20;
	s25 =	sadd.s32 $0x7, s20;
	v13 =	vor.u32 v2, v13;
	v19 =	vmul.f32 $1.442695020e+00, v15;
	v21 =	vsub.f32 v35, v6;
	v20 =	vld.idx.msk [tilespmem:v10+s3+$0x0], $0xffff  }
0x2b3: {  	v17 =	vadd.s32 s23, v1;
	v14 =	vadd.s32 s24, v1;
	v15 =	vadd.s32 s25, v1  }
0x2b4: {  	s23 =	sadd.s32 $0x2, s20;
	s24 =	sadd.s32 $0x3, s20;
	s25 =	sadd.s32 $0x4, s20;
	v22 =	vmul.f32 $1.442695020e+00, v21;
	v23 =	vsub.f32 v37, v6;
	v21 =	vld.idx.msk [tilespmem:v11+s3+$0x0], $0xffff;
	(erf) = vpow2.f32 v19  }
0x2b5: {  	v38 =	vadd.s32 s23, v1;
	v28 =	vadd.s32 s24, v1;
	v33 =	vadd.s32 s25, v1  }
0x2b6: {  	s23 =	sadd.s32 $0x1, s20;
	v23 =	vmul.f32 $1.442695020e+00, v23;
	v24 =	vsub.f32 v18, v6;
	v19 =	vld.idx.msk [tilespmem:v12+s3+$0x0], $0xffff;
	(erf) = vpow2.f32 v22  }
0x2b7: {  	v29 =	vand.u32 $0x7F, v16;
	v31 =	vshll.u32 v16, $0x3;
	v32 =	vadd.s32 s23, v1;
	v16 =	vld.idx.msk [tilespmem:v13+s3+$0x0], $0xffff  }
0x2b8: {  	v27 =	vmul.f32 $1.442695020e+00, v24;
	v30 =	vsub.f32 v20, v6;
	(erf) = vpow2.f32 v23  }
0x2b9: {  	v22 =	vand.u32 $0x7F, v15;
	v24 =	vand.u32 $0x7F, v33;
	v23 =	vand.u32 $0x7F, v17  }
0x2ba: {  	v39 =	vmul.f32 $1.442695020e+00, v30;
	v40 =	vsub.f32 v21, v6;
	(erf) = vpow2.f32 v27  }
0x2bb: {  	v30 =	vshll.u32 v28, $0x3;
	v27 =	vand.u32 $0x7F, v28;
	v28 =	vshll.u32 v33, $0x3  }
0x2bc: {  	v40 =	vmul.f32 $1.442695020e+00, v40;
	v41 =	vsub.f32 v19, v6;
	(erf) = vpow2.f32 v39  }
.Ltmp11:
0x2bd: {  	vm0 =	vge.f32 v34, v7;
	v33 =	vand.u32 $0x7F, v38;
	v39 =	vsub.f32 v16, v6;
	v34 =	vpop (erf);
	(pc) =	sbr.rel @p0 .LBB2_21-.Ltmp11, $4  }
0x2be: {  	v41 =	vmul.f32 $1.442695020e+00, v41;
	v42 =	vnsel vm0, $0x0, v34;
	(erf) = vpow2.f32 v40  }
0x2bf: {  	v34 =	vshll.u32 v38, $0x3;
	vm0 =	vge.f32 v35, v7;
	[tilespmem:v26+s3+$0x0] =	vst.idx.msk $0xffff, v42;
	v40 =	vadd.f32 v42, v36;
	v26 =	vpop (erf)  }
0x2c0: {  	v38 =	vnsel vm0, $0x0, v26;
	v26 =	vmul.f32 $1.442695020e+00, v39;
	(erf) = vpow2.f32 v41  }
0x2c1: {  	s20 =	sadd.s32 $0x8, s20;
	v35 =	vand.u32 $0x7F, v32;
	vm0 =	vge.f32 v37, v7;
	[tilespmem:v25+s3+$0x0] =	vst.idx.msk $0xffff, v38;
	v25 =	vadd.f32 v38, v40;
	v36 =	vpop (erf)  }
0x2c2: {  	v31 =	vand.u32 $0x3C00, v31  }
0x2c3: {  	v32 =	vshll.u32 v32, $0x3;
	v29 =	vor.u32 v31, v29  }
0x2c4: {  	v56 =	vand.u32 $0x3C00, v32;
	v29 =	vor.u32 v2, v29  }
0x2c5: {  	v31 =	vor.u32 v56, v35  }
0x2c6: {  	v57 =	vand.u32 $0x3C00, v34;
	v31 =	vor.u32 v2, v31  }
0x2c7: {  	v32 =	vor.u32 v57, v33  }
0x2c8: {  	v30 =	vand.u32 $0x3C00, v30;
	v32 =	vor.u32 v2, v32  }
0x2c9: {  	(erf) = vpow2.f32 v26;
	v28 =	vand.u32 $0x3C00, v28;
	v27 =	vor.u32 v30, v27;
	v58 =	vld.idx.msk [tilespmem:v29+s3+$0x0], $0xffff  }
0x2ca: {  	v17 =	vshll.u32 v17, $0x3;
	v60 =	vshll.u32 v14, $0x3;
	v27 =	vor.u32 v2, v27  }
0x2cb: {  	v14 =	vand.u32 $0x7F, v14;
	v15 =	vshll.u32 v15, $0x3;
	v24 =	vor.u32 v28, v24;
	v59 =	vld.idx.msk [tilespmem:v31+s3+$0x0], $0xffff  }
0x2cc: {  	vm15 =	vge.f32 v18, v7;
	v17 =	vand.u32 $0x3C00, v17;
	v24 =	vor.u32 v2, v24  }
0x2cd: {  	vm4 =	vge.f32 v20, v7;
	v15 =	vand.u32 $0x3C00, v15;
	v17 =	vor.u32 v17, v23;
	v61 =	vld.idx.msk [tilespmem:v32+s3+$0x0], $0xffff  }
0x2ce: {  	v23 =	vand.u32 $0x3C00, v60;
	v17 =	vor.u32 v2, v17;
	v62 =	vsub.f32 v58, v6  }
0x2cf: {  	v33 =	vnsel vm0, $0x0, v36;
	v15 =	vor.u32 v15, v22;
	v14 =	vor.u32 v23, v14;
	v63 =	vld.idx.msk [tilespmem:v27+s3+$0x0], $0xffff  }
0x2d0: {  	v39 =	vpop (erf);
	v14 =	vor.u32 v2, v14;
	v41 =	vsub.f32 v59, v6;
	v40 =	vmul.f32 $1.442695020e+00, v62  }
0x2d1: {  	v25 =	vadd.f32 v33, v25;
	v23 =	vnsel vm15, $0x0, v39;
	v15 =	vor.u32 v2, v15;
	v42 =	vld.idx.msk [tilespmem:v24+s3+$0x0], $0xffff  }
0x2d2: {  	v43 =	vpop (erf);
	v44 =	vsub.f32 v61, v6;
	v34 =	vmul.f32 $1.442695020e+00, v41;
	(erf) = vpow2.f32 v40  }
0x2d3: {  	vm5 =	vge.f32 v21, v7;
	v45 =	vadd.f32 v23, v25;
	v46 =	vnsel vm4, $0x0, v43;
	v37 =	vld.idx.msk [tilespmem:v17+s3+$0x0], $0xffff  }
0x2d4: {  	v47 =	vpop (erf);
	v49 =	vsub.f32 v63, v6;
	v48 =	vmul.f32 $1.442695020e+00, v44;
	(erf) = vpow2.f32 v34  }
0x2d5: {  	vm6 =	vge.f32 v19, v7;
	v22 =	vadd.f32 v46, v45;
	v21 =	vnsel vm5, $0x0, v47;
	v50 =	vld.idx.msk [tilespmem:v14+s3+$0x0], $0xffff  }
0x2d6: {  	v51 =	vpop (erf);
	v52 =	vld.idx.msk [tilespmem:v15+s3+$0x0], $0xffff;
	v38 =	vsub.f32 v42, v6;
	v36 =	vmul.f32 $1.442695020e+00, v49;
	(erf) = vpow2.f32 v48  }
0x2d7: {  	vm7 =	vge.f32 v16, v7;
	v22 =	vadd.f32 v21, v22;
	v19 =	vnsel vm6, $0x0, v51  }
0x2d8: {  	v54 =	vpop (erf);
	v39 =	vsub.f32 v37, v6;
	v53 =	vmul.f32 $1.442695020e+00, v38;
	(erf) = vpow2.f32 v36  }
0x2d9: {  	v22 =	vadd.f32 v19, v22;
	v16 =	vnsel vm7, $0x0, v54  }
0x2da: {  	v56 =	vsub.f32 v50, v6;
	v55 =	vmul.f32 $1.442695020e+00, v39;
	(erf) = vpow2.f32 v53  }
0x2db: {  	vm8 =	vge.f32 v58, v7;
	v22 =	vadd.f32 v16, v22;
	v6 =	vsub.f32 v52, v6;
	v57 =	vpop (erf)  }
0x2dc: {  	v36 =	vmul.f32 $1.442695020e+00, v56;
	(erf) = vpow2.f32 v55;
	v26 =	vnsel vm8, $0x0, v57  }
0x2dd: {  	vm9 =	vge.f32 v59, v7;
	v58 =	vpop (erf);
	v22 =	vadd.f32 v26, v22  }
0x2de: {  	v6 =	vmul.f32 $1.442695020e+00, v6;
	(erf) = vpow2.f32 v36;
	v30 =	vnsel vm9, $0x0, v58  }
0x2df: {  	vm10 =	vge.f32 v61, v7;
	v59 =	vpop (erf);
	v22 =	vadd.f32 v30, v22  }
0x2e0: {  	(erf) = vpow2.f32 v6;
	v28 =	vnsel vm10, $0x0, v59  }
0x2e1: {  	vm11 =	vge.f32 v63, v7;
	v60 =	vpop (erf);
	v6 =	vadd.f32 v28, v22  }
0x2e2: {  	v18 =	vnsel vm11, $0x0, v60  }
0x2e3: {  	vm12 =	vge.f32 v42, v7;
	v61 =	vpop (erf);
	v6 =	vadd.f32 v18, v6  }
0x2e4: {  	v20 =	vnsel vm12, $0x0, v61  }
0x2e5: {  	vm13 =	vge.f32 v37, v7;
	v62 =	vpop (erf);
	v6 =	vadd.f32 v20, v6  }
0x2e6: {  	v22 =	vnsel vm13, $0x0, v62  }
0x2e7: {  	vm14 =	vge.f32 v50, v7;
	v63 =	vpop (erf);
	v6 =	vadd.f32 v22, v6  }
0x2e8: {  	[tilespmem:v9+s3+$0x0] =	vst.idx.msk $0xffff, v33;
	v34 =	vnsel vm14, $0x0, v63  }
0x2e9: {  	[tilespmem:v8+s3+$0x0] =	vst.idx.msk $0xffff, v23;
	vm15 =	vge.f32 v52, v7;
	v7 =	vpop (erf);
	v6 =	vadd.f32 v34, v6  }
0x2ea: {  	[tilespmem:v10+s3+$0x0] =	vst.idx.msk $0xffff, v46;
	v7 =	vnsel vm15, $0x0, v7  }
0x2eb: {  	[tilespmem:v11+s3+$0x0] =	vst.idx.msk $0xffff, v21;
	v6 =	vadd.f32 v7, v6  }
0x2ec: {  	s20 =	simm.s32 $0x0;
	[tilespmem:v12+s3+$0x0] =	vst.idx.msk $0xffff, v19  }
0x2ed: {  	s26 =	simm.s32 $0x7;
	[tilespmem:v13+s3+$0x0] =	vst.idx.msk $0xffff, v16;
	(erf) = vrcp.f32 v6;
	v6 =	vadd.s32 s20, v1  }
0x2ee: {  	s29 =	simm.s32 $0x5;
	v9 =	vadd.s32 s26, v1;
	[tilespmem:v29+s3+$0x0] =	vst.idx.msk $0xffff, v26;
	v8 =	vshll.u32 v6, $0x3  }
0x2ef: {  	v11 =	vadd.s32 s29, v1;
	[tilespmem:v31+s3+$0x0] =	vst.idx.msk $0xffff, v30;
	v6 =	vand.u32 $0x7F, v6;
	v8 =	vand.u32 $0x3C00, v8  }
0x2f0: {  	s28 =	simm.s32 $0x6;
	v10 =	vshll.u32 v9, $0x3;
	v12 =	vshll.u32 v11, $0x3;
	[tilespmem:v32+s3+$0x0] =	vst.idx.msk $0xffff, v28;
	v6 =	vor.u32 v8, v6  }
0x2f1: {  	[tilespmem:v27+s3+$0x0] =	vst.idx.msk $0xffff, v18;
	v8 =	vand.u32 $0x7F, v9;
	v9 =	vand.u32 $0x3C00, v10;
	v10 =	vadd.s32 s28, v1  }
0x2f2: {  	v11 =	vand.u32 $0x7F, v11;
	[tilespmem:v24+s3+$0x0] =	vst.idx.msk $0xffff, v20;
	v8 =	vor.u32 v9, v8;
	v9 =	vshll.u32 v10, $0x3  }
0x2f3: {  	v12 =	vand.u32 $0x3C00, v12;
	[tilespmem:v17+s3+$0x0] =	vst.idx.msk $0xffff, v22;
	v10 =	vand.u32 $0x7F, v10;
	v9 =	vand.u32 $0x3C00, v9  }
0x2f4: {  	s30 =	simm.s32 $0x4;
	v6 =	vor.u32 v2, v6;
	v8 =	vor.u32 v2, v8;
	v9 =	vor.u32 v9, v10  }
0x2f5: {  	p0 =	seq.s32 s19, $0x0;
	s23 =	simm.s32 $0x3;
	[tilespmem:v14+s3+$0x0] =	vst.idx.msk $0xffff, v34;
	v10 =	vor.u32 v2, v9;
	v9 =	vor.u32 v12, v11;
	v11 =	vadd.s32 s30, v1  }
0x2f6: {  	s24 =	simm.s32 @!p0 $0x3;
	[tilespmem:v15+s3+$0x0] =	vst.idx.msk $0xffff, v7;
	v12 =	vadd.s32 s23, v1;
	v9 =	vor.u32 v2, v9;
	v13 =	vshll.u32 v11, $0x3;
	v7 =	vpop (erf)  }
0x2f7: {  	v14 =	vshll.u32 v12, $0x3;
	v11 =	vand.u32 $0x7F, v11;
	v13 =	vand.u32 $0x3C00, v13;
	_ =	swait.ge @!p0 [sflag:s24], $0x8000  }
0x2f8: {  	s31 =	simm.s32 $0x2;
	s20 =	sshll.u32 s19, $0x10;
	v15 =	vand.u32 $0x7F, v12;
	v14 =	vand.u32 $0x3C00, v14;
	v11 =	vor.u32 v13, v11;
	[sflag:s24] =	ssyncset.done @!p0 $0x0  }
0x2f9: {  	s23 =	simm.s32 $0x8;
	v12 =	vadd.s32 s31, v1;
	v13 =	vor.u32 v14, v15;
	v11 =	vor.u32 v2, v11;
	[sflag:s24] =	ssyncadd.s32 @!p0 $0xFFFF8000;
	s24 =	simm.s32 $0x1  }
.LBB2_23:
0x2fa: {  	p0 =	slt.u32 s23, $0x7F8;
	v14 =	vadd.s32 s24, v1;
	v15 =	vshll.u32 v12, $0x3;
	v13 =	vor.u32 v2, v13  }
0x2fb: {  	v12 =	vand.u32 $0x7F, v12;
	v16 =	vshll.u32 v14, $0x3;
	v15 =	vand.u32 $0x3C00, v15  }
0x2fc: {  	v14 =	vand.u32 $0x7F, v14;
	v17 =	vld.idx.msk [tilespmem:v6+s3+$0x0], $0xffff;
	v16 =	vand.u32 $0x3C00, v16;
	v12 =	vor.u32 v15, v12  }
0x2fd: {  	s24 =	sadd.s32 $0x7, s23;
	v15 =	vadd.s32 s23, v1;
	v14 =	vor.u32 v16, v14;
	v12 =	vor.u32 v2, v12;
	v16 =	vld.idx.msk [tilespmem:v8+s3+$0x0], $0xffff  }
0x2fe: {  	v19 =	vadd.s32 s24, v1;
	v18 =	vshll.u32 v15, $0x3;
	v14 =	vor.u32 v2, v14;
	v20 =	vld.idx.msk [tilespmem:v10+s3+$0x0], $0xffff  }
0x2ff: {  	v21 =	vshll.u32 v19, $0x3;
	v15 =	vand.u32 $0x7F, v15;
	v18 =	vand.u32 $0x3C00, v18;
	v22 =	vld.idx.msk [tilespmem:v9+s3+$0x0], $0xffff  }
0x300: {  	s24 =	sadd.s32 $0x6, s23;
	v15 =	vor.u32 v18, v15;
	v18 =	vand.u32 $0x7F, v19;
	v19 =	vand.u32 $0x3C00, v21;
	v21 =	vld.idx.msk [tilespmem:v11+s3+$0x0], $0xffff  }
0x301: {  	v23 =	vadd.s32 s24, v1;
	v15 =	vor.u32 v2, v15;
	v18 =	vor.u32 v19, v18;
	v19 =	vld.idx.msk [tilespmem:v13+s3+$0x0], $0xffff  }
0x302: {  	v24 =	vshll.u32 v23, $0x3;
	v18 =	vor.u32 v2, v18;
	v17 =	vmul.f32 v17, v7;
	v25 =	vld.idx.msk [tilespmem:v12+s3+$0x0], $0xffff  }
0x303: {  	s24 =	sadd.s32 $0x5, s23;
	v23 =	vand.u32 $0x7F, v23;
	v24 =	vand.u32 $0x3C00, v24;
	v16 =	vmul.f32 v16, v7;
	v26 =	vld.idx.msk [tilespmem:v14+s3+$0x0], $0xffff  }
0x304: {  	v27 =	vadd.s32 s24, v1;
	v23 =	vor.u32 v24, v23;
	v24 =	vmul.f32 v20, v7;
	[tilespmem:v6+s14+$0x0] =	vst.idx.msk $0xffff, v17  }
0x305: {  	v20 =	vor.u32 v2, v23;
	v17 =	vshll.u32 v27, $0x3;
	v22 =	vmul.f32 v22, v7;
	[tilespmem:v8+s14+$0x0] =	vst.idx.msk $0xffff, v16  }
0x306: {  	v23 =	vand.u32 $0x7F, v27;
	v6 =	vmovc v15;
	v16 =	vand.u32 $0x3C00, v17;
	v17 =	vmul.f32 v21, v7;
	[tilespmem:v10+s14+$0x0] =	vst.idx.msk $0xffff, v24  }
0x307: {  	s24 =	sadd.s32 $0x4, s23;
	v8 =	vmov v18;
	v21 =	vor.u32 v16, v23;
	v15 =	vmul.f32 v19, v7;
	[tilespmem:v9+s14+$0x0] =	vst.idx.msk $0xffff, v22  }
.Ltmp12:
0x308: {  	s25 =	sadd.s32 $0x3, s23;
	v16 =	vadd.s32 s24, v1;
	v9 =	vor.u32 v2, v21;
	v18 =	vmul.f32 v25, v7;
	[tilespmem:v11+s14+$0x0] =	vst.idx.msk $0xffff, v17;
	(pc) =	sbr.rel @p0 .LBB2_23-.Ltmp12, $4  }
0x309: {  	v10 =	vmovc v20;
	v11 =	vadd.s32 s25, v1;
	v17 =	vshll.u32 v16, $0x3;
	v19 =	vmul.f32 v26, v7;
	[tilespmem:v13+s14+$0x0] =	vst.idx.msk $0xffff, v15  }
0x30a: {  	v13 =	vshll.u32 v11, $0x3;
	v15 =	vand.u32 $0x7F, v16;
	v16 =	vand.u32 $0x3C00, v17;
	[tilespmem:v12+s14+$0x0] =	vst.idx.msk $0xffff, v18  }
0x30b: {  	s25 =	sadd.s32 $0x2, s23;
	v11 =	vand.u32 $0x7F, v11;
	v13 =	vand.u32 $0x3C00, v13;
	v15 =	vor.u32 v16, v15;
	[tilespmem:v14+s14+$0x0] =	vst.idx.msk $0xffff, v19  }
0x30c: {  	s24 =	sadd.s32 $0x1, s23;
	s23 =	sadd.s32 $0x8, s23;
	v12 =	vadd.s32 s25, v1;
	v13 =	vor.u32 v13, v11;
	v11 =	vor.u32 v2, v15  }
0x30d: {  	_ =	sdelay $0x2  }
0x30e: {  	v14 =	vadd.s32 s24, v1;
	v15 =	vshll.u32 v12, $0x3;
	v13 =	vor.u32 v2, v13  }
0x30f: {  	v12 =	vand.u32 $0x7F, v12;
	v17 =	vld.idx.msk [tilespmem:v6+s3+$0x0], $0xffff;
	v16 =	vshll.u32 v14, $0x3;
	v15 =	vand.u32 $0x3C00, v15  }
0x310: {  	v14 =	vand.u32 $0x7F, v14;
	v16 =	vand.u32 $0x3C00, v16;
	v12 =	vor.u32 v15, v12;
	v15 =	vld.idx.msk [tilespmem:v8+s3+$0x0], $0xffff  }
0x311: {  	v14 =	vor.u32 v16, v14;
	v12 =	vor.u32 v2, v12;
	v16 =	vld.idx.msk [tilespmem:v10+s3+$0x0], $0xffff  }
0x312: {  	v18 =	vld.idx.msk [tilespmem:v9+s3+$0x0], $0xffff;
	v14 =	vor.u32 v2, v14  }
0x313: {  	v19 =	vld.idx.msk [tilespmem:v11+s3+$0x0], $0xffff  }
0x314: {  	v20 =	vld.idx.msk [tilespmem:v13+s3+$0x0], $0xffff;
	v17 =	vmul.f32 v17, v7  }
0x315: {  	v15 =	vmul.f32 v15, v7  }
0x316: {  	[tilespmem:v6+s14+$0x0] =	vst.idx.msk $0xffff, v17;
	v21 =	vld.idx.msk [tilespmem:v12+s3+$0x0], $0xffff;
	v6 =	vmul.f32 v16, v7  }
0x317: {  	v16 =	vmul.f32 v18, v7;
	v22 =	vld.idx.msk [tilespmem:v14+s3+$0x0], $0xffff;
	[tilespmem:v8+s14+$0x0] =	vst.idx.msk $0xffff, v15  }
0x318: {  	s26 =	simm.s32 $0x2;
	v8 =	vmul.f32 v19, v7;
	[tilespmem:v10+s14+$0x0] =	vst.idx.msk $0xffff, v6  }
0x319: {  	s28 =	simm.s32 $0x3;
	v6 =	vmul.f32 v20, v7;
	[tilespmem:v9+s14+$0x0] =	vst.idx.msk $0xffff, v16;
	v10 =	vadd.s32 s26, v1  }
0x31a: {  	s30 =	simm.s32 $0x5;
	[tilespmem:v11+s14+$0x0] =	vst.idx.msk $0xffff, v8;
	v11 =	vadd.s32 s28, v1;
	v17 =	vand.u32 $0x7F, v10  }
0x31b: {  	v10 =	vshll.u32 v10, $0x3;
	[tilespmem:v13+s14+$0x0] =	vst.idx.msk $0xffff, v6;
	v13 =	vadd.s32 s30, v1;
	v9 =	vmul.f32 v21, v7  }
0x31c: {  	v18 =	vand.u32 $0x7F, v11;
	v11 =	vshll.u32 v11, $0x3;
	v7 =	vmul.f32 v22, v7  }
0x31d: {  	s22 =	sshll.u32 s22, $0x8;
	p0 =	seq.s32 s19, $0x15;
	v20 =	vand.u32 $0x7F, v13;
	v13 =	vshll.u32 v13, $0x3;
	v11 =	vand.u32 $0x3C00, v11;
	[tilespmem:v12+s14+$0x0] =	vst.idx.msk $0xffff, v9  }
0x31e: {  	s25 =	simm.s32 $0x1;
	s29 =	simm.s32 $0x4;
	s22 =	sadd.s32 s4, s22;
	v10 =	vand.u32 $0x3C00, v10;
	v11 =	vor.u32 v11, v18;
	v13 =	vand.u32 $0x3C00, v13;
	[tilespmem:v14+s14+$0x0] =	vst.idx.msk $0xffff, v7  }
0x31f: {  	v9 =	vadd.s32 s25, v1;
	v12 =	vadd.s32 s29, v1;
	v11 =	vor.u32 v5, v11;
	[hbm4b:s22+s3] =	stream.linear.scatter [tilespmem:s14], [sflag:$0x3], $0x8000, $0x38;
	[tilespmem:$0x19000] =	vst v63  }
0x320: {  	s24 =	simm.s32 $0x0;
	v13 =	vor.u32 v13, v20;
	v19 =	vand.u32 $0x7F, v12;
	v12 =	vshll.u32 v12, $0x3;
	s22 =	sadd.s32 @!p0 s20, s8  }
0x321: {  	v7 =	vadd.s32 s24, v1;
	v15 =	vand.u32 $0x7F, v9;
	v12 =	vand.u32 $0x3C00, v12;
	s22 =	sshrl.u32 @!p0 s22, $0x3  }
0x322: {  	s23 =	simm.s32 @!p0 $0x0;
	v8 =	vand.u32 $0x7F, v7;
	v7 =	vshll.u32 v7, $0x3;
	v12 =	vor.u32 v12, v19;
	s22 =	sadd.s32 @!p0 s0, s22  }
0x323: {  	v9 =	vshll.u32 v9, $0x3;
	v7 =	vand.u32 $0x3C00, v7;
	v12 =	vor.u32 v5, v12;
	[tilespmem:s23], [sflag:$0x1] =	stream.linear.gather @!p0 [hbm4b:s22+s23], $0x8000, $0x38;
	[tilespmem:$0x19000] =	vst v63  }
0x324: {  	v13 =	vor.u32 v5, v13;
	v7 =	vor.u32 v7, v8;
	v8 =	vand.u32 $0x3C00, v9;
	_ =	swait.ge [sflag:s15], $0x8000  }
0x325: {  	v10 =	vor.u32 v10, v17;
	s23 =	simm.s32 $0x7;
	v7 =	vor.u32 v5, v7;
	v8 =	vor.u32 v8, v15;
	[sflag:s15] =	ssyncset.done $0x0  }
0x326: {  	s31 =	simm.s32 $0x6;
	v10 =	vor.u32 v5, v10;
	v16 =	vadd.s32 s23, v1;
	v8 =	vor.u32 v5, v8;
	[sflag:s15] =	ssyncadd.s32 $0xFFFF8000  }
0x327: {  	v14 =	vadd.s32 s31, v1;
	v22 =	vand.u32 $0x7F, v16;
	v9 =	vshll.u32 v16, $0x3;
	v16 =	vld.idx.msk [tilespmem:v11+s3+$0x0], $0xffff  }
0x328: {  	v21 =	vand.u32 $0x7F, v14;
	v14 =	vshll.u32 v14, $0x3;
	v17 =	vld.idx.msk [tilespmem:v12+s3+$0x0], $0xffff  }
0x329: {  	v14 =	vand.u32 $0x3C00, v14;
	v13 =	vld.idx.msk [tilespmem:v13+s3+$0x0], $0xffff  }
0x32a: {  	v14 =	vor.u32 v14, v21;
	v7 =	vld.idx.msk [tilespmem:v7+s3+$0x0], $0xffff  }
0x32b: {  	v9 =	vand.u32 $0x3C00, v9;
	v15 =	vld.idx.msk [tilespmem:v8+s3+$0x0], $0xffff;
	v8 =	vor.u32 v5, v14  }
0x32c: {  	v9 =	vor.u32 v9, v22;
	v14 =	vld.idx.msk [tilespmem:v10+s3+$0x0], $0xffff  }
0x32d: {  	v6 =	vimm.f32 $-3.399999950e+38;
	v9 =	vor.u32 v5, v9  }
0x32e: {  	vm4 =	vlt.s32 v16, $0x0;
	vm5 =	vlt.s32 v17, $0x0;
	vm6 =	vlt.s32 v13, $0x0  }
0x32f: {  	vm0 =	vlt.s32 v7, $0x0;
	v10 =	vshra.s32 v7, $0x14;
	v7 =	vmax.f32 v6, v7  }
0x330: {  	v18 =	vld.idx.msk [tilespmem:v8+s3+$0x0], $0xffff;
	v6 =	vand.u32 $0xFFFFFFF0, v10;
	v8 =	vshra.s32 v15, $0x14;
	v7 =	vmax.f32 v7, v15  }
0x331: {  	vm1 =	vlt.s32 v15, $0x0;
	vm3 =	vlt.s32 v14, $0x0;
	v20 =	vand.u32 $0xFFFFFFF0, v8  }
0x332: {  	v19 =	vld.idx.msk [tilespmem:v9+s3+$0x0], $0xffff;
	v8 =	vshra.s32 v14, $0x14;
	v7 =	vmax.f32 v7, v14;
	v10 =	vxor.u32 $0x7F0, v6  }
0x333: {  	v21 =	vand.u32 $0xFFFFFFF0, v8;
	v8 =	vshra.s32 v16, $0x14;
	v7 =	vmax.f32 v7, v16  }
0x334: {  	v25 =	vxor.u32 $0x7F0, v20;
	v22 =	vand.u32 $0xFFFFFFF0, v8;
	v8 =	vshra.s32 v17, $0x14  }
0x335: {  	s26 =	simm.s32 $0xA;
	s24 =	simm.s32 $0x8;
	v7 =	vmax.f32 v7, v17;
	v26 =	vxor.u32 $0x7F0, v21;
	v14 =	vsel vm1, v25, v20  }
0x336: {  	v17 =	vadd.s32 s24, v1;
	v20 =	vadd.s32 s26, v1;
	v23 =	vand.u32 $0xFFFFFFF0, v8  }
0x337: {  	v8 =	vshra.s32 v13, $0x14;
	v7 =	vmax.f32 v7, v13;
	v9 =	vshra.s32 v19, $0x14  }
0x338: {  	s28 =	simm.s32 $0xB;
	v27 =	vxor.u32 $0x7F0, v22;
	v13 =	vsel vm3, v26, v21;
	vm1 =	vlt.s32 v19, $0x0  }
0x339: {  	v25 =	vshll.u32 v17, $0x3;
	v21 =	vadd.s32 s28, v1;
	v24 =	vand.u32 $0xFFFFFFF0, v8  }
0x33a: {  	v8 =	vshra.s32 v18, $0x14;
	v7 =	vmax.f32 v7, v18;
	v9 =	vand.u32 $0xFFFFFFF0, v9  }
0x33b: {  	s29 =	simm.s32 $0xC;
	v28 =	vxor.u32 $0x7F0, v23;
	vm2 =	vlt.s32 v18, $0x0;
	v16 =	vsel vm4, v27, v22  }
0x33c: {  	v18 =	vand.u32 $0x7F, v17;
	v22 =	vadd.s32 s29, v1;
	v8 =	vand.u32 $0xFFFFFFF0, v8  }
0x33d: {  	s30 =	simm.s32 $0xD;
	s25 =	simm.s32 $0x9;
	v7 =	vmax.f32 v7, v19;
	v29 =	vxor.u32 $0x7F0, v24;
	v11 =	vxor.u32 $0x7F0, v9  }
0x33e: {  	s31 =	simm.s32 $0xE;
	v15 =	vsel vm5, v28, v23;
	v19 =	vadd.s32 s25, v1;
	v23 =	vadd.s32 s30, v1  }
0x33f: {  	s22 =	simm.s32 $0x10;
	s23 =	simm.s32 $0xF;
	v12 =	vxor.u32 $0x7F0, v8;
	v17 =	vsel vm6, v29, v24;
	v24 =	vadd.s32 s31, v1  }
.LBB2_25:
0x340: {  	p1 =	slt.u32 s22, $0x7F8;
	v25 =	vand.u32 $0x3C00, v25;
	v26 =	vand.u32 $0x7F, v19;
	v27 =	vadd.s32 s23, v1  }
0x341: {  	v28 =	vand.u32 $0x7F, v20;
	v29 =	vand.u32 $0x7F, v21;
	v30 =	vand.u32 $0x7F, v22  }
0x342: {  	v31 =	vand.u32 $0x7F, v23;
	v32 =	vand.u32 $0x7F, v24;
	v33 =	vand.u32 $0x7F, v27  }
0x343: {  	v19 =	vshll.u32 v19, $0x3;
	v20 =	vshll.u32 v20, $0x3;
	v21 =	vshll.u32 v21, $0x3  }
0x344: {  	v22 =	vshll.u32 v22, $0x3;
	v23 =	vshll.u32 v23, $0x3;
	v24 =	vshll.u32 v24, $0x3  }
0x345: {  	v18 =	vor.u32 v25, v18;
	v19 =	vand.u32 $0x3C00, v19;
	v25 =	vshll.u32 v27, $0x3  }
0x346: {  	v20 =	vand.u32 $0x3C00, v20;
	v18 =	vor.u32 v5, v18;
	v19 =	vor.u32 v19, v26  }
0x347: {  	v21 =	vand.u32 $0x3C00, v21;
	v20 =	vor.u32 v20, v28;
	v19 =	vor.u32 v5, v19  }
0x348: {  	v22 =	vand.u32 $0x3C00, v22;
	v21 =	vor.u32 v21, v29;
	v20 =	vor.u32 v5, v20  }
0x349: {  	v23 =	vand.u32 $0x3C00, v23;
	v22 =	vor.u32 v22, v30;
	v21 =	vor.u32 v5, v21  }
0x34a: {  	v24 =	vand.u32 $0x3C00, v24;
	v23 =	vor.u32 v23, v31;
	v22 =	vor.u32 v5, v22  }
0x34b: {  	v24 =	vor.u32 v24, v32;
	v25 =	vand.u32 $0x3C00, v25;
	v23 =	vor.u32 v5, v23;
	v18 =	vld.idx.msk [tilespmem:v18+s3+$0x0], $0xffff  }
0x34c: {  	v8 =	vsel vm2, v12, v8;
	v24 =	vor.u32 v5, v24;
	v25 =	vor.u32 v25, v33;
	v19 =	vld.idx.msk [tilespmem:v19+s3+$0x0], $0xffff  }
0x34d: {  	v6 =	vsel vm0, v10, v6;
	v9 =	vsel vm1, v11, v9;
	v12 =	vor.u32 v5, v25;
	v20 =	vld.idx.msk [tilespmem:v20+s3+$0x0], $0xffff  }
0x34e: {  	v10 =	vadd.s32 v3, v14;
	v11 =	vadd.s32 v3, v13;
	v13 =	vadd.s32 v3, v16;
	v21 =	vld.idx.msk [tilespmem:v21+s3+$0x0], $0xffff  }
0x34f: {  	v15 =	vadd.s32 v3, v15;
	v16 =	vadd.s32 v3, v17;
	v17 =	vadd.s32 v3, v8;
	v14 =	vld.idx.msk [tilespmem:v22+s3+$0x0], $0xffff  }
0x350: {  	v25 =	vadd.s32 v3, v9;
	v22 =	vld.idx.msk [tilespmem:v23+s3+$0x0], $0xffff;
	v23 =	vadd.s32 v3, v6  }
0x351: {  	vm0 =	vlt.s32 v18, $0x0;
	v6 =	vshra.s32 v18, $0x14;
	v7 =	vmax.f32 v7, v18;
	v18 =	vld.idx.msk [tilespmem:v24+s3+$0x0], $0xffff  }
0x352: {  	v6 =	vand.u32 $0xFFFFFFF0, v6;
	v8 =	vshra.s32 v19, $0x14;
	v7 =	vmax.f32 v7, v19;
	v24 =	vld.idx.msk [tilespmem:v12+s3+$0x0], $0xffff  }
0x353: {  	v26 =	vand.u32 $0xFFFFFFF0, v8;
	v8 =	vshra.s32 v20, $0x14;
	v7 =	vmax.f32 v7, v20;
	[tilespmem:v10+s13+$0x0] =	vst.idx.add.s32.msk $0xffff, v4  }
0x354: {  	v27 =	vand.u32 $0xFFFFFFF0, v8;
	v8 =	vshra.s32 v21, $0x14;
	v7 =	vmax.f32 v7, v21;
	[tilespmem:v11+s13+$0x0] =	vst.idx.add.s32.msk $0xffff, v4  }
0x355: {  	v28 =	vand.u32 $0xFFFFFFF0, v8;
	v8 =	vshra.s32 v14, $0x14;
	v7 =	vmax.f32 v7, v14;
	[tilespmem:v13+s13+$0x0] =	vst.idx.add.s32.msk $0xffff, v4  }
0x356: {  	v29 =	vand.u32 $0xFFFFFFF0, v8;
	v8 =	vshra.s32 v22, $0x14;
	v7 =	vmax.f32 v7, v22;
	[tilespmem:v15+s13+$0x0] =	vst.idx.add.s32.msk $0xffff, v4  }
0x357: {  	v30 =	vand.u32 $0xFFFFFFF0, v8;
	v8 =	vshra.s32 v18, $0x14;
	v7 =	vmax.f32 v7, v18;
	[tilespmem:v16+s13+$0x0] =	vst.idx.add.s32.msk $0xffff, v4  }
0x358: {  	v8 =	vand.u32 $0xFFFFFFF0, v8;
	v9 =	vshra.s32 v24, $0x14;
	v7 =	vmax.f32 v7, v24;
	[tilespmem:v17+s13+$0x0] =	vst.idx.add.s32.msk $0xffff, v4  }
0x359: {  	v13 =	vxor.u32 $0x7F0, v26;
	v15 =	vxor.u32 $0x7F0, v27;
	v9 =	vand.u32 $0xFFFFFFF0, v9;
	[tilespmem:v25+s13+$0x0] =	vst.idx.add.s32.msk $0xffff, v4  }
0x35a: {  	v16 =	vxor.u32 $0x7F0, v28;
	v31 =	vxor.u32 $0x7F0, v30;
	v17 =	vxor.u32 $0x7F0, v29;
	[tilespmem:v23+s13+$0x0] =	vst.idx.add.s32.msk $0xffff, v4  }
0x35b: {  	v10 =	vxor.u32 $0x7F0, v6;
	v12 =	vxor.u32 $0x7F0, v8;
	v11 =	vxor.u32 $0x7F0, v9  }
0x35c: {  	vm1 =	vlt.s32 v19, $0x0;
	vm3 =	vlt.s32 v20, $0x0;
	vm4 =	vlt.s32 v21, $0x0  }
0x35d: {  	vm5 =	vlt.s32 v14, $0x0;
	vm6 =	vlt.s32 v22, $0x0;
	vm2 =	vlt.s32 v18, $0x0  }
.Ltmp13:
0x35e: {  	v14 =	vsel vm1, v13, v26;
	v13 =	vsel vm3, v15, v27;
	vm1 =	vlt.s32 v24, $0x0;
	(pc) =	sbr.rel @p1 .LBB2_25-.Ltmp13, $4  }
0x35f: {  	v19 =	vadd.s32 s22, v1;
	v16 =	vsel vm4, v16, v28;
	v15 =	vsel vm5, v17, v29  }
0x360: {  	s23 =	sadd.s32 $0x1, s22;
	s24 =	sadd.s32 $0x2, s22;
	s25 =	sadd.s32 $0x3, s22;
	v18 =	vand.u32 $0x7F, v19;
	v25 =	vshll.u32 v19, $0x3;
	v17 =	vsel vm6, v31, v30  }
0x361: {  	v20 =	vadd.s32 s24, v1;
	s24 =	sadd.s32 $0x5, s22;
	v21 =	vadd.s32 s25, v1;
	s25 =	sadd.s32 $0x6, s22;
	v19 =	vadd.s32 s23, v1;
	s23 =	sadd.s32 $0x4, s22  }
0x362: {  	v24 =	vadd.s32 s25, v1;
	v22 =	vadd.s32 s23, v1;
	v23 =	vadd.s32 s24, v1;
	s23 =	sadd.s32 $0x7, s22;
	s22 =	sadd.s32 $0x8, s22  }
0x363: {  	v25 =	vand.u32 $0x3C00, v25;
	v26 =	vand.u32 $0x7F, v19;
	v28 =	vand.u32 $0x7F, v20  }
0x364: {  	v29 =	vand.u32 $0x7F, v21;
	v30 =	vand.u32 $0x7F, v22;
	v31 =	vand.u32 $0x7F, v23  }
0x365: {  	v32 =	vand.u32 $0x7F, v24;
	v42 =	vshll.u32 v19, $0x3;
	v43 =	vshll.u32 v20, $0x3  }
0x366: {  	v44 =	vshll.u32 v21, $0x3;
	v45 =	vshll.u32 v22, $0x3;
	v46 =	vshll.u32 v23, $0x3  }
0x367: {  	v47 =	vshll.u32 v24, $0x3;
	v18 =	vor.u32 v25, v18;
	v19 =	vand.u32 $0x3C00, v42  }
0x368: {  	v20 =	vand.u32 $0x3C00, v43;
	v18 =	vor.u32 v5, v18;
	v19 =	vor.u32 v19, v26  }
0x369: {  	v21 =	vand.u32 $0x3C00, v44;
	v20 =	vor.u32 v20, v28;
	v19 =	vor.u32 v5, v19  }
0x36a: {  	v22 =	vand.u32 $0x3C00, v45;
	v21 =	vor.u32 v21, v29;
	v20 =	vor.u32 v5, v20  }
0x36b: {  	v23 =	vand.u32 $0x3C00, v46;
	v22 =	vor.u32 v22, v30;
	v21 =	vor.u32 v5, v21  }
0x36c: {  	v24 =	vand.u32 $0x3C00, v47;
	v23 =	vor.u32 v23, v31;
	v22 =	vor.u32 v5, v22  }
0x36d: {  	v27 =	vadd.s32 s23, v1;
	v24 =	vor.u32 v24, v32;
	v23 =	vor.u32 v5, v23;
	v18 =	vld.idx.msk [tilespmem:v18+s3+$0x0], $0xffff  }
0x36e: {  	v48 =	vshll.u32 v27, $0x3;
	v24 =	vor.u32 v5, v24;
	v19 =	vld.idx.msk [tilespmem:v19+s3+$0x0], $0xffff  }
0x36f: {  	v49 =	vand.u32 $0x7F, v27;
	v25 =	vand.u32 $0x3C00, v48;
	v20 =	vld.idx.msk [tilespmem:v20+s3+$0x0], $0xffff  }
0x370: {  	v25 =	vor.u32 v25, v49;
	v21 =	vld.idx.msk [tilespmem:v21+s3+$0x0], $0xffff  }
0x371: {  	v8 =	vsel vm2, v12, v8;
	v9 =	vsel vm1, v11, v9;
	v12 =	vor.u32 v5, v25;
	v11 =	vld.idx.msk [tilespmem:v22+s3+$0x0], $0xffff  }
0x372: {  	v6 =	vsel vm0, v10, v6;
	v10 =	vadd.s32 v3, v14;
	v14 =	vadd.s32 v3, v16;
	v16 =	vld.idx.msk [tilespmem:v23+s3+$0x0], $0xffff  }
0x373: {  	v13 =	vadd.s32 v3, v13;
	v15 =	vadd.s32 v3, v15;
	v50 =	vld.idx.msk [tilespmem:v24+s3+$0x0], $0xffff  }
0x374: {  	v17 =	vadd.s32 v3, v17;
	v8 =	vadd.s32 v3, v8;
	v6 =	vadd.s32 v3, v6  }
0x375: {  	v9 =	vadd.s32 v3, v9;
	vm0 =	vlt.s32 v18, $0x0;
	v51 =	vshra.s32 v18, $0x14  }
0x376: {  	v12 =	vld.idx.msk [tilespmem:v12+s3+$0x0], $0xffff;
	v7 =	vmax.f32 v7, v18;
	v52 =	vand.u32 $0xFFFFFFF0, v51;
	v53 =	vshra.s32 v19, $0x14  }
0x377: {  	v7 =	vmax.f32 v7, v19;
	v54 =	vshra.s32 v20, $0x14;
	v55 =	vshra.s32 v21, $0x14  }
0x378: {  	v56 =	vshra.s32 v11, $0x14;
	v57 =	vshra.s32 v16, $0x14;
	v58 =	vshra.s32 v50, $0x14  }
0x379: {  	vm1 =	vlt.s32 v19, $0x0;
	vm2 =	vlt.s32 v20, $0x0;
	v23 =	vand.u32 $0xFFFFFFF0, v53  }
0x37a: {  	v24 =	vand.u32 $0xFFFFFFF0, v54;
	v25 =	vand.u32 $0xFFFFFFF0, v55;
	v26 =	vand.u32 $0xFFFFFFF0, v56  }
0x37b: {  	v27 =	vand.u32 $0xFFFFFFF0, v57;
	v28 =	vand.u32 $0xFFFFFFF0, v58;
	v59 =	vshra.s32 v12, $0x14  }
0x37c: {  	[tilespmem:v10+s13+$0x0] =	vst.idx.add.s32.msk $0xffff, v4;
	v60 =	vxor.u32 $0x7F0, v23;
	v61 =	vxor.u32 $0x7F0, v24;
	v10 =	vand.u32 $0xFFFFFFF0, v59  }
0x37d: {  	[tilespmem:v13+s13+$0x0] =	vst.idx.add.s32.msk $0xffff, v4;
	v62 =	vxor.u32 $0x7F0, v25;
	v63 =	vxor.u32 $0x7F0, v26;
	v13 =	vxor.u32 $0x7F0, v27  }
0x37e: {  	[tilespmem:v14+s13+$0x0] =	vst.idx.add.s32.msk $0xffff, v4;
	v33 =	vxor.u32 $0x7F0, v28;
	v14 =	vxor.u32 $0x7F0, v10;
	v19 =	vsel vm1, v60, v23  }
0x37f: {  	[tilespmem:v15+s13+$0x0] =	vst.idx.add.s32.msk $0xffff, v4;
	vm1 =	vlt.s32 v21, $0x0;
	v15 =	vsel vm2, v61, v24;
	v19 =	vadd.s32 v3, v19  }
0x380: {  	[tilespmem:v17+s13+$0x0] =	vst.idx.add.s32.msk $0xffff, v4;
	vm2 =	vlt.s32 v11, $0x0;
	v17 =	vsel vm1, v62, v25;
	v15 =	vadd.s32 v3, v15  }
0x381: {  	[tilespmem:v8+s13+$0x0] =	vst.idx.add.s32.msk $0xffff, v4;
	vm1 =	vlt.s32 v16, $0x0;
	v8 =	vsel vm2, v63, v26;
	v17 =	vadd.s32 v3, v17  }
0x382: {  	[tilespmem:v9+s13+$0x0] =	vst.idx.add.s32.msk $0xffff, v4;
	vm2 =	vlt.s32 v50, $0x0;
	v9 =	vsel vm1, v13, v27;
	v8 =	vadd.s32 v3, v8  }
0x383: {  	[tilespmem:v6+s13+$0x0] =	vst.idx.add.s32.msk $0xffff, v4;
	vm1 =	vlt.s32 v12, $0x0;
	v6 =	vsel vm2, v33, v28;
	v9 =	vadd.s32 v3, v9  }
0x384: {  	v13 =	vxor.u32 $0x7F0, v52;
	v10 =	vsel vm1, v14, v10;
	v6 =	vadd.s32 v3, v6;
	[tilespmem:v19+s13+$0x0] =	vst.idx.add.s32.msk $0xffff, v4  }
0x385: {  	v13 =	vsel vm0, v13, v52;
	v10 =	vadd.s32 v3, v10;
	[tilespmem:v15+s13+$0x0] =	vst.idx.add.s32.msk $0xffff, v4  }
0x386: {  	s21 =	sadd.s32 s21, s6;
	v13 =	vadd.s32 v3, v13;
	[tilespmem:v17+s13+$0x0] =	vst.idx.add.s32.msk $0xffff, v4  }
0x387: {  	s21 =	sadd.s32 $0x10, s21;
	[tilespmem:v8+s13+$0x0] =	vst.idx.add.s32.msk $0xffff, v4  }
0x388: {  	s22 =	sshrl.u32 s21, $0xB;
	[tilespmem:v9+s13+$0x0] =	vst.idx.add.s32.msk $0xffff, v4  }
0x389: {  	s22 =	sand.u32 $0x3, s22;
	[tilespmem:v6+s13+$0x0] =	vst.idx.add.s32.msk $0xffff, v4  }
0x38a: {  	s23 =	simm.s32 $0x28;
	p1 =	seq.s32 s22, $0x2;
	p2 =	seq.s32 s22, $0x1;
	[tilespmem:v10+s13+$0x0] =	vst.idx.add.s32.msk $0xffff, v4  }
0x38b: {  	s23 =	simm.s32 @!p1 $0x1F4;
	p1 =	seq.s32 s22, $0x0;
	s22 =	simm.s32 $0x18FF0;
	[tilespmem:v13+s13+$0x0] =	vst.idx.add.s32.msk $0xffff, v4  }
0x38c: {  	v7 =	vmax.f32 v7, v20;
	v9 =	vld [tilespmem:s22+$0x0]  }
0x38d: {  	v7 =	vmax.f32 v7, v21  }
0x38e: {  	v7 =	vmax.f32 v7, v11;
	v10 =	vld [tilespmem:s22+$0xFFFFFFF0]  }
0x38f: {  	s23 =	simm.s32 @p2 $0x14;
	v7 =	vmax.f32 v7, v16;
	v11 =	vld [tilespmem:s22+$0xFFFFFFE0]  }
0x390: {  	s23 =	simm.s32 @p1 $0xA;
	v8 =	vimm.s32 $0x0;
	v6 =	vmax.f32 v7, v50  }
0x391: {  	v7 =	vmov s23;
	v6 =	vmax.f32 v6, v12;
	v12 =	vld [tilespmem:s22+$0xFFFFFFD0];
	v13 =	vadd.s32 v8, v9  }
0x392: {  	vm0 =	vge.s32 v13, v7  }
0x393: {  	v13 =	vadd.s32 v13, v10;
	v14 =	vsel vm0, $0x1, v0  }
0x394: {  	v9 =	vsel vm0, $0x0, v9;
	vm0 =	vge.s32 v13, v7;
	v13 =	vadd.s32 v13, v11  }
0x395: {  	v16 =	vld [tilespmem:s22+$0xFFFFFFC0];
	v14 =	vadd.s32 v14, v8;
	v9 =	vadd.s32 v8, v9;
	v15 =	vsel vm0, $0x1, v0  }
0x396: {  	[tilespmem:s22+$0x0] =	vst v0;
	v8 =	vld [tilespmem:s22+$0xFFFFFFB0];
	v10 =	vsel vm0, $0x0, v10;
	vm0 =	vge.s32 v13, v7;
	v13 =	vadd.s32 v13, v12  }
0x397: {  	[tilespmem:s22+$0xFFFFFFE0] =	vst v0;
	v14 =	vadd.s32 v15, v14;
	v9 =	vadd.s32 v10, v9;
	v10 =	vsel vm0, $0x1, v0  }
0x398: {  	[tilespmem:s22+$0xFFFFFFD0] =	vst v0;
	v11 =	vsel vm0, $0x0, v11;
	vm0 =	vge.s32 v13, v7;
	v14 =	vadd.s32 v10, v14;
	v10 =	vld [tilespmem:s22+$0xFFFFFFA0]  }
0x399: {  	[tilespmem:s22+$0xFFFFFFC0] =	vst v0;
	v9 =	vadd.s32 v11, v9;
	v11 =	vsel vm0, $0x0, v12  }
0x39a: {  	[tilespmem:s22+$0xFFFFFFB0] =	vst v0;
	v13 =	vadd.s32 v13, v16;
	v12 =	vsel vm0, $0x1, v0;
	v11 =	vadd.s32 v11, v9;
	v9 =	vld [tilespmem:s22+$0xFFFFFF90]  }
0x39b: {  	[tilespmem:s22+$0xFFFFFFA0] =	vst v0;
	vm0 =	vge.s32 v13, v7;
	v12 =	vadd.s32 v12, v14;
	v13 =	vadd.s32 v13, v8  }
0x39c: {  	s24 =	simm.s32 $0x18F70;
	s23 =	simm.s32 $0x0;
	[tilespmem:s22+$0xFFFFFF90] =	vst v0;
	v15 =	vsel vm0, $0x1, v0;
	v14 =	vsel vm0, $0x0, v16;
	vm0 =	vge.s32 v13, v7  }
.LBB2_27:
0x39d: {  	v16 =	vld [tilespmem:s24+$0x0];
	s23 =	sadd.s32 $0x8, s23;
	[tilespmem:s22+$0xFFFFFFF0] =	vst v0;
	v12 =	vadd.s32 v15, v12;
	v8 =	vsel vm0, $0x0, v8;
	v13 =	vadd.s32 v13, v10;
	s22 =	smov.u32 s24  }
0x39e: {  	v11 =	vadd.s32 v14, v11;
	v14 =	vsel vm0, $0x1, v0;
	[tilespmem:s24+$0x0] =	vst v0;
	v15 =	vld [tilespmem:s24+$0xFFFFFFF0];
	p1 =	slt.u32 s23, $0xF8;
	vm0 =	vge.s32 v13, v7  }
0x39f: {  	v12 =	vadd.s32 v14, v12;
	v10 =	vsel vm0, $0x0, v10;
	v13 =	vadd.s32 v13, v9  }
0x3a0: {  	v8 =	vadd.s32 v8, v11;
	v11 =	vsel vm0, $0x1, v0;
	v14 =	vld [tilespmem:s24+$0xFFFFFFE0];
	vm0 =	vge.s32 v13, v7  }
0x3a1: {  	v11 =	vadd.s32 v11, v12;
	v10 =	vadd.s32 v10, v8;
	[tilespmem:s24+$0xFFFFFFE0] =	vst v0;
	v17 =	vld [tilespmem:s24+$0xFFFFFFD0];
	v8 =	vsel vm0, $0x1, v0  }
0x3a2: {  	v9 =	vsel vm0, $0x0, v9;
	v12 =	vadd.s32 v13, v16;
	[tilespmem:s24+$0xFFFFFFD0] =	vst v0;
	v11 =	vadd.s32 v8, v11  }
0x3a3: {  	v9 =	vadd.s32 v9, v10;
	vm0 =	vge.s32 v12, v7;
	v12 =	vadd.s32 v12, v15;
	v8 =	vld [tilespmem:s24+$0xFFFFFFB0]  }
0x3a4: {  	v10 =	vsel vm0, $0x1, v0;
	v13 =	vsel vm0, $0x0, v16;
	vm0 =	vge.s32 v12, v7;
	v16 =	vld [tilespmem:s24+$0xFFFFFFC0];
	[tilespmem:s24+$0xFFFFFFB0] =	vst v0  }
0x3a5: {  	v10 =	vadd.s32 v10, v11;
	v9 =	vadd.s32 v9, v13;
	v11 =	vadd.s32 v12, v14;
	[tilespmem:s24+$0xFFFFFFC0] =	vst v0  }
0x3a6: {  	v12 =	vsel vm0, $0x1, v0;
	v13 =	vsel vm0, $0x0, v15;
	vm0 =	vge.s32 v11, v7  }
0x3a7: {  	v12 =	vadd.s32 v12, v10;
	v15 =	vadd.s32 v11, v17;
	v14 =	vsel vm0, $0x0, v14;
	v10 =	vld [tilespmem:s24+$0xFFFFFFA0]  }
.Ltmp14:
0x3a8: {  	v9 =	vadd.s32 v13, v9;
	v11 =	vsel vm0, $0x1, v0;
	vm0 =	vge.s32 v15, v7;
	[tilespmem:s24+$0xFFFFFFA0] =	vst v0;
	(pc) =	sbr.rel @p1 .LBB2_27-.Ltmp14, $4  }
0x3a9: {  	v12 =	vadd.s32 v11, v12;
	v9 =	vadd.s32 v14, v9;
	v11 =	vsel vm0, $0x0, v17  }
0x3aa: {  	v13 =	vsel vm0, $0x1, v0;
	v11 =	vadd.s32 v11, v9;
	v14 =	vadd.s32 v15, v16;
	v9 =	vld [tilespmem:s24+$0xFFFFFF90]  }
0x3ab: {  	v12 =	vadd.s32 v13, v12;
	vm0 =	vge.s32 v14, v7;
	v13 =	vadd.s32 v14, v8;
	[tilespmem:s24+$0xFFFFFF90] =	vst v0  }
0x3ac: {  	v15 =	vsel vm0, $0x1, v0;
	v14 =	vsel vm0, $0x0, v16;
	vm0 =	vge.s32 v13, v7;
	s24 =	sadd.s32 $0xFFFFFF80, s24  }
0x3ad: {  	v12 =	vadd.s32 v15, v12;
	v8 =	vsel vm0, $0x0, v8  }
0x3ae: {  	v13 =	vadd.s32 v13, v10;
	v11 =	vadd.s32 v14, v11;
	v14 =	vsel vm0, $0x1, v0  }
0x3af: {  	s28 =	simm.s32 $0x4;
	s29 =	simm.s32 $0x3;
	s30 =	simm.s32 $0x0;
	vm0 =	vge.s32 v13, v7;
	v12 =	vadd.s32 v14, v12;
	v8 =	vadd.s32 v8, v11  }
0x3b0: {  	v15 =	vadd.s32 s28, v1;
	v17 =	vadd.s32 s29, v1;
	v18 =	vadd.s32 s30, v1  }
0x3b1: {  	v13 =	vadd.s32 v13, v9;
	v10 =	vsel vm0, $0x0, v10;
	v14 =	vsel vm0, $0x1, v0  }
0x3b2: {  	s28 =	simm.s32 $0xB;
	s29 =	simm.s32 $0xF;
	v19 =	vshll.u32 v18, $0x3;
	v20 =	vshll.u32 v15, $0x3;
	v18 =	vand.u32 $0x7F, v18  }
0x3b3: {  	v15 =	vand.u32 $0x7F, v15;
	v24 =	vadd.s32 s29, v1;
	v25 =	vadd.s32 s28, v1  }
0x3b4: {  	s26 =	simm.s32 $0x7;
	vm0 =	vge.s32 v13, v7;
	v11 =	vadd.s32 v14, v12;
	v8 =	vadd.s32 v10, v8  }
0x3b5: {  	v14 =	vadd.s32 s26, v1;
	v19 =	vand.u32 $0x3C00, v19;
	v20 =	vand.u32 $0x3C00, v20  }
0x3b6: {  	v26 =	vshll.u32 v24, $0x3;
	v24 =	vand.u32 $0x7F, v24;
	v12 =	vsel vm0, $0x1, v0  }
0x3b7: {  	v9 =	vsel vm0, $0x0, v9;
	v16 =	vshll.u32 v14, $0x3;
	v18 =	vor.u32 v19, v18  }
0x3b8: {  	s31 =	simm.s32 $0x6;
	s26 =	simm.s32 $0xD;
	v19 =	vshll.u32 v17, $0x3;
	v15 =	vor.u32 v20, v15;
	v17 =	vand.u32 $0x7F, v17  }
0x3b9: {  	s24 =	simm.s32 $0x1;
	v20 =	vadd.s32 s31, v1;
	v23 =	vadd.s32 s26, v1;
	v26 =	vand.u32 $0x3C00, v26  }
0x3ba: {  	s25 =	simm.s32 $0x2;
	v10 =	vadd.s32 v12, v11;
	v9 =	vadd.s32 v9, v8;
	v11 =	vadd.s32 s24, v1  }
0x3bb: {  	v12 =	vadd.s32 s25, v1;
	v18 =	vor.u32 v5, v18;
	v19 =	vand.u32 $0x3C00, v19  }
0x3bc: {  	s23 =	simm.s32 $0x5;
	v15 =	vor.u32 v5, v15;
	v24 =	vor.u32 v26, v24;
	v29 =	vshll.u32 v23, $0x3  }
0x3bd: {  	v23 =	vand.u32 $0x7F, v23;
	v8 =	vadd.s32 $0xFFFFFF7F, v10;
	v10 =	vadd.s32 s23, v1  }
0x3be: {  	v17 =	vor.u32 v19, v17;
	v19 =	vand.u32 $0x7F, v20;
	v20 =	vshll.u32 v20, $0x3  }
0x3bf: {  	v24 =	vor.u32 v5, v24;
	v29 =	vand.u32 $0x3C00, v29;
	v13 =	vshll.u32 v10, $0x3  }
0x3c0: {  	v10 =	vand.u32 $0x7F, v10;
	v20 =	vand.u32 $0x3C00, v20;
	v23 =	vor.u32 v29, v23  }
0x3c1: {  	v13 =	vand.u32 $0x3C00, v13;
	v19 =	vor.u32 v20, v19;
	v23 =	vor.u32 v5, v23  }
0x3c2: {  	v10 =	vor.u32 v13, v10;
	v13 =	vand.u32 $0x7F, v14;
	v14 =	vand.u32 $0x3C00, v16  }
0x3c3: {  	v16 =	vshll.u32 v11, $0x3;
	v11 =	vand.u32 $0x7F, v11;
	v10 =	vor.u32 v5, v10  }
0x3c4: {  	[tilespmem:s22+$0xFFFFFFF0] =	vst v0;
	v13 =	vor.u32 v14, v13;
	v14 =	vand.u32 $0x7F, v12;
	v12 =	vshll.u32 v12, $0x3  }
0x3c5: {  	v16 =	vand.u32 $0x3C00, v16;
	v18 =	vld.idx.msk [tilespmem:v18+s3+$0x0], $0xffff;
	v13 =	vor.u32 v5, v13;
	v12 =	vand.u32 $0x3C00, v12  }
0x3c6: {  	s30 =	simm.s32 $0x8;
	v15 =	vld.idx.msk [tilespmem:v15+s3+$0x0], $0xffff;
	v11 =	vor.u32 v16, v11;
	v12 =	vor.u32 v12, v14;
	v14 =	vor.u32 v5, v19  }
0x3c7: {  	v54 =	vadd.s32 s30, v1;
	v32 =	vshll.u32 v25, $0x3;
	v24 =	vld.idx.msk [tilespmem:v24+s3+$0x0], $0xffff;
	v11 =	vor.u32 v5, v11  }
0x3c8: {  	v25 =	vand.u32 $0x7F, v25;
	s31 =	simm.s32 $0xE;
	v32 =	vand.u32 $0x3C00, v32;
	v12 =	vor.u32 v5, v12;
	v23 =	vld.idx.msk [tilespmem:v23+s3+$0x0], $0xffff  }
0x3c9: {  	v55 =	vshll.u32 v54, $0x3;
	s25 =	simm.s32 $0xC;
	v56 =	vadd.s32 s31, v1;
	v25 =	vor.u32 v32, v25;
	v10 =	vld.idx.msk [tilespmem:v10+s3+$0x0], $0xffff  }
0x3ca: {  	v22 =	vadd.s32 s25, v1;
	v25 =	vor.u32 v5, v25;
	v58 =	vand.u32 $0x7F, v56;
	v13 =	vld.idx.msk [tilespmem:v13+s3+$0x0], $0xffff  }
0x3cb: {  	v59 =	vshll.u32 v56, $0x3;
	v17 =	vor.u32 v5, v17;
	v30 =	vshll.u32 v22, $0x3;
	v14 =	vld.idx.msk [tilespmem:v14+s3+$0x0], $0xffff  }
0x3cc: {  	v22 =	vand.u32 $0x7F, v22;
	v29 =	vand.u32 $0x7F, v54;
	v30 =	vand.u32 $0x3C00, v30;
	v11 =	vld.idx.msk [tilespmem:v11+s3+$0x0], $0xffff  }
0x3cd: {  	v22 =	vor.u32 v30, v22;
	v19 =	vxor.u32 $0x7FFFFFFF, v18;
	vm3 =	vlt.s32 v15, $0x0;
	v12 =	vld.idx.msk [tilespmem:v12+s3+$0x0], $0xffff  }
0x3ce: {  	vm6 =	vlt.s32 v24, $0x0;
	v21 =	vxor.u32 $0x7FFFFFFF, v10;
	vm0 =	vlt.s32 v10, $0x0  }
0x3cf: {  	v60 =	vxor.u32 $0x7FFFFFFF, v23;
	v10 =	vsel vm0, v21, v10;
	vm0 =	vlt.s32 v13, $0x0  }
0x3d0: {  	v20 =	vshra.s32 v10, $0x18;
	v10 =	vshrl.u32 v10, $0xC;
	v27 =	vxor.u32 $0x7FFFFFFF, v14  }
0x3d1: {  	vm5 =	vlt.s32 v11, $0x0;
	v53 =	vxor.u32 $0x7FFFFFFF, v11;
	vm1 =	veq.s32 v20, v8  }
0x3d2: {  	v10 =	vand.u32 $0xFF0, v10;
	v20 =	vxor.u32 $0x7FFFFFFF, v13;
	vm4 =	vlt.s32 v12, $0x0  }
0x3d3: {  	v11 =	vsel vm5, v53, v11;
	v31 =	vxor.u32 $0x7FFFFFFF, v12;
	vm5 =	vlt.s32 v23, $0x0  }
0x3d4: {  	v10 =	vor.u32 v1, v10;
	v13 =	vsel vm0, v20, v13;
	vm0 =	vlt.s32 v18, $0x0  }
0x3d5: {  	v17 =	vld.idx.msk [tilespmem:v17+s3+$0x0], $0xffff;
	v20 =	vxor.u32 $0x7FFFFFFF, v15;
	v12 =	vsel vm4, v31, v12;
	v31 =	vand.u32 $0x3C00, v55  }
0x3d6: {  	v57 =	vshra.s32 v11, $0x18;
	v11 =	vshrl.u32 v11, $0xC;
	v23 =	vsel vm5, v60, v23  }
0x3d7: {  	s24 =	simm.s32 $0xA;
	v16 =	vshrl.u32 v13, $0xC;
	v13 =	vshra.s32 v13, $0x18;
	v15 =	vsel vm3, v20, v15  }
0x3d8: {  	v20 =	vadd.s32 s24, v1;
	v29 =	vor.u32 v31, v29;
	v61 =	vshrl.u32 v12, $0xC  }
0x3d9: {  	v30 =	vshra.s32 v23, $0x18;
	v12 =	vshra.s32 v12, $0x18;
	vm2 =	veq.s32 v13, v8  }
0x3da: {  	v13 =	vand.u32 $0xFF0, v16;
	v16 =	vsel vm0, v19, v18;
	v18 =	vxor.u32 $0x7FFFFFFF, v17  }
0x3db: {  	vm0 =	vlt.s32 v17, $0x0;
	v28 =	vand.u32 $0x7F, v20;
	v52 =	vshrl.u32 v15, $0xC  }
0x3dc: {  	v20 =	vshll.u32 v20, $0x3;
	v15 =	vshra.s32 v15, $0x18;
	vm7 =	veq.s32 v30, v8  }
0x3dd: {  	s23 =	simm.s32 $0x9;
	v19 =	vor.u32 v1, v13;
	v13 =	vshra.s32 v16, $0x18;
	v16 =	vshrl.u32 v16, $0xC  }
0x3de: {  	v17 =	vsel vm0, v18, v17;
	v18 =	vadd.s32 s23, v1;
	vm0 =	vlt.s32 v14, $0x0  }
0x3df: {  	v26 =	vand.u32 $0xFF0, v52;
	vm4 =	veq.s32 v15, v8;
	v15 =	vor.u32 v5, v29  }
0x3e0: {  	v20 =	vand.u32 $0x3C00, v20;
	v21 =	vshra.s32 v17, $0x18;
	vm3 =	veq.s32 v13, v8  }
0x3e1: {  	v13 =	vshll.u32 v18, $0x3;
	v16 =	vand.u32 $0xFF0, v16;
	v18 =	vand.u32 $0x7F, v18  }
0x3e2: {  	v26 =	vor.u32 v1, v26;
	v27 =	vsel vm0, v27, v14;
	v14 =	vor.u32 v5, v22  }
0x3e3: {  	v22 =	vand.u32 $0x3C00, v59;
	vm0 =	veq.s32 v57, v8;
	v17 =	vshrl.u32 v17, $0xC  }
0x3e4: {  	v13 =	vand.u32 $0x3C00, v13;
	v16 =	vor.u32 v1, v16;
	v22 =	vor.u32 v22, v58  }
0x3e5: {  	vm5 =	veq.s32 v21, v8;
	v21 =	vshrl.u32 v23, $0xC;
	[tilespmem:v10+s13+$0x0] =	vst.idx.add.s32.msk vm1, v4;
	v10 =	vxor.u32 $0x7FFFFFFF, v24  }
0x3e6: {  	vm1 =	veq.s32 v12, v8;
	v17 =	vand.u32 $0xFF0, v17;
	v21 =	vand.u32 $0xFF0, v21  }
0x3e7: {  	v10 =	vsel vm6, v10, v24;
	v12 =	vor.u32 v13, v18;
	v18 =	vor.u32 v20, v28;
	v23 =	vld.idx.msk [tilespmem:v15+s3+$0x0], $0xffff  }
0x3e8: {  	v11 =	vand.u32 $0xFF0, v11;
	v63 =	vor.u32 v1, v17;
	v21 =	vor.u32 v1, v21;
	[tilespmem:v19+s13+$0x0] =	vst.idx.add.s32.msk vm2, v4  }
0x3e9: {  	v17 =	vor.u32 v1, v11;
	v20 =	vshrl.u32 v10, $0xC;
	v13 =	vor.u32 v5, v12;
	v62 =	vld.idx.msk [tilespmem:v14+s3+$0x0], $0xffff  }
0x3ea: {  	v12 =	vor.u32 v5, v22;
	v22 =	vor.u32 v5, v18;
	v18 =	vshrl.u32 v27, $0xC;
	v14 =	vld.idx.msk [tilespmem:v25+s3+$0x0], $0xffff  }
0x3eb: {  	v15 =	vand.u32 $0xFF0, v61;
	v18 =	vand.u32 $0xFF0, v18;
	v19 =	vshra.s32 v10, $0x18;
	[tilespmem:v26+s13+$0x0] =	vst.idx.add.s32.msk vm4, v4  }
0x3ec: {  	v15 =	vor.u32 v1, v15;
	vm2 =	veq.s32 v19, v8;
	[tilespmem:v16+s13+$0x0] =	vst.idx.add.s32.msk vm3, v4;
	v16 =	vshra.s32 v27, $0x18  }
0x3ed: {  	v18 =	vor.u32 v1, v18;
	vm3 =	veq.s32 v16, v8;
	[tilespmem:v21+s13+$0x0] =	vst.idx.add.s32.msk vm7, v4;
	v21 =	vand.u32 $0xFF0, v20  }
0x3ee: {  	[tilespmem:v63+s13+$0x0] =	vst.idx.add.s32.msk vm5, v4;
	vm6 =	vlt.s32 v23, $0x0;
	v11 =	vxor.u32 $0x7FFFFFFF, v23;
	v16 =	vxor.u32 $0x7FFFFFFF, v62  }
0x3ef: {  	v10 =	vld.idx.msk [tilespmem:v12+s3+$0x0], $0xffff;
	v19 =	vsel vm6, v11, v23;
	vm4 =	vlt.s32 v62, $0x0;
	v20 =	vxor.u32 $0x7FFFFFFF, v14  }
0x3f0: {  	s22 =	simm.s32 $0x10;
	v11 =	vld.idx.msk [tilespmem:v22+s3+$0x0], $0xffff;
	vm6 =	vlt.s32 v14, $0x0;
	v12 =	vsel vm4, v16, v62;
	v16 =	vor.u32 v1, v21  }
.LBB2_29:
0x3f1: {  	s24 =	sadd.s32 $0x1, s22  }
0x3f2: {  	s25 =	sadd.s32 $0x2, s22;
	s26 =	sadd.s32 $0x3, s22;
	v21 =	vshra.s32 v19, $0x18;
	v19 =	vshrl.u32 v19, $0xC;
	v14 =	vsel vm6, v20, v14;
	[tilespmem:v17+s13+$0x0] =	vst.idx.add.s32.msk vm0, v4;
	s23 =	smov.u32 s22  }
0x3f3: {  	s28 =	sadd.s32 $0x6, s22;
	v17 =	vadd.s32 s24, v1;
	v20 =	vadd.s32 s25, v1;
	s24 =	sadd.s32 $0x4, s22;
	s25 =	sadd.s32 $0x5, s22;
	v22 =	vshra.s32 v14, $0x18;
	[tilespmem:v15+s13+$0x0] =	vst.idx.add.s32.msk vm1, v4  }
0x3f4: {  	p1 =	slt.u32 s22, $0x7F8;
	s22 =	sadd.s32 $0x8, s22;
	vm0 =	veq.s32 v21, v8;
	v15 =	vadd.s32 s24, v1;
	v23 =	vadd.s32 s25, v1;
	s24 =	sadd.s32 $0x7, s23;
	[tilespmem:v18+s13+$0x0] =	vst.idx.add.s32.msk vm3, v4  }
0x3f5: {  	vm1 =	vlt.s32 v10, $0x0;
	v18 =	vshll.u32 v17, $0x3;
	v21 =	vadd.s32 s24, v1;
	v13 =	vld.idx.msk [tilespmem:v13+s3+$0x0], $0xffff  }
0x3f6: {  	v24 =	vadd.s32 s26, v1;
	vm3 =	vlt.s32 v11, $0x0;
	v25 =	vshll.u32 v21, $0x3;
	[tilespmem:v16+s13+$0x0] =	vst.idx.add.s32.msk vm2, v4  }
0x3f7: {  	v16 =	vand.u32 $0x7F, v21;
	v21 =	vand.u32 $0x3C00, v25;
	v25 =	vxor.u32 $0x7FFFFFFF, v10  }
0x3f8: {  	v26 =	vand.u32 $0x7F, v20;
	v16 =	vor.u32 v21, v16;
	v21 =	vshrl.u32 v12, $0xC  }
0x3f9: {  	v19 =	vand.u32 $0xFF0, v19;
	v27 =	vshll.u32 v23, $0x3;
	v16 =	vor.u32 v5, v16  }
0x3fa: {  	v20 =	vshll.u32 v20, $0x3;
	v18 =	vand.u32 $0x3C00, v18;
	v21 =	vand.u32 $0xFF0, v21  }
0x3fb: {  	v23 =	vand.u32 $0x7F, v23;
	v27 =	vand.u32 $0x3C00, v27;
	vm2 =	vlt.s32 v13, $0x0  }
0x3fc: {  	v19 =	vor.u32 v1, v19;
	v28 =	vshll.u32 v15, $0x3;
	v23 =	vor.u32 v27, v23  }
0x3fd: {  	v17 =	vand.u32 $0x7F, v17;
	v23 =	vor.u32 v5, v23;
	v27 =	vxor.u32 $0x7FFFFFFF, v13  }
0x3fe: {  	v15 =	vand.u32 $0x7F, v15;
	v28 =	vand.u32 $0x3C00, v28;
	v13 =	vsel vm2, v27, v13;
	v16 =	vld.idx.msk [tilespmem:v16+s3+$0x0], $0xffff  }
0x3ff: {  	v29 =	vadd.s32 s28, v1;
	v27 =	vand.u32 $0x7F, v24;
	v30 =	vshra.s32 v13, $0x18  }
0x400: {  	v31 =	vadd.s32 s23, v1;
	v24 =	vshll.u32 v24, $0x3;
	v32 =	vshrl.u32 v13, $0xC  }
0x401: {  	v12 =	vshra.s32 v12, $0x18;
	v13 =	vand.u32 $0x7F, v31;
	v31 =	vshll.u32 v31, $0x3  }
0x402: {  	vm2 =	veq.s32 v12, v8;
	v24 =	vand.u32 $0x3C00, v24;
	v31 =	vand.u32 $0x3C00, v31;
	v23 =	vld.idx.msk [tilespmem:v23+s3+$0x0], $0xffff  }
0x403: {  	v12 =	vor.u32 v31, v13;
	v13 =	vor.u32 v24, v27;
	v24 =	vxor.u32 $0x7FFFFFFF, v11  }
0x404: {  	v20 =	vand.u32 $0x3C00, v20;
	v21 =	vor.u32 v1, v21;
	v12 =	vor.u32 v5, v12  }
0x405: {  	v27 =	vand.u32 $0x7F, v29;
	v13 =	vor.u32 v5, v13;
	v11 =	vsel vm3, v24, v11  }
0x406: {  	v15 =	vor.u32 v28, v15;
	v10 =	vsel vm1, v25, v10;
	v24 =	vshll.u32 v29, $0x3  }
0x407: {  	v15 =	vor.u32 v5, v15;
	v24 =	vand.u32 $0x3C00, v24;
	[tilespmem:v19+s13+$0x0] =	vst.idx.add.s32.msk vm0, v4;
	vm0 =	veq.s32 v30, v8  }
0x408: {  	v25 =	vshrl.u32 v14, $0xC;
	v19 =	vxor.u32 $0x7FFFFFFF, v23;
	vm1 =	vlt.s32 v23, $0x0  }
0x409: {  	v19 =	vsel vm1, v19, v23;
	v23 =	vor.u32 v24, v27;
	v24 =	vshrl.u32 v11, $0xC;
	v12 =	vld.idx.msk [tilespmem:v12+s3+$0x0], $0xffff  }
0x40a: {  	vm4 =	veq.s32 v22, v8;
	vm1 =	vlt.s32 v16, $0x0;
	v27 =	vshra.s32 v19, $0x18  }
0x40b: {  	vm3 =	veq.s32 v27, v8;
	v14 =	vld.idx.msk [tilespmem:v13+s3+$0x0], $0xffff;
	v13 =	vshrl.u32 v19, $0xC;
	v19 =	vand.u32 $0xFF0, v24  }
0x40c: {  	v22 =	vxor.u32 $0x7FFFFFFF, v16;
	v11 =	vshra.s32 v11, $0x18;
	v13 =	vand.u32 $0xFF0, v13  }
0x40d: {  	v16 =	vsel vm1, v22, v16;
	vm1 =	veq.s32 v11, v8;
	v24 =	vor.u32 v1, v13  }
0x40e: {  	v11 =	vor.u32 v18, v17;
	v17 =	vor.u32 v20, v26;
	v18 =	vshrl.u32 v16, $0xC;
	v22 =	vld.idx.msk [tilespmem:v15+s3+$0x0], $0xffff  }
0x40f: {  	v20 =	vand.u32 $0xFF0, v25;
	v13 =	vor.u32 v5, v11;
	v11 =	vor.u32 v5, v23  }
0x410: {  	v23 =	vor.u32 v5, v17;
	v17 =	vshrl.u32 v10, $0xC;
	v15 =	vand.u32 $0xFF0, v32  }
0x411: {  	v10 =	vshra.s32 v10, $0x18;
	vm5 =	vlt.s32 v12, $0x0;
	[tilespmem:v21+s13+$0x0] =	vst.idx.add.s32.msk vm2, v4;
	v21 =	vand.u32 $0xFF0, v17  }
0x412: {  	v25 =	vor.u32 v1, v20;
	v17 =	vor.u32 v1, v15;
	v15 =	vor.u32 v1, v19  }
.Ltmp15:
0x413: {  	v16 =	vshra.s32 v16, $0x18;
	v19 =	vxor.u32 $0x7FFFFFFF, v12;
	[tilespmem:v24+s13+$0x0] =	vst.idx.add.s32.msk vm3, v4;
	vm3 =	veq.s32 v10, v8;
	(pc) =	sbr.rel @p1 .LBB2_29-.Ltmp15, $4  }
0x414: {  	vm2 =	veq.s32 v16, v8;
	v16 =	vand.u32 $0xFF0, v18;
	v24 =	vxor.u32 $0x7FFFFFFF, v22;
	v10 =	vld.idx.msk [tilespmem:v11+s3+$0x0], $0xffff  }
0x415: {  	v19 =	vsel vm5, v19, v12;
	v18 =	vor.u32 v1, v21;
	vm5 =	vlt.s32 v22, $0x0  }
0x416: {  	v20 =	vxor.u32 $0x7FFFFFFF, v14;
	v16 =	vor.u32 v1, v16;
	v12 =	vsel vm5, v24, v22;
	v11 =	vld.idx.msk [tilespmem:v23+s3+$0x0], $0xffff  }
0x417: {  	vm6 =	vlt.s32 v14, $0x0;
	[tilespmem:v25+s13+$0x0] =	vst.idx.add.s32.msk vm4, v4  }
0x418: {  	_ =	sdelay $0x1  }
0x419: {  	v21 =	vshra.s32 v19, $0x18;
	v19 =	vshrl.u32 v19, $0xC;
	v14 =	vsel vm6, v20, v14  }
0x41a: {  	v60 =	vshra.s32 v12, $0x18;
	v12 =	vshrl.u32 v12, $0xC;
	vm4 =	veq.s32 v21, v8  }
0x41b: {  	v13 =	vld.idx.msk [tilespmem:v13+s3+$0x0], $0xffff;
	v59 =	vshra.s32 v14, $0x18;
	vm13 =	vlt.s32 v10, $0x0;
	vm14 =	veq.s32 v60, v8  }
0x41c: {  	v61 =	vxor.u32 $0x7FFFFFFF, v10;
	v19 =	vand.u32 $0xFF0, v19;
	v12 =	vand.u32 $0xFF0, v12  }
0x41d: {  	v14 =	vshrl.u32 v14, $0xC;
	v19 =	vor.u32 v1, v19;
	v10 =	vsel vm13, v61, v10  }
0x41e: {  	v12 =	vor.u32 v1, v12;
	vm12 =	vlt.s32 v11, $0x0;
	v58 =	vxor.u32 $0x7FFFFFFF, v11  }
0x41f: {  	vm7 =	veq.s32 v59, v8;
	v14 =	vand.u32 $0xFF0, v14;
	v11 =	vsel vm12, v58, v11  }
0x420: {  	vm5 =	vlt.s32 v13, $0x0;
	v57 =	vxor.u32 $0x7FFFFFFF, v13;
	v63 =	vshrl.u32 v11, $0xC  }
0x421: {  	[tilespmem:v17+s13+$0x0] =	vst.idx.add.s32.msk vm0, v4;
	v11 =	vshra.s32 v11, $0x18;
	v13 =	vsel vm5, v57, v13;
	v17 =	vand.u32 $0xFF0, v63  }
0x422: {  	vm0 =	veq.s32 v11, v8;
	v62 =	vshra.s32 v13, $0x18;
	v13 =	vshrl.u32 v13, $0xC  }
0x423: {  	[tilespmem:v15+s13+$0x0] =	vst.idx.add.s32.msk vm1, v4;
	v15 =	vor.u32 v1, v17;
	vm15 =	veq.s32 v62, v8;
	v11 =	vand.u32 $0xFF0, v13  }
0x424: {  	[tilespmem:v18+s13+$0x0] =	vst.idx.add.s32.msk vm3, v4;
	v13 =	vor.u32 v1, v14;
	v14 =	vshrl.u32 v10, $0xC;
	v10 =	vshra.s32 v10, $0x18  }
0x425: {  	[tilespmem:v16+s13+$0x0] =	vst.idx.add.s32.msk vm2, v4;
	v11 =	vor.u32 v1, v11;
	v14 =	vand.u32 $0xFF0, v14;
	vm1 =	veq.s32 v10, v8  }
0x426: {  	[tilespmem:v19+s13+$0x0] =	vst.idx.add.s32.msk vm4, v4;
	v10 =	vor.u32 v1, v14  }
0x427: {  	[tilespmem:v12+s13+$0x0] =	vst.idx.add.s32.msk vm14, v4  }
0x428: {  	[tilespmem:v15+s13+$0x0] =	vst.idx.add.s32.msk vm0, v4  }
0x429: {  	[tilespmem:v13+s13+$0x0] =	vst.idx.add.s32.msk vm7, v4  }
0x42a: {  	[tilespmem:v11+s13+$0x0] =	vst.idx.add.s32.msk vm15, v4  }
0x42b: {  	s22 =	simm.s32 $0x18FF0;
	[tilespmem:v10+s13+$0x0] =	vst.idx.add.s32.msk vm1, v4  }
0x42c: {  	v10 =	vld [tilespmem:s22+$0x0];
	_ =	sdelay $0x1  }
0x42d: {  	v11 =	vld [tilespmem:s22+$0xFFFFFFF0];
	_ =	sdelay $0x1  }
0x42e: {  	v13 =	vimm.s32 $0x0;
	v12 =	vld [tilespmem:s22+$0xFFFFFFE0]  }
0x42f: {  	v7 =	vsub.s32 v7, v9;
	v9 =	vadd.s32 v13, v10  }
0x430: {  	v14 =	vld [tilespmem:s22+$0xFFFFFFD0];
	vm0 =	vge.s32 v9, v7  }
0x431: {  	v9 =	vadd.s32 v9, v11;
	v15 =	vsel vm0, $0x1, v0  }
0x432: {  	v10 =	vsel vm0, $0x0, v10;
	vm0 =	vge.s32 v9, v7;
	v15 =	vadd.s32 v15, v13  }
0x433: {  	v17 =	vld [tilespmem:s22+$0xFFFFFFC0];
	v10 =	vadd.s32 v13, v10;
	v13 =	vadd.s32 v9, v12;
	v16 =	vsel vm0, $0x1, v0  }
0x434: {  	[tilespmem:s22+$0x0] =	vst v0;
	v9 =	vld [tilespmem:s22+$0xFFFFFFB0];
	v11 =	vsel vm0, $0x0, v11;
	vm0 =	vge.s32 v13, v7;
	v15 =	vadd.s32 v16, v15  }
0x435: {  	[tilespmem:s22+$0xFFFFFFE0] =	vst v0;
	v13 =	vadd.s32 v13, v14;
	v10 =	vadd.s32 v11, v10;
	v11 =	vsel vm0, $0x1, v0  }
0x436: {  	[tilespmem:s22+$0xFFFFFFD0] =	vst v0;
	v12 =	vsel vm0, $0x0, v12;
	vm0 =	vge.s32 v13, v7;
	v15 =	vadd.s32 v11, v15;
	v11 =	vld [tilespmem:s22+$0xFFFFFFA0]  }
0x437: {  	[tilespmem:s22+$0xFFFFFFC0] =	vst v0;
	v10 =	vadd.s32 v12, v10;
	v12 =	vsel vm0, $0x0, v14  }
0x438: {  	[tilespmem:s22+$0xFFFFFFB0] =	vst v0;
	v16 =	vadd.s32 v13, v17;
	v14 =	vsel vm0, $0x1, v0;
	v12 =	vadd.s32 v12, v10;
	v10 =	vld [tilespmem:s22+$0xFFFFFF90]  }
0x439: {  	[tilespmem:s22+$0xFFFFFFA0] =	vst v0;
	vm0 =	vge.s32 v16, v7;
	v13 =	vadd.s32 v14, v15;
	v14 =	vadd.s32 v16, v9  }
0x43a: {  	s23 =	simm.s32 $0x0;
	s24 =	simm.s32 $0x18F70;
	[tilespmem:s22+$0xFFFFFF90] =	vst v0;
	v15 =	vsel vm0, $0x0, v17;
	v16 =	vsel vm0, $0x1, v0;
	vm0 =	vge.s32 v14, v7  }
.LBB2_31:
0x43b: {  	v17 =	vld [tilespmem:s24+$0x0];
	s23 =	sadd.s32 $0x8, s23;
	[tilespmem:s22+$0xFFFFFFF0] =	vst v0;
	v13 =	vadd.s32 v16, v13;
	v9 =	vsel vm0, $0x0, v9;
	v14 =	vadd.s32 v14, v11;
	s22 =	smov.u32 s24  }
0x43c: {  	v12 =	vadd.s32 v15, v12;
	v15 =	vsel vm0, $0x1, v0;
	[tilespmem:s24+$0x0] =	vst v0;
	v16 =	vld [tilespmem:s24+$0xFFFFFFF0];
	p1 =	slt.u32 s23, $0xF8;
	vm0 =	vge.s32 v14, v7  }
0x43d: {  	v13 =	vadd.s32 v15, v13;
	v11 =	vsel vm0, $0x0, v11;
	v14 =	vadd.s32 v14, v10  }
0x43e: {  	v9 =	vadd.s32 v9, v12;
	v12 =	vsel vm0, $0x1, v0;
	v15 =	vld [tilespmem:s24+$0xFFFFFFE0];
	vm0 =	vge.s32 v14, v7  }
0x43f: {  	v12 =	vadd.s32 v12, v13;
	v11 =	vadd.s32 v11, v9;
	[tilespmem:s24+$0xFFFFFFE0] =	vst v0;
	v18 =	vld [tilespmem:s24+$0xFFFFFFD0];
	v9 =	vsel vm0, $0x1, v0  }
0x440: {  	v10 =	vsel vm0, $0x0, v10;
	v13 =	vadd.s32 v14, v17;
	[tilespmem:s24+$0xFFFFFFD0] =	vst v0;
	v12 =	vadd.s32 v9, v12  }
0x441: {  	v10 =	vadd.s32 v10, v11;
	vm0 =	vge.s32 v13, v7;
	v13 =	vadd.s32 v13, v16;
	v9 =	vld [tilespmem:s24+$0xFFFFFFB0]  }
0x442: {  	v11 =	vsel vm0, $0x1, v0;
	v14 =	vsel vm0, $0x0, v17;
	vm0 =	vge.s32 v13, v7;
	v17 =	vld [tilespmem:s24+$0xFFFFFFC0];
	[tilespmem:s24+$0xFFFFFFB0] =	vst v0  }
0x443: {  	v11 =	vadd.s32 v11, v12;
	v10 =	vadd.s32 v10, v14;
	v12 =	vadd.s32 v13, v15;
	[tilespmem:s24+$0xFFFFFFC0] =	vst v0  }
0x444: {  	v13 =	vsel vm0, $0x1, v0;
	v14 =	vsel vm0, $0x0, v16;
	vm0 =	vge.s32 v12, v7  }
0x445: {  	v13 =	vadd.s32 v13, v11;
	v16 =	vadd.s32 v12, v18;
	v15 =	vsel vm0, $0x0, v15;
	v11 =	vld [tilespmem:s24+$0xFFFFFFA0]  }
.Ltmp16:
0x446: {  	v10 =	vadd.s32 v14, v10;
	v12 =	vsel vm0, $0x1, v0;
	vm0 =	vge.s32 v16, v7;
	[tilespmem:s24+$0xFFFFFFA0] =	vst v0;
	(pc) =	sbr.rel @p1 .LBB2_31-.Ltmp16, $4  }
0x447: {  	v13 =	vadd.s32 v12, v13;
	v10 =	vadd.s32 v15, v10;
	v12 =	vsel vm0, $0x0, v18  }
0x448: {  	v14 =	vsel vm0, $0x1, v0;
	v12 =	vadd.s32 v12, v10;
	v15 =	vadd.s32 v16, v17;
	v10 =	vld [tilespmem:s24+$0xFFFFFF90]  }
0x449: {  	v13 =	vadd.s32 v14, v13;
	vm0 =	vge.s32 v15, v7;
	v14 =	vadd.s32 v15, v9;
	[tilespmem:s24+$0xFFFFFF90] =	vst v0  }
0x44a: {  	v16 =	vsel vm0, $0x1, v0;
	v15 =	vsel vm0, $0x0, v17;
	vm0 =	vge.s32 v14, v7;
	s24 =	sadd.s32 $0xFFFFFF80, s24  }
0x44b: {  	v13 =	vadd.s32 v16, v13  }
0x44c: {  	v9 =	vsel vm0, $0x0, v9;
	v14 =	vadd.s32 v14, v11;
	v12 =	vadd.s32 v15, v12  }
0x44d: {  	v15 =	vsel vm0, $0x1, v0;
	v8 =	vshll.u32 v8, $0x8;
	s29 =	simm.s32 $0x3;
	vm0 =	vge.s32 v14, v7  }
0x44e: {  	s30 =	simm.s32 $0x0;
	v13 =	vadd.s32 v15, v13;
	v9 =	vadd.s32 v9, v12;
	v17 =	vadd.s32 s29, v1  }
0x44f: {  	v18 =	vadd.s32 s30, v1;
	v14 =	vadd.s32 v14, v10;
	v11 =	vsel vm0, $0x0, v11  }
0x450: {  	s29 =	simm.s32 $0xF;
	s30 =	simm.s32 $0x8;
	v15 =	vsel vm0, $0x1, v0;
	v19 =	vshll.u32 v18, $0x3;
	v18 =	vand.u32 $0x7F, v18  }
0x451: {  	s26 =	simm.s32 $0x7;
	v24 =	vadd.s32 s29, v1;
	v54 =	vadd.s32 s30, v1;
	vm0 =	vge.s32 v14, v7  }
0x452: {  	s28 =	simm.s32 $0x4;
	v12 =	vadd.s32 v15, v13;
	v9 =	vadd.s32 v11, v9;
	v14 =	vadd.s32 s26, v1  }
0x453: {  	v15 =	vadd.s32 s28, v1;
	v19 =	vand.u32 $0x3C00, v19;
	v26 =	vshll.u32 v24, $0x3  }
0x454: {  	v24 =	vand.u32 $0x7F, v24;
	v13 =	vsel vm0, $0x1, v0;
	v10 =	vsel vm0, $0x0, v10  }
0x455: {  	v16 =	vshll.u32 v14, $0x3;
	v20 =	vshll.u32 v15, $0x3;
	v15 =	vand.u32 $0x7F, v15  }
0x456: {  	s26 =	simm.s32 $0xD;
	v18 =	vor.u32 v19, v18;
	v19 =	vshll.u32 v17, $0x3;
	v17 =	vand.u32 $0x7F, v17  }
0x457: {  	s23 =	simm.s32 $0x5;
	s25 =	simm.s32 $0x2;
	v23 =	vadd.s32 s26, v1;
	v26 =	vand.u32 $0x3C00, v26;
	v11 =	vadd.s32 v13, v12  }
0x458: {  	v9 =	vadd.s32 v10, v9;
	v10 =	vadd.s32 s23, v1;
	v12 =	vadd.s32 s25, v1  }
0x459: {  	v20 =	vand.u32 $0x3C00, v20;
	v18 =	vor.u32 v5, v18;
	v19 =	vand.u32 $0x3C00, v19  }
0x45a: {  	v24 =	vor.u32 v26, v24;
	v29 =	vshll.u32 v23, $0x3;
	v23 =	vand.u32 $0x7F, v23  }
0x45b: {  	s31 =	simm.s32 $0x6;
	v11 =	vadd.s32 $0xFFFFFFFF, v11;
	v13 =	vshll.u32 v10, $0x3;
	v10 =	vand.u32 $0x7F, v10  }
0x45c: {  	v15 =	vor.u32 v20, v15;
	v20 =	vadd.s32 s31, v1;
	v17 =	vor.u32 v19, v17  }
0x45d: {  	s24 =	simm.s32 $0x1;
	v24 =	vor.u32 v5, v24;
	v29 =	vand.u32 $0x3C00, v29;
	v8 =	vor.u32 v8, v11  }
0x45e: {  	v11 =	vadd.s32 s24, v1;
	v13 =	vand.u32 $0x3C00, v13;
	v15 =	vor.u32 v5, v15  }
0x45f: {  	v19 =	vand.u32 $0x7F, v20;
	v20 =	vshll.u32 v20, $0x3;
	v23 =	vor.u32 v29, v23  }
0x460: {  	v10 =	vor.u32 v13, v10;
	v13 =	vand.u32 $0x7F, v14;
	v14 =	vand.u32 $0x3C00, v16  }
0x461: {  	v16 =	vshll.u32 v11, $0x3;
	v11 =	vand.u32 $0x7F, v11;
	v20 =	vand.u32 $0x3C00, v20  }
0x462: {  	v23 =	vor.u32 v5, v23;
	v10 =	vor.u32 v5, v10;
	v13 =	vor.u32 v14, v13  }
0x463: {  	[tilespmem:s22+$0xFFFFFFF0] =	vst v0;
	v14 =	vand.u32 $0x7F, v12;
	v16 =	vand.u32 $0x3C00, v16;
	v12 =	vshll.u32 v12, $0x3  }
0x464: {  	v19 =	vor.u32 v20, v19;
	v13 =	vor.u32 v5, v13;
	v12 =	vand.u32 $0x3C00, v12;
	v18 =	vld.idx.msk [tilespmem:v18+s3+$0x0], $0xffff  }
0x465: {  	s28 =	simm.s32 $0xB;
	v11 =	vor.u32 v16, v11;
	v12 =	vor.u32 v12, v14;
	v14 =	vor.u32 v5, v19;
	v24 =	vld.idx.msk [tilespmem:v24+s3+$0x0], $0xffff  }
0x466: {  	v55 =	vshll.u32 v54, $0x3;
	v25 =	vadd.s32 s28, v1;
	v11 =	vor.u32 v5, v11;
	v15 =	vld.idx.msk [tilespmem:v15+s3+$0x0], $0xffff  }
0x467: {  	s25 =	simm.s32 $0xC;
	v32 =	vshll.u32 v25, $0x3;
	v25 =	vand.u32 $0x7F, v25;
	v12 =	vor.u32 v5, v12;
	v23 =	vld.idx.msk [tilespmem:v23+s3+$0x0], $0xffff  }
0x468: {  	v22 =	vadd.s32 s25, v1;
	v32 =	vand.u32 $0x3C00, v32;
	v17 =	vor.u32 v5, v17;
	v10 =	vld.idx.msk [tilespmem:v10+s3+$0x0], $0xffff  }
0x469: {  	s31 =	simm.s32 $0xE;
	v30 =	vshll.u32 v22, $0x3;
	v22 =	vand.u32 $0x7F, v22;
	v29 =	vand.u32 $0x7F, v54;
	v13 =	vld.idx.msk [tilespmem:v13+s3+$0x0], $0xffff  }
0x46a: {  	v56 =	vadd.s32 s31, v1;
	v25 =	vor.u32 v32, v25;
	v30 =	vand.u32 $0x3C00, v30;
	v14 =	vld.idx.msk [tilespmem:v14+s3+$0x0], $0xffff  }
0x46b: {  	v25 =	vor.u32 v5, v25;
	v58 =	vand.u32 $0x7F, v56;
	v59 =	vshll.u32 v56, $0x3;
	v11 =	vld.idx.msk [tilespmem:v11+s3+$0x0], $0xffff  }
0x46c: {  	v22 =	vor.u32 v30, v22;
	v19 =	vxor.u32 $0x7FFFFFFF, v18;
	vm6 =	vlt.s32 v24, $0x0;
	v12 =	vld.idx.msk [tilespmem:v12+s3+$0x0], $0xffff  }
0x46d: {  	vm3 =	vlt.s32 v15, $0x0;
	v21 =	vxor.u32 $0x7FFFFFFF, v10;
	vm0 =	vlt.s32 v10, $0x0  }
0x46e: {  	v60 =	vxor.u32 $0x7FFFFFFF, v23;
	v10 =	vsel vm0, v21, v10;
	vm0 =	vlt.s32 v13, $0x0  }
0x46f: {  	v20 =	vshra.s32 v10, $0x10;
	v10 =	vshrl.u32 v10, $0x4;
	v27 =	vxor.u32 $0x7FFFFFFF, v14  }
0x470: {  	vm5 =	vlt.s32 v11, $0x0;
	v53 =	vxor.u32 $0x7FFFFFFF, v11;
	vm1 =	veq.s32 v20, v8  }
0x471: {  	v10 =	vand.u32 $0xFF0, v10;
	v20 =	vxor.u32 $0x7FFFFFFF, v13;
	vm4 =	vlt.s32 v12, $0x0  }
0x472: {  	v11 =	vsel vm5, v53, v11;
	v31 =	vxor.u32 $0x7FFFFFFF, v12;
	vm5 =	vlt.s32 v23, $0x0  }
0x473: {  	v10 =	vor.u32 v1, v10;
	v13 =	vsel vm0, v20, v13;
	vm0 =	vlt.s32 v18, $0x0  }
0x474: {  	v17 =	vld.idx.msk [tilespmem:v17+s3+$0x0], $0xffff;
	v20 =	vxor.u32 $0x7FFFFFFF, v15;
	v12 =	vsel vm4, v31, v12;
	v31 =	vand.u32 $0x3C00, v55  }
0x475: {  	v57 =	vshra.s32 v11, $0x10;
	v11 =	vshrl.u32 v11, $0x4;
	v23 =	vsel vm5, v60, v23  }
0x476: {  	s24 =	simm.s32 $0xA;
	v16 =	vshrl.u32 v13, $0x4;
	v13 =	vshra.s32 v13, $0x10;
	v15 =	vsel vm3, v20, v15  }
0x477: {  	v20 =	vadd.s32 s24, v1;
	v29 =	vor.u32 v31, v29;
	v61 =	vshrl.u32 v12, $0x4  }
0x478: {  	v30 =	vshra.s32 v23, $0x10;
	v12 =	vshra.s32 v12, $0x10;
	vm2 =	veq.s32 v13, v8  }
0x479: {  	v13 =	vand.u32 $0xFF0, v16;
	v16 =	vsel vm0, v19, v18;
	v18 =	vxor.u32 $0x7FFFFFFF, v17  }
0x47a: {  	vm0 =	vlt.s32 v17, $0x0;
	v28 =	vand.u32 $0x7F, v20;
	v52 =	vshrl.u32 v15, $0x4  }
0x47b: {  	v20 =	vshll.u32 v20, $0x3;
	v15 =	vshra.s32 v15, $0x10;
	vm7 =	veq.s32 v30, v8  }
0x47c: {  	s23 =	simm.s32 $0x9;
	v19 =	vor.u32 v1, v13;
	v13 =	vshra.s32 v16, $0x10;
	v16 =	vshrl.u32 v16, $0x4  }
0x47d: {  	v17 =	vsel vm0, v18, v17;
	v18 =	vadd.s32 s23, v1;
	vm0 =	vlt.s32 v14, $0x0  }
0x47e: {  	v26 =	vand.u32 $0xFF0, v52;
	vm4 =	veq.s32 v15, v8;
	v15 =	vor.u32 v5, v29  }
0x47f: {  	v20 =	vand.u32 $0x3C00, v20;
	v21 =	vshra.s32 v17, $0x10;
	vm3 =	veq.s32 v13, v8  }
0x480: {  	v13 =	vshll.u32 v18, $0x3;
	v16 =	vand.u32 $0xFF0, v16;
	v18 =	vand.u32 $0x7F, v18  }
0x481: {  	v26 =	vor.u32 v1, v26;
	v27 =	vsel vm0, v27, v14;
	v14 =	vor.u32 v5, v22  }
0x482: {  	v22 =	vand.u32 $0x3C00, v59;
	vm0 =	veq.s32 v57, v8;
	v17 =	vshrl.u32 v17, $0x4  }
0x483: {  	v13 =	vand.u32 $0x3C00, v13;
	v16 =	vor.u32 v1, v16;
	v22 =	vor.u32 v22, v58  }
0x484: {  	vm5 =	veq.s32 v21, v8;
	v21 =	vshrl.u32 v23, $0x4;
	[tilespmem:v10+s13+$0x0] =	vst.idx.add.s32.msk vm1, v4;
	v10 =	vxor.u32 $0x7FFFFFFF, v24  }
0x485: {  	vm1 =	veq.s32 v12, v8;
	v17 =	vand.u32 $0xFF0, v17;
	v21 =	vand.u32 $0xFF0, v21  }
0x486: {  	v10 =	vsel vm6, v10, v24;
	v12 =	vor.u32 v13, v18;
	v18 =	vor.u32 v20, v28;
	v23 =	vld.idx.msk [tilespmem:v15+s3+$0x0], $0xffff  }
0x487: {  	v11 =	vand.u32 $0xFF0, v11;
	v63 =	vor.u32 v1, v17;
	v21 =	vor.u32 v1, v21;
	[tilespmem:v19+s13+$0x0] =	vst.idx.add.s32.msk vm2, v4  }
0x488: {  	v17 =	vor.u32 v1, v11;
	v20 =	vshrl.u32 v10, $0x4;
	v13 =	vor.u32 v5, v12;
	v62 =	vld.idx.msk [tilespmem:v14+s3+$0x0], $0xffff  }
0x489: {  	v12 =	vor.u32 v5, v22;
	v22 =	vor.u32 v5, v18;
	v18 =	vshrl.u32 v27, $0x4;
	v14 =	vld.idx.msk [tilespmem:v25+s3+$0x0], $0xffff  }
0x48a: {  	v15 =	vand.u32 $0xFF0, v61;
	v18 =	vand.u32 $0xFF0, v18;
	v19 =	vshra.s32 v10, $0x10;
	[tilespmem:v26+s13+$0x0] =	vst.idx.add.s32.msk vm4, v4  }
0x48b: {  	v15 =	vor.u32 v1, v15;
	vm2 =	veq.s32 v19, v8;
	[tilespmem:v16+s13+$0x0] =	vst.idx.add.s32.msk vm3, v4;
	v16 =	vshra.s32 v27, $0x10  }
0x48c: {  	v18 =	vor.u32 v1, v18;
	vm3 =	veq.s32 v16, v8;
	[tilespmem:v21+s13+$0x0] =	vst.idx.add.s32.msk vm7, v4;
	v21 =	vand.u32 $0xFF0, v20  }
0x48d: {  	[tilespmem:v63+s13+$0x0] =	vst.idx.add.s32.msk vm5, v4;
	vm6 =	vlt.s32 v23, $0x0;
	v11 =	vxor.u32 $0x7FFFFFFF, v23;
	v16 =	vxor.u32 $0x7FFFFFFF, v62  }
0x48e: {  	v10 =	vld.idx.msk [tilespmem:v12+s3+$0x0], $0xffff;
	v19 =	vsel vm6, v11, v23;
	vm4 =	vlt.s32 v62, $0x0;
	v20 =	vxor.u32 $0x7FFFFFFF, v14  }
0x48f: {  	s22 =	simm.s32 $0x10;
	v11 =	vld.idx.msk [tilespmem:v22+s3+$0x0], $0xffff;
	vm6 =	vlt.s32 v14, $0x0;
	v12 =	vsel vm4, v16, v62;
	v16 =	vor.u32 v1, v21  }
.LBB2_33:
0x490: {  	s24 =	sadd.s32 $0x1, s22  }
0x491: {  	s25 =	sadd.s32 $0x2, s22;
	s26 =	sadd.s32 $0x3, s22;
	v21 =	vshra.s32 v19, $0x10;
	v19 =	vshrl.u32 v19, $0x4;
	v14 =	vsel vm6, v20, v14;
	[tilespmem:v17+s13+$0x0] =	vst.idx.add.s32.msk vm0, v4;
	s23 =	smov.u32 s22  }
0x492: {  	s28 =	sadd.s32 $0x6, s22;
	v17 =	vadd.s32 s24, v1;
	v20 =	vadd.s32 s25, v1;
	s24 =	sadd.s32 $0x4, s22;
	s25 =	sadd.s32 $0x5, s22;
	v22 =	vshra.s32 v14, $0x10;
	[tilespmem:v15+s13+$0x0] =	vst.idx.add.s32.msk vm1, v4  }
0x493: {  	p1 =	slt.u32 s22, $0x7F8;
	s22 =	sadd.s32 $0x8, s22;
	vm0 =	veq.s32 v21, v8;
	v15 =	vadd.s32 s24, v1;
	v23 =	vadd.s32 s25, v1;
	s24 =	sadd.s32 $0x7, s23;
	[tilespmem:v18+s13+$0x0] =	vst.idx.add.s32.msk vm3, v4  }
0x494: {  	vm1 =	vlt.s32 v10, $0x0;
	v18 =	vshll.u32 v17, $0x3;
	v21 =	vadd.s32 s24, v1;
	v13 =	vld.idx.msk [tilespmem:v13+s3+$0x0], $0xffff  }
0x495: {  	v24 =	vadd.s32 s26, v1;
	vm3 =	vlt.s32 v11, $0x0;
	v25 =	vshll.u32 v21, $0x3;
	[tilespmem:v16+s13+$0x0] =	vst.idx.add.s32.msk vm2, v4  }
0x496: {  	v16 =	vand.u32 $0x7F, v21;
	v21 =	vand.u32 $0x3C00, v25;
	v25 =	vxor.u32 $0x7FFFFFFF, v10  }
0x497: {  	v26 =	vand.u32 $0x7F, v20;
	v16 =	vor.u32 v21, v16;
	v21 =	vshrl.u32 v12, $0x4  }
0x498: {  	v19 =	vand.u32 $0xFF0, v19;
	v27 =	vshll.u32 v23, $0x3;
	v16 =	vor.u32 v5, v16  }
0x499: {  	v20 =	vshll.u32 v20, $0x3;
	v18 =	vand.u32 $0x3C00, v18;
	v21 =	vand.u32 $0xFF0, v21  }
0x49a: {  	v23 =	vand.u32 $0x7F, v23;
	v27 =	vand.u32 $0x3C00, v27;
	vm2 =	vlt.s32 v13, $0x0  }
0x49b: {  	v19 =	vor.u32 v1, v19;
	v28 =	vshll.u32 v15, $0x3;
	v23 =	vor.u32 v27, v23  }
0x49c: {  	v17 =	vand.u32 $0x7F, v17;
	v23 =	vor.u32 v5, v23;
	v27 =	vxor.u32 $0x7FFFFFFF, v13  }
0x49d: {  	v15 =	vand.u32 $0x7F, v15;
	v28 =	vand.u32 $0x3C00, v28;
	v13 =	vsel vm2, v27, v13;
	v16 =	vld.idx.msk [tilespmem:v16+s3+$0x0], $0xffff  }
0x49e: {  	v29 =	vadd.s32 s28, v1;
	v27 =	vand.u32 $0x7F, v24;
	v30 =	vshra.s32 v13, $0x10  }
0x49f: {  	v31 =	vadd.s32 s23, v1;
	v24 =	vshll.u32 v24, $0x3;
	v32 =	vshrl.u32 v13, $0x4  }
0x4a0: {  	v12 =	vshra.s32 v12, $0x10;
	v13 =	vand.u32 $0x7F, v31;
	v31 =	vshll.u32 v31, $0x3  }
0x4a1: {  	vm2 =	veq.s32 v12, v8;
	v24 =	vand.u32 $0x3C00, v24;
	v31 =	vand.u32 $0x3C00, v31;
	v23 =	vld.idx.msk [tilespmem:v23+s3+$0x0], $0xffff  }
0x4a2: {  	v12 =	vor.u32 v31, v13;
	v13 =	vor.u32 v24, v27;
	v24 =	vxor.u32 $0x7FFFFFFF, v11  }
0x4a3: {  	v20 =	vand.u32 $0x3C00, v20;
	v21 =	vor.u32 v1, v21;
	v12 =	vor.u32 v5, v12  }
0x4a4: {  	v27 =	vand.u32 $0x7F, v29;
	v13 =	vor.u32 v5, v13;
	v11 =	vsel vm3, v24, v11  }
0x4a5: {  	v15 =	vor.u32 v28, v15;
	v10 =	vsel vm1, v25, v10;
	v24 =	vshll.u32 v29, $0x3  }
0x4a6: {  	v15 =	vor.u32 v5, v15;
	v24 =	vand.u32 $0x3C00, v24;
	[tilespmem:v19+s13+$0x0] =	vst.idx.add.s32.msk vm0, v4;
	vm0 =	veq.s32 v30, v8  }
0x4a7: {  	v25 =	vshrl.u32 v14, $0x4;
	v19 =	vxor.u32 $0x7FFFFFFF, v23;
	vm1 =	vlt.s32 v23, $0x0  }
0x4a8: {  	v19 =	vsel vm1, v19, v23;
	v23 =	vor.u32 v24, v27;
	v24 =	vshrl.u32 v11, $0x4;
	v12 =	vld.idx.msk [tilespmem:v12+s3+$0x0], $0xffff  }
0x4a9: {  	vm4 =	veq.s32 v22, v8;
	vm1 =	vlt.s32 v16, $0x0;
	v27 =	vshra.s32 v19, $0x10  }
0x4aa: {  	vm3 =	veq.s32 v27, v8;
	v14 =	vld.idx.msk [tilespmem:v13+s3+$0x0], $0xffff;
	v13 =	vshrl.u32 v19, $0x4;
	v19 =	vand.u32 $0xFF0, v24  }
0x4ab: {  	v22 =	vxor.u32 $0x7FFFFFFF, v16;
	v11 =	vshra.s32 v11, $0x10;
	v13 =	vand.u32 $0xFF0, v13  }
0x4ac: {  	v16 =	vsel vm1, v22, v16;
	vm1 =	veq.s32 v11, v8;
	v24 =	vor.u32 v1, v13  }
0x4ad: {  	v11 =	vor.u32 v18, v17;
	v17 =	vor.u32 v20, v26;
	v18 =	vshrl.u32 v16, $0x4;
	v22 =	vld.idx.msk [tilespmem:v15+s3+$0x0], $0xffff  }
0x4ae: {  	v20 =	vand.u32 $0xFF0, v25;
	v13 =	vor.u32 v5, v11;
	v11 =	vor.u32 v5, v23  }
0x4af: {  	v23 =	vor.u32 v5, v17;
	v17 =	vshrl.u32 v10, $0x4;
	v15 =	vand.u32 $0xFF0, v32  }
0x4b0: {  	v10 =	vshra.s32 v10, $0x10;
	vm5 =	vlt.s32 v12, $0x0;
	[tilespmem:v21+s13+$0x0] =	vst.idx.add.s32.msk vm2, v4;
	v21 =	vand.u32 $0xFF0, v17  }
0x4b1: {  	v25 =	vor.u32 v1, v20;
	v17 =	vor.u32 v1, v15;
	v15 =	vor.u32 v1, v19  }
.Ltmp17:
0x4b2: {  	v16 =	vshra.s32 v16, $0x10;
	v19 =	vxor.u32 $0x7FFFFFFF, v12;
	[tilespmem:v24+s13+$0x0] =	vst.idx.add.s32.msk vm3, v4;
	vm3 =	veq.s32 v10, v8;
	(pc) =	sbr.rel @p1 .LBB2_33-.Ltmp17, $4  }
0x4b3: {  	vm2 =	veq.s32 v16, v8;
	v16 =	vand.u32 $0xFF0, v18;
	v24 =	vxor.u32 $0x7FFFFFFF, v22;
	v10 =	vld.idx.msk [tilespmem:v11+s3+$0x0], $0xffff  }
0x4b4: {  	v19 =	vsel vm5, v19, v12;
	v18 =	vor.u32 v1, v21;
	vm5 =	vlt.s32 v22, $0x0  }
0x4b5: {  	v20 =	vxor.u32 $0x7FFFFFFF, v14;
	v16 =	vor.u32 v1, v16;
	v12 =	vsel vm5, v24, v22;
	v11 =	vld.idx.msk [tilespmem:v23+s3+$0x0], $0xffff  }
0x4b6: {  	vm6 =	vlt.s32 v14, $0x0;
	[tilespmem:v25+s13+$0x0] =	vst.idx.add.s32.msk vm4, v4  }
0x4b7: {  	_ =	sdelay $0x1  }
0x4b8: {  	v21 =	vshra.s32 v19, $0x10;
	v19 =	vshrl.u32 v19, $0x4;
	v14 =	vsel vm6, v20, v14  }
0x4b9: {  	v60 =	vshra.s32 v12, $0x10;
	v12 =	vshrl.u32 v12, $0x4;
	vm4 =	veq.s32 v21, v8  }
0x4ba: {  	v13 =	vld.idx.msk [tilespmem:v13+s3+$0x0], $0xffff;
	v59 =	vshra.s32 v14, $0x10;
	vm13 =	vlt.s32 v10, $0x0;
	vm14 =	veq.s32 v60, v8  }
0x4bb: {  	v61 =	vxor.u32 $0x7FFFFFFF, v10;
	v19 =	vand.u32 $0xFF0, v19;
	v12 =	vand.u32 $0xFF0, v12  }
0x4bc: {  	v14 =	vshrl.u32 v14, $0x4;
	v19 =	vor.u32 v1, v19;
	v10 =	vsel vm13, v61, v10  }
0x4bd: {  	v12 =	vor.u32 v1, v12;
	vm12 =	vlt.s32 v11, $0x0;
	v58 =	vxor.u32 $0x7FFFFFFF, v11  }
0x4be: {  	vm7 =	veq.s32 v59, v8;
	v14 =	vand.u32 $0xFF0, v14;
	v11 =	vsel vm12, v58, v11  }
0x4bf: {  	vm5 =	vlt.s32 v13, $0x0;
	v57 =	vxor.u32 $0x7FFFFFFF, v13;
	v63 =	vshrl.u32 v11, $0x4  }
0x4c0: {  	[tilespmem:v17+s13+$0x0] =	vst.idx.add.s32.msk vm0, v4;
	v11 =	vshra.s32 v11, $0x10;
	v13 =	vsel vm5, v57, v13;
	v17 =	vand.u32 $0xFF0, v63  }
0x4c1: {  	vm0 =	veq.s32 v11, v8;
	v62 =	vshra.s32 v13, $0x10;
	v13 =	vshrl.u32 v13, $0x4  }
0x4c2: {  	[tilespmem:v15+s13+$0x0] =	vst.idx.add.s32.msk vm1, v4;
	v15 =	vor.u32 v1, v17;
	vm15 =	veq.s32 v62, v8;
	v11 =	vand.u32 $0xFF0, v13  }
0x4c3: {  	[tilespmem:v18+s13+$0x0] =	vst.idx.add.s32.msk vm3, v4;
	v13 =	vor.u32 v1, v14;
	v14 =	vshrl.u32 v10, $0x4;
	v10 =	vshra.s32 v10, $0x10  }
0x4c4: {  	[tilespmem:v16+s13+$0x0] =	vst.idx.add.s32.msk vm2, v4;
	v11 =	vor.u32 v1, v11;
	v14 =	vand.u32 $0xFF0, v14;
	vm1 =	veq.s32 v10, v8  }
0x4c5: {  	[tilespmem:v19+s13+$0x0] =	vst.idx.add.s32.msk vm4, v4;
	v10 =	vor.u32 v1, v14  }
0x4c6: {  	[tilespmem:v12+s13+$0x0] =	vst.idx.add.s32.msk vm14, v4  }
0x4c7: {  	[tilespmem:v15+s13+$0x0] =	vst.idx.add.s32.msk vm0, v4  }
0x4c8: {  	[tilespmem:v13+s13+$0x0] =	vst.idx.add.s32.msk vm7, v4  }
0x4c9: {  	[tilespmem:v11+s13+$0x0] =	vst.idx.add.s32.msk vm15, v4  }
0x4ca: {  	s22 =	simm.s32 $0x18FF0;
	[tilespmem:v10+s13+$0x0] =	vst.idx.add.s32.msk vm1, v4  }
0x4cb: {  	v10 =	vld [tilespmem:s22+$0x0];
	_ =	sdelay $0x1  }
0x4cc: {  	v11 =	vld [tilespmem:s22+$0xFFFFFFF0];
	_ =	sdelay $0x1  }
0x4cd: {  	v13 =	vimm.s32 $0x0;
	v12 =	vld [tilespmem:s22+$0xFFFFFFE0]  }
0x4ce: {  	v9 =	vsub.s32 v7, v9;
	v7 =	vadd.s32 v13, v10  }
0x4cf: {  	v14 =	vld [tilespmem:s22+$0xFFFFFFD0];
	vm0 =	vge.s32 v7, v9  }
0x4d0: {  	v7 =	vadd.s32 v7, v11;
	v15 =	vsel vm0, $0x1, v0  }
0x4d1: {  	v10 =	vsel vm0, $0x0, v10;
	vm0 =	vge.s32 v7, v9;
	v15 =	vadd.s32 v15, v13  }
0x4d2: {  	v17 =	vld [tilespmem:s22+$0xFFFFFFC0];
	v10 =	vadd.s32 v13, v10;
	v13 =	vadd.s32 v7, v12;
	v16 =	vsel vm0, $0x1, v0  }
0x4d3: {  	[tilespmem:s22+$0x0] =	vst v0;
	v7 =	vld [tilespmem:s22+$0xFFFFFFB0];
	v11 =	vsel vm0, $0x0, v11;
	vm0 =	vge.s32 v13, v9;
	v15 =	vadd.s32 v16, v15  }
0x4d4: {  	[tilespmem:s22+$0xFFFFFFE0] =	vst v0;
	v13 =	vadd.s32 v13, v14;
	v10 =	vadd.s32 v11, v10;
	v11 =	vsel vm0, $0x1, v0  }
0x4d5: {  	[tilespmem:s22+$0xFFFFFFD0] =	vst v0;
	v12 =	vsel vm0, $0x0, v12;
	vm0 =	vge.s32 v13, v9;
	v15 =	vadd.s32 v11, v15;
	v11 =	vld [tilespmem:s22+$0xFFFFFFA0]  }
0x4d6: {  	[tilespmem:s22+$0xFFFFFFC0] =	vst v0;
	v10 =	vadd.s32 v12, v10;
	v12 =	vsel vm0, $0x0, v14  }
0x4d7: {  	[tilespmem:s22+$0xFFFFFFB0] =	vst v0;
	v16 =	vadd.s32 v13, v17;
	v14 =	vsel vm0, $0x1, v0;
	v12 =	vadd.s32 v12, v10;
	v10 =	vld [tilespmem:s22+$0xFFFFFF90]  }
0x4d8: {  	[tilespmem:s22+$0xFFFFFFA0] =	vst v0;
	vm0 =	vge.s32 v16, v9;
	v13 =	vadd.s32 v14, v15;
	v14 =	vadd.s32 v16, v7  }
0x4d9: {  	s23 =	simm.s32 $0x0;
	s24 =	simm.s32 $0x18F70;
	[tilespmem:s22+$0xFFFFFF90] =	vst v0;
	v15 =	vsel vm0, $0x0, v17;
	v16 =	vsel vm0, $0x1, v0;
	vm0 =	vge.s32 v14, v9  }
.LBB2_35:
0x4da: {  	v17 =	vld [tilespmem:s24+$0x0];
	s23 =	sadd.s32 $0x8, s23;
	[tilespmem:s22+$0xFFFFFFF0] =	vst v0;
	v13 =	vadd.s32 v16, v13;
	v7 =	vsel vm0, $0x0, v7;
	v14 =	vadd.s32 v14, v11;
	s22 =	smov.u32 s24  }
0x4db: {  	v12 =	vadd.s32 v15, v12;
	v15 =	vsel vm0, $0x1, v0;
	[tilespmem:s24+$0x0] =	vst v0;
	v16 =	vld [tilespmem:s24+$0xFFFFFFF0];
	p1 =	slt.u32 s23, $0xF8;
	vm0 =	vge.s32 v14, v9  }
0x4dc: {  	v13 =	vadd.s32 v15, v13;
	v11 =	vsel vm0, $0x0, v11;
	v14 =	vadd.s32 v14, v10  }
0x4dd: {  	v7 =	vadd.s32 v7, v12;
	v12 =	vsel vm0, $0x1, v0;
	v15 =	vld [tilespmem:s24+$0xFFFFFFE0];
	vm0 =	vge.s32 v14, v9  }
0x4de: {  	v12 =	vadd.s32 v12, v13;
	v11 =	vadd.s32 v11, v7;
	[tilespmem:s24+$0xFFFFFFE0] =	vst v0;
	v18 =	vld [tilespmem:s24+$0xFFFFFFD0];
	v7 =	vsel vm0, $0x1, v0  }
0x4df: {  	v10 =	vsel vm0, $0x0, v10;
	v13 =	vadd.s32 v14, v17;
	[tilespmem:s24+$0xFFFFFFD0] =	vst v0;
	v12 =	vadd.s32 v7, v12  }
0x4e0: {  	v10 =	vadd.s32 v10, v11;
	vm0 =	vge.s32 v13, v9;
	v13 =	vadd.s32 v13, v16;
	v7 =	vld [tilespmem:s24+$0xFFFFFFB0]  }
0x4e1: {  	v11 =	vsel vm0, $0x1, v0;
	v14 =	vsel vm0, $0x0, v17;
	vm0 =	vge.s32 v13, v9;
	v17 =	vld [tilespmem:s24+$0xFFFFFFC0];
	[tilespmem:s24+$0xFFFFFFB0] =	vst v0  }
0x4e2: {  	v11 =	vadd.s32 v11, v12;
	v10 =	vadd.s32 v10, v14;
	v12 =	vadd.s32 v13, v15;
	[tilespmem:s24+$0xFFFFFFC0] =	vst v0  }
0x4e3: {  	v13 =	vsel vm0, $0x1, v0;
	v14 =	vsel vm0, $0x0, v16;
	vm0 =	vge.s32 v12, v9  }
0x4e4: {  	v13 =	vadd.s32 v13, v11;
	v16 =	vadd.s32 v12, v18;
	v15 =	vsel vm0, $0x0, v15;
	v11 =	vld [tilespmem:s24+$0xFFFFFFA0]  }
.Ltmp18:
0x4e5: {  	v10 =	vadd.s32 v14, v10;
	v12 =	vsel vm0, $0x1, v0;
	vm0 =	vge.s32 v16, v9;
	[tilespmem:s24+$0xFFFFFFA0] =	vst v0;
	(pc) =	sbr.rel @p1 .LBB2_35-.Ltmp18, $4  }
0x4e6: {  	v13 =	vadd.s32 v12, v13;
	v10 =	vadd.s32 v15, v10;
	v12 =	vsel vm0, $0x0, v18  }
0x4e7: {  	v14 =	vsel vm0, $0x1, v0;
	v12 =	vadd.s32 v12, v10;
	v15 =	vadd.s32 v16, v17;
	v10 =	vld [tilespmem:s24+$0xFFFFFF90]  }
0x4e8: {  	v13 =	vadd.s32 v14, v13;
	vm0 =	vge.s32 v15, v9;
	v14 =	vadd.s32 v15, v7;
	[tilespmem:s24+$0xFFFFFF90] =	vst v0  }
0x4e9: {  	v16 =	vsel vm0, $0x1, v0;
	v15 =	vsel vm0, $0x0, v17;
	vm0 =	vge.s32 v14, v9;
	s24 =	sadd.s32 $0xFFFFFF80, s24  }
0x4ea: {  	v13 =	vadd.s32 v16, v13;
	v7 =	vsel vm0, $0x0, v7;
	v14 =	vadd.s32 v14, v11  }
0x4eb: {  	v16 =	vsel vm0, $0x1, v0;
	v12 =	vadd.s32 v15, v12;
	v8 =	vshll.u32 v8, $0x8  }
0x4ec: {  	s25 =	simm.s32 $0x3;
	s30 =	simm.s32 $0x0;
	vm0 =	vge.s32 v14, v9;
	v13 =	vadd.s32 v16, v13;
	v7 =	vadd.s32 v7, v12  }
0x4ed: {  	v16 =	vadd.s32 s25, v1;
	v20 =	vadd.s32 s30, v1;
	v14 =	vadd.s32 v14, v10  }
0x4ee: {  	v11 =	vsel vm0, $0x0, v11;
	v15 =	vsel vm0, $0x1, v0;
	vm0 =	vge.s32 v14, v9  }
0x4ef: {  	s31 =	simm.s32 $0x6;
	v12 =	vadd.s32 v15, v13;
	v7 =	vadd.s32 v11, v7;
	v11 =	vsel vm0, $0x1, v0  }
0x4f0: {  	s23 =	simm.s32 $0x7;
	v22 =	vadd.s32 s31, v1;
	v10 =	vsel vm0, $0x0, v10;
	v11 =	vadd.s32 v11, v12  }
0x4f1: {  	s24 =	simm.s32 $0x5;
	v10 =	vadd.s32 v10, v7;
	v7 =	vadd.s32 $0xFFFFFFFF, v11;
	v11 =	vadd.s32 s23, v1  }
0x4f2: {  	v7 =	vor.u32 v8, v7;
	v8 =	vadd.s32 s24, v1;
	v12 =	vshll.u32 v11, $0x3  }
0x4f3: {  	v11 =	vand.u32 $0x7F, v11;
	v12 =	vand.u32 $0x3C00, v12;
	v13 =	vshll.u32 v8, $0x3  }
0x4f4: {  	v8 =	vand.u32 $0x7F, v8;
	v11 =	vor.u32 v12, v11;
	v12 =	vand.u32 $0x3C00, v13  }
0x4f5: {  	s28 =	simm.s32 $0x2;
	v19 =	vshll.u32 v16, $0x3;
	v11 =	vor.u32 v5, v11;
	v8 =	vor.u32 v12, v8  }
0x4f6: {  	v21 =	vshll.u32 v20, $0x3;
	v12 =	vadd.s32 s28, v1;
	v8 =	vor.u32 v5, v8  }
0x4f7: {  	v20 =	vand.u32 $0x7F, v20;
	v21 =	vand.u32 $0x3C00, v21;
	v17 =	vshll.u32 v12, $0x3  }
0x4f8: {  	v20 =	vor.u32 v21, v20;
	v12 =	vand.u32 $0x7F, v12;
	v17 =	vand.u32 $0x3C00, v17  }
0x4f9: {  	s29 =	simm.s32 $0x4;
	[tilespmem:s22+$0xFFFFFFF0] =	vst v0;
	v16 =	vand.u32 $0x7F, v16;
	v12 =	vor.u32 v17, v12;
	v17 =	vor.u32 v5, v20  }
0x4fa: {  	s26 =	simm.s32 $0x1;
	v60 =	vshll.u32 v22, $0x3;
	v14 =	vadd.s32 s29, v1;
	v19 =	vand.u32 $0x3C00, v19;
	v11 =	vld.idx.msk [tilespmem:v11+s3+$0x0], $0xffff  }
0x4fb: {  	v18 =	vand.u32 $0x7F, v14;
	v14 =	vshll.u32 v14, $0x3;
	v13 =	vadd.s32 s26, v1;
	v8 =	vld.idx.msk [tilespmem:v8+s3+$0x0], $0xffff  }
0x4fc: {  	v16 =	vor.u32 v19, v16;
	v19 =	vand.u32 $0x7F, v22;
	v15 =	vshll.u32 v13, $0x3  }
0x4fd: {  	v16 =	vor.u32 v5, v16;
	v13 =	vand.u32 $0x7F, v13;
	v15 =	vand.u32 $0x3C00, v15  }
0x4fe: {  	v14 =	vand.u32 $0x3C00, v14;
	v13 =	vor.u32 v15, v13;
	v12 =	vor.u32 v5, v12;
	v15 =	vld.idx.msk [tilespmem:v17+s3+$0x0], $0xffff  }
0x4ff: {  	v14 =	vor.u32 v14, v18;
	v13 =	vor.u32 v5, v13;
	v61 =	vxor.u32 $0x7FFFFFFF, v11  }
0x500: {  	vm1 =	vlt.s32 v11, $0x0;
	v18 =	vxor.u32 $0x7FFFFFFF, v8;
	vm0 =	vlt.s32 v8, $0x0  }
0x501: {  	v14 =	vor.u32 v5, v14;
	v11 =	vsel vm1, v61, v11;
	v8 =	vsel vm0, v18, v8  }
0x502: {  	v16 =	vld.idx.msk [tilespmem:v16+s3+$0x0], $0xffff;
	v18 =	vand.u32 $0x3C00, v60;
	v17 =	vshll.u32 v8, $0x4;
	v8 =	vshra.s32 v8, $0x8  }
0x503: {  	vm0 =	vlt.s32 v15, $0x0;
	v17 =	vor.u32 v1, v17;
	vm2 =	veq.s32 v8, v7;
	v8 =	vld.idx.msk [tilespmem:v12+s3+$0x0], $0xffff  }
0x504: {  	v12 =	vor.u32 v18, v19;
	v18 =	vshra.s32 v11, $0x8;
	v11 =	vshll.u32 v11, $0x4  }
0x505: {  	v62 =	vld.idx.msk [tilespmem:v13+s3+$0x0], $0xffff;
	v17 =	vand.u32 $0xFFF, v17;
	v19 =	vor.u32 v5, v12;
	v11 =	vor.u32 v1, v11  }
0x506: {  	vm1 =	veq.s32 v18, v7;
	v12 =	vxor.u32 $0x7FFFFFFF, v15;
	v18 =	vand.u32 $0xFFF, v11  }
0x507: {  	v15 =	vsel vm0, v12, v15;
	v11 =	vxor.u32 $0x7FFFFFFF, v16;
	vm0 =	vlt.s32 v16, $0x0  }
0x508: {  	v13 =	vsel vm0, v11, v16;
	v12 =	vxor.u32 $0x7FFFFFFF, v8;
	vm3 =	vlt.s32 v8, $0x0  }
0x509: {  	v11 =	vshra.s32 v13, $0x8;
	v13 =	vshll.u32 v13, $0x4;
	v8 =	vsel vm3, v12, v8;
	v12 =	vld.idx.msk [tilespmem:v14+s3+$0x0], $0xffff  }
0x50a: {  	v14 =	vshll.u32 v15, $0x4;
	[tilespmem:v17+s13+$0x0] =	vst.idx.add.s32.msk vm2, v4;
	vm2 =	vlt.s32 v62, $0x0;
	v16 =	vshra.s32 v8, $0x8  }
0x50b: {  	v63 =	vshll.u32 v8, $0x4;
	v8 =	vld.idx.msk [tilespmem:v19+s3+$0x0], $0xffff;
	v19 =	vshra.s32 v15, $0x8;
	v15 =	vor.u32 v1, v14  }
0x50c: {  	v14 =	vxor.u32 $0x7FFFFFFF, v62;
	vm0 =	veq.s32 v16, v7;
	v21 =	vor.u32 v1, v63  }
0x50d: {  	s22 =	simm.s32 $0x8;
	[tilespmem:v18+s13+$0x0] =	vst.idx.add.s32.msk vm1, v4;
	vm1 =	veq.s32 v19, v7;
	v16 =	vsel vm2, v14, v62;
	v14 =	vand.u32 $0xFFF, v21  }
.LBB2_37:
0x50e: {  	s23 =	sadd.s32 $0x1, s22  }
0x50f: {  	s24 =	sadd.s32 $0x2, s22;
	s25 =	sadd.s32 $0x3, s22;
	v17 =	vshra.s32 v16, $0x8;
	v18 =	vxor.u32 $0x7FFFFFFF, v12;
	s26 =	smov.u32 s22  }
0x510: {  	s28 =	sadd.s32 $0x6, s22;
	v15 =	vand.u32 $0xFFF, v15;
	v19 =	vadd.s32 s23, v1;
	v20 =	vadd.s32 s24, v1;
	s23 =	sadd.s32 $0x4, s22;
	s24 =	sadd.s32 $0x5, s22  }
0x511: {  	p1 =	slt.u32 s22, $0x7F8;
	vm2 =	vlt.s32 v12, $0x0;
	s22 =	sadd.s32 $0x8, s22;
	v21 =	vadd.s32 s23, v1;
	v22 =	vadd.s32 s24, v1;
	s23 =	sadd.s32 $0x7, s26  }
0x512: {  	v16 =	vshll.u32 v16, $0x4;
	v23 =	vshll.u32 v19, $0x3;
	v24 =	vadd.s32 s23, v1  }
0x513: {  	v25 =	vadd.s32 s25, v1;
	v16 =	vor.u32 v1, v16;
	v26 =	vshll.u32 v24, $0x3;
	[tilespmem:v14+s13+$0x0] =	vst.idx.add.s32.msk vm0, v4  }
0x514: {  	v14 =	vand.u32 $0x7F, v24;
	v24 =	vand.u32 $0x3C00, v26  }
0x515: {  	vm0 =	vlt.s32 v8, $0x0;
	v26 =	vshll.u32 v20, $0x3;
	v14 =	vor.u32 v24, v14;
	[tilespmem:v15+s13+$0x0] =	vst.idx.add.s32.msk vm1, v4  }
0x516: {  	v13 =	vor.u32 v1, v13;
	v15 =	vshll.u32 v22, $0x3;
	v14 =	vor.u32 v5, v14  }
0x517: {  	v23 =	vand.u32 $0x3C00, v23;
	v24 =	vand.u32 $0x3C00, v26;
	v26 =	vand.u32 $0x7F, v21  }
0x518: {  	v12 =	vsel vm2, v18, v12;
	v22 =	vand.u32 $0x7F, v22;
	v15 =	vand.u32 $0x3C00, v15  }
0x519: {  	v18 =	vshll.u32 v25, $0x3;
	v21 =	vshll.u32 v21, $0x3;
	v15 =	vor.u32 v15, v22  }
0x51a: {  	v19 =	vand.u32 $0x7F, v19;
	v20 =	vand.u32 $0x7F, v20;
	v15 =	vor.u32 v5, v15  }
0x51b: {  	v27 =	vshll.u32 v12, $0x4;
	v22 =	vand.u32 $0x7F, v25;
	v25 =	vadd.s32 s28, v1;
	v14 =	vld.idx.msk [tilespmem:v14+s3+$0x0], $0xffff  }
0x51c: {  	v13 =	vand.u32 $0xFFF, v13;
	v20 =	vor.u32 v24, v20;
	v24 =	vand.u32 $0x7F, v25  }
0x51d: {  	v28 =	vadd.s32 s26, v1;
	vm1 =	veq.s32 v17, v7;
	v25 =	vshll.u32 v25, $0x3  }
0x51e: {  	v16 =	vand.u32 $0xFFF, v16;
	v17 =	vand.u32 $0x7F, v28;
	v28 =	vshll.u32 v28, $0x3  }
0x51f: {  	v18 =	vand.u32 $0x3C00, v18;
	v27 =	vor.u32 v1, v27;
	v28 =	vand.u32 $0x3C00, v28;
	v15 =	vld.idx.msk [tilespmem:v15+s3+$0x0], $0xffff  }
0x520: {  	v21 =	vand.u32 $0x3C00, v21;
	v17 =	vor.u32 v28, v17;
	v18 =	vor.u32 v18, v22  }
0x521: {  	vm2 =	veq.s32 v11, v7;
	v17 =	vor.u32 v5, v17;
	v22 =	vxor.u32 $0x7FFFFFFF, v14  }
0x522: {  	v12 =	vshra.s32 v12, $0x8;
	v11 =	vor.u32 v5, v18;
	vm3 =	vlt.s32 v14, $0x0  }
0x523: {  	v18 =	vor.u32 v5, v20;
	v20 =	vor.u32 v21, v26;
	[tilespmem:v16+s13+$0x0] =	vst.idx.add.s32.msk vm1, v4;
	v16 =	vand.u32 $0xFFF, v27  }
0x524: {  	v19 =	vor.u32 v23, v19;
	v20 =	vor.u32 v5, v20;
	vm1 =	veq.s32 v12, v7  }
0x525: {  	v12 =	vor.u32 v5, v19;
	v19 =	vxor.u32 $0x7FFFFFFF, v15;
	vm4 =	vlt.s32 v15, $0x0  }
0x526: {  	v21 =	vxor.u32 $0x7FFFFFFF, v8;
	v15 =	vsel vm4, v19, v15;
	v19 =	vand.u32 $0x3C00, v25;
	v17 =	vld.idx.msk [tilespmem:v17+s3+$0x0], $0xffff  }
0x527: {  	v8 =	vsel vm0, v21, v8;
	v23 =	vshra.s32 v15, $0x8;
	v15 =	vshll.u32 v15, $0x4;
	[tilespmem:v13+s13+$0x0] =	vst.idx.add.s32.msk vm2, v4  }
0x528: {  	vm0 =	veq.s32 v23, v7;
	v13 =	vor.u32 v1, v15;
	v15 =	vshra.s32 v8, $0x8;
	v11 =	vld.idx.msk [tilespmem:v11+s3+$0x0], $0xffff  }
0x529: {  	v21 =	vand.u32 $0xFFF, v13;
	v13 =	vor.u32 v19, v24;
	vm2 =	veq.s32 v15, v7;
	v18 =	vld.idx.msk [tilespmem:v18+s3+$0x0], $0xffff  }
0x52a: {  	v14 =	vsel vm3, v22, v14;
	v8 =	vshll.u32 v8, $0x4;
	v13 =	vor.u32 v5, v13  }
0x52b: {  	v15 =	vshra.s32 v14, $0x8;
	v14 =	vshll.u32 v14, $0x4;
	v8 =	vor.u32 v1, v8  }
0x52c: {  	vm3 =	veq.s32 v15, v7;
	v14 =	vor.u32 v1, v14;
	v15 =	vand.u32 $0xFFF, v8;
	v19 =	vld.idx.msk [tilespmem:v12+s3+$0x0], $0xffff  }
0x52d: {  	v14 =	vand.u32 $0xFFF, v14;
	v8 =	vxor.u32 $0x7FFFFFFF, v17;
	vm4 =	vlt.s32 v17, $0x0;
	v12 =	vld.idx.msk [tilespmem:v20+s3+$0x0], $0xffff  }
0x52e: {  	v17 =	vsel vm4, v8, v17;
	v8 =	vxor.u32 $0x7FFFFFFF, v11;
	vm4 =	vlt.s32 v11, $0x0;
	[tilespmem:v16+s13+$0x0] =	vst.idx.add.s32.msk vm1, v4  }
0x52f: {  	v16 =	vxor.u32 $0x7FFFFFFF, v18;
	vm1 =	vlt.s32 v18, $0x0;
	v20 =	vsel vm4, v8, v11;
	v8 =	vld.idx.msk [tilespmem:v13+s3+$0x0], $0xffff  }
.Ltmp19:
0x530: {  	v16 =	vsel vm1, v16, v18;
	v11 =	vshra.s32 v20, $0x8;
	v13 =	vshll.u32 v20, $0x4;
	[tilespmem:v21+s13+$0x0] =	vst.idx.add.s32.msk vm0, v4;
	(pc) =	sbr.rel @p1 .LBB2_37-.Ltmp19, $4  }
0x531: {  	v18 =	vshll.u32 v17, $0x4;
	v20 =	vshra.s32 v16, $0x8;
	v16 =	vshll.u32 v16, $0x4;
	[tilespmem:v15+s13+$0x0] =	vst.idx.add.s32.msk vm2, v4  }
0x532: {  	v17 =	vshra.s32 v17, $0x8;
	vm0 =	veq.s32 v20, v7;
	v20 =	vor.u32 v1, v16;
	[tilespmem:v14+s13+$0x0] =	vst.idx.add.s32.msk vm3, v4  }
0x533: {  	v15 =	vor.u32 v1, v18;
	vm2 =	vlt.s32 v19, $0x0;
	v14 =	vxor.u32 $0x7FFFFFFF, v19  }
0x534: {  	vm1 =	veq.s32 v17, v7;
	v16 =	vsel vm2, v14, v19;
	v14 =	vand.u32 $0xFFF, v20  }
0x535: {  	v17 =	vshra.s32 v16, $0x8;
	v18 =	vxor.u32 $0x7FFFFFFF, v12;
	v16 =	vshll.u32 v16, $0x4  }
0x536: {  	v15 =	vand.u32 $0xFFF, v15;
	vm2 =	vlt.s32 v12, $0x0;
	v61 =	vxor.u32 $0x7FFFFFFF, v8  }
0x537: {  	v13 =	vor.u32 v1, v13;
	vm3 =	veq.s32 v11, v7;
	v16 =	vor.u32 v1, v16  }
0x538: {  	v12 =	vsel vm2, v18, v12;
	vm2 =	vlt.s32 v8, $0x0;
	v13 =	vand.u32 $0xFFF, v13  }
0x539: {  	v8 =	vsel vm2, v61, v8;
	v62 =	vshll.u32 v12, $0x4;
	vm2 =	veq.s32 v17, v7  }
0x53a: {  	v16 =	vand.u32 $0xFFF, v16;
	v11 =	vshra.s32 v12, $0x8;
	v17 =	vor.u32 v1, v62  }
0x53b: {  	vm4 =	veq.s32 v11, v7;
	v11 =	vshra.s32 v8, $0x8;
	v8 =	vshll.u32 v8, $0x4  }
0x53c: {  	v12 =	vand.u32 $0xFFF, v17;
	vm5 =	veq.s32 v11, v7;
	v8 =	vor.u32 v1, v8  }
0x53d: {  	[tilespmem:v14+s13+$0x0] =	vst.idx.add.s32.msk vm0, v4;
	v8 =	vand.u32 $0xFFF, v8  }
0x53e: {  	[tilespmem:v15+s13+$0x0] =	vst.idx.add.s32.msk vm1, v4  }
0x53f: {  	[tilespmem:v13+s13+$0x0] =	vst.idx.add.s32.msk vm3, v4  }
0x540: {  	[tilespmem:v16+s13+$0x0] =	vst.idx.add.s32.msk vm2, v4  }
0x541: {  	[tilespmem:v12+s13+$0x0] =	vst.idx.add.s32.msk vm4, v4  }
0x542: {  	s22 =	simm.s32 $0x18FF0;
	[tilespmem:v8+s13+$0x0] =	vst.idx.add.s32.msk vm5, v4  }
0x543: {  	v8 =	vld [tilespmem:s22+$0x0]  }
0x544: {  	v11 =	vld [tilespmem:s22+$0xFFFFFFF0]  }
0x545: {  	v12 =	vld [tilespmem:s22+$0xFFFFFFE0]  }
0x546: {  	v13 =	vld [tilespmem:s22+$0xFFFFFFD0]  }
0x547: {  	v14 =	vimm.s32 $0x0  }
0x548: {  	v16 =	vld [tilespmem:s22+$0xFFFFFFC0];
	v15 =	vadd.s32 v14, v8  }
0x549: {  	v8 =	vsub.s32 v9, v10;
	v10 =	vld [tilespmem:s22+$0xFFFFFFB0];
	v9 =	vadd.s32 v15, v11  }
0x54a: {  	vm0 =	vge.s32 v15, v8;
	v11 =	vadd.s32 v9, v12  }
0x54b: {  	[tilespmem:s22+$0x0] =	vst v0;
	v12 =	vsel vm0, $0x1, v0;
	vm0 =	vge.s32 v9, v8;
	v9 =	vadd.s32 v11, v13;
	v13 =	vld [tilespmem:s22+$0xFFFFFFA0]  }
0x54c: {  	s23 =	simm.s32 $0x18F70;
	[tilespmem:s22+$0xFFFFFFE0] =	vst v0;
	v15 =	vld [tilespmem:s22+$0xFFFFFF90];
	vm1 =	vge.s32 v11, v8;
	v11 =	vsel vm0, $0x1, v0;
	v12 =	vadd.s32 v12, v14  }
0x54d: {  	[tilespmem:s22+$0xFFFFFFD0] =	vst v0;
	vm2 =	vge.s32 v9, v8;
	v9 =	vadd.s32 v9, v16;
	v16 =	vld [tilespmem:s23+$0x0];
	v11 =	vadd.s32 v11, v12  }
0x54e: {  	[tilespmem:s22+$0xFFFFFFC0] =	vst v0;
	v17 =	vld [tilespmem:s23+$0xFFFFFFF0];
	v12 =	vsel vm1, $0x1, v0;
	v14 =	vsel vm2, $0x1, v0;
	v10 =	vadd.s32 v9, v10  }
0x54f: {  	v63 =	vld [tilespmem:s23+$0xFFFFFFE0];
	[tilespmem:s23+$0xFFFFFFE0] =	vst v0;
	v11 =	vadd.s32 v12, v11;
	vm0 =	vge.s32 v9, v8;
	vm1 =	vge.s32 v10, v8  }
0x550: {  	v19 =	vld [tilespmem:s23+$0xFFFFFFD0];
	[tilespmem:s23+$0xFFFFFFD0] =	vst v0;
	v9 =	vadd.s32 v14, v11;
	v11 =	vsel vm0, $0x1, v0;
	v10 =	vadd.s32 v10, v13  }
0x551: {  	[tilespmem:s22+$0xFFFFFFF0] =	vst v0;
	v9 =	vadd.s32 v11, v9;
	v11 =	vsel vm1, $0x1, v0;
	v13 =	vadd.s32 v10, v15  }
0x552: {  	[tilespmem:s22+$0xFFFFFFB0] =	vst v0;
	v11 =	vadd.s32 v11, v9;
	v15 =	vld [tilespmem:s23+$0xFFFFFFC0];
	vm0 =	vge.s32 v10, v8;
	v12 =	vadd.s32 v13, v16  }
0x553: {  	[tilespmem:s22+$0xFFFFFFA0] =	vst v0;
	v14 =	vsel vm0, $0x1, v0;
	vm3 =	vge.s32 v13, v8;
	v10 =	vadd.s32 v12, v17  }
0x554: {  	[tilespmem:s23+$0x0] =	vst v0;
	v9 =	vld [tilespmem:s23+$0xFFFFFFB0];
	vm1 =	vge.s32 v12, v8;
	v17 =	vadd.s32 v14, v11;
	v16 =	vadd.s32 v10, v63  }
0x555: {  	[tilespmem:s23+$0xFFFFFFB0] =	vst v0;
	v12 =	vsel vm1, $0x1, v0;
	vm2 =	vge.s32 v10, v8;
	v11 =	vadd.s32 v16, v19  }
0x556: {  	[tilespmem:s23+$0xFFFFFFC0] =	vst v0;
	v10 =	vld [tilespmem:s23+$0xFFFFFFA0];
	vm0 =	vge.s32 v16, v8;
	v16 =	vsel vm3, $0x1, v0;
	v14 =	vsel vm2, $0x1, v0  }
0x557: {  	s24 =	simm.s32 $0x8;
	s25 =	simm.s32 $0x18EF0;
	[tilespmem:s23+$0xFFFFFFA0] =	vst v0;
	vm1 =	vge.s32 v11, v8;
	v13 =	vadd.s32 v11, v15;
	v11 =	vld [tilespmem:s23+$0xFFFFFF90];
	v15 =	vadd.s32 v16, v17  }
.LBB2_39:
0x558: {  	v16 =	vld [tilespmem:s25+$0x0];
	s24 =	sadd.s32 $0x8, s24;
	v12 =	vadd.s32 v12, v15;
	v15 =	vsel vm1, $0x1, v0;
	[tilespmem:s22+$0xFFFFFF90] =	vst v0;
	s22 =	smov.u32 s23;
	s23 =	smov.u32 s25  }
0x559: {  	[tilespmem:s25+$0x0] =	vst v0;
	v17 =	vld [tilespmem:s25+$0xFFFFFFF0];
	p1 =	slt.u32 s24, $0xF8;
	v12 =	vadd.s32 v14, v12;
	v14 =	vsel vm0, $0x1, v0;
	v9 =	vadd.s32 v13, v9  }
0x55a: {  	vm0 =	vge.s32 v13, v8;
	v18 =	vld [tilespmem:s25+$0xFFFFFFE0];
	v12 =	vadd.s32 v14, v12;
	vm1 =	vge.s32 v9, v8  }
0x55b: {  	v14 =	vsel vm0, $0x1, v0;
	[tilespmem:s25+$0xFFFFFFE0] =	vst v0;
	v13 =	vld [tilespmem:s25+$0xFFFFFFD0];
	v12 =	vadd.s32 v15, v12;
	v9 =	vadd.s32 v9, v10  }
0x55c: {  	[tilespmem:s25+$0xFFFFFFD0] =	vst v0;
	v10 =	vadd.s32 v14, v12;
	v12 =	vsel vm1, $0x1, v0;
	v11 =	vadd.s32 v9, v11  }
0x55d: {  	vm0 =	vge.s32 v9, v8;
	v14 =	vadd.s32 v11, v16;
	v15 =	vld [tilespmem:s25+$0xFFFFFFC0];
	v10 =	vadd.s32 v12, v10  }
.Ltmp20:
0x55e: {  	v16 =	vsel vm0, $0x1, v0;
	vm1 =	vge.s32 v14, v8;
	v14 =	vadd.s32 v14, v17;
	[tilespmem:s25+$0xFFFFFFC0] =	vst v0;
	(pc) =	sbr.rel @p1 .LBB2_39-.Ltmp20, $4  }
0x55f: {  	v16 =	vadd.s32 v16, v10;
	v12 =	vsel vm1, $0x1, v0;
	v17 =	vadd.s32 v14, v18;
	v9 =	vld [tilespmem:s25+$0xFFFFFFB0]  }
0x560: {  	vm3 =	vge.s32 v11, v8;
	vm2 =	vge.s32 v14, v8;
	v13 =	vadd.s32 v17, v13;
	[tilespmem:s25+$0xFFFFFFB0] =	vst v0  }
0x561: {  	vm0 =	vge.s32 v17, v8;
	v17 =	vsel vm3, $0x1, v0;
	vm1 =	vge.s32 v13, v8;
	v10 =	vld [tilespmem:s25+$0xFFFFFFA0];
	[tilespmem:s22+$0xFFFFFFF0] =	vst v0  }
0x562: {  	v14 =	vsel vm2, $0x1, v0;
	s25 =	sadd.s32 $0xFFFFFF80, s25;
	v13 =	vadd.s32 v13, v15;
	[tilespmem:s23+$0xFFFFFFA0] =	vst v0;
	v11 =	vld [tilespmem:s23+$0xFFFFFF90];
	v15 =	vadd.s32 v17, v16  }
0x563: {  	v12 =	vadd.s32 v12, v15;
	v15 =	vsel vm1, $0x1, v0  }
0x564: {  	v7 =	vshll.u32 v7, $0x8;
	v25 =	vimm.f32 $0.0e+00;
	[tilespmem:s23+$0xFFFFFFF0] =	vst v0;
	v12 =	vadd.s32 v14, v12  }
0x565: {  	[tilespmem:s23+$0xFFFFFF90] =	vst v0;
	s23 =	simm.s32 $0x8;
	v14 =	vsel vm0, $0x1, v0;
	vm0 =	vge.s32 v13, v8;
	v9 =	vadd.s32 v13, v9  }
0x566: {  	v22 =	vadd.s32 s23, v1;
	v12 =	vadd.s32 v14, v12;
	v13 =	vsel vm0, $0x1, v0  }
0x567: {  	s30 =	simm.s32 $0x1;
	vm0 =	vge.s32 v9, v8;
	v12 =	vadd.s32 v15, v12;
	v9 =	vadd.s32 v9, v10  }
0x568: {  	s26 =	simm.s32 $0x7;
	v15 =	vadd.s32 s30, v1;
	v10 =	vadd.s32 v13, v12;
	v12 =	vsel vm0, $0x1, v0  }
0x569: {  	v11 =	vadd.s32 v9, v11;
	vm0 =	vge.s32 v9, v8;
	v13 =	vadd.s32 s26, v1  }
0x56a: {  	v9 =	vadd.s32 v12, v10;
	v10 =	vsel vm0, $0x1, v0;
	vm0 =	vge.s32 v11, v8  }
0x56b: {  	s31 =	simm.s32 $0x5;
	s29 =	simm.s32 $0x3;
	v17 =	vshll.u32 v15, $0x3;
	v8 =	vadd.s32 v10, v9;
	v9 =	vsel vm0, $0x1, v0  }
0x56c: {  	s24 =	simm.s32 $0x0;
	v11 =	vadd.s32 s31, v1;
	s31 =	simm.s32 $0x4;
	v10 =	vadd.s32 s29, v1;
	v8 =	vadd.s32 v9, v8  }
0x56d: {  	v16 =	vadd.s32 s31, v1;
	v9 =	vadd.s32 s24, v1;
	v8 =	vadd.s32 $0xFFFFFFFF, v8  }
0x56e: {  	v14 =	vshll.u32 v9, $0x3;
	v9 =	vand.u32 $0x7F, v9;
	v7 =	vor.u32 v7, v8  }
0x56f: {  	v14 =	vand.u32 $0x3C00, v14;
	v8 =	vxor.u32 $0x7FFFFFFF, v7;
	vm0 =	vlt.s32 v7, $0x0  }
0x570: {  	s28 =	simm.s32 $0x2;
	v9 =	vor.u32 v14, v9;
	v14 =	vand.u32 $0x7F, v15;
	v15 =	vand.u32 $0x3C00, v17  }
0x571: {  	v7 =	vsel vm0, v8, v7;
	v8 =	vadd.s32 s28, v1;
	v26 =	vor.u32 v5, v9  }
0x572: {  	v9 =	vand.u32 $0x7F, v16;
	v14 =	vor.u32 v15, v14;
	v17 =	vshll.u32 v8, $0x3  }
0x573: {  	v8 =	vand.u32 $0x7F, v8;
	v37 =	vor.u32 v5, v14;
	v15 =	vand.u32 $0x3C00, v17  }
0x574: {  	v14 =	vand.u32 $0x7F, v10;
	v10 =	vshll.u32 v10, $0x3;
	v8 =	vor.u32 v15, v8  }
0x575: {  	s25 =	simm.s32 $0x6;
	[tilespmem:s22+$0xFFFFFF90] =	vst v0;
	v15 =	vshll.u32 v16, $0x3;
	v16 =	vand.u32 $0x3C00, v10;
	v10 =	vor.u32 v5, v8  }
0x576: {  	v12 =	vadd.s32 s25, v1;
	v17 =	vand.u32 $0x7F, v11;
	v8 =	vor.u32 v16, v14;
	v34 =	vld.idx.msk [tilespmem:v26+s3+$0x0], $0xffff  }
0x577: {  	v14 =	vand.u32 $0x3C00, v15;
	v15 =	vand.u32 $0x7F, v13;
	v8 =	vor.u32 v5, v8  }
0x578: {  	v13 =	vshll.u32 v13, $0x3;
	v9 =	vor.u32 v14, v9;
	v14 =	vshll.u32 v11, $0x3;
	v35 =	vld.idx.msk [tilespmem:v37+s3+$0x0], $0xffff  }
0x579: {  	v13 =	vand.u32 $0x3C00, v13;
	v11 =	vor.u32 v5, v9;
	v9 =	vand.u32 $0x3C00, v14  }
0x57a: {  	v14 =	vshll.u32 v12, $0x3;
	v12 =	vand.u32 $0x7F, v12;
	v9 =	vor.u32 v9, v17;
	v38 =	vld.idx.msk [tilespmem:v10+s3+$0x0], $0xffff  }
0x57b: {  	v14 =	vand.u32 $0x3C00, v14;
	v9 =	vor.u32 v5, v9;
	v16 =	vsub.f32 v34, v6  }
0x57c: {  	v27 =	vand.u32 $0x7F, v22;
	v13 =	vor.u32 v13, v15;
	v12 =	vor.u32 v14, v12;
	v18 =	vld.idx.msk [tilespmem:v8+s3+$0x0], $0xffff  }
0x57d: {  	s30 =	simm.s32 $0xC;
	v12 =	vor.u32 v5, v12;
	v19 =	vsub.f32 v35, v6;
	v16 =	vmul.f32 $1.442695020e+00, v16  }
0x57e: {  	v31 =	vshll.u32 v22, $0x3;
	v33 =	vadd.s32 s30, v1;
	v13 =	vor.u32 v5, v13;
	v20 =	vld.idx.msk [tilespmem:v11+s3+$0x0], $0xffff  }
0x57f: {  	s26 =	simm.s32 $0xF;
	s29 =	simm.s32 $0xB;
	s31 =	simm.s32 $0x9;
	v19 =	vmul.f32 $1.442695020e+00, v19;
	v23 =	vsub.f32 v38, v6;
	(erf) = vpow2.f32 v16  }
0x580: {  	v29 =	vadd.s32 s29, v1;
	v32 =	vadd.s32 s31, v1;
	v15 =	vadd.s32 s26, v1;
	v21 =	vld.idx.msk [tilespmem:v9+s3+$0x0], $0xffff  }
0x581: {  	s24 =	simm.s32 $0xD;
	s28 =	simm.s32 $0xA;
	v24 =	vsub.f32 v18, v6;
	(erf) = vpow2.f32 v19;
	v23 =	vmul.f32 $1.442695020e+00, v23  }
0x582: {  	v36 =	vadd.s32 s28, v1;
	v17 =	vadd.s32 s24, v1;
	v22 =	vand.u32 $0x7F, v15;
	v19 =	vld.idx.msk [tilespmem:v12+s3+$0x0], $0xffff  }
0x583: {  	s25 =	simm.s32 $0xE;
	v16 =	vld.idx.msk [tilespmem:v13+s3+$0x0], $0xffff;
	v30 =	vsub.f32 v20, v6;
	v28 =	vmul.f32 $1.442695020e+00, v24;
	(erf) = vpow2.f32 v23  }
0x584: {  	v14 =	vadd.s32 s25, v1;
	vm0 =	vge.f32 v34, v7;
	v34 =	vshll.u32 v36, $0x3  }
0x585: {  	v39 =	vmul.f32 $1.442695020e+00, v30;
	v40 =	vsub.f32 v21, v6;
	(erf) = vpow2.f32 v28  }
0x586: {  	v24 =	vand.u32 $0x7F, v33;
	v23 =	vand.u32 $0x7F, v17;
	v30 =	vshll.u32 v29, $0x3  }
0x587: {  	v40 =	vmul.f32 $1.442695020e+00, v40;
	v41 =	vsub.f32 v19, v6;
	(erf) = vpow2.f32 v39  }
0x588: {  	v28 =	vand.u32 $0x7F, v29;
	v29 =	vshll.u32 v33, $0x3;
	v61 =	vsub.f32 v16, v6;
	v62 =	vpop (erf)  }
0x589: {  	v41 =	vmul.f32 $1.442695020e+00, v41;
	(erf) = vpow2.f32 v40;
	v42 =	vnsel vm0, $0x0, v62  }
0x58a: {  	v33 =	vand.u32 $0x7F, v36;
	vm0 =	vge.f32 v35, v7;
	v63 =	vpop (erf);
	v25 =	vadd.f32 v42, v25  }
0x58b: {  	v36 =	vmul.f32 $1.442695020e+00, v61;
	(erf) = vpow2.f32 v41;
	[tilespmem:v26+s3+$0x0] =	vst.idx.msk $0xffff, v42;
	v26 =	vnsel vm0, $0x0, v63  }
0x58c: {  	s22 =	simm.s32 $0x10;
	v35 =	vand.u32 $0x7F, v32;
	vm0 =	vge.f32 v38, v7;
	[tilespmem:v37+s3+$0x0] =	vst.idx.msk $0xffff, v26;
	v37 =	vadd.f32 v26, v25;
	v38 =	vpop (erf)  }
.LBB2_41:
0x58d: {  	p1 =	slt.u32 s22, $0x7F8;
	v25 =	vshll.u32 v32, $0x3;
	v26 =	vnsel vm0, $0x0, v38;
	(erf) = vpow2.f32 v36  }
0x58e: {  	v31 =	vand.u32 $0x3C00, v31;
	vm0 =	vge.f32 v18, v7;
	[tilespmem:v10+s3+$0x0] =	vst.idx.msk $0xffff, v26;
	v10 =	vadd.f32 v26, v37;
	v18 =	vpop (erf)  }
0x58f: {  	v26 =	vor.u32 v31, v27;
	v25 =	vand.u32 $0x3C00, v25;
	v18 =	vnsel vm0, $0x0, v18  }
0x590: {  	v26 =	vor.u32 v5, v26;
	vm0 =	vge.f32 v20, v7;
	v31 =	vadd.f32 v18, v10;
	v20 =	vpop (erf)  }
0x591: {  	v27 =	vand.u32 $0x3C00, v34;
	v25 =	vor.u32 v25, v35;
	[tilespmem:v8+s3+$0x0] =	vst.idx.msk $0xffff, v18;
	v8 =	vnsel vm0, $0x0, v20  }
0x592: {  	v25 =	vor.u32 v5, v25;
	vm0 =	vge.f32 v21, v7;
	v31 =	vadd.f32 v8, v31;
	v10 =	vpop (erf)  }
0x593: {  	v20 =	vor.u32 v27, v33;
	v21 =	vand.u32 $0x3C00, v30;
	[tilespmem:v11+s3+$0x0] =	vst.idx.msk $0xffff, v8;
	v8 =	vnsel vm0, $0x0, v10  }
0x594: {  	v10 =	vor.u32 v5, v20;
	vm0 =	vge.f32 v19, v7;
	v27 =	vadd.f32 v8, v31;
	v18 =	vpop (erf)  }
0x595: {  	v19 =	vor.u32 v21, v28;
	v20 =	vand.u32 $0x3C00, v29;
	v34 =	vld.idx.msk [tilespmem:v26+s3+$0x0], $0xffff;
	[tilespmem:v9+s3+$0x0] =	vst.idx.msk $0xffff, v8;
	v9 =	vnsel vm0, $0x0, v18  }
0x596: {  	v8 =	vor.u32 v5, v19;
	vm0 =	vge.f32 v16, v7;
	v18 =	vadd.f32 v9, v27;
	v11 =	vpop (erf)  }
0x597: {  	v17 =	vshll.u32 v17, $0x3;
	v16 =	vor.u32 v20, v24;
	v35 =	vld.idx.msk [tilespmem:v25+s3+$0x0], $0xffff;
	[tilespmem:v12+s3+$0x0] =	vst.idx.msk $0xffff, v9;
	v9 =	vnsel vm0, $0x0, v11  }
0x598: {  	v11 =	vor.u32 v5, v16;
	v12 =	vand.u32 $0x3C00, v17;
	[tilespmem:v13+s3+$0x0] =	vst.idx.msk $0xffff, v9;
	v36 =	vadd.f32 v9, v18  }
0x599: {  	v9 =	vor.u32 v12, v23;
	v12 =	vshll.u32 v14, $0x3;
	v13 =	vshll.u32 v15, $0x3;
	v38 =	vld.idx.msk [tilespmem:v10+s3+$0x0], $0xffff  }
0x59a: {  	v14 =	vand.u32 $0x7F, v14;
	v9 =	vor.u32 v5, v9;
	v12 =	vand.u32 $0x3C00, v12  }
0x59b: {  	v13 =	vand.u32 $0x3C00, v13;
	v15 =	vsub.f32 v34, v6;
	v12 =	vor.u32 v12, v14;
	v18 =	vld.idx.msk [tilespmem:v8+s3+$0x0], $0xffff  }
0x59c: {  	v16 =	vadd.s32 s22, v1;
	v13 =	vor.u32 v13, v22;
	v12 =	vor.u32 v5, v12  }
0x59d: {  	s23 =	sadd.s32 $0x5, s22;
	s24 =	sadd.s32 $0x6, s22;
	s25 =	sadd.s32 $0x7, s22;
	v13 =	vor.u32 v5, v13;
	v19 =	vmul.f32 $1.442695020e+00, v15;
	v21 =	vsub.f32 v35, v6;
	v20 =	vld.idx.msk [tilespmem:v11+s3+$0x0], $0xffff  }
0x59e: {  	v17 =	vadd.s32 s23, v1;
	v14 =	vadd.s32 s24, v1;
	v15 =	vadd.s32 s25, v1  }
0x59f: {  	s23 =	sadd.s32 $0x2, s22;
	s24 =	sadd.s32 $0x3, s22;
	s25 =	sadd.s32 $0x4, s22;
	v22 =	vmul.f32 $1.442695020e+00, v21;
	v23 =	vsub.f32 v38, v6;
	v21 =	vld.idx.msk [tilespmem:v9+s3+$0x0], $0xffff;
	(erf) = vpow2.f32 v19  }
0x5a0: {  	v37 =	vadd.s32 s23, v1;
	v29 =	vadd.s32 s24, v1;
	v33 =	vadd.s32 s25, v1  }
0x5a1: {  	s23 =	sadd.s32 $0x1, s22;
	v23 =	vmul.f32 $1.442695020e+00, v23;
	v24 =	vsub.f32 v18, v6;
	v19 =	vld.idx.msk [tilespmem:v12+s3+$0x0], $0xffff;
	(erf) = vpow2.f32 v22  }
0x5a2: {  	v27 =	vand.u32 $0x7F, v16;
	v31 =	vshll.u32 v16, $0x3;
	v32 =	vadd.s32 s23, v1;
	v16 =	vld.idx.msk [tilespmem:v13+s3+$0x0], $0xffff  }
0x5a3: {  	v28 =	vmul.f32 $1.442695020e+00, v24;
	v30 =	vsub.f32 v20, v6;
	(erf) = vpow2.f32 v23  }
0x5a4: {  	v22 =	vand.u32 $0x7F, v15;
	v24 =	vand.u32 $0x7F, v33;
	v23 =	vand.u32 $0x7F, v17  }
0x5a5: {  	v39 =	vmul.f32 $1.442695020e+00, v30;
	v40 =	vsub.f32 v21, v6;
	(erf) = vpow2.f32 v28  }
0x5a6: {  	v30 =	vshll.u32 v29, $0x3;
	v28 =	vand.u32 $0x7F, v29;
	v29 =	vshll.u32 v33, $0x3  }
0x5a7: {  	v40 =	vmul.f32 $1.442695020e+00, v40;
	v41 =	vsub.f32 v19, v6;
	(erf) = vpow2.f32 v39  }
.Ltmp21:
0x5a8: {  	vm0 =	vge.f32 v34, v7;
	v33 =	vand.u32 $0x7F, v37;
	v39 =	vsub.f32 v16, v6;
	v34 =	vpop (erf);
	(pc) =	sbr.rel @p1 .LBB2_41-.Ltmp21, $4  }
0x5a9: {  	v41 =	vmul.f32 $1.442695020e+00, v41;
	v42 =	vnsel vm0, $0x0, v34;
	(erf) = vpow2.f32 v40  }
0x5aa: {  	v34 =	vshll.u32 v37, $0x3;
	vm0 =	vge.f32 v35, v7;
	[tilespmem:v26+s3+$0x0] =	vst.idx.msk $0xffff, v42;
	v26 =	vadd.f32 v42, v36;
	v35 =	vpop (erf)  }
0x5ab: {  	v36 =	vmul.f32 $1.442695020e+00, v39;
	v37 =	vnsel vm0, $0x0, v35;
	(erf) = vpow2.f32 v41  }
0x5ac: {  	s22 =	sadd.s32 $0x8, s22;
	v35 =	vand.u32 $0x7F, v32;
	vm0 =	vge.f32 v38, v7;
	[tilespmem:v25+s3+$0x0] =	vst.idx.msk $0xffff, v37;
	v37 =	vadd.f32 v37, v26;
	v38 =	vpop (erf)  }
0x5ad: {  	v25 =	vand.u32 $0x3C00, v31  }
0x5ae: {  	v26 =	vshll.u32 v32, $0x3;
	v25 =	vor.u32 v25, v27  }
0x5af: {  	v26 =	vand.u32 $0x3C00, v26;
	v27 =	vor.u32 v5, v25  }
0x5b0: {  	v55 =	vor.u32 v26, v35  }
0x5b1: {  	v56 =	vand.u32 $0x3C00, v34;
	v26 =	vor.u32 v5, v55  }
0x5b2: {  	v57 =	vor.u32 v56, v33  }
0x5b3: {  	v30 =	vand.u32 $0x3C00, v30;
	v25 =	vor.u32 v5, v57  }
0x5b4: {  	v31 =	vnsel vm0, $0x0, v38;
	(erf) = vpow2.f32 v36;
	v28 =	vor.u32 v30, v28;
	v58 =	vld.idx.msk [tilespmem:v27+s3+$0x0], $0xffff  }
0x5b5: {  	v29 =	vand.u32 $0x3C00, v29;
	v17 =	vshll.u32 v17, $0x3;
	v28 =	vor.u32 v5, v28  }
0x5b6: {  	v62 =	vshll.u32 v14, $0x3;
	v14 =	vand.u32 $0x7F, v14;
	v24 =	vor.u32 v29, v24;
	v60 =	vld.idx.msk [tilespmem:v26+s3+$0x0], $0xffff  }
0x5b7: {  	v15 =	vshll.u32 v15, $0x3;
	v61 =	vand.u32 $0x3C00, v17;
	v17 =	vor.u32 v5, v24  }
0x5b8: {  	vm15 =	vge.f32 v18, v7;
	v15 =	vand.u32 $0x3C00, v15;
	v23 =	vor.u32 v61, v23;
	v63 =	vld.idx.msk [tilespmem:v25+s3+$0x0], $0xffff  }
0x5b9: {  	v24 =	vand.u32 $0x3C00, v62;
	v23 =	vor.u32 v5, v23;
	v40 =	vsub.f32 v58, v6  }
0x5ba: {  	vm4 =	vge.f32 v20, v7;
	v15 =	vor.u32 v15, v22;
	v14 =	vor.u32 v24, v14;
	v18 =	vld.idx.msk [tilespmem:v28+s3+$0x0], $0xffff  }
0x5bb: {  	v41 =	vpop (erf);
	v14 =	vor.u32 v5, v14;
	v42 =	vsub.f32 v60, v6;
	v22 =	vmul.f32 $1.442695020e+00, v40  }
0x5bc: {  	v59 =	vadd.f32 v31, v37;
	v24 =	vnsel vm15, $0x0, v41;
	v15 =	vor.u32 v5, v15;
	v20 =	vld.idx.msk [tilespmem:v17+s3+$0x0], $0xffff  }
0x5bd: {  	v43 =	vpop (erf);
	v44 =	vsub.f32 v63, v6;
	v34 =	vmul.f32 $1.442695020e+00, v42;
	(erf) = vpow2.f32 v22  }
0x5be: {  	vm5 =	vge.f32 v21, v7;
	v46 =	vnsel vm4, $0x0, v43;
	v45 =	vld.idx.msk [tilespmem:v23+s3+$0x0], $0xffff;
	v22 =	vadd.f32 v24, v59  }
0x5bf: {  	v21 =	vpop (erf);
	v48 =	vsub.f32 v18, v6;
	v47 =	vmul.f32 $1.442695020e+00, v44;
	(erf) = vpow2.f32 v34  }
0x5c0: {  	vm6 =	vge.f32 v19, v7;
	v21 =	vnsel vm5, $0x0, v21;
	v49 =	vld.idx.msk [tilespmem:v14+s3+$0x0], $0xffff;
	v22 =	vadd.f32 v46, v22  }
0x5c1: {  	v19 =	vpop (erf);
	v51 =	vld.idx.msk [tilespmem:v15+s3+$0x0], $0xffff;
	v50 =	vsub.f32 v20, v6;
	v36 =	vmul.f32 $1.442695020e+00, v48;
	(erf) = vpow2.f32 v47  }
0x5c2: {  	vm7 =	vge.f32 v16, v7;
	v19 =	vnsel vm6, $0x0, v19;
	v22 =	vadd.f32 v21, v22  }
0x5c3: {  	v16 =	vpop (erf);
	v39 =	vsub.f32 v45, v6;
	v52 =	vmul.f32 $1.442695020e+00, v50;
	(erf) = vpow2.f32 v36  }
0x5c4: {  	v16 =	vnsel vm7, $0x0, v16;
	v22 =	vadd.f32 v19, v22  }
0x5c5: {  	v54 =	vsub.f32 v49, v6;
	v53 =	vmul.f32 $1.442695020e+00, v39;
	(erf) = vpow2.f32 v52  }
0x5c6: {  	vm8 =	vge.f32 v58, v7;
	v6 =	vsub.f32 v51, v6;
	v22 =	vadd.f32 v16, v22;
	v55 =	vpop (erf)  }
0x5c7: {  	v36 =	vmul.f32 $1.442695020e+00, v54;
	(erf) = vpow2.f32 v53;
	v32 =	vnsel vm8, $0x0, v55  }
0x5c8: {  	vm9 =	vge.f32 v60, v7;
	v56 =	vpop (erf);
	v22 =	vadd.f32 v32, v22  }
0x5c9: {  	v6 =	vmul.f32 $1.442695020e+00, v6;
	(erf) = vpow2.f32 v36;
	v33 =	vnsel vm9, $0x0, v56  }
0x5ca: {  	vm10 =	vge.f32 v63, v7;
	v57 =	vpop (erf);
	v22 =	vadd.f32 v33, v22  }
0x5cb: {  	(erf) = vpow2.f32 v6;
	v29 =	vnsel vm10, $0x0, v57  }
0x5cc: {  	vm11 =	vge.f32 v18, v7;
	v18 =	vpop (erf);
	v6 =	vadd.f32 v29, v22  }
0x5cd: {  	v18 =	vnsel vm11, $0x0, v18  }
0x5ce: {  	vm12 =	vge.f32 v20, v7;
	v20 =	vpop (erf);
	v6 =	vadd.f32 v18, v6  }
0x5cf: {  	v20 =	vnsel vm12, $0x0, v20  }
0x5d0: {  	vm13 =	vge.f32 v45, v7;
	v22 =	vpop (erf);
	v6 =	vadd.f32 v20, v6  }
0x5d1: {  	v22 =	vnsel vm13, $0x0, v22  }
0x5d2: {  	vm14 =	vge.f32 v49, v7;
	v58 =	vpop (erf);
	v6 =	vadd.f32 v22, v6  }
0x5d3: {  	v34 =	vnsel vm14, $0x0, v58  }
0x5d4: {  	[tilespmem:v10+s3+$0x0] =	vst.idx.msk $0xffff, v31;
	vm15 =	vge.f32 v51, v7;
	v7 =	vpop (erf);
	v6 =	vadd.f32 v34, v6  }
0x5d5: {  	[tilespmem:v8+s3+$0x0] =	vst.idx.msk $0xffff, v24;
	v7 =	vnsel vm15, $0x0, v7  }
0x5d6: {  	s23 =	simm.s32 $0x2;
	s24 =	simm.s32 $0x3;
	s26 =	simm.s32 $0x4;
	[tilespmem:v11+s3+$0x0] =	vst.idx.msk $0xffff, v46;
	v6 =	vadd.f32 v7, v6  }
0x5d7: {  	v10 =	vadd.s32 s26, v1;
	v8 =	vadd.s32 s23, v1;
	[tilespmem:v9+s3+$0x0] =	vst.idx.msk $0xffff, v21;
	v9 =	vadd.s32 s24, v1  }
0x5d8: {  	[tilespmem:v12+s3+$0x0] =	vst.idx.msk $0xffff, v19;
	v12 =	vand.u32 $0x7F, v9;
	v9 =	vshll.u32 v9, $0x3;
	(erf) = vrcp.f32 v6  }
0x5d9: {  	s29 =	simm.s32 $0x7;
	s30 =	simm.s32 $0x0;
	v11 =	vshll.u32 v10, $0x3;
	v10 =	vand.u32 $0x7F, v10;
	v9 =	vand.u32 $0x3C00, v9;
	[tilespmem:v13+s3+$0x0] =	vst.idx.msk $0xffff, v16  }
0x5da: {  	v60 =	vshll.u32 v8, $0x3;
	v59 =	vadd.s32 s30, v1;
	v19 =	vadd.s32 s29, v1;
	[tilespmem:v27+s3+$0x0] =	vst.idx.msk $0xffff, v32  }
0x5db: {  	v61 =	vshll.u32 v59, $0x3;
	v24 =	vand.u32 $0x7F, v59;
	v16 =	vshll.u32 v19, $0x3;
	[tilespmem:v26+s3+$0x0] =	vst.idx.msk $0xffff, v33  }
0x5dc: {  	s22 =	simm.s32 $0x1;
	s28 =	simm.s32 $0x5;
	v63 =	vand.u32 $0x3C00, v61;
	v19 =	vand.u32 $0x7F, v19;
	v16 =	vand.u32 $0x3C00, v16;
	[tilespmem:v25+s3+$0x0] =	vst.idx.msk $0xffff, v29  }
0x5dd: {  	v21 =	vadd.s32 s28, v1;
	[tilespmem:v28+s3+$0x0] =	vst.idx.msk $0xffff, v18;
	v18 =	vor.u32 v19, v16;
	v6 =	vadd.s32 s22, v1  }
0x5de: {  	[tilespmem:v17+s3+$0x0] =	vst.idx.msk $0xffff, v20;
	v13 =	vshll.u32 v6, $0x3;
	v16 =	vand.u32 $0x7F, v6;
	v6 =	vand.u32 $0x3C00, v11  }
0x5df: {  	v8 =	vand.u32 $0x7F, v8;
	v24 =	vor.u32 v24, v63;
	v62 =	vand.u32 $0x7F, v21;
	[tilespmem:v23+s3+$0x0] =	vst.idx.msk $0xffff, v22  }
0x5e0: {  	s31 =	simm.s32 $0x6;
	v25 =	vor.u32 v5, v24;
	v17 =	vand.u32 $0x3C00, v60;
	v20 =	vor.u32 v5, v18;
	[tilespmem:v14+s3+$0x0] =	vst.idx.msk $0xffff, v34  }
0x5e1: {  	v14 =	vadd.s32 s31, v1;
	[tilespmem:v15+s3+$0x0] =	vst.idx.msk $0xffff, v7;
	v15 =	vor.u32 v12, v9;
	v23 =	vor.u32 v10, v6;
	v6 =	vpop (erf)  }
0x5e2: {  	v9 =	vshll.u32 v21, $0x3;
	v11 =	vor.u32 v8, v17;
	v8 =	vor.u32 v5, v23;
	_ =	swait.ge [sflag:s16], $0x8000  }
0x5e3: {  	v18 =	vor.u32 v2, v18;
	v9 =	vand.u32 $0x3C00, v9;
	v7 =	vshll.u32 v14, $0x3;
	[sflag:s16] =	ssyncset.done $0x0  }
0x5e4: {  	v12 =	vor.u32 v5, v15;
	v22 =	vor.u32 v62, v9;
	v7 =	vand.u32 $0x3C00, v7;
	[sflag:s16] =	ssyncadd.s32 $0xFFFF8000  }
0x5e5: {  	v13 =	vand.u32 $0x3C00, v13;
	v10 =	vand.u32 $0x7F, v14;
	v19 =	vor.u32 v5, v11;
	v20 =	vld.idx.msk [tilespmem:v20+s3+$0x0], $0xffff  }
0x5e6: {  	v17 =	vor.u32 v5, v22;
	v7 =	vor.u32 v10, v7;
	v13 =	vor.u32 v16, v13  }
0x5e7: {  	v14 =	vor.u32 v2, v23;
	v10 =	vor.u32 v5, v7;
	v21 =	vor.u32 v5, v13;
	v16 =	vld.idx.msk [tilespmem:v8+s3+$0x0], $0xffff  }
0x5e8: {  	s22 =	simm.s32 $0x8;
	v13 =	vor.u32 v2, v13;
	v7 =	vor.u32 v2, v7;
	v9 =	vld.idx.msk [tilespmem:v25+s3+$0x0], $0xffff;
	v8 =	vor.u32 v2, v24  }
.LBB2_43:
0x5e9: {  	s23 =	sadd.s32 $0x1, s22  }
0x5ea: {  	s24 =	sadd.s32 $0x2, s22;
	s25 =	sadd.s32 $0x3, s22;
	v19 =	vld.idx.msk [tilespmem:v19+s3+$0x0], $0xffff;
	v15 =	vor.u32 v2, v15;
	v22 =	vor.u32 v2, v22;
	v20 =	vmul.f32 v20, v6;
	s26 =	smov.u32 s22  }
0x5eb: {  	s28 =	sadd.s32 $0x6, s22;
	v11 =	vor.u32 v2, v11;
	v23 =	vadd.s32 s23, v1;
	v24 =	vadd.s32 s24, v1;
	s23 =	sadd.s32 $0x4, s22;
	s24 =	sadd.s32 $0x5, s22  }
0x5ec: {  	p1 =	slt.u32 s22, $0x7F8;
	v25 =	vadd.s32 s25, v1;
	s22 =	sadd.s32 $0x8, s22;
	v26 =	vadd.s32 s23, v1;
	v27 =	vadd.s32 s24, v1;
	s23 =	sadd.s32 $0x7, s26;
	v21 =	vld.idx.msk [tilespmem:v21+s3+$0x0], $0xffff  }
0x5ed: {  	v28 =	vand.u32 $0x7F, v25;
	v29 =	vshll.u32 v26, $0x3;
	v30 =	vadd.s32 s23, v1;
	v17 =	vld.idx.msk [tilespmem:v17+s3+$0x0], $0xffff;
	[tilespmem:v18+s14+$0x0] =	vst.idx.msk $0xffff, v20  }
0x5ee: {  	v18 =	vshll.u32 v23, $0x3;
	v20 =	vshll.u32 v24, $0x3;
	v31 =	vshll.u32 v30, $0x3  }
0x5ef: {  	v32 =	vadd.s32 s26, v1;
	v16 =	vmul.f32 v16, v6;
	v31 =	vand.u32 $0x3C00, v31;
	v12 =	vld.idx.msk [tilespmem:v12+s3+$0x0], $0xffff  }
0x5f0: {  	v33 =	vshll.u32 v32, $0x3;
	v34 =	vand.u32 $0x7F, v27;
	v30 =	vand.u32 $0x7F, v30  }
0x5f1: {  	v32 =	vand.u32 $0x7F, v32;
	v24 =	vand.u32 $0x7F, v24;
	v18 =	vand.u32 $0x3C00, v18;
	[tilespmem:v14+s14+$0x0] =	vst.idx.msk $0xffff, v16  }
0x5f2: {  	v14 =	vand.u32 $0x3C00, v33;
	v16 =	vshll.u32 v25, $0x3;
	v25 =	vor.u32 v30, v31  }
0x5f3: {  	v21 =	vmul.f32 v21, v6;
	v30 =	vor.u32 v32, v14;
	v14 =	vand.u32 $0x7F, v23  }
0x5f4: {  	v20 =	vand.u32 $0x3C00, v20;
	v19 =	vmul.f32 v19, v6;
	v23 =	vor.u32 v5, v30;
	v31 =	vld.idx.msk [tilespmem:v10+s3+$0x0], $0xffff  }
0x5f5: {  	v10 =	vand.u32 $0x3C00, v29;
	v29 =	vor.u32 v5, v25;
	[tilespmem:v13+s14+$0x0] =	vst.idx.msk $0xffff, v21;
	v13 =	vmul.f32 v17, v6  }
0x5f6: {  	v16 =	vand.u32 $0x3C00, v16;
	v12 =	vmul.f32 v12, v6;
	v17 =	vadd.s32 s28, v1;
	[tilespmem:v11+s14+$0x0] =	vst.idx.msk $0xffff, v19  }
0x5f7: {  	v11 =	vor.u32 v24, v20;
	v19 =	vand.u32 $0x7F, v26;
	v20 =	vshll.u32 v17, $0x3;
	[tilespmem:v22+s14+$0x0] =	vst.idx.msk $0xffff, v13  }
0x5f8: {  	v13 =	vor.u32 v19, v10;
	v10 =	vand.u32 $0x7F, v17;
	v17 =	vand.u32 $0x3C00, v20;
	[tilespmem:v15+s14+$0x0] =	vst.idx.msk $0xffff, v12  }
0x5f9: {  	v21 =	vshll.u32 v27, $0x3;
	v15 =	vor.u32 v28, v16;
	v16 =	vor.u32 v5, v13  }
0x5fa: {  	v19 =	vor.u32 v5, v11;
	v24 =	vor.u32 v10, v17;
	v12 =	vor.u32 v5, v15;
	v20 =	vld.idx.msk [tilespmem:v29+s3+$0x0], $0xffff  }
.Ltmp22:
0x5fb: {  	v9 =	vmul.f32 v9, v6;
	v17 =	vand.u32 $0x3C00, v21;
	v10 =	vor.u32 v5, v24;
	(pc) =	sbr.rel @p1 .LBB2_43-.Ltmp22, $4  }
0x5fc: {  	v26 =	vor.u32 v14, v18;
	v22 =	vor.u32 v34, v17;
	v27 =	vmul.f32 v31, v6  }
0x5fd: {  	v21 =	vor.u32 v5, v26;
	v17 =	vor.u32 v5, v22;
	[tilespmem:v8+s14+$0x0] =	vst.idx.msk $0xffff, v9  }
0x5fe: {  	v18 =	vor.u32 v2, v25;
	v14 =	vor.u32 v2, v13;
	v16 =	vld.idx.msk [tilespmem:v16+s3+$0x0], $0xffff;
	[tilespmem:v7+s14+$0x0] =	vst.idx.msk $0xffff, v27  }
0x5ff: {  	v13 =	vor.u32 v2, v26;
	v8 =	vor.u32 v2, v30;
	v7 =	vor.u32 v2, v24;
	v9 =	vld.idx.msk [tilespmem:v23+s3+$0x0], $0xffff  }
0x600: {  	_ =	sdelay $0x3  }
0x601: {  	v21 =	vld.idx.msk [tilespmem:v21+s3+$0x0], $0xffff  }
0x602: {  	v19 =	vld.idx.msk [tilespmem:v19+s3+$0x0], $0xffff  }
0x603: {  	v17 =	vld.idx.msk [tilespmem:v17+s3+$0x0], $0xffff;
	v20 =	vmul.f32 v20, v6  }
0x604: {  	v11 =	vor.u32 v2, v11;
	v12 =	vld.idx.msk [tilespmem:v12+s3+$0x0], $0xffff;
	v16 =	vmul.f32 v16, v6  }
0x605: {  	v22 =	vor.u32 v2, v22;
	v10 =	vld.idx.msk [tilespmem:v10+s3+$0x0], $0xffff;
	[tilespmem:v18+s14+$0x0] =	vst.idx.msk $0xffff, v20;
	v9 =	vmul.f32 v9, v6  }
0x606: {  	v15 =	vor.u32 v2, v15;
	v60 =	vmul.f32 v21, v6;
	[tilespmem:v14+s14+$0x0] =	vst.idx.msk $0xffff, v16  }
0x607: {  	v61 =	vmul.f32 v19, v6;
	[tilespmem:v8+s14+$0x0] =	vst.idx.msk $0xffff, v9  }
0x608: {  	v62 =	vmul.f32 v17, v6;
	[tilespmem:v13+s14+$0x0] =	vst.idx.msk $0xffff, v60  }
.Ltmp23:
0x609: {  	v63 =	vmul.f32 v12, v6;
	[tilespmem:v11+s14+$0x0] =	vst.idx.msk $0xffff, v61;
	(pc) =	sbr.rel @p0 .LBB2_46-.Ltmp23, $4  }
0x60a: {  	v6 =	vmul.f32 v10, v6;
	[tilespmem:v22+s14+$0x0] =	vst.idx.msk $0xffff, v62  }
0x60b: {  	s21 =	sshll.u32 s21, $0x8;
	[tilespmem:v15+s14+$0x0] =	vst.idx.msk $0xffff, v63  }
0x60c: {  	s21 =	sadd.s32 s4, s21;
	[tilespmem:v7+s14+$0x0] =	vst.idx.msk $0xffff, v6  }
0x60d: {  	[hbm4b:s21+s3] =	stream.linear.scatter [tilespmem:s14], [sflag:$0x3], $0x8000, $0x38;
	[tilespmem:$0x19000] =	vst v63  }
.Ltmp24:
0x60e: {  	(pc) =	sbr.rel .LBB2_4-.Ltmp24, $4  }
0x60f: {  	s20 =	sadd.s32 s20, s9  }
0x610: {  	s20 =	sshrl.u32 s20, $0x3  }
0x611: {  	s19 =	sadd.s32 $0x1, s19;
	s20 =	sadd.s32 s0, s20  }
0x612: {  	[tilespmem:s11], [sflag:$0x2] =	stream.linear.gather [hbm4b:s20+s3], $0x8000, $0x38;
	[tilespmem:$0x19000] =	vst v63  }
.LBB2_47:
0x613: {  	_ =	sfence.sel $0x180000  }
0x614: {  	[bflag:$0x0] =	sbarrier.arrive $0xFFFF  }
0x615: {  	p0 =	sne.s32 s1, $0x0;
	_ =	strace $0x90000047  }
0x616: {  	s0 =	sadd.s32 @!p0 $0x100000, s2;
	[bflag:$0x2] =	sbarrier.arrive $0xFFFF  }
0x617: {  	[sflag:s0] =	ssyncadd.tile.s32 @!p0 $0x1;
	_ =	shalt  }
.Lfunc_end2:
_tile_overlayer_lowered:
.L_overlay_start_2:
0x618: {  	(tag) =	ssettag $0x2  }
0x619: {  	s0 =	rddreg [dreg:$0x0];
	s2 =	stileid.u32  }
0x61a: {  	s1 =	rddreg [dreg:$0x1];
	p0 =	sne.s32 s2, $0x0  }
0x61b: {  	s3 =	rddreg [dreg:$0x2];
	[bflag:$0x3] =	sbarrier.arrive $0xFFFF;
	s2 =	simm.s32 @!p0 $0x1C04  }
0x61c: {  	[timem:s3], [sflag:s2] =	dma.local @!p0 [hbm:s0], s1  }
0x61d: {  	s0 =	simm.s32 @!p0 $0x4  }
0x61e: {  	_ =	swait.ge @!p0 [sflag:s0], s1  }
0x61f: {  	s1 =	ssub.s32 @!p0 $0x0, s1;
	[sflag:s0] =	ssyncset.done @!p0 $0x0  }
0x620: {  	[sflag:s0] =	ssyncadd.s32 @!p0 s1  }
0x621: {  	[bflag:$0x3] =	sbarrier.arrive $0xFFFF  }
0x622: {  	_ =	shalt  }

</sc_bundles>
